<compile_context>
chip_gen: v7x
topology: tpu7x:2x2x1
jax: 0.10.2.dev20260603
libtpu: 0.0.44.dev20260713+nightly
codegen_flags: <defaults>
</compile_context>

<pallas_src>
import dataclasses
import functools

import jax
import jax.numpy as jnp
from jax import lax
from jax.experimental import pallas as pl
from jax.experimental.pallas import tpu as pltpu
from jax.experimental.pallas import tpu_sc as plsc

NC = 2
NS = 16
NW = NC * NS
K = 40
BLK = 1024

_MESH = plsc.VectorSubcoreMesh(
    core_axis_name="c", subcore_axis_name="s", num_cores=NC, num_subcores=NS)

_NO_LAYOUT_CP = pltpu.CompilerParams()
if "needs_layout_passes" in pltpu.CompilerParams.__dataclass_fields__:
  _NO_LAYOUT_CP = dataclasses.replace(_NO_LAYOUT_CP, needs_layout_passes=False)


def _pad_rows(n):
  per_sub = -(-n // NS)
  per_sub = -(-per_sub // 128) * 128
  return per_sub * NS


def _fill(buf, value):
  rows_, dt = buf.shape

  @pl.loop(0, rows_)
  def _(r):
    @pl.loop(0, dt, step=16)
    def _(cc):
      buf[r, pl.ds(cc, 16)] = jnp.full((16,), value, jnp.float32)


def _zero_shared(acc_sh, buf, sid, rows_per_sub, sem):
  zr = buf.shape[0]
  r0 = sid * rows_per_sub
  ncp = rows_per_sub // zr

  @pl.loop(0, ncp)
  def _(j):
    pltpu.async_copy(buf, acc_sh.at[pl.ds(r0 + j * zr, zr)], sem)

  @pl.loop(0, ncp)
  def _(j):
    pltpu.make_async_copy(buf, acc_sh.at[pl.ds(r0, zr)], sem).wait()


def _stage_idx(all_ref, small_ref, j):
  klen = small_ref.shape[0]

  @pl.loop(0, klen - 15, step=16)
  def _(cc):
    small_ref[pl.ds(cc, 16)] = all_ref[pl.ds(j * klen + cc, 16)]

  if klen % 16:
    t0 = klen - 16
    small_ref[pl.ds(t0, 16)] = all_ref[pl.ds(j * klen + t0, 16)]


NB = 5
NSR = 2 * NB


def _sc_segment_sum(table, src, dst, with_deg):
  n, dt = table.shape
  e = src.shape[0]
  ew = e // NW
  nchunk = ew // K
  np_ = _pad_rows(n)
  rows_per_sub = np_ // NS
  rp = np_ // 128
  assert ew * NW == e and nchunk * K == ew and nchunk % NSR == 0
  assert ew % 16 == 0 and rp <= 128 and rp % 16 == 0

  out_type = [jax.ShapeDtypeStruct((NC, np_, dt), jnp.float32)]
  scratch = [
      pltpu.VMEM_SHARED((np_, dt), jnp.float32),
      pltpu.VMEM((ew,), jnp.int32),
      [pltpu.VMEM((K,), jnp.int32)] * NSR,
      [pltpu.VMEM((K,), jnp.int32)] * NB,
      [pltpu.VMEM((K, dt), jnp.float32)] * NB,
      [pltpu.SemaphoreType.DMA] * NB,
      [pltpu.SemaphoreType.DMA] * NSR,
      pltpu.SemaphoreType.DMA,
  ]
  if with_deg:
    out_type.append(jax.ShapeDtypeStruct((NC, rp, 128), jnp.float32))
    scratch += [
        pltpu.VMEM_SHARED((rp, 128), jnp.float32),
        pltpu.VMEM((rp, 128), jnp.float32),
        pltpu.VMEM((rp,), jnp.int32),
    ]

  @functools.partial(
      pl.kernel,
      out_type=tuple(out_type) if with_deg else out_type[0],
      mesh=_MESH,
      compiler_params=_NO_LAYOUT_CP,
      scratch_types=scratch,
  )
  def k(table_hbm, src_hbm, dst_hbm, out_hbm, *rest):
    if with_deg:
      (deg_hbm, acc_sh, dst_all, srcb, dstb, rows, gs, ss, zs,
       deg_sh, degv, idb) = rest
    else:
      acc_sh, dst_all, srcb, dstb, rows, gs, ss, zs = rest
    cid = lax.axis_index("c")
    sid = lax.axis_index("s")
    base = (sid * NC + cid) * ew

    pltpu.async_copy(dst_hbm.at[pl.ds(base, ew)], dst_all, zs)
    for b in range(NSR):
      pltpu.async_copy(src_hbm.at[pl.ds(base + b * K, K)], srcb[b], ss[b])
    _fill(rows[0], 0.0)
    if with_deg:
      _fill(degv, 0.0)
      for g in range(rp // 16):
        idb[pl.ds(g * 16, 16)] = jnp.arange(16, dtype=jnp.int32) + g * 16
    pltpu.make_async_copy(dst_hbm.at[pl.ds(base, ew)], dst_all, zs).wait()
    _zero_shared(acc_sh, rows[0], sid, rows_per_sub, zs)
    if with_deg:
      @pl.when(sid < rp // 8)
      def _():
        pltpu.sync_copy(degv.at[pl.ds(0, 8)], deg_sh.at[pl.ds(sid * 8, 8)])

    for b in range(NB):
      pltpu.make_async_copy(src_hbm.at[pl.ds(base, K)], srcb[b], ss[b]).wait()
      pltpu.async_copy(table_hbm.at[srcb[b]], rows[b], gs[b])

    if with_deg:
      ones = jnp.ones((16,), jnp.float32)

      @pl.loop(0, ew, step=16)
      def _(i):
        d = dst_all[pl.ds(i, 16)]
        plsc.addupdate_scatter(degv, [d >> 7, d & 127], ones)

    plsc.subcore_barrier()

    def step(j, b10, do_gather, do_src_dma):
      rb = b10 % NB
      pltpu.make_async_copy(table_hbm.at[srcb[0]], rows[rb], gs[rb]).wait()
      _stage_idx(dst_all, dstb[rb], j)
      pltpu.sync_copy(rows[rb], acc_sh.at[dstb[rb]], add=True)
      if do_gather:
        sb = (b10 + NB) % NSR
        pltpu.make_async_copy(
            src_hbm.at[pl.ds(base, K)], srcb[sb], ss[sb]).wait()
        pltpu.async_copy(table_hbm.at[srcb[sb]], rows[rb], gs[rb])
      if do_src_dma:
        pltpu.async_copy(
            src_hbm.at[pl.ds(base + (j + NSR) * K, K)], srcb[b10], ss[b10])

    @pl.loop(0, nchunk // NSR - 1)
    def _(t):
      for b10 in range(NSR):
        step(t * NSR + b10, b10, True, True)

    for b10 in range(NB):
      step(nchunk - NSR + b10, b10, True, False)
    for b10 in range(NB, NSR):
      step(nchunk - NSR + b10, b10, False, False)

    if with_deg:
      pltpu.sync_copy(degv, deg_sh.at[idb], add=True)

    plsc.subcore_barrier()
    r0 = sid * rows_per_sub
    pltpu.sync_copy(acc_sh.at[pl.ds(r0, rows_per_sub)],
                    out_hbm.at[cid, pl.ds(r0, rows_per_sub)])
    if with_deg:
      @pl.when(sid == 0)
      def _():
        pltpu.sync_copy(deg_sh, deg_hbm.at[cid])

  return k(table, src, dst)


def _dot(a, b):
  return jnp.dot(a, b, preferred_element_type=jnp.float32,
                 precision=lax.Precision.DEFAULT)


def _mm2_body(x_ref, agg0p_ref, degp_ref, w1n_ref, w1s_ref, b1_ref,
              w2n_ref, w2s_ref, b2_ref, y2_ref, s2_ref, invd_ref):
  agg0 = agg0p_ref[0] + agg0p_ref[1]
  deg = degp_ref[0] + degp_ref[1]
  invd = 1.0 / jnp.maximum(deg, 1.0)
  x = x_ref[...]
  h1 = jnp.maximum(
      _dot(x, w1s_ref[...]) + _dot(agg0 * invd, w1n_ref[...]) + b1_ref[...],
      0.0)
  y2_ref[...] = _dot(h1, w2n_ref[...])
  s2_ref[...] = _dot(h1, w2s_ref[...]) + b2_ref[...]
  invd_ref[...] = invd


def _mm3_body(s2_ref, aggp2_ref, invd_ref, emb_ref, high_ref, low_ref, out_ref):
  agg2 = aggp2_ref[0] + aggp2_ref[1]
  h = s2_ref[...] + agg2 * invd_ref[...]
  b = h.shape[0]
  ids = (jax.lax.broadcasted_iota(jnp.int32, (b, 1), 0)
         + pl.program_id(0) * b)
  inh = jnp.any(ids == high_ref[...], axis=1, keepdims=True)
  inl = jnp.any(ids == low_ref[...], axis=1, keepdims=True)
  keep = jnp.logical_not(jnp.logical_or(inh, inl))
  out_ref[...] = (jnp.where(keep, emb_ref[...], h)
                  + jnp.where(inl, h, jnp.zeros_like(h)))


def kernel(features, embedding, W1_self, W1_neigh, b1, W2_self, W2_neigh, b2,
           edge_index, ngh_high_deg, ngh_low_deg):
  n, d = features.shape
  c = W2_self.shape[1]
  grid = (-(-n // BLK),)
  full = lambda *shape: pl.BlockSpec(shape, lambda i: (0,) * len(shape))
  rows = lambda *shape: pl.BlockSpec(shape, lambda i: (i,) + (0,) * (len(shape) - 1))
  rows3 = lambda *shape: pl.BlockSpec(shape, lambda i: (0, i, 0))

  esrc = edge_index[0]
  edst = edge_index[1]

  agg0p, degp = _sc_segment_sum(features, esrc, edst, True)
  degp = degp.reshape(NC, degp.shape[1] * degp.shape[2], 1)

  y2, s2, invd = pl.pallas_call(
      _mm2_body,
      grid=grid,
      in_specs=[rows(BLK, d), rows3(NC, BLK, d), rows3(NC, BLK, 1),
                full(d, d), full(d, d), full(1, d),
                full(d, c), full(d, c), full(1, c)],
      out_specs=[rows(BLK, c), rows(BLK, c), rows(BLK, 1)],
      out_shape=[jax.ShapeDtypeStruct((n, c), jnp.float32),
                 jax.ShapeDtypeStruct((n, c), jnp.float32),
                 jax.ShapeDtypeStruct((n, 1), jnp.float32)],
  )(features, agg0p, degp, W1_neigh, W1_self, b1.reshape(1, d),
    W2_neigh, W2_self, b2.reshape(1, c))

  agg2p = _sc_segment_sum(y2, esrc, edst, False)

  nh = ngh_high_deg.shape[0]
  nl = ngh_low_deg.shape[0]
  out = pl.pallas_call(
      _mm3_body,
      grid=grid,
      in_specs=[rows(BLK, c), rows3(NC, BLK, c), rows(BLK, 1), rows(BLK, c),
                full(1, nh), full(1, nl)],
      out_specs=rows(BLK, c),
      out_shape=jax.ShapeDtypeStruct((n, c), jnp.float32),
  )(s2, agg2p, invd, embedding, ngh_high_deg.reshape(1, nh),
    ngh_low_deg.reshape(1, nl))

  return out

# --- scband reference (transcript-rebuilt; emitter-appended) ---
"""Pipeline reference for scband-sage-delta-77824807403623 (READ-ONLY COPY).

The authoritative reference and input builder live on the scoring server;
editing this copy changes nothing except your own understanding.
"""

import jax, jax.numpy as jnp
import numpy as np

N = 10000   # n_nodes
E = 320000  # n_edges
D = 128     # in_feats
H = 128     # n_hidden
C = 128     # n_classes


def setup_inputs(seed: int = 0) -> dict:
    key = jax.random.key(seed)
    ks = jax.random.split(key, 12)
    features = jax.random.normal(ks[0], (N, D), dtype=jnp.float32)
    edge_index = jax.random.randint(ks[1], (2, E), 0, N, dtype=jnp.int32)
    ngh_high_deg = jax.random.randint(ks[2], (500,), 0, N, dtype=jnp.int32)
    ngh_low_deg = jax.random.randint(ks[3], (500,), 0, N, dtype=jnp.int32)
    # learned parameters: two SAGEConv (mean) layers + delta embedding table
    s = 1.0 / np.sqrt(D)
    W1_self = jax.random.uniform(ks[4], (D, H), jnp.float32, -s, s)
    W1_neigh = jax.random.uniform(ks[5], (D, H), jnp.float32, -s, s)
    b1 = jnp.zeros((H,), jnp.float32)
    s2 = 1.0 / np.sqrt(H)
    W2_self = jax.random.uniform(ks[6], (H, C), jnp.float32, -s2, s2)
    W2_neigh = jax.random.uniform(ks[7], (H, C), jnp.float32, -s2, s2)
    b2 = jnp.zeros((C,), jnp.float32)
    embedding = jnp.zeros((N, C), jnp.float32)  # th.Tensor of zeros in __init__
    return {
        "features": features,
        "embedding": embedding,
        "W1_self": W1_self, "W1_neigh": W1_neigh, "b1": b1,
        "W2_self": W2_self, "W2_neigh": W2_neigh, "b2": b2,
        "edge_index": edge_index,
        "ngh_high_deg": ngh_high_deg,
        "ngh_low_deg": ngh_low_deg,
    }


def _sage_mean_layer(x, edge_index, W_self, W_neigh, b):
    # DGL SAGEConv with 'mean' aggregator: fc_self(h_dst) + fc_neigh(mean_{src->dst} h_src)
    src = edge_index[0]
    dst = edge_index[1]
    msg = jnp.take(x, src, axis=0)                       # gather
    agg = jax.ops.segment_sum(msg, dst, num_segments=N)  # scatter-add
    deg = jax.ops.segment_sum(jnp.ones((E,), x.dtype), dst, num_segments=N)
    mean = agg / jnp.maximum(deg, 1.0)[:, None]
    return x @ W_self + mean @ W_neigh + b


def reference(features, embedding, W1_self, W1_neigh, b1, W2_self, W2_neigh, b2,
              edge_index, ngh_high_deg, ngh_low_deg):
    # layer stack (n_layers=2, activation=relu, dropout inactive at eval)
    h = _sage_mean_layer(features, edge_index, W1_self, W1_neigh, b1)
    h = jax.nn.relu(h)
    h = _sage_mean_layer(h, edge_index, W2_self, W2_neigh, b2)
    # combine_embedding_with_sampling: dst nodes of last block = all N nodes here.
    # keep-rows (not high-deg, not low-deg) are overwritten with the stored
    # delta embedding; low-deg rows get feat[low] scatter-added (doubling them).
    in_high = jnp.zeros((N,), bool).at[ngh_high_deg].set(True)
    in_low = jnp.zeros((N,), bool).at[ngh_low_deg].set(True)
    keep = jnp.logical_not(jnp.logical_or(in_high, in_low))
    out = jnp.where(keep[:, None], embedding, h)
    out = out + jnp.where(in_low[:, None], h, jnp.zeros((), h.dtype))
    return out


if False:  # reference __main__ guard neutralized (emitter)
    inp = setup_inputs()
    o = reference(**inp)
    print(o.shape, o.dtype)

if __name__ == "__main__":
    import jax
    _d = setup_inputs()
    print(jax.jit(kernel)(*tuple(_d.values())))

</pallas_src>

<mosaic_0001>
#map = affine_map<(d0, d1) -> (0, 0)>
#map1 = affine_map<(d0, d1) -> (0)>
#map2 = affine_map<(d0, d1) -> (0, 0, 0)>
module attributes {stable_mosaic.version = 14 : i64} {
  func.func @k(%arg0: i32, %arg1: i32, %arg2: memref<10000x128xf32, #tpu.memory_space<hbm>>, %arg3: memref<320000xi32, #tpu.memory_space<hbm>>, %arg4: memref<320000xi32, #tpu.memory_space<hbm>>, %arg5: memref<2x10240x128xf32, #tpu.memory_space<hbm>>, %arg6: memref<2x80x128xf32, #tpu.memory_space<hbm>>, %arg7: memref<10240x128xf32, #tpu.memory_space<vmem_shared>>, %arg8: memref<10000xi32, #tpu.memory_space<vmem>>, %arg9: memref<40xi32, #tpu.memory_space<vmem>>, %arg10: memref<40xi32, #tpu.memory_space<vmem>>, %arg11: memref<40xi32, #tpu.memory_space<vmem>>, %arg12: memref<40xi32, #tpu.memory_space<vmem>>, %arg13: memref<40xi32, #tpu.memory_space<vmem>>, %arg14: memref<40xi32, #tpu.memory_space<vmem>>, %arg15: memref<40xi32, #tpu.memory_space<vmem>>, %arg16: memref<40xi32, #tpu.memory_space<vmem>>, %arg17: memref<40xi32, #tpu.memory_space<vmem>>, %arg18: memref<40xi32, #tpu.memory_space<vmem>>, %arg19: memref<40xi32, #tpu.memory_space<vmem>>, %arg20: memref<40xi32, #tpu.memory_space<vmem>>, %arg21: memref<40xi32, #tpu.memory_space<vmem>>, %arg22: memref<40xi32, #tpu.memory_space<vmem>>, %arg23: memref<40xi32, #tpu.memory_space<vmem>>, %arg24: memref<40x128xf32, #tpu.memory_space<vmem>>, %arg25: memref<40x128xf32, #tpu.memory_space<vmem>>, %arg26: memref<40x128xf32, #tpu.memory_space<vmem>>, %arg27: memref<40x128xf32, #tpu.memory_space<vmem>>, %arg28: memref<40x128xf32, #tpu.memory_space<vmem>>, %arg29: memref<!tpu.dma_semaphore, #tpu.memory_space<semaphore_mem>>, %arg30: memref<!tpu.dma_semaphore, #tpu.memory_space<semaphore_mem>>, %arg31: memref<!tpu.dma_semaphore, #tpu.memory_space<semaphore_mem>>, %arg32: memref<!tpu.dma_semaphore, #tpu.memory_space<semaphore_mem>>, %arg33: memref<!tpu.dma_semaphore, #tpu.memory_space<semaphore_mem>>, %arg34: memref<!tpu.dma_semaphore, #tpu.memory_space<semaphore_mem>>, %arg35: memref<!tpu.dma_semaphore, #tpu.memory_space<semaphore_mem>>, %arg36: memref<!tpu.dma_semaphore, #tpu.memory_space<semaphore_mem>>, %arg37: memref<!tpu.dma_semaphore, #tpu.memory_space<semaphore_mem>>, %arg38: memref<!tpu.dma_semaphore, #tpu.memory_space<semaphore_mem>>, %arg39: memref<!tpu.dma_semaphore, #tpu.memory_space<semaphore_mem>>, %arg40: memref<!tpu.dma_semaphore, #tpu.memory_space<semaphore_mem>>, %arg41: memref<!tpu.dma_semaphore, #tpu.memory_space<semaphore_mem>>, %arg42: memref<!tpu.dma_semaphore, #tpu.memory_space<semaphore_mem>>, %arg43: memref<!tpu.dma_semaphore, #tpu.memory_space<semaphore_mem>>, %arg44: memref<!tpu.dma_semaphore, #tpu.memory_space<semaphore_mem>>, %arg45: memref<80x128xf32, #tpu.memory_space<vmem_shared>>, %arg46: memref<80x128xf32, #tpu.memory_space<vmem>>, %arg47: memref<80xi32, #tpu.memory_space<vmem>>) attributes {dimension_semantics = [#tpu.dimension_semantics<core_parallel>, #tpu.dimension_semantics<subcore_parallel>], iteration_bounds = array<i64: 2, 16>, scalar_prefetch = 0 : i64, scratch_operands = 41 : i64, tpu.core_type = #tpu.core_type<sc_vector_subcore>, window_params = [{transform_indices = #map}, {transform_indices = #map1}, {transform_indices = #map1}, {transform_indices = #map2}, {transform_indices = #map2}]} {
    %mul3A = arith.constant 2 : i32
    %mul3A_0 = arith.muli %arg1, %mul3A : i32
    %add3A = arith.addi %mul3A_0, %arg0 : i32
    %mul3A_1 = arith.constant 10000 : i32
    %mul3A_2 = arith.muli %add3A, %mul3A_1 : i32
    %dma_start3A = tpu.memref_slice %arg4[%mul3A_2] : memref<320000xi32, #tpu.memory_space<hbm>> -> memref<10000xi32, #tpu.memory_space<hbm>>
    %dma_start3A_3 = tpu.memref_slice %arg4[%mul3A_2] : memref<320000xi32, #tpu.memory_space<hbm>> -> memref<10000xi32, #tpu.memory_space<hbm>>
    tpu.enqueue_dma source(%dma_start3A_3 : memref<10000xi32, #tpu.memory_space<hbm>>) target(%arg8 : memref<10000xi32, #tpu.memory_space<vmem>>) target_semaphore(%arg44 : memref<!tpu.dma_semaphore, #tpu.memory_space<semaphore_mem>>)
    %add3A_4 = arith.constant 0 : i32
    %add3A_5 = arith.addi %mul3A_2, %add3A_4 : i32
    %dma_start3A_6 = tpu.memref_slice %arg3[%add3A_5] : memref<320000xi32, #tpu.memory_space<hbm>> -> memref<40xi32, #tpu.memory_space<hbm>>
    %dma_start3A_7 = tpu.memref_slice %arg3[%add3A_5] : memref<320000xi32, #tpu.memory_space<hbm>> -> memref<40xi32, #tpu.memory_space<hbm>>
    tpu.enqueue_dma source(%dma_start3A_7 : memref<40xi32, #tpu.memory_space<hbm>>) target(%arg9 : memref<40xi32, #tpu.memory_space<vmem>>) target_semaphore(%arg34 : memref<!tpu.dma_semaphore, #tpu.memory_space<semaphore_mem>>)
    %add3A_8 = arith.constant 40 : i32
    %add3A_9 = arith.addi %mul3A_2, %add3A_8 : i32
    %dma_start3A_10 = tpu.memref_slice %arg3[%add3A_9] : memref<320000xi32, #tpu.memory_space<hbm>> -> memref<40xi32, #tpu.memory_space<hbm>>
    %dma_start3A_11 = tpu.memref_slice %arg3[%add3A_9] : memref<320000xi32, #tpu.memory_space<hbm>> -> memref<40xi32, #tpu.memory_space<hbm>>
    tpu.enqueue_dma source(%dma_start3A_11 : memref<40xi32, #tpu.memory_space<hbm>>) target(%arg10 : memref<40xi32, #tpu.memory_space<vmem>>) target_semaphore(%arg35 : memref<!tpu.dma_semaphore, #tpu.memory_space<semaphore_mem>>)
    %add3A_12 = arith.constant 80 : i32
    %add3A_13 = arith.addi %mul3A_2, %add3A_12 : i32
    %dma_start3A_14 = tpu.memref_slice %arg3[%add3A_13] : memref<320000xi32, #tpu.memory_space<hbm>> -> memref<40xi32, #tpu.memory_space<hbm>>
    %dma_start3A_15 = tpu.memref_slice %arg3[%add3A_13] : memref<320000xi32, #tpu.memory_space<hbm>> -> memref<40xi32, #tpu.memory_space<hbm>>
    tpu.enqueue_dma source(%dma_start3A_15 : memref<40xi32, #tpu.memory_space<hbm>>) target(%arg11 : memref<40xi32, #tpu.memory_space<vmem>>) target_semaphore(%arg36 : memref<!tpu.dma_semaphore, #tpu.memory_space<semaphore_mem>>)
    %add3A_16 = arith.constant 120 : i32
    %add3A_17 = arith.addi %mul3A_2, %add3A_16 : i32
    %dma_start3A_18 = tpu.memref_slice %arg3[%add3A_17] : memref<320000xi32, #tpu.memory_space<hbm>> -> memref<40xi32, #tpu.memory_space<hbm>>
    %dma_start3A_19 = tpu.memref_slice %arg3[%add3A_17] : memref<320000xi32, #tpu.memory_space<hbm>> -> memref<40xi32, #tpu.memory_space<hbm>>
    tpu.enqueue_dma source(%dma_start3A_19 : memref<40xi32, #tpu.memory_space<hbm>>) target(%arg12 : memref<40xi32, #tpu.memory_space<vmem>>) target_semaphore(%arg37 : memref<!tpu.dma_semaphore, #tpu.memory_space<semaphore_mem>>)
    %add3A_20 = arith.constant 160 : i32
    %add3A_21 = arith.addi %mul3A_2, %add3A_20 : i32
    %dma_start3A_22 = tpu.memref_slice %arg3[%add3A_21] : memref<320000xi32, #tpu.memory_space<hbm>> -> memref<40xi32, #tpu.memory_space<hbm>>
    %dma_start3A_23 = tpu.memref_slice %arg3[%add3A_21] : memref<320000xi32, #tpu.memory_space<hbm>> -> memref<40xi32, #tpu.memory_space<hbm>>
    tpu.enqueue_dma source(%dma_start3A_23 : memref<40xi32, #tpu.memory_space<hbm>>) target(%arg13 : memref<40xi32, #tpu.memory_space<vmem>>) target_semaphore(%arg38 : memref<!tpu.dma_semaphore, #tpu.memory_space<semaphore_mem>>)
    %add3A_24 = arith.constant 200 : i32
    %add3A_25 = arith.addi %mul3A_2, %add3A_24 : i32
    %dma_start3A_26 = tpu.memref_slice %arg3[%add3A_25] : memref<320000xi32, #tpu.memory_space<hbm>> -> memref<40xi32, #tpu.memory_space<hbm>>
    %dma_start3A_27 = tpu.memref_slice %arg3[%add3A_25] : memref<320000xi32, #tpu.memory_space<hbm>> -> memref<40xi32, #tpu.memory_space<hbm>>
    tpu.enqueue_dma source(%dma_start3A_27 : memref<40xi32, #tpu.memory_space<hbm>>) target(%arg14 : memref<40xi32, #tpu.memory_space<vmem>>) target_semaphore(%arg39 : memref<!tpu.dma_semaphore, #tpu.memory_space<semaphore_mem>>)
    %add3A_28 = arith.constant 240 : i32
    %add3A_29 = arith.addi %mul3A_2, %add3A_28 : i32
    %dma_start3A_30 = tpu.memref_slice %arg3[%add3A_29] : memref<320000xi32, #tpu.memory_space<hbm>> -> memref<40xi32, #tpu.memory_space<hbm>>
    %dma_start3A_31 = tpu.memref_slice %arg3[%add3A_29] : memref<320000xi32, #tpu.memory_space<hbm>> -> memref<40xi32, #tpu.memory_space<hbm>>
    tpu.enqueue_dma source(%dma_start3A_31 : memref<40xi32, #tpu.memory_space<hbm>>) target(%arg15 : memref<40xi32, #tpu.memory_space<vmem>>) target_semaphore(%arg40 : memref<!tpu.dma_semaphore, #tpu.memory_space<semaphore_mem>>)
    %add3A_32 = arith.constant 280 : i32
    %add3A_33 = arith.addi %mul3A_2, %add3A_32 : i32
    %dma_start3A_34 = tpu.memref_slice %arg3[%add3A_33] : memref<320000xi32, #tpu.memory_space<hbm>> -> memref<40xi32, #tpu.memory_space<hbm>>
    %dma_start3A_35 = tpu.memref_slice %arg3[%add3A_33] : memref<320000xi32, #tpu.memory_space<hbm>> -> memref<40xi32, #tpu.memory_space<hbm>>
    tpu.enqueue_dma source(%dma_start3A_35 : memref<40xi32, #tpu.memory_space<hbm>>) target(%arg16 : memref<40xi32, #tpu.memory_space<vmem>>) target_semaphore(%arg41 : memref<!tpu.dma_semaphore, #tpu.memory_space<semaphore_mem>>)
    %add3A_36 = arith.constant 320 : i32
    %add3A_37 = arith.addi %mul3A_2, %add3A_36 : i32
    %dma_start3A_38 = tpu.memref_slice %arg3[%add3A_37] : memref<320000xi32, #tpu.memory_space<hbm>> -> memref<40xi32, #tpu.memory_space<hbm>>
    %dma_start3A_39 = tpu.memref_slice %arg3[%add3A_37] : memref<320000xi32, #tpu.memory_space<hbm>> -> memref<40xi32, #tpu.memory_space<hbm>>
    tpu.enqueue_dma source(%dma_start3A_39 : memref<40xi32, #tpu.memory_space<hbm>>) target(%arg17 : memref<40xi32, #tpu.memory_space<vmem>>) target_semaphore(%arg42 : memref<!tpu.dma_semaphore, #tpu.memory_space<semaphore_mem>>)
    %add3A_40 = arith.constant 360 : i32
    %add3A_41 = arith.addi %mul3A_2, %add3A_40 : i32
    %dma_start3A_42 = tpu.memref_slice %arg3[%add3A_41] : memref<320000xi32, #tpu.memory_space<hbm>> -> memref<40xi32, #tpu.memory_space<hbm>>
    %dma_start3A_43 = tpu.memref_slice %arg3[%add3A_41] : memref<320000xi32, #tpu.memory_space<hbm>> -> memref<40xi32, #tpu.memory_space<hbm>>
    tpu.enqueue_dma source(%dma_start3A_43 : memref<40xi32, #tpu.memory_space<hbm>>) target(%arg18 : memref<40xi32, #tpu.memory_space<vmem>>) target_semaphore(%arg43 : memref<!tpu.dma_semaphore, #tpu.memory_space<semaphore_mem>>)
    %scan3A = arith.constant 0 : i32
    %scan3A_44 = arith.constant 40 : i32
    %scan3A_45 = arith.addi %scan3A, %scan3A_44 : i32
    %scan3A_46 = arith.constant 1 : i32
    scf.for %scan3A_283 = %scan3A to %scan3A_45 step %scan3A_46  : i32 {
      %mul3A_284 = arith.constant 1 : i32
      %mul3A_285 = arith.muli %scan3A_283, %mul3A_284 : i32
      %add3A_286 = arith.constant 0 : i32
      %add3A_287 = arith.addi %add3A_286, %mul3A_285 : i32
      %scan3A_288 = arith.constant 0 : i32
      %scan3A_289 = arith.constant 8 : i32
      %scan3A_290 = arith.addi %scan3A_288, %scan3A_289 : i32
      %scan3A_291 = arith.constant 1 : i32
      scf.for %scan3A_293 = %scan3A_288 to %scan3A_290 step %scan3A_291  : i32 {
        %mul3A_294 = arith.constant 16 : i32
        %mul3A_295 = arith.muli %scan3A_293, %mul3A_294 : i32
        %add3A_296 = arith.constant 0 : i32
        %add3A_297 = arith.addi %add3A_296, %mul3A_295 : i32
        %broadcast_in_dim3A_298 = arith.constant 0.000000e+00 : f32
        %broadcast_in_dim3A_299 = vector.broadcast %broadcast_in_dim3A_298 : f32 to vector<16xf32>
        %swap3A_300 = arith.index_cast %add3A_287 : i32 to index
        %swap3A_301 = arith.index_cast %add3A_297 : i32 to index
        %swap3A_302 = tpu.vector_load %arg24[%swap3A_300, %swap3A_301] {strides = array<i32>} : memref<40x128xf32, #tpu.memory_space<vmem>>, vector<16xf32>,
        tpu.vector_store %arg24[%swap3A_300, %swap3A_301], %broadcast_in_dim3A_299 {strides = array<i32>} : memref<40x128xf32, #tpu.memory_space<vmem>>, vector<16xf32>,
      }
      %scan3A_292 = arith.constant 8 : i32
    }
    %scan3A_47 = arith.constant 40 : i32
    %scan3A_48 = arith.constant 0 : i32
    %scan3A_49 = arith.constant 80 : i32
    %scan3A_50 = arith.addi %scan3A_48, %scan3A_49 : i32
    %scan3A_51 = arith.constant 1 : i32
    scf.for %scan3A_283 = %scan3A_48 to %scan3A_50 step %scan3A_51  : i32 {
      %mul3A_284 = arith.constant 1 : i32
      %mul3A_285 = arith.muli %scan3A_283, %mul3A_284 : i32
      %add3A_286 = arith.constant 0 : i32
      %add3A_287 = arith.addi %add3A_286, %mul3A_285 : i32
      %scan3A_288 = arith.constant 0 : i32
      %scan3A_289 = arith.constant 8 : i32
      %scan3A_290 = arith.addi %scan3A_288, %scan3A_289 : i32
      %scan3A_291 = arith.constant 1 : i32
      scf.for %scan3A_293 = %scan3A_288 to %scan3A_290 step %scan3A_291  : i32 {
        %mul3A_294 = arith.constant 16 : i32
        %mul3A_295 = arith.muli %scan3A_293, %mul3A_294 : i32
        %add3A_296 = arith.constant 0 : i32
        %add3A_297 = arith.addi %add3A_296, %mul3A_295 : i32
        %broadcast_in_dim3A_298 = arith.constant 0.000000e+00 : f32
        %broadcast_in_dim3A_299 = vector.broadcast %broadcast_in_dim3A_298 : f32 to vector<16xf32>
        %swap3A_300 = arith.index_cast %add3A_287 : i32 to index
        %swap3A_301 = arith.index_cast %add3A_297 : i32 to index
        %swap3A_302 = tpu.vector_load %arg46[%swap3A_300, %swap3A_301] {strides = array<i32>} : memref<80x128xf32, #tpu.memory_space<vmem>>, vector<16xf32>,
        tpu.vector_store %arg46[%swap3A_300, %swap3A_301], %broadcast_in_dim3A_299 {strides = array<i32>} : memref<80x128xf32, #tpu.memory_space<vmem>>, vector<16xf32>,
      }
      %scan3A_292 = arith.constant 8 : i32
    }
    %scan3A_52 = arith.constant 80 : i32
    %iota3A = tpu.iota {dimensions = array<i32: 0>} : vector<16xi32>
    %add3A_53 = arith.constant 0 : i32
    %add3A_54 = vector.broadcast %add3A_53 : i32 to vector<16xi32>
    %add3A_55 = arith.addi %iota3A, %add3A_54 : vector<16xi32>
    %swap3A = arith.constant 0 : index
    %swap3A_56 = tpu.vector_load %arg47[%swap3A] {strides = array<i32>} : memref<80xi32, #tpu.memory_space<vmem>>, vector<16xi32>,
    tpu.vector_store %arg47[%swap3A], %add3A_55 {strides = array<i32>} : memref<80xi32, #tpu.memory_space<vmem>>, vector<16xi32>,
    %iota3A_57 = tpu.iota {dimensions = array<i32: 0>} : vector<16xi32>
    %add3A_58 = arith.constant 16 : i32
    %add3A_59 = vector.broadcast %add3A_58 : i32 to vector<16xi32>
    %add3A_60 = arith.addi %iota3A_57, %add3A_59 : vector<16xi32>
    %swap3A_61 = arith.constant 16 : index
    %swap3A_62 = tpu.vector_load %arg47[%swap3A_61] {strides = array<i32>} : memref<80xi32, #tpu.memory_space<vmem>>, vector<16xi32>,
    tpu.vector_store %arg47[%swap3A_61], %add3A_60 {strides = array<i32>} : memref<80xi32, #tpu.memory_space<vmem>>, vector<16xi32>,
    %iota3A_63 = tpu.iota {dimensions = array<i32: 0>} : vector<16xi32>
    %add3A_64 = arith.constant 32 : i32
    %add3A_65 = vector.broadcast %add3A_64 : i32 to vector<16xi32>
    %add3A_66 = arith.addi %iota3A_63, %add3A_65 : vector<16xi32>
    %swap3A_67 = arith.constant 32 : index
    %swap3A_68 = tpu.vector_load %arg47[%swap3A_67] {strides = array<i32>} : memref<80xi32, #tpu.memory_space<vmem>>, vector<16xi32>,
    tpu.vector_store %arg47[%swap3A_67], %add3A_66 {strides = array<i32>} : memref<80xi32, #tpu.memory_space<vmem>>, vector<16xi32>,
    %iota3A_69 = tpu.iota {dimensions = array<i32: 0>} : vector<16xi32>
    %add3A_70 = arith.constant 48 : i32
    %add3A_71 = vector.broadcast %add3A_70 : i32 to vector<16xi32>
    %add3A_72 = arith.addi %iota3A_69, %add3A_71 : vector<16xi32>
    %swap3A_73 = arith.constant 48 : index
    %swap3A_74 = tpu.vector_load %arg47[%swap3A_73] {strides = array<i32>} : memref<80xi32, #tpu.memory_space<vmem>>, vector<16xi32>,
    tpu.vector_store %arg47[%swap3A_73], %add3A_72 {strides = array<i32>} : memref<80xi32, #tpu.memory_space<vmem>>, vector<16xi32>,
    %iota3A_75 = tpu.iota {dimensions = array<i32: 0>} : vector<16xi32>
    %add3A_76 = arith.constant 64 : i32
    %add3A_77 = vector.broadcast %add3A_76 : i32 to vector<16xi32>
    %add3A_78 = arith.addi %iota3A_75, %add3A_77 : vector<16xi32>
    %swap3A_79 = arith.constant 64 : index
    %swap3A_80 = tpu.vector_load %arg47[%swap3A_79] {strides = array<i32>} : memref<80xi32, #tpu.memory_space<vmem>>, vector<16xi32>,
    tpu.vector_store %arg47[%swap3A_79], %add3A_78 {strides = array<i32>} : memref<80xi32, #tpu.memory_space<vmem>>, vector<16xi32>,
    %dma_wait3A = tpu.memref_slice %arg4[%mul3A_2] : memref<320000xi32, #tpu.memory_space<hbm>> -> memref<10000xi32, #tpu.memory_space<hbm>>
    %dma_wait3A_81 = tpu.memref_slice %arg4[%mul3A_2] : memref<320000xi32, #tpu.memory_space<hbm>> -> memref<10000xi32, #tpu.memory_space<hbm>>
    tpu.wait_dma2 semaphore(%arg44 : memref<!tpu.dma_semaphore, #tpu.memory_space<semaphore_mem>>) src(%dma_wait3A_81 : memref<10000xi32, #tpu.memory_space<hbm>>) dst(%arg8 : memref<10000xi32, #tpu.memory_space<vmem>>)
    %mul3A_82 = arith.constant 640 : i32
    %mul3A_83 = arith.muli %arg1, %mul3A_82 : i32
    %scan3A_84 = arith.constant 0 : i32
    %scan3A_85 = arith.constant 16 : i32
    %scan3A_86 = arith.addi %scan3A_84, %scan3A_85 : i32
    %scan3A_87 = arith.constant 1 : i32
    scf.for %scan3A_283 = %scan3A_84 to %scan3A_86 step %scan3A_87  : i32 {
      %mul3A_284 = arith.constant 1 : i32
      %mul3A_285 = arith.muli %scan3A_283, %mul3A_284 : i32
      %add3A_286 = arith.constant 0 : i32
      %add3A_287 = arith.addi %add3A_286, %mul3A_285 : i32
      %mul3A_288 = arith.constant 40 : i32
      %mul3A_289 = arith.muli %add3A_287, %mul3A_288 : i32
      %add3A_290 = arith.addi %mul3A_83, %mul3A_289 : i32
      %dma_start3A_291 = arith.constant 0 : i32
      %dma_start3A_292 = tpu.memref_slice %arg7[%add3A_290, %dma_start3A_291] : memref<10240x128xf32, #tpu.memory_space<vmem_shared>> -> memref<40x128xf32, #tpu.memory_space<vmem_shared>>
      %dma_start3A_293 = arith.constant 0 : i32
      %dma_start3A_294 = tpu.memref_slice %arg7[%add3A_290, %dma_start3A_293] : memref<10240x128xf32, #tpu.memory_space<vmem_shared>> -> memref<40x128xf32, #tpu.memory_space<vmem_shared>>
      tpu.enqueue_dma source(%arg24 : memref<40x128xf32, #tpu.memory_space<vmem>>) target(%dma_start3A_294 : memref<40x128xf32, #tpu.memory_space<vmem_shared>>) target_semaphore(%arg44 : memref<!tpu.dma_semaphore, #tpu.memory_space<semaphore_mem>>)
    }
    %scan3A_88 = arith.constant 16 : i32
    %scan3A_89 = arith.constant 0 : i32
    %scan3A_90 = arith.constant 16 : i32
    %scan3A_91 = arith.addi %scan3A_89, %scan3A_90 : i32
    %scan3A_92 = arith.constant 1 : i32
    scf.for %scan3A_283 = %scan3A_89 to %scan3A_91 step %scan3A_92  : i32 {
      %mul3A_284 = arith.constant 1 : i32
      %mul3A_285 = arith.muli %scan3A_283, %mul3A_284 : i32
      %add3A_286 = arith.constant 0 : i32
      %add3A_287 = arith.addi %add3A_286, %mul3A_285 : i32
      %dma_wait3A_288 = arith.constant 0 : i32
      %dma_wait3A_289 = tpu.memref_slice %arg7[%mul3A_83, %dma_wait3A_288] : memref<10240x128xf32, #tpu.memory_space<vmem_shared>> -> memref<40x128xf32, #tpu.memory_space<vmem_shared>>
      %dma_wait3A_290 = arith.constant 0 : i32
      %dma_wait3A_291 = tpu.memref_slice %arg7[%mul3A_83, %dma_wait3A_290] : memref<10240x128xf32, #tpu.memory_space<vmem_shared>> -> memref<40x128xf32, #tpu.memory_space<vmem_shared>>
      tpu.wait_dma2 semaphore(%arg44 : memref<!tpu.dma_semaphore, #tpu.memory_space<semaphore_mem>>) src(%arg24 : memref<40x128xf32, #tpu.memory_space<vmem>>) dst(%dma_wait3A_291 : memref<40x128xf32, #tpu.memory_space<vmem_shared>>)
    }
    %scan3A_93 = arith.constant 16 : i32
    %lt3A = arith.constant 10 : i32
    %lt3A_94 = arith.cmpi slt, %arg1, %lt3A : i32
    %convert_element_type3A = arith.extui %lt3A_94 : i1 to i32
    %cond3A = arith.constant 0 : i32
    %cond3A_95 = arith.cmpi ne, %convert_element_type3A, %cond3A : i32
    scf.if %cond3A_95 {
      %mul3A_283 = arith.constant 8 : i32
      %mul3A_284 = arith.muli %arg1, %mul3A_283 : i32
      "tpu.region"() ({
        %run_scoped3A = tpu.sem_alloc : memref<!tpu.dma_semaphore, #tpu.memory_space<semaphore_mem>>
        %dma_start3A_285 = arith.constant 0 : i32
        %dma_start3A_286 = arith.constant 0 : i32
        %dma_start3A_287 = tpu.memref_slice %arg46[%dma_start3A_285, %dma_start3A_286] : memref<80x128xf32, #tpu.memory_space<vmem>> -> memref<8x128xf32, #tpu.memory_space<vmem>>
        %dma_start3A_288 = arith.constant 0 : i32
        %dma_start3A_289 = tpu.memref_slice %arg45[%mul3A_284, %dma_start3A_288] : memref<80x128xf32, #tpu.memory_space<vmem_shared>> -> memref<8x128xf32, #tpu.memory_space<vmem_shared>>
        %dma_start3A_290 = arith.constant 0 : i32
        %dma_start3A_291 = tpu.memref_slice %arg45[%mul3A_284, %dma_start3A_290] : memref<80x128xf32, #tpu.memory_space<vmem_shared>> -> memref<8x128xf32, #tpu.memory_space<vmem_shared>>
        %dma_start3A_292 = arith.constant 0 : i32
        %dma_start3A_293 = arith.constant 0 : i32
        %dma_start3A_294 = tpu.memref_slice %arg46[%dma_start3A_292, %dma_start3A_293] : memref<80x128xf32, #tpu.memory_space<vmem>> -> memref<8x128xf32, #tpu.memory_space<vmem>>
        tpu.enqueue_dma source(%dma_start3A_294 : memref<8x128xf32, #tpu.memory_space<vmem>>) target(%dma_start3A_291 : memref<8x128xf32, #tpu.memory_space<vmem_shared>>) target_semaphore(%run_scoped3A : memref<!tpu.dma_semaphore, #tpu.memory_space<semaphore_mem>>)
        %dma_wait3A_295 = arith.constant 0 : i32
        %dma_wait3A_296 = arith.constant 0 : i32
        %dma_wait3A_297 = tpu.memref_slice %arg46[%dma_wait3A_295, %dma_wait3A_296] : memref<80x128xf32, #tpu.memory_space<vmem>> -> memref<8x128xf32, #tpu.memory_space<vmem>>
        %dma_wait3A_298 = arith.constant 0 : i32
        %dma_wait3A_299 = tpu.memref_slice %arg45[%mul3A_284, %dma_wait3A_298] : memref<80x128xf32, #tpu.memory_space<vmem_shared>> -> memref<8x128xf32, #tpu.memory_space<vmem_shared>>
        %dma_wait3A_300 = arith.constant 0 : i32
        %dma_wait3A_301 = tpu.memref_slice %arg45[%mul3A_284, %dma_wait3A_300] : memref<80x128xf32, #tpu.memory_space<vmem_shared>> -> memref<8x128xf32, #tpu.memory_space<vmem_shared>>
        %dma_wait3A_302 = arith.constant 0 : i32
        %dma_wait3A_303 = arith.constant 0 : i32
        %dma_wait3A_304 = tpu.memref_slice %arg46[%dma_wait3A_302, %dma_wait3A_303] : memref<80x128xf32, #tpu.memory_space<vmem>> -> memref<8x128xf32, #tpu.memory_space<vmem>>
        tpu.wait_dma2 semaphore(%run_scoped3A : memref<!tpu.dma_semaphore, #tpu.memory_space<semaphore_mem>>) src(%dma_wait3A_304 : memref<8x128xf32, #tpu.memory_space<vmem>>) dst(%dma_wait3A_301 : memref<8x128xf32, #tpu.memory_space<vmem_shared>>)
        tpu.yield
      }) : () -> ()
    } else {
    }
    %dma_wait3A_96 = tpu.memref_slice %arg3[%mul3A_2] : memref<320000xi32, #tpu.memory_space<hbm>> -> memref<40xi32, #tpu.memory_space<hbm>>
    %dma_wait3A_97 = tpu.memref_slice %arg3[%mul3A_2] : memref<320000xi32, #tpu.memory_space<hbm>> -> memref<40xi32, #tpu.memory_space<hbm>>
    tpu.wait_dma2 semaphore(%arg34 : memref<!tpu.dma_semaphore, #tpu.memory_space<semaphore_mem>>) src(%dma_wait3A_97 : memref<40xi32, #tpu.memory_space<hbm>>) dst(%arg9 : memref<40xi32, #tpu.memory_space<vmem>>)
    %dma_start3A_98 = arith.constant 0 : i32
    %dma_start3A_99 = arith.constant 0 : i32
    %dma_start3A_100 = tpu.memref_slice %arg2[%dma_start3A_98, %dma_start3A_99] : memref<10000x128xf32, #tpu.memory_space<hbm>> -> memref<10000x128xf32, #tpu.memory_space<hbm>>
    tpu.enqueue_indirect_dma source(%dma_start3A_100 : memref<10000x128xf32, #tpu.memory_space<hbm>>) target(%arg24 : memref<40x128xf32, #tpu.memory_space<vmem>>) offsets(%arg9 : memref<40xi32, #tpu.memory_space<vmem>>) semaphore(%arg29 : memref<!tpu.dma_semaphore, #tpu.memory_space<semaphore_mem>>)
    %dma_wait3A_101 = tpu.memref_slice %arg3[%mul3A_2] : memref<320000xi32, #tpu.memory_space<hbm>> -> memref<40xi32, #tpu.memory_space<hbm>>
    %dma_wait3A_102 = tpu.memref_slice %arg3[%mul3A_2] : memref<320000xi32, #tpu.memory_space<hbm>> -> memref<40xi32, #tpu.memory_space<hbm>>
    tpu.wait_dma2 semaphore(%arg35 : memref<!tpu.dma_semaphore, #tpu.memory_space<semaphore_mem>>) src(%dma_wait3A_102 : memref<40xi32, #tpu.memory_space<hbm>>) dst(%arg10 : memref<40xi32, #tpu.memory_space<vmem>>)
    %dma_start3A_103 = arith.constant 0 : i32
    %dma_start3A_104 = arith.constant 0 : i32
    %dma_start3A_105 = tpu.memref_slice %arg2[%dma_start3A_103, %dma_start3A_104] : memref<10000x128xf32, #tpu.memory_space<hbm>> -> memref<10000x128xf32, #tpu.memory_space<hbm>>
    tpu.enqueue_indirect_dma source(%dma_start3A_105 : memref<10000x128xf32, #tpu.memory_space<hbm>>) target(%arg25 : memref<40x128xf32, #tpu.memory_space<vmem>>) offsets(%arg10 : memref<40xi32, #tpu.memory_space<vmem>>) semaphore(%arg30 : memref<!tpu.dma_semaphore, #tpu.memory_space<semaphore_mem>>)
    %dma_wait3A_106 = tpu.memref_slice %arg3[%mul3A_2] : memref<320000xi32, #tpu.memory_space<hbm>> -> memref<40xi32, #tpu.memory_space<hbm>>
    %dma_wait3A_107 = tpu.memref_slice %arg3[%mul3A_2] : memref<320000xi32, #tpu.memory_space<hbm>> -> memref<40xi32, #tpu.memory_space<hbm>>
    tpu.wait_dma2 semaphore(%arg36 : memref<!tpu.dma_semaphore, #tpu.memory_space<semaphore_mem>>) src(%dma_wait3A_107 : memref<40xi32, #tpu.memory_space<hbm>>) dst(%arg11 : memref<40xi32, #tpu.memory_space<vmem>>)
    %dma_start3A_108 = arith.constant 0 : i32
    %dma_start3A_109 = arith.constant 0 : i32
    %dma_start3A_110 = tpu.memref_slice %arg2[%dma_start3A_108, %dma_start3A_109] : memref<10000x128xf32, #tpu.memory_space<hbm>> -> memref<10000x128xf32, #tpu.memory_space<hbm>>
    tpu.enqueue_indirect_dma source(%dma_start3A_110 : memref<10000x128xf32, #tpu.memory_space<hbm>>) target(%arg26 : memref<40x128xf32, #tpu.memory_space<vmem>>) offsets(%arg11 : memref<40xi32, #tpu.memory_space<vmem>>) semaphore(%arg31 : memref<!tpu.dma_semaphore, #tpu.memory_space<semaphore_mem>>)
    %dma_wait3A_111 = tpu.memref_slice %arg3[%mul3A_2] : memref<320000xi32, #tpu.memory_space<hbm>> -> memref<40xi32, #tpu.memory_space<hbm>>
    %dma_wait3A_112 = tpu.memref_slice %arg3[%mul3A_2] : memref<320000xi32, #tpu.memory_space<hbm>> -> memref<40xi32, #tpu.memory_space<hbm>>
    tpu.wait_dma2 semaphore(%arg37 : memref<!tpu.dma_semaphore, #tpu.memory_space<semaphore_mem>>) src(%dma_wait3A_112 : memref<40xi32, #tpu.memory_space<hbm>>) dst(%arg12 : memref<40xi32, #tpu.memory_space<vmem>>)
    %dma_start3A_113 = arith.constant 0 : i32
    %dma_start3A_114 = arith.constant 0 : i32
    %dma_start3A_115 = tpu.memref_slice %arg2[%dma_start3A_113, %dma_start3A_114] : memref<10000x128xf32, #tpu.memory_space<hbm>> -> memref<10000x128xf32, #tpu.memory_space<hbm>>
    tpu.enqueue_indirect_dma source(%dma_start3A_115 : memref<10000x128xf32, #tpu.memory_space<hbm>>) target(%arg27 : memref<40x128xf32, #tpu.memory_space<vmem>>) offsets(%arg12 : memref<40xi32, #tpu.memory_space<vmem>>) semaphore(%arg32 : memref<!tpu.dma_semaphore, #tpu.memory_space<semaphore_mem>>)
    %dma_wait3A_116 = tpu.memref_slice %arg3[%mul3A_2] : memref<320000xi32, #tpu.memory_space<hbm>> -> memref<40xi32, #tpu.memory_space<hbm>>
    %dma_wait3A_117 = tpu.memref_slice %arg3[%mul3A_2] : memref<320000xi32, #tpu.memory_space<hbm>> -> memref<40xi32, #tpu.memory_space<hbm>>
    tpu.wait_dma2 semaphore(%arg38 : memref<!tpu.dma_semaphore, #tpu.memory_space<semaphore_mem>>) src(%dma_wait3A_117 : memref<40xi32, #tpu.memory_space<hbm>>) dst(%arg13 : memref<40xi32, #tpu.memory_space<vmem>>)
    %dma_start3A_118 = arith.constant 0 : i32
    %dma_start3A_119 = arith.constant 0 : i32
    %dma_start3A_120 = tpu.memref_slice %arg2[%dma_start3A_118, %dma_start3A_119] : memref<10000x128xf32, #tpu.memory_space<hbm>> -> memref<10000x128xf32, #tpu.memory_space<hbm>>
    tpu.enqueue_indirect_dma source(%dma_start3A_120 : memref<10000x128xf32, #tpu.memory_space<hbm>>) target(%arg28 : memref<40x128xf32, #tpu.memory_space<vmem>>) offsets(%arg13 : memref<40xi32, #tpu.memory_space<vmem>>) semaphore(%arg33 : memref<!tpu.dma_semaphore, #tpu.memory_space<semaphore_mem>>)
    %broadcast_in_dim3A = arith.constant 1.000000e+00 : f32
    %broadcast_in_dim3A_121 = vector.broadcast %broadcast_in_dim3A : f32 to vector<16xf32>
    %scan3A_122 = arith.constant 0 : i32
    %scan3A_123 = arith.constant 625 : i32
    %scan3A_124 = arith.addi %scan3A_122, %scan3A_123 : i32
    %scan3A_125 = arith.constant 1 : i32
    scf.for %scan3A_283 = %scan3A_122 to %scan3A_124 step %scan3A_125  : i32 {
      %mul3A_284 = arith.constant 16 : i32
      %mul3A_285 = arith.muli %scan3A_283, %mul3A_284 : i32
      %add3A_286 = arith.constant 0 : i32
      %add3A_287 = arith.addi %add3A_286, %mul3A_285 : i32
      %get3A_288 = arith.index_cast %add3A_287 : i32 to index
      %get3A_289 = tpu.vector_load %arg8[%get3A_288] {strides = array<i32>} : memref<10000xi32, #tpu.memory_space<vmem>>, vector<16xi32>,
      %shift_right_arithmetic3A = arith.constant 7 : i32
      %shift_right_arithmetic3A_290 = vector.broadcast %shift_right_arithmetic3A : i32 to vector<16xi32>
      %shift_right_arithmetic3A_291 = arith.shrsi %get3A_289, %shift_right_arithmetic3A_290 : vector<16xi32>
      %and3A = arith.constant 127 : i32
      %and3A_292 = vector.broadcast %and3A : i32 to vector<16xi32>
      %and3A_293 = arith.andi %get3A_289, %and3A_292 : vector<16xi32>
      tpu.vector_store_idx %arg46[%shift_right_arithmetic3A_291, %and3A_293], %broadcast_in_dim3A_121 {add = true} : memref<80x128xf32, #tpu.memory_space<vmem>>[vector<16xi32>, vector<16xi32>], vector<16xf32>,
    }
    %scan3A_126 = arith.constant 625 : i32
    %barrier3A = arith.constant 0 : index
    tpu.barrier barrier_id(%barrier3A)
    %scan3A_127 = arith.constant 0 : i32
    %scan3A_128 = arith.constant 24 : i32
    %scan3A_129 = arith.addi %scan3A_127, %scan3A_128 : i32
    %scan3A_130 = arith.constant 1 : i32
    scf.for %scan3A_283 = %scan3A_127 to %scan3A_129 step %scan3A_130  : i32 {
      %mul3A_284 = arith.constant 1 : i32
      %mul3A_285 = arith.muli %scan3A_283, %mul3A_284 : i32
      %add3A_286 = arith.constant 0 : i32
      %add3A_287 = arith.addi %add3A_286, %mul3A_285 : i32
      %mul3A_288 = arith.constant 10 : i32
      %mul3A_289 = arith.muli %add3A_287, %mul3A_288 : i32
      %add3A_290 = arith.constant 0 : i32
      %add3A_291 = arith.addi %mul3A_289, %add3A_290 : i32
      %dma_wait3A_292 = arith.constant 0 : i32
      %dma_wait3A_293 = arith.constant 0 : i32
      %dma_wait3A_294 = tpu.memref_slice %arg2[%dma_wait3A_292, %dma_wait3A_293] : memref<10000x128xf32, #tpu.memory_space<hbm>> -> memref<10000x128xf32, #tpu.memory_space<hbm>>
      tpu.wait_indirect_dma semaphore(%arg29 : memref<!tpu.dma_semaphore, #tpu.memory_space<semaphore_mem>>) src(%dma_wait3A_294 : memref<10000x128xf32, #tpu.memory_space<hbm>>) dst(%arg24 : memref<40x128xf32, #tpu.memory_space<vmem>>)
      %scan3A_295 = arith.constant 0 : i32
      %scan3A_296 = arith.constant 2 : i32
      %scan3A_297 = arith.addi %scan3A_295, %scan3A_296 : i32
      %scan3A_298 = arith.constant 1 : i32
      scf.for %scan3A_608 = %scan3A_295 to %scan3A_297 step %scan3A_298  : i32 {
        %mul3A_609 = arith.constant 16 : i32
        %mul3A_610 = arith.muli %scan3A_608, %mul3A_609 : i32
        %add3A_611 = arith.constant 0 : i32
        %add3A_612 = arith.addi %add3A_611, %mul3A_610 : i32
        %mul3A_613 = arith.constant 40 : i32
        %mul3A_614 = arith.muli %add3A_291, %mul3A_613 : i32
        %add3A_615 = arith.addi %mul3A_614, %add3A_612 : i32
        %get3A_616 = arith.index_cast %add3A_615 : i32 to index
        %get3A_617 = tpu.vector_load %arg8[%get3A_616] {strides = array<i32>} : memref<10000xi32, #tpu.memory_space<vmem>>, vector<16xi32>,
        %swap3A_618 = arith.index_cast %add3A_612 : i32 to index
        %swap3A_619 = tpu.vector_load %arg19[%swap3A_618] {strides = array<i32>} : memref<40xi32, #tpu.memory_space<vmem>>, vector<16xi32>,
        tpu.vector_store %arg19[%swap3A_618], %get3A_617 {strides = array<i32>} : memref<40xi32, #tpu.memory_space<vmem>>, vector<16xi32>,
      }
      %scan3A_299 = arith.constant 2 : i32
      %mul3A_300 = arith.constant 40 : i32
      %mul3A_301 = arith.muli %add3A_291, %mul3A_300 : i32
      %add3A_302 = arith.constant 24 : i32
      %add3A_303 = arith.addi %mul3A_301, %add3A_302 : i32
      %get3A_304 = arith.index_cast %add3A_303 : i32 to index
      %get3A_305 = tpu.vector_load %arg8[%get3A_304] {strides = array<i32>} : memref<10000xi32, #tpu.memory_space<vmem>>, vector<16xi32>,
      %swap3A_306 = arith.constant 24 : index
      %swap3A_307 = tpu.vector_load %arg19[%swap3A_306] {strides = array<i32>} : memref<40xi32, #tpu.memory_space<vmem>>, vector<16xi32>,
      tpu.vector_store %arg19[%swap3A_306], %get3A_305 {strides = array<i32>} : memref<40xi32, #tpu.memory_space<vmem>>, vector<16xi32>,
      "tpu.region"() ({
        %run_scoped3A = tpu.sem_alloc : memref<!tpu.dma_semaphore, #tpu.memory_space<semaphore_mem>>
        %dma_start3A_608 = arith.constant 0 : i32
        %dma_start3A_609 = arith.constant 0 : i32
        %dma_start3A_610 = tpu.memref_slice %arg7[%dma_start3A_608, %dma_start3A_609] : memref<10240x128xf32, #tpu.memory_space<vmem_shared>> -> memref<10240x128xf32, #tpu.memory_space<vmem_shared>>
        tpu.enqueue_indirect_dma source(%arg24 : memref<40x128xf32, #tpu.memory_space<vmem>>) target(%dma_start3A_610 : memref<10240x128xf32, #tpu.memory_space<vmem_shared>>) offsets(%arg19 : memref<40xi32, #tpu.memory_space<vmem>>) semaphore(%run_scoped3A : memref<!tpu.dma_semaphore, #tpu.memory_space<semaphore_mem>>) {add = true}
        %dma_wait3A_611 = arith.constant 0 : i32
        %dma_wait3A_612 = arith.constant 0 : i32
        %dma_wait3A_613 = tpu.memref_slice %arg7[%dma_wait3A_611, %dma_wait3A_612] : memref<10240x128xf32, #tpu.memory_space<vmem_shared>> -> memref<10240x128xf32, #tpu.memory_space<vmem_shared>>
        tpu.wait_indirect_dma semaphore(%run_scoped3A : memref<!tpu.dma_semaphore, #tpu.memory_space<semaphore_mem>>) src(%arg24 : memref<40x128xf32, #tpu.memory_space<vmem>>) dst(%dma_wait3A_613 : memref<10240x128xf32, #tpu.memory_space<vmem_shared>>)
        tpu.yield
      }) : () -> ()
      %dma_wait3A_308 = tpu.memref_slice %arg3[%mul3A_2] : memref<320000xi32, #tpu.memory_space<hbm>> -> memref<40xi32, #tpu.memory_space<hbm>>
      %dma_wait3A_309 = tpu.memref_slice %arg3[%mul3A_2] : memref<320000xi32, #tpu.memory_space<hbm>> -> memref<40xi32, #tpu.memory_space<hbm>>
      tpu.wait_dma2 semaphore(%arg39 : memref<!tpu.dma_semaphore, #tpu.memory_space<semaphore_mem>>) src(%dma_wait3A_309 : memref<40xi32, #tpu.memory_space<hbm>>) dst(%arg14 : memref<40xi32, #tpu.memory_space<vmem>>)
      %dma_start3A_310 = arith.constant 0 : i32
      %dma_start3A_311 = arith.constant 0 : i32
      %dma_start3A_312 = tpu.memref_slice %arg2[%dma_start3A_310, %dma_start3A_311] : memref<10000x128xf32, #tpu.memory_space<hbm>> -> memref<10000x128xf32, #tpu.memory_space<hbm>>
      tpu.enqueue_indirect_dma source(%dma_start3A_312 : memref<10000x128xf32, #tpu.memory_space<hbm>>) target(%arg24 : memref<40x128xf32, #tpu.memory_space<vmem>>) offsets(%arg14 : memref<40xi32, #tpu.memory_space<vmem>>) semaphore(%arg29 : memref<!tpu.dma_semaphore, #tpu.memory_space<semaphore_mem>>)
      %add3A_313 = arith.constant 10 : i32
      %add3A_314 = arith.addi %add3A_291, %add3A_313 : i32
      %mul3A_315 = arith.constant 40 : i32
      %mul3A_316 = arith.muli %add3A_314, %mul3A_315 : i32
      %add3A_317 = arith.addi %mul3A_2, %mul3A_316 : i32
      %dma_start3A_318 = tpu.memref_slice %arg3[%add3A_317] : memref<320000xi32, #tpu.memory_space<hbm>> -> memref<40xi32, #tpu.memory_space<hbm>>
      %dma_start3A_319 = tpu.memref_slice %arg3[%add3A_317] : memref<320000xi32, #tpu.memory_space<hbm>> -> memref<40xi32, #tpu.memory_space<hbm>>
      tpu.enqueue_dma source(%dma_start3A_319 : memref<40xi32, #tpu.memory_space<hbm>>) target(%arg9 : memref<40xi32, #tpu.memory_space<vmem>>) target_semaphore(%arg34 : memref<!tpu.dma_semaphore, #tpu.memory_space<semaphore_mem>>)
      %mul3A_320 = arith.constant 10 : i32
      %mul3A_321 = arith.muli %add3A_287, %mul3A_320 : i32
      %add3A_322 = arith.constant 1 : i32
      %add3A_323 = arith.addi %mul3A_321, %add3A_322 : i32
      %dma_wait3A_324 = arith.constant 0 : i32
      %dma_wait3A_325 = arith.constant 0 : i32
      %dma_wait3A_326 = tpu.memref_slice %arg2[%dma_wait3A_324, %dma_wait3A_325] : memref<10000x128xf32, #tpu.memory_space<hbm>> -> memref<10000x128xf32, #tpu.memory_space<hbm>>
      tpu.wait_indirect_dma semaphore(%arg30 : memref<!tpu.dma_semaphore, #tpu.memory_space<semaphore_mem>>) src(%dma_wait3A_326 : memref<10000x128xf32, #tpu.memory_space<hbm>>) dst(%arg25 : memref<40x128xf32, #tpu.memory_space<vmem>>)
      %scan3A_327 = arith.constant 0 : i32
      %scan3A_328 = arith.constant 2 : i32
      %scan3A_329 = arith.addi %scan3A_327, %scan3A_328 : i32
      %scan3A_330 = arith.constant 1 : i32
      scf.for %scan3A_608 = %scan3A_327 to %scan3A_329 step %scan3A_330  : i32 {
        %mul3A_609 = arith.constant 16 : i32
        %mul3A_610 = arith.muli %scan3A_608, %mul3A_609 : i32
        %add3A_611 = arith.constant 0 : i32
        %add3A_612 = arith.addi %add3A_611, %mul3A_610 : i32
        %mul3A_613 = arith.constant 40 : i32
        %mul3A_614 = arith.muli %add3A_323, %mul3A_613 : i32
        %add3A_615 = arith.addi %mul3A_614, %add3A_612 : i32
        %get3A_616 = arith.index_cast %add3A_615 : i32 to index
        %get3A_617 = tpu.vector_load %arg8[%get3A_616] {strides = array<i32>} : memref<10000xi32, #tpu.memory_space<vmem>>, vector<16xi32>,
        %swap3A_618 = arith.index_cast %add3A_612 : i32 to index
        %swap3A_619 = tpu.vector_load %arg20[%swap3A_618] {strides = array<i32>} : memref<40xi32, #tpu.memory_space<vmem>>, vector<16xi32>,
        tpu.vector_store %arg20[%swap3A_618], %get3A_617 {strides = array<i32>} : memref<40xi32, #tpu.memory_space<vmem>>, vector<16xi32>,
      }
      %scan3A_331 = arith.constant 2 : i32
      %mul3A_332 = arith.constant 40 : i32
      %mul3A_333 = arith.muli %add3A_323, %mul3A_332 : i32
      %add3A_334 = arith.constant 24 : i32
      %add3A_335 = arith.addi %mul3A_333, %add3A_334 : i32
      %get3A_336 = arith.index_cast %add3A_335 : i32 to index
      %get3A_337 = tpu.vector_load %arg8[%get3A_336] {strides = array<i32>} : memref<10000xi32, #tpu.memory_space<vmem>>, vector<16xi32>,
      %swap3A_338 = arith.constant 24 : index
      %swap3A_339 = tpu.vector_load %arg20[%swap3A_338] {strides = array<i32>} : memref<40xi32, #tpu.memory_space<vmem>>, vector<16xi32>,
      tpu.vector_store %arg20[%swap3A_338], %get3A_337 {strides = array<i32>} : memref<40xi32, #tpu.memory_space<vmem>>, vector<16xi32>,
      "tpu.region"() ({
        %run_scoped3A = tpu.sem_alloc : memref<!tpu.dma_semaphore, #tpu.memory_space<semaphore_mem>>
        %dma_start3A_608 = arith.constant 0 : i32
        %dma_start3A_609 = arith.constant 0 : i32
        %dma_start3A_610 = tpu.memref_slice %arg7[%dma_start3A_608, %dma_start3A_609] : memref<10240x128xf32, #tpu.memory_space<vmem_shared>> -> memref<10240x128xf32, #tpu.memory_space<vmem_shared>>
        tpu.enqueue_indirect_dma source(%arg25 : memref<40x128xf32, #tpu.memory_space<vmem>>) target(%dma_start3A_610 : memref<10240x128xf32, #tpu.memory_space<vmem_shared>>) offsets(%arg20 : memref<40xi32, #tpu.memory_space<vmem>>) semaphore(%run_scoped3A : memref<!tpu.dma_semaphore, #tpu.memory_space<semaphore_mem>>) {add = true}
        %dma_wait3A_611 = arith.constant 0 : i32
        %dma_wait3A_612 = arith.constant 0 : i32
        %dma_wait3A_613 = tpu.memref_slice %arg7[%dma_wait3A_611, %dma_wait3A_612] : memref<10240x128xf32, #tpu.memory_space<vmem_shared>> -> memref<10240x128xf32, #tpu.memory_space<vmem_shared>>
        tpu.wait_indirect_dma semaphore(%run_scoped3A : memref<!tpu.dma_semaphore, #tpu.memory_space<semaphore_mem>>) src(%arg25 : memref<40x128xf32, #tpu.memory_space<vmem>>) dst(%dma_wait3A_613 : memref<10240x128xf32, #tpu.memory_space<vmem_shared>>)
        tpu.yield
      }) : () -> ()
      %dma_wait3A_340 = tpu.memref_slice %arg3[%mul3A_2] : memref<320000xi32, #tpu.memory_space<hbm>> -> memref<40xi32, #tpu.memory_space<hbm>>
      %dma_wait3A_341 = tpu.memref_slice %arg3[%mul3A_2] : memref<320000xi32, #tpu.memory_space<hbm>> -> memref<40xi32, #tpu.memory_space<hbm>>
      tpu.wait_dma2 semaphore(%arg40 : memref<!tpu.dma_semaphore, #tpu.memory_space<semaphore_mem>>) src(%dma_wait3A_341 : memref<40xi32, #tpu.memory_space<hbm>>) dst(%arg15 : memref<40xi32, #tpu.memory_space<vmem>>)
      %dma_start3A_342 = arith.constant 0 : i32
      %dma_start3A_343 = arith.constant 0 : i32
      %dma_start3A_344 = tpu.memref_slice %arg2[%dma_start3A_342, %dma_start3A_343] : memref<10000x128xf32, #tpu.memory_space<hbm>> -> memref<10000x128xf32, #tpu.memory_space<hbm>>
      tpu.enqueue_indirect_dma source(%dma_start3A_344 : memref<10000x128xf32, #tpu.memory_space<hbm>>) target(%arg25 : memref<40x128xf32, #tpu.memory_space<vmem>>) offsets(%arg15 : memref<40xi32, #tpu.memory_space<vmem>>) semaphore(%arg30 : memref<!tpu.dma_semaphore, #tpu.memory_space<semaphore_mem>>)
      %add3A_345 = arith.constant 10 : i32
      %add3A_346 = arith.addi %add3A_323, %add3A_345 : i32
      %mul3A_347 = arith.constant 40 : i32
      %mul3A_348 = arith.muli %add3A_346, %mul3A_347 : i32
      %add3A_349 = arith.addi %mul3A_2, %mul3A_348 : i32
      %dma_start3A_350 = tpu.memref_slice %arg3[%add3A_349] : memref<320000xi32, #tpu.memory_space<hbm>> -> memref<40xi32, #tpu.memory_space<hbm>>
      %dma_start3A_351 = tpu.memref_slice %arg3[%add3A_349] : memref<320000xi32, #tpu.memory_space<hbm>> -> memref<40xi32, #tpu.memory_space<hbm>>
      tpu.enqueue_dma source(%dma_start3A_351 : memref<40xi32, #tpu.memory_space<hbm>>) target(%arg10 : memref<40xi32, #tpu.memory_space<vmem>>) target_semaphore(%arg35 : memref<!tpu.dma_semaphore, #tpu.memory_space<semaphore_mem>>)
      %mul3A_352 = arith.constant 10 : i32
      %mul3A_353 = arith.muli %add3A_287, %mul3A_352 : i32
      %add3A_354 = arith.constant 2 : i32
      %add3A_355 = arith.addi %mul3A_353, %add3A_354 : i32
      %dma_wait3A_356 = arith.constant 0 : i32
      %dma_wait3A_357 = arith.constant 0 : i32
      %dma_wait3A_358 = tpu.memref_slice %arg2[%dma_wait3A_356, %dma_wait3A_357] : memref<10000x128xf32, #tpu.memory_space<hbm>> -> memref<10000x128xf32, #tpu.memory_space<hbm>>
      tpu.wait_indirect_dma semaphore(%arg31 : memref<!tpu.dma_semaphore, #tpu.memory_space<semaphore_mem>>) src(%dma_wait3A_358 : memref<10000x128xf32, #tpu.memory_space<hbm>>) dst(%arg26 : memref<40x128xf32, #tpu.memory_space<vmem>>)
      %scan3A_359 = arith.constant 0 : i32
      %scan3A_360 = arith.constant 2 : i32
      %scan3A_361 = arith.addi %scan3A_359, %scan3A_360 : i32
      %scan3A_362 = arith.constant 1 : i32
      scf.for %scan3A_608 = %scan3A_359 to %scan3A_361 step %scan3A_362  : i32 {
        %mul3A_609 = arith.constant 16 : i32
        %mul3A_610 = arith.muli %scan3A_608, %mul3A_609 : i32
        %add3A_611 = arith.constant 0 : i32
        %add3A_612 = arith.addi %add3A_611, %mul3A_610 : i32
        %mul3A_613 = arith.constant 40 : i32
        %mul3A_614 = arith.muli %add3A_355, %mul3A_613 : i32
        %add3A_615 = arith.addi %mul3A_614, %add3A_612 : i32
        %get3A_616 = arith.index_cast %add3A_615 : i32 to index
        %get3A_617 = tpu.vector_load %arg8[%get3A_616] {strides = array<i32>} : memref<10000xi32, #tpu.memory_space<vmem>>, vector<16xi32>,
        %swap3A_618 = arith.index_cast %add3A_612 : i32 to index
        %swap3A_619 = tpu.vector_load %arg21[%swap3A_618] {strides = array<i32>} : memref<40xi32, #tpu.memory_space<vmem>>, vector<16xi32>,
        tpu.vector_store %arg21[%swap3A_618], %get3A_617 {strides = array<i32>} : memref<40xi32, #tpu.memory_space<vmem>>, vector<16xi32>,
      }
      %scan3A_363 = arith.constant 2 : i32
      %mul3A_364 = arith.constant 40 : i32
      %mul3A_365 = arith.muli %add3A_355, %mul3A_364 : i32
      %add3A_366 = arith.constant 24 : i32
      %add3A_367 = arith.addi %mul3A_365, %add3A_366 : i32
      %get3A_368 = arith.index_cast %add3A_367 : i32 to index
      %get3A_369 = tpu.vector_load %arg8[%get3A_368] {strides = array<i32>} : memref<10000xi32, #tpu.memory_space<vmem>>, vector<16xi32>,
      %swap3A_370 = arith.constant 24 : index
      %swap3A_371 = tpu.vector_load %arg21[%swap3A_370] {strides = array<i32>} : memref<40xi32, #tpu.memory_space<vmem>>, vector<16xi32>,
      tpu.vector_store %arg21[%swap3A_370], %get3A_369 {strides = array<i32>} : memref<40xi32, #tpu.memory_space<vmem>>, vector<16xi32>,
      "tpu.region"() ({
        %run_scoped3A = tpu.sem_alloc : memref<!tpu.dma_semaphore, #tpu.memory_space<semaphore_mem>>
        %dma_start3A_608 = arith.constant 0 : i32
        %dma_start3A_609 = arith.constant 0 : i32
        %dma_start3A_610 = tpu.memref_slice %arg7[%dma_start3A_608, %dma_start3A_609] : memref<10240x128xf32, #tpu.memory_space<vmem_shared>> -> memref<10240x128xf32, #tpu.memory_space<vmem_shared>>
        tpu.enqueue_indirect_dma source(%arg26 : memref<40x128xf32, #tpu.memory_space<vmem>>) target(%dma_start3A_610 : memref<10240x128xf32, #tpu.memory_space<vmem_shared>>) offsets(%arg21 : memref<40xi32, #tpu.memory_space<vmem>>) semaphore(%run_scoped3A : memref<!tpu.dma_semaphore, #tpu.memory_space<semaphore_mem>>) {add = true}
        %dma_wait3A_611 = arith.constant 0 : i32
        %dma_wait3A_612 = arith.constant 0 : i32
        %dma_wait3A_613 = tpu.memref_slice %arg7[%dma_wait3A_611, %dma_wait3A_612] : memref<10240x128xf32, #tpu.memory_space<vmem_shared>> -> memref<10240x128xf32, #tpu.memory_space<vmem_shared>>
        tpu.wait_indirect_dma semaphore(%run_scoped3A : memref<!tpu.dma_semaphore, #tpu.memory_space<semaphore_mem>>) src(%arg26 : memref<40x128xf32, #tpu.memory_space<vmem>>) dst(%dma_wait3A_613 : memref<10240x128xf32, #tpu.memory_space<vmem_shared>>)
        tpu.yield
      }) : () -> ()
      %dma_wait3A_372 = tpu.memref_slice %arg3[%mul3A_2] : memref<320000xi32, #tpu.memory_space<hbm>> -> memref<40xi32, #tpu.memory_space<hbm>>
      %dma_wait3A_373 = tpu.memref_slice %arg3[%mul3A_2] : memref<320000xi32, #tpu.memory_space<hbm>> -> memref<40xi32, #tpu.memory_space<hbm>>
      tpu.wait_dma2 semaphore(%arg41 : memref<!tpu.dma_semaphore, #tpu.memory_space<semaphore_mem>>) src(%dma_wait3A_373 : memref<40xi32, #tpu.memory_space<hbm>>) dst(%arg16 : memref<40xi32, #tpu.memory_space<vmem>>)
      %dma_start3A_374 = arith.constant 0 : i32
      %dma_start3A_375 = arith.constant 0 : i32
      %dma_start3A_376 = tpu.memref_slice %arg2[%dma_start3A_374, %dma_start3A_375] : memref<10000x128xf32, #tpu.memory_space<hbm>> -> memref<10000x128xf32, #tpu.memory_space<hbm>>
      tpu.enqueue_indirect_dma source(%dma_start3A_376 : memref<10000x128xf32, #tpu.memory_space<hbm>>) target(%arg26 : memref<40x128xf32, #tpu.memory_space<vmem>>) offsets(%arg16 : memref<40xi32, #tpu.memory_space<vmem>>) semaphore(%arg31 : memref<!tpu.dma_semaphore, #tpu.memory_space<semaphore_mem>>)
      %add3A_377 = arith.constant 10 : i32
      %add3A_378 = arith.addi %add3A_355, %add3A_377 : i32
      %mul3A_379 = arith.constant 40 : i32
      %mul3A_380 = arith.muli %add3A_378, %mul3A_379 : i32
      %add3A_381 = arith.addi %mul3A_2, %mul3A_380 : i32
      %dma_start3A_382 = tpu.memref_slice %arg3[%add3A_381] : memref<320000xi32, #tpu.memory_space<hbm>> -> memref<40xi32, #tpu.memory_space<hbm>>
      %dma_start3A_383 = tpu.memref_slice %arg3[%add3A_381] : memref<320000xi32, #tpu.memory_space<hbm>> -> memref<40xi32, #tpu.memory_space<hbm>>
      tpu.enqueue_dma source(%dma_start3A_383 : memref<40xi32, #tpu.memory_space<hbm>>) target(%arg11 : memref<40xi32, #tpu.memory_space<vmem>>) target_semaphore(%arg36 : memref<!tpu.dma_semaphore, #tpu.memory_space<semaphore_mem>>)
      %mul3A_384 = arith.constant 10 : i32
      %mul3A_385 = arith.muli %add3A_287, %mul3A_384 : i32
      %add3A_386 = arith.constant 3 : i32
      %add3A_387 = arith.addi %mul3A_385, %add3A_386 : i32
      %dma_wait3A_388 = arith.constant 0 : i32
      %dma_wait3A_389 = arith.constant 0 : i32
      %dma_wait3A_390 = tpu.memref_slice %arg2[%dma_wait3A_388, %dma_wait3A_389] : memref<10000x128xf32, #tpu.memory_space<hbm>> -> memref<10000x128xf32, #tpu.memory_space<hbm>>
      tpu.wait_indirect_dma semaphore(%arg32 : memref<!tpu.dma_semaphore, #tpu.memory_space<semaphore_mem>>) src(%dma_wait3A_390 : memref<10000x128xf32, #tpu.memory_space<hbm>>) dst(%arg27 : memref<40x128xf32, #tpu.memory_space<vmem>>)
      %scan3A_391 = arith.constant 0 : i32
      %scan3A_392 = arith.constant 2 : i32
      %scan3A_393 = arith.addi %scan3A_391, %scan3A_392 : i32
      %scan3A_394 = arith.constant 1 : i32
      scf.for %scan3A_608 = %scan3A_391 to %scan3A_393 step %scan3A_394  : i32 {
        %mul3A_609 = arith.constant 16 : i32
        %mul3A_610 = arith.muli %scan3A_608, %mul3A_609 : i32
        %add3A_611 = arith.constant 0 : i32
        %add3A_612 = arith.addi %add3A_611, %mul3A_610 : i32
        %mul3A_613 = arith.constant 40 : i32
        %mul3A_614 = arith.muli %add3A_387, %mul3A_613 : i32
        %add3A_615 = arith.addi %mul3A_614, %add3A_612 : i32
        %get3A_616 = arith.index_cast %add3A_615 : i32 to index
        %get3A_617 = tpu.vector_load %arg8[%get3A_616] {strides = array<i32>} : memref<10000xi32, #tpu.memory_space<vmem>>, vector<16xi32>,
        %swap3A_618 = arith.index_cast %add3A_612 : i32 to index
        %swap3A_619 = tpu.vector_load %arg22[%swap3A_618] {strides = array<i32>} : memref<40xi32, #tpu.memory_space<vmem>>, vector<16xi32>,
        tpu.vector_store %arg22[%swap3A_618], %get3A_617 {strides = array<i32>} : memref<40xi32, #tpu.memory_space<vmem>>, vector<16xi32>,
      }
      %scan3A_395 = arith.constant 2 : i32
      %mul3A_396 = arith.constant 40 : i32
      %mul3A_397 = arith.muli %add3A_387, %mul3A_396 : i32
      %add3A_398 = arith.constant 24 : i32
      %add3A_399 = arith.addi %mul3A_397, %add3A_398 : i32
      %get3A_400 = arith.index_cast %add3A_399 : i32 to index
      %get3A_401 = tpu.vector_load %arg8[%get3A_400] {strides = array<i32>} : memref<10000xi32, #tpu.memory_space<vmem>>, vector<16xi32>,
      %swap3A_402 = arith.constant 24 : index
      %swap3A_403 = tpu.vector_load %arg22[%swap3A_402] {strides = array<i32>} : memref<40xi32, #tpu.memory_space<vmem>>, vector<16xi32>,
      tpu.vector_store %arg22[%swap3A_402], %get3A_401 {strides = array<i32>} : memref<40xi32, #tpu.memory_space<vmem>>, vector<16xi32>,
      "tpu.region"() ({
        %run_scoped3A = tpu.sem_alloc : memref<!tpu.dma_semaphore, #tpu.memory_space<semaphore_mem>>
        %dma_start3A_608 = arith.constant 0 : i32
        %dma_start3A_609 = arith.constant 0 : i32
        %dma_start3A_610 = tpu.memref_slice %arg7[%dma_start3A_608, %dma_start3A_609] : memref<10240x128xf32, #tpu.memory_space<vmem_shared>> -> memref<10240x128xf32, #tpu.memory_space<vmem_shared>>
        tpu.enqueue_indirect_dma source(%arg27 : memref<40x128xf32, #tpu.memory_space<vmem>>) target(%dma_start3A_610 : memref<10240x128xf32, #tpu.memory_space<vmem_shared>>) offsets(%arg22 : memref<40xi32, #tpu.memory_space<vmem>>) semaphore(%run_scoped3A : memref<!tpu.dma_semaphore, #tpu.memory_space<semaphore_mem>>) {add = true}
        %dma_wait3A_611 = arith.constant 0 : i32
        %dma_wait3A_612 = arith.constant 0 : i32
        %dma_wait3A_613 = tpu.memref_slice %arg7[%dma_wait3A_611, %dma_wait3A_612] : memref<10240x128xf32, #tpu.memory_space<vmem_shared>> -> memref<10240x128xf32, #tpu.memory_space<vmem_shared>>
        tpu.wait_indirect_dma semaphore(%run_scoped3A : memref<!tpu.dma_semaphore, #tpu.memory_space<semaphore_mem>>) src(%arg27 : memref<40x128xf32, #tpu.memory_space<vmem>>) dst(%dma_wait3A_613 : memref<10240x128xf32, #tpu.memory_space<vmem_shared>>)
        tpu.yield
      }) : () -> ()
      %dma_wait3A_404 = tpu.memref_slice %arg3[%mul3A_2] : memref<320000xi32, #tpu.memory_space<hbm>> -> memref<40xi32, #tpu.memory_space<hbm>>
      %dma_wait3A_405 = tpu.memref_slice %arg3[%mul3A_2] : memref<320000xi32, #tpu.memory_space<hbm>> -> memref<40xi32, #tpu.memory_space<hbm>>
      tpu.wait_dma2 semaphore(%arg42 : memref<!tpu.dma_semaphore, #tpu.memory_space<semaphore_mem>>) src(%dma_wait3A_405 : memref<40xi32, #tpu.memory_space<hbm>>) dst(%arg17 : memref<40xi32, #tpu.memory_space<vmem>>)
      %dma_start3A_406 = arith.constant 0 : i32
      %dma_start3A_407 = arith.constant 0 : i32
      %dma_start3A_408 = tpu.memref_slice %arg2[%dma_start3A_406, %dma_start3A_407] : memref<10000x128xf32, #tpu.memory_space<hbm>> -> memref<10000x128xf32, #tpu.memory_space<hbm>>
      tpu.enqueue_indirect_dma source(%dma_start3A_408 : memref<10000x128xf32, #tpu.memory_space<hbm>>) target(%arg27 : memref<40x128xf32, #tpu.memory_space<vmem>>) offsets(%arg17 : memref<40xi32, #tpu.memory_space<vmem>>) semaphore(%arg32 : memref<!tpu.dma_semaphore, #tpu.memory_space<semaphore_mem>>)
      %add3A_409 = arith.constant 10 : i32
      %add3A_410 = arith.addi %add3A_387, %add3A_409 : i32
      %mul3A_411 = arith.constant 40 : i32
      %mul3A_412 = arith.muli %add3A_410, %mul3A_411 : i32
      %add3A_413 = arith.addi %mul3A_2, %mul3A_412 : i32
      %dma_start3A_414 = tpu.memref_slice %arg3[%add3A_413] : memref<320000xi32, #tpu.memory_space<hbm>> -> memref<40xi32, #tpu.memory_space<hbm>>
      %dma_start3A_415 = tpu.memref_slice %arg3[%add3A_413] : memref<320000xi32, #tpu.memory_space<hbm>> -> memref<40xi32, #tpu.memory_space<hbm>>
      tpu.enqueue_dma source(%dma_start3A_415 : memref<40xi32, #tpu.memory_space<hbm>>) target(%arg12 : memref<40xi32, #tpu.memory_space<vmem>>) target_semaphore(%arg37 : memref<!tpu.dma_semaphore, #tpu.memory_space<semaphore_mem>>)
      %mul3A_416 = arith.constant 10 : i32
      %mul3A_417 = arith.muli %add3A_287, %mul3A_416 : i32
      %add3A_418 = arith.constant 4 : i32
      %add3A_419 = arith.addi %mul3A_417, %add3A_418 : i32
      %dma_wait3A_420 = arith.constant 0 : i32
      %dma_wait3A_421 = arith.constant 0 : i32
      %dma_wait3A_422 = tpu.memref_slice %arg2[%dma_wait3A_420, %dma_wait3A_421] : memref<10000x128xf32, #tpu.memory_space<hbm>> -> memref<10000x128xf32, #tpu.memory_space<hbm>>
      tpu.wait_indirect_dma semaphore(%arg33 : memref<!tpu.dma_semaphore, #tpu.memory_space<semaphore_mem>>) src(%dma_wait3A_422 : memref<10000x128xf32, #tpu.memory_space<hbm>>) dst(%arg28 : memref<40x128xf32, #tpu.memory_space<vmem>>)
      %scan3A_423 = arith.constant 0 : i32
      %scan3A_424 = arith.constant 2 : i32
      %scan3A_425 = arith.addi %scan3A_423, %scan3A_424 : i32
      %scan3A_426 = arith.constant 1 : i32
      scf.for %scan3A_608 = %scan3A_423 to %scan3A_425 step %scan3A_426  : i32 {
        %mul3A_609 = arith.constant 16 : i32
        %mul3A_610 = arith.muli %scan3A_608, %mul3A_609 : i32
        %add3A_611 = arith.constant 0 : i32
        %add3A_612 = arith.addi %add3A_611, %mul3A_610 : i32
        %mul3A_613 = arith.constant 40 : i32
        %mul3A_614 = arith.muli %add3A_419, %mul3A_613 : i32
        %add3A_615 = arith.addi %mul3A_614, %add3A_612 : i32
        %get3A_616 = arith.index_cast %add3A_615 : i32 to index
        %get3A_617 = tpu.vector_load %arg8[%get3A_616] {strides = array<i32>} : memref<10000xi32, #tpu.memory_space<vmem>>, vector<16xi32>,
        %swap3A_618 = arith.index_cast %add3A_612 : i32 to index
        %swap3A_619 = tpu.vector_load %arg23[%swap3A_618] {strides = array<i32>} : memref<40xi32, #tpu.memory_space<vmem>>, vector<16xi32>,
        tpu.vector_store %arg23[%swap3A_618], %get3A_617 {strides = array<i32>} : memref<40xi32, #tpu.memory_space<vmem>>, vector<16xi32>,
      }
      %scan3A_427 = arith.constant 2 : i32
      %mul3A_428 = arith.constant 40 : i32
      %mul3A_429 = arith.muli %add3A_419, %mul3A_428 : i32
      %add3A_430 = arith.constant 24 : i32
      %add3A_431 = arith.addi %mul3A_429, %add3A_430 : i32
      %get3A_432 = arith.index_cast %add3A_431 : i32 to index
      %get3A_433 = tpu.vector_load %arg8[%get3A_432] {strides = array<i32>} : memref<10000xi32, #tpu.memory_space<vmem>>, vector<16xi32>,
      %swap3A_434 = arith.constant 24 : index
      %swap3A_435 = tpu.vector_load %arg23[%swap3A_434] {strides = array<i32>} : memref<40xi32, #tpu.memory_space<vmem>>, vector<16xi32>,
      tpu.vector_store %arg23[%swap3A_434], %get3A_433 {strides = array<i32>} : memref<40xi32, #tpu.memory_space<vmem>>, vector<16xi32>,
      "tpu.region"() ({
        %run_scoped3A = tpu.sem_alloc : memref<!tpu.dma_semaphore, #tpu.memory_space<semaphore_mem>>
        %dma_start3A_608 = arith.constant 0 : i32
        %dma_start3A_609 = arith.constant 0 : i32
        %dma_start3A_610 = tpu.memref_slice %arg7[%dma_start3A_608, %dma_start3A_609] : memref<10240x128xf32, #tpu.memory_space<vmem_shared>> -> memref<10240x128xf32, #tpu.memory_space<vmem_shared>>
        tpu.enqueue_indirect_dma source(%arg28 : memref<40x128xf32, #tpu.memory_space<vmem>>) target(%dma_start3A_610 : memref<10240x128xf32, #tpu.memory_space<vmem_shared>>) offsets(%arg23 : memref<40xi32, #tpu.memory_space<vmem>>) semaphore(%run_scoped3A : memref<!tpu.dma_semaphore, #tpu.memory_space<semaphore_mem>>) {add = true}
        %dma_wait3A_611 = arith.constant 0 : i32
        %dma_wait3A_612 = arith.constant 0 : i32
        %dma_wait3A_613 = tpu.memref_slice %arg7[%dma_wait3A_611, %dma_wait3A_612] : memref<10240x128xf32, #tpu.memory_space<vmem_shared>> -> memref<10240x128xf32, #tpu.memory_space<vmem_shared>>
        tpu.wait_indirect_dma semaphore(%run_scoped3A : memref<!tpu.dma_semaphore, #tpu.memory_space<semaphore_mem>>) src(%arg28 : memref<40x128xf32, #tpu.memory_space<vmem>>) dst(%dma_wait3A_613 : memref<10240x128xf32, #tpu.memory_space<vmem_shared>>)
        tpu.yield
      }) : () -> ()
      %dma_wait3A_436 = tpu.memref_slice %arg3[%mul3A_2] : memref<320000xi32, #tpu.memory_space<hbm>> -> memref<40xi32, #tpu.memory_space<hbm>>
      %dma_wait3A_437 = tpu.memref_slice %arg3[%mul3A_2] : memref<320000xi32, #tpu.memory_space<hbm>> -> memref<40xi32, #tpu.memory_space<hbm>>
      tpu.wait_dma2 semaphore(%arg43 : memref<!tpu.dma_semaphore, #tpu.memory_space<semaphore_mem>>) src(%dma_wait3A_437 : memref<40xi32, #tpu.memory_space<hbm>>) dst(%arg18 : memref<40xi32, #tpu.memory_space<vmem>>)
      %dma_start3A_438 = arith.constant 0 : i32
      %dma_start3A_439 = arith.constant 0 : i32
      %dma_start3A_440 = tpu.memref_slice %arg2[%dma_start3A_438, %dma_start3A_439] : memref<10000x128xf32, #tpu.memory_space<hbm>> -> memref<10000x128xf32, #tpu.memory_space<hbm>>
      tpu.enqueue_indirect_dma source(%dma_start3A_440 : memref<10000x128xf32, #tpu.memory_space<hbm>>) target(%arg28 : memref<40x128xf32, #tpu.memory_space<vmem>>) offsets(%arg18 : memref<40xi32, #tpu.memory_space<vmem>>) semaphore(%arg33 : memref<!tpu.dma_semaphore, #tpu.memory_space<semaphore_mem>>)
      %add3A_441 = arith.constant 10 : i32
      %add3A_442 = arith.addi %add3A_419, %add3A_441 : i32
      %mul3A_443 = arith.constant 40 : i32
      %mul3A_444 = arith.muli %add3A_442, %mul3A_443 : i32
      %add3A_445 = arith.addi %mul3A_2, %mul3A_444 : i32
      %dma_start3A_446 = tpu.memref_slice %arg3[%add3A_445] : memref<320000xi32, #tpu.memory_space<hbm>> -> memref<40xi32, #tpu.memory_space<hbm>>
      %dma_start3A_447 = tpu.memref_slice %arg3[%add3A_445] : memref<320000xi32, #tpu.memory_space<hbm>> -> memref<40xi32, #tpu.memory_space<hbm>>
      tpu.enqueue_dma source(%dma_start3A_447 : memref<40xi32, #tpu.memory_space<hbm>>) target(%arg13 : memref<40xi32, #tpu.memory_space<vmem>>) target_semaphore(%arg38 : memref<!tpu.dma_semaphore, #tpu.memory_space<semaphore_mem>>)
      %mul3A_448 = arith.constant 10 : i32
      %mul3A_449 = arith.muli %add3A_287, %mul3A_448 : i32
      %add3A_450 = arith.constant 5 : i32
      %add3A_451 = arith.addi %mul3A_449, %add3A_450 : i32
      %dma_wait3A_452 = arith.constant 0 : i32
      %dma_wait3A_453 = arith.constant 0 : i32
      %dma_wait3A_454 = tpu.memref_slice %arg2[%dma_wait3A_452, %dma_wait3A_453] : memref<10000x128xf32, #tpu.memory_space<hbm>> -> memref<10000x128xf32, #tpu.memory_space<hbm>>
      tpu.wait_indirect_dma semaphore(%arg29 : memref<!tpu.dma_semaphore, #tpu.memory_space<semaphore_mem>>) src(%dma_wait3A_454 : memref<10000x128xf32, #tpu.memory_space<hbm>>) dst(%arg24 : memref<40x128xf32, #tpu.memory_space<vmem>>)
      %scan3A_455 = arith.constant 0 : i32
      %scan3A_456 = arith.constant 2 : i32
      %scan3A_457 = arith.addi %scan3A_455, %scan3A_456 : i32
      %scan3A_458 = arith.constant 1 : i32
      scf.for %scan3A_608 = %scan3A_455 to %scan3A_457 step %scan3A_458  : i32 {
        %mul3A_609 = arith.constant 16 : i32
        %mul3A_610 = arith.muli %scan3A_608, %mul3A_609 : i32
        %add3A_611 = arith.constant 0 : i32
        %add3A_612 = arith.addi %add3A_611, %mul3A_610 : i32
        %mul3A_613 = arith.constant 40 : i32
        %mul3A_614 = arith.muli %add3A_451, %mul3A_613 : i32
        %add3A_615 = arith.addi %mul3A_614, %add3A_612 : i32
        %get3A_616 = arith.index_cast %add3A_615 : i32 to index
        %get3A_617 = tpu.vector_load %arg8[%get3A_616] {strides = array<i32>} : memref<10000xi32, #tpu.memory_space<vmem>>, vector<16xi32>,
        %swap3A_618 = arith.index_cast %add3A_612 : i32 to index
        %swap3A_619 = tpu.vector_load %arg19[%swap3A_618] {strides = array<i32>} : memref<40xi32, #tpu.memory_space<vmem>>, vector<16xi32>,
        tpu.vector_store %arg19[%swap3A_618], %get3A_617 {strides = array<i32>} : memref<40xi32, #tpu.memory_space<vmem>>, vector<16xi32>,
      }
      %scan3A_459 = arith.constant 2 : i32
      %mul3A_460 = arith.constant 40 : i32
      %mul3A_461 = arith.muli %add3A_451, %mul3A_460 : i32
      %add3A_462 = arith.constant 24 : i32
      %add3A_463 = arith.addi %mul3A_461, %add3A_462 : i32
      %get3A_464 = arith.index_cast %add3A_463 : i32 to index
      %get3A_465 = tpu.vector_load %arg8[%get3A_464] {strides = array<i32>} : memref<10000xi32, #tpu.memory_space<vmem>>, vector<16xi32>,
      %swap3A_466 = arith.constant 24 : index
      %swap3A_467 = tpu.vector_load %arg19[%swap3A_466] {strides = array<i32>} : memref<40xi32, #tpu.memory_space<vmem>>, vector<16xi32>,
      tpu.vector_store %arg19[%swap3A_466], %get3A_465 {strides = array<i32>} : memref<40xi32, #tpu.memory_space<vmem>>, vector<16xi32>,
      "tpu.region"() ({
        %run_scoped3A = tpu.sem_alloc : memref<!tpu.dma_semaphore, #tpu.memory_space<semaphore_mem>>
        %dma_start3A_608 = arith.constant 0 : i32
        %dma_start3A_609 = arith.constant 0 : i32
        %dma_start3A_610 = tpu.memref_slice %arg7[%dma_start3A_608, %dma_start3A_609] : memref<10240x128xf32, #tpu.memory_space<vmem_shared>> -> memref<10240x128xf32, #tpu.memory_space<vmem_shared>>
        tpu.enqueue_indirect_dma source(%arg24 : memref<40x128xf32, #tpu.memory_space<vmem>>) target(%dma_start3A_610 : memref<10240x128xf32, #tpu.memory_space<vmem_shared>>) offsets(%arg19 : memref<40xi32, #tpu.memory_space<vmem>>) semaphore(%run_scoped3A : memref<!tpu.dma_semaphore, #tpu.memory_space<semaphore_mem>>) {add = true}
        %dma_wait3A_611 = arith.constant 0 : i32
        %dma_wait3A_612 = arith.constant 0 : i32
        %dma_wait3A_613 = tpu.memref_slice %arg7[%dma_wait3A_611, %dma_wait3A_612] : memref<10240x128xf32, #tpu.memory_space<vmem_shared>> -> memref<10240x128xf32, #tpu.memory_space<vmem_shared>>
        tpu.wait_indirect_dma semaphore(%run_scoped3A : memref<!tpu.dma_semaphore, #tpu.memory_space<semaphore_mem>>) src(%arg24 : memref<40x128xf32, #tpu.memory_space<vmem>>) dst(%dma_wait3A_613 : memref<10240x128xf32, #tpu.memory_space<vmem_shared>>)
        tpu.yield
      }) : () -> ()
      %dma_wait3A_468 = tpu.memref_slice %arg3[%mul3A_2] : memref<320000xi32, #tpu.memory_space<hbm>> -> memref<40xi32, #tpu.memory_space<hbm>>
      %dma_wait3A_469 = tpu.memref_slice %arg3[%mul3A_2] : memref<320000xi32, #tpu.memory_space<hbm>> -> memref<40xi32, #tpu.memory_space<hbm>>
      tpu.wait_dma2 semaphore(%arg34 : memref<!tpu.dma_semaphore, #tpu.memory_space<semaphore_mem>>) src(%dma_wait3A_469 : memref<40xi32, #tpu.memory_space<hbm>>) dst(%arg9 : memref<40xi32, #tpu.memory_space<vmem>>)
      %dma_start3A_470 = arith.constant 0 : i32
      %dma_start3A_471 = arith.constant 0 : i32
      %dma_start3A_472 = tpu.memref_slice %arg2[%dma_start3A_470, %dma_start3A_471] : memref<10000x128xf32, #tpu.memory_space<hbm>> -> memref<10000x128xf32, #tpu.memory_space<hbm>>
      tpu.enqueue_indirect_dma source(%dma_start3A_472 : memref<10000x128xf32, #tpu.memory_space<hbm>>) target(%arg24 : memref<40x128xf32, #tpu.memory_space<vmem>>) offsets(%arg9 : memref<40xi32, #tpu.memory_space<vmem>>) semaphore(%arg29 : memref<!tpu.dma_semaphore, #tpu.memory_space<semaphore_mem>>)
      %add3A_473 = arith.constant 10 : i32
      %add3A_474 = arith.addi %add3A_451, %add3A_473 : i32
      %mul3A_475 = arith.constant 40 : i32
      %mul3A_476 = arith.muli %add3A_474, %mul3A_475 : i32
      %add3A_477 = arith.addi %mul3A_2, %mul3A_476 : i32
      %dma_start3A_478 = tpu.memref_slice %arg3[%add3A_477] : memref<320000xi32, #tpu.memory_space<hbm>> -> memref<40xi32, #tpu.memory_space<hbm>>
      %dma_start3A_479 = tpu.memref_slice %arg3[%add3A_477] : memref<320000xi32, #tpu.memory_space<hbm>> -> memref<40xi32, #tpu.memory_space<hbm>>
      tpu.enqueue_dma source(%dma_start3A_479 : memref<40xi32, #tpu.memory_space<hbm>>) target(%arg14 : memref<40xi32, #tpu.memory_space<vmem>>) target_semaphore(%arg39 : memref<!tpu.dma_semaphore, #tpu.memory_space<semaphore_mem>>)
      %mul3A_480 = arith.constant 10 : i32
      %mul3A_481 = arith.muli %add3A_287, %mul3A_480 : i32
      %add3A_482 = arith.constant 6 : i32
      %add3A_483 = arith.addi %mul3A_481, %add3A_482 : i32
      %dma_wait3A_484 = arith.constant 0 : i32
      %dma_wait3A_485 = arith.constant 0 : i32
      %dma_wait3A_486 = tpu.memref_slice %arg2[%dma_wait3A_484, %dma_wait3A_485] : memref<10000x128xf32, #tpu.memory_space<hbm>> -> memref<10000x128xf32, #tpu.memory_space<hbm>>
      tpu.wait_indirect_dma semaphore(%arg30 : memref<!tpu.dma_semaphore, #tpu.memory_space<semaphore_mem>>) src(%dma_wait3A_486 : memref<10000x128xf32, #tpu.memory_space<hbm>>) dst(%arg25 : memref<40x128xf32, #tpu.memory_space<vmem>>)
      %scan3A_487 = arith.constant 0 : i32
      %scan3A_488 = arith.constant 2 : i32
      %scan3A_489 = arith.addi %scan3A_487, %scan3A_488 : i32
      %scan3A_490 = arith.constant 1 : i32
      scf.for %scan3A_608 = %scan3A_487 to %scan3A_489 step %scan3A_490  : i32 {
        %mul3A_609 = arith.constant 16 : i32
        %mul3A_610 = arith.muli %scan3A_608, %mul3A_609 : i32
        %add3A_611 = arith.constant 0 : i32
        %add3A_612 = arith.addi %add3A_611, %mul3A_610 : i32
        %mul3A_613 = arith.constant 40 : i32
        %mul3A_614 = arith.muli %add3A_483, %mul3A_613 : i32
        %add3A_615 = arith.addi %mul3A_614, %add3A_612 : i32
        %get3A_616 = arith.index_cast %add3A_615 : i32 to index
        %get3A_617 = tpu.vector_load %arg8[%get3A_616] {strides = array<i32>} : memref<10000xi32, #tpu.memory_space<vmem>>, vector<16xi32>,
        %swap3A_618 = arith.index_cast %add3A_612 : i32 to index
        %swap3A_619 = tpu.vector_load %arg20[%swap3A_618] {strides = array<i32>} : memref<40xi32, #tpu.memory_space<vmem>>, vector<16xi32>,
        tpu.vector_store %arg20[%swap3A_618], %get3A_617 {strides = array<i32>} : memref<40xi32, #tpu.memory_space<vmem>>, vector<16xi32>,
      }
      %scan3A_491 = arith.constant 2 : i32
      %mul3A_492 = arith.constant 40 : i32
      %mul3A_493 = arith.muli %add3A_483, %mul3A_492 : i32
      %add3A_494 = arith.constant 24 : i32
      %add3A_495 = arith.addi %mul3A_493, %add3A_494 : i32
      %get3A_496 = arith.index_cast %add3A_495 : i32 to index
      %get3A_497 = tpu.vector_load %arg8[%get3A_496] {strides = array<i32>} : memref<10000xi32, #tpu.memory_space<vmem>>, vector<16xi32>,
      %swap3A_498 = arith.constant 24 : index
      %swap3A_499 = tpu.vector_load %arg20[%swap3A_498] {strides = array<i32>} : memref<40xi32, #tpu.memory_space<vmem>>, vector<16xi32>,
      tpu.vector_store %arg20[%swap3A_498], %get3A_497 {strides = array<i32>} : memref<40xi32, #tpu.memory_space<vmem>>, vector<16xi32>,
      "tpu.region"() ({
        %run_scoped3A = tpu.sem_alloc : memref<!tpu.dma_semaphore, #tpu.memory_space<semaphore_mem>>
        %dma_start3A_608 = arith.constant 0 : i32
        %dma_start3A_609 = arith.constant 0 : i32
        %dma_start3A_610 = tpu.memref_slice %arg7[%dma_start3A_608, %dma_start3A_609] : memref<10240x128xf32, #tpu.memory_space<vmem_shared>> -> memref<10240x128xf32, #tpu.memory_space<vmem_shared>>
        tpu.enqueue_indirect_dma source(%arg25 : memref<40x128xf32, #tpu.memory_space<vmem>>) target(%dma_start3A_610 : memref<10240x128xf32, #tpu.memory_space<vmem_shared>>) offsets(%arg20 : memref<40xi32, #tpu.memory_space<vmem>>) semaphore(%run_scoped3A : memref<!tpu.dma_semaphore, #tpu.memory_space<semaphore_mem>>) {add = true}
        %dma_wait3A_611 = arith.constant 0 : i32
        %dma_wait3A_612 = arith.constant 0 : i32
        %dma_wait3A_613 = tpu.memref_slice %arg7[%dma_wait3A_611, %dma_wait3A_612] : memref<10240x128xf32, #tpu.memory_space<vmem_shared>> -> memref<10240x128xf32, #tpu.memory_space<vmem_shared>>
        tpu.wait_indirect_dma semaphore(%run_scoped3A : memref<!tpu.dma_semaphore, #tpu.memory_space<semaphore_mem>>) src(%arg25 : memref<40x128xf32, #tpu.memory_space<vmem>>) dst(%dma_wait3A_613 : memref<10240x128xf32, #tpu.memory_space<vmem_shared>>)
        tpu.yield
      }) : () -> ()
      %dma_wait3A_500 = tpu.memref_slice %arg3[%mul3A_2] : memref<320000xi32, #tpu.memory_space<hbm>> -> memref<40xi32, #tpu.memory_space<hbm>>
      %dma_wait3A_501 = tpu.memref_slice %arg3[%mul3A_2] : memref<320000xi32, #tpu.memory_space<hbm>> -> memref<40xi32, #tpu.memory_space<hbm>>
      tpu.wait_dma2 semaphore(%arg35 : memref<!tpu.dma_semaphore, #tpu.memory_space<semaphore_mem>>) src(%dma_wait3A_501 : memref<40xi32, #tpu.memory_space<hbm>>) dst(%arg10 : memref<40xi32, #tpu.memory_space<vmem>>)
      %dma_start3A_502 = arith.constant 0 : i32
      %dma_start3A_503 = arith.constant 0 : i32
      %dma_start3A_504 = tpu.memref_slice %arg2[%dma_start3A_502, %dma_start3A_503] : memref<10000x128xf32, #tpu.memory_space<hbm>> -> memref<10000x128xf32, #tpu.memory_space<hbm>>
      tpu.enqueue_indirect_dma source(%dma_start3A_504 : memref<10000x128xf32, #tpu.memory_space<hbm>>) target(%arg25 : memref<40x128xf32, #tpu.memory_space<vmem>>) offsets(%arg10 : memref<40xi32, #tpu.memory_space<vmem>>) semaphore(%arg30 : memref<!tpu.dma_semaphore, #tpu.memory_space<semaphore_mem>>)
      %add3A_505 = arith.constant 10 : i32
      %add3A_506 = arith.addi %add3A_483, %add3A_505 : i32
      %mul3A_507 = arith.constant 40 : i32
      %mul3A_508 = arith.muli %add3A_506, %mul3A_507 : i32
      %add3A_509 = arith.addi %mul3A_2, %mul3A_508 : i32
      %dma_start3A_510 = tpu.memref_slice %arg3[%add3A_509] : memref<320000xi32, #tpu.memory_space<hbm>> -> memref<40xi32, #tpu.memory_space<hbm>>
      %dma_start3A_511 = tpu.memref_slice %arg3[%add3A_509] : memref<320000xi32, #tpu.memory_space<hbm>> -> memref<40xi32, #tpu.memory_space<hbm>>
      tpu.enqueue_dma source(%dma_start3A_511 : memref<40xi32, #tpu.memory_space<hbm>>) target(%arg15 : memref<40xi32, #tpu.memory_space<vmem>>) target_semaphore(%arg40 : memref<!tpu.dma_semaphore, #tpu.memory_space<semaphore_mem>>)
      %mul3A_512 = arith.constant 10 : i32
      %mul3A_513 = arith.muli %add3A_287, %mul3A_512 : i32
      %add3A_514 = arith.constant 7 : i32
      %add3A_515 = arith.addi %mul3A_513, %add3A_514 : i32
      %dma_wait3A_516 = arith.constant 0 : i32
      %dma_wait3A_517 = arith.constant 0 : i32
      %dma_wait3A_518 = tpu.memref_slice %arg2[%dma_wait3A_516, %dma_wait3A_517] : memref<10000x128xf32, #tpu.memory_space<hbm>> -> memref<10000x128xf32, #tpu.memory_space<hbm>>
      tpu.wait_indirect_dma semaphore(%arg31 : memref<!tpu.dma_semaphore, #tpu.memory_space<semaphore_mem>>) src(%dma_wait3A_518 : memref<10000x128xf32, #tpu.memory_space<hbm>>) dst(%arg26 : memref<40x128xf32, #tpu.memory_space<vmem>>)
      %scan3A_519 = arith.constant 0 : i32
      %scan3A_520 = arith.constant 2 : i32
      %scan3A_521 = arith.addi %scan3A_519, %scan3A_520 : i32
      %scan3A_522 = arith.constant 1 : i32
      scf.for %scan3A_608 = %scan3A_519 to %scan3A_521 step %scan3A_522  : i32 {
        %mul3A_609 = arith.constant 16 : i32
        %mul3A_610 = arith.muli %scan3A_608, %mul3A_609 : i32
        %add3A_611 = arith.constant 0 : i32
        %add3A_612 = arith.addi %add3A_611, %mul3A_610 : i32
        %mul3A_613 = arith.constant 40 : i32
        %mul3A_614 = arith.muli %add3A_515, %mul3A_613 : i32
        %add3A_615 = arith.addi %mul3A_614, %add3A_612 : i32
        %get3A_616 = arith.index_cast %add3A_615 : i32 to index
        %get3A_617 = tpu.vector_load %arg8[%get3A_616] {strides = array<i32>} : memref<10000xi32, #tpu.memory_space<vmem>>, vector<16xi32>,
        %swap3A_618 = arith.index_cast %add3A_612 : i32 to index
        %swap3A_619 = tpu.vector_load %arg21[%swap3A_618] {strides = array<i32>} : memref<40xi32, #tpu.memory_space<vmem>>, vector<16xi32>,
        tpu.vector_store %arg21[%swap3A_618], %get3A_617 {strides = array<i32>} : memref<40xi32, #tpu.memory_space<vmem>>, vector<16xi32>,
      }
      %scan3A_523 = arith.constant 2 : i32
      %mul3A_524 = arith.constant 40 : i32
      %mul3A_525 = arith.muli %add3A_515, %mul3A_524 : i32
      %add3A_526 = arith.constant 24 : i32
      %add3A_527 = arith.addi %mul3A_525, %add3A_526 : i32
      %get3A_528 = arith.index_cast %add3A_527 : i32 to index
      %get3A_529 = tpu.vector_load %arg8[%get3A_528] {strides = array<i32>} : memref<10000xi32, #tpu.memory_space<vmem>>, vector<16xi32>,
      %swap3A_530 = arith.constant 24 : index
      %swap3A_531 = tpu.vector_load %arg21[%swap3A_530] {strides = array<i32>} : memref<40xi32, #tpu.memory_space<vmem>>, vector<16xi32>,
      tpu.vector_store %arg21[%swap3A_530], %get3A_529 {strides = array<i32>} : memref<40xi32, #tpu.memory_space<vmem>>, vector<16xi32>,
      "tpu.region"() ({
        %run_scoped3A = tpu.sem_alloc : memref<!tpu.dma_semaphore, #tpu.memory_space<semaphore_mem>>
        %dma_start3A_608 = arith.constant 0 : i32
        %dma_start3A_609 = arith.constant 0 : i32
        %dma_start3A_610 = tpu.memref_slice %arg7[%dma_start3A_608, %dma_start3A_609] : memref<10240x128xf32, #tpu.memory_space<vmem_shared>> -> memref<10240x128xf32, #tpu.memory_space<vmem_shared>>
        tpu.enqueue_indirect_dma source(%arg26 : memref<40x128xf32, #tpu.memory_space<vmem>>) target(%dma_start3A_610 : memref<10240x128xf32, #tpu.memory_space<vmem_shared>>) offsets(%arg21 : memref<40xi32, #tpu.memory_space<vmem>>) semaphore(%run_scoped3A : memref<!tpu.dma_semaphore, #tpu.memory_space<semaphore_mem>>) {add = true}
        %dma_wait3A_611 = arith.constant 0 : i32
        %dma_wait3A_612 = arith.constant 0 : i32
        %dma_wait3A_613 = tpu.memref_slice %arg7[%dma_wait3A_611, %dma_wait3A_612] : memref<10240x128xf32, #tpu.memory_space<vmem_shared>> -> memref<10240x128xf32, #tpu.memory_space<vmem_shared>>
        tpu.wait_indirect_dma semaphore(%run_scoped3A : memref<!tpu.dma_semaphore, #tpu.memory_space<semaphore_mem>>) src(%arg26 : memref<40x128xf32, #tpu.memory_space<vmem>>) dst(%dma_wait3A_613 : memref<10240x128xf32, #tpu.memory_space<vmem_shared>>)
        tpu.yield
      }) : () -> ()
      %dma_wait3A_532 = tpu.memref_slice %arg3[%mul3A_2] : memref<320000xi32, #tpu.memory_space<hbm>> -> memref<40xi32, #tpu.memory_space<hbm>>
      %dma_wait3A_533 = tpu.memref_slice %arg3[%mul3A_2] : memref<320000xi32, #tpu.memory_space<hbm>> -> memref<40xi32, #tpu.memory_space<hbm>>
      tpu.wait_dma2 semaphore(%arg36 : memref<!tpu.dma_semaphore, #tpu.memory_space<semaphore_mem>>) src(%dma_wait3A_533 : memref<40xi32, #tpu.memory_space<hbm>>) dst(%arg11 : memref<40xi32, #tpu.memory_space<vmem>>)
      %dma_start3A_534 = arith.constant 0 : i32
      %dma_start3A_535 = arith.constant 0 : i32
      %dma_start3A_536 = tpu.memref_slice %arg2[%dma_start3A_534, %dma_start3A_535] : memref<10000x128xf32, #tpu.memory_space<hbm>> -> memref<10000x128xf32, #tpu.memory_space<hbm>>
      tpu.enqueue_indirect_dma source(%dma_start3A_536 : memref<10000x128xf32, #tpu.memory_space<hbm>>) target(%arg26 : memref<40x128xf32, #tpu.memory_space<vmem>>) offsets(%arg11 : memref<40xi32, #tpu.memory_space<vmem>>) semaphore(%arg31 : memref<!tpu.dma_semaphore, #tpu.memory_space<semaphore_mem>>)
      %add3A_537 = arith.constant 10 : i32
      %add3A_538 = arith.addi %add3A_515, %add3A_537 : i32
      %mul3A_539 = arith.constant 40 : i32
      %mul3A_540 = arith.muli %add3A_538, %mul3A_539 : i32
      %add3A_541 = arith.addi %mul3A_2, %mul3A_540 : i32
      %dma_start3A_542 = tpu.memref_slice %arg3[%add3A_541] : memref<320000xi32, #tpu.memory_space<hbm>> -> memref<40xi32, #tpu.memory_space<hbm>>
      %dma_start3A_543 = tpu.memref_slice %arg3[%add3A_541] : memref<320000xi32, #tpu.memory_space<hbm>> -> memref<40xi32, #tpu.memory_space<hbm>>
      tpu.enqueue_dma source(%dma_start3A_543 : memref<40xi32, #tpu.memory_space<hbm>>) target(%arg16 : memref<40xi32, #tpu.memory_space<vmem>>) target_semaphore(%arg41 : memref<!tpu.dma_semaphore, #tpu.memory_space<semaphore_mem>>)
      %mul3A_544 = arith.constant 10 : i32
      %mul3A_545 = arith.muli %add3A_287, %mul3A_544 : i32
      %add3A_546 = arith.constant 8 : i32
      %add3A_547 = arith.addi %mul3A_545, %add3A_546 : i32
      %dma_wait3A_548 = arith.constant 0 : i32
      %dma_wait3A_549 = arith.constant 0 : i32
      %dma_wait3A_550 = tpu.memref_slice %arg2[%dma_wait3A_548, %dma_wait3A_549] : memref<10000x128xf32, #tpu.memory_space<hbm>> -> memref<10000x128xf32, #tpu.memory_space<hbm>>
      tpu.wait_indirect_dma semaphore(%arg32 : memref<!tpu.dma_semaphore, #tpu.memory_space<semaphore_mem>>) src(%dma_wait3A_550 : memref<10000x128xf32, #tpu.memory_space<hbm>>) dst(%arg27 : memref<40x128xf32, #tpu.memory_space<vmem>>)
      %scan3A_551 = arith.constant 0 : i32
      %scan3A_552 = arith.constant 2 : i32
      %scan3A_553 = arith.addi %scan3A_551, %scan3A_552 : i32
      %scan3A_554 = arith.constant 1 : i32
      scf.for %scan3A_608 = %scan3A_551 to %scan3A_553 step %scan3A_554  : i32 {
        %mul3A_609 = arith.constant 16 : i32
        %mul3A_610 = arith.muli %scan3A_608, %mul3A_609 : i32
        %add3A_611 = arith.constant 0 : i32
        %add3A_612 = arith.addi %add3A_611, %mul3A_610 : i32
        %mul3A_613 = arith.constant 40 : i32
        %mul3A_614 = arith.muli %add3A_547, %mul3A_613 : i32
        %add3A_615 = arith.addi %mul3A_614, %add3A_612 : i32
        %get3A_616 = arith.index_cast %add3A_615 : i32 to index
        %get3A_617 = tpu.vector_load %arg8[%get3A_616] {strides = array<i32>} : memref<10000xi32, #tpu.memory_space<vmem>>, vector<16xi32>,
        %swap3A_618 = arith.index_cast %add3A_612 : i32 to index
        %swap3A_619 = tpu.vector_load %arg22[%swap3A_618] {strides = array<i32>} : memref<40xi32, #tpu.memory_space<vmem>>, vector<16xi32>,
        tpu.vector_store %arg22[%swap3A_618], %get3A_617 {strides = array<i32>} : memref<40xi32, #tpu.memory_space<vmem>>, vector<16xi32>,
      }
      %scan3A_555 = arith.constant 2 : i32
      %mul3A_556 = arith.constant 40 : i32
      %mul3A_557 = arith.muli %add3A_547, %mul3A_556 : i32
      %add3A_558 = arith.constant 24 : i32
      %add3A_559 = arith.addi %mul3A_557, %add3A_558 : i32
      %get3A_560 = arith.index_cast %add3A_559 : i32 to index
      %get3A_561 = tpu.vector_load %arg8[%get3A_560] {strides = array<i32>} : memref<10000xi32, #tpu.memory_space<vmem>>, vector<16xi32>,
      %swap3A_562 = arith.constant 24 : index
      %swap3A_563 = tpu.vector_load %arg22[%swap3A_562] {strides = array<i32>} : memref<40xi32, #tpu.memory_space<vmem>>, vector<16xi32>,
      tpu.vector_store %arg22[%swap3A_562], %get3A_561 {strides = array<i32>} : memref<40xi32, #tpu.memory_space<vmem>>, vector<16xi32>,
      "tpu.region"() ({
        %run_scoped3A = tpu.sem_alloc : memref<!tpu.dma_semaphore, #tpu.memory_space<semaphore_mem>>
        %dma_start3A_608 = arith.constant 0 : i32
        %dma_start3A_609 = arith.constant 0 : i32
        %dma_start3A_610 = tpu.memref_slice %arg7[%dma_start3A_608, %dma_start3A_609] : memref<10240x128xf32, #tpu.memory_space<vmem_shared>> -> memref<10240x128xf32, #tpu.memory_space<vmem_shared>>
        tpu.enqueue_indirect_dma source(%arg27 : memref<40x128xf32, #tpu.memory_space<vmem>>) target(%dma_start3A_610 : memref<10240x128xf32, #tpu.memory_space<vmem_shared>>) offsets(%arg22 : memref<40xi32, #tpu.memory_space<vmem>>) semaphore(%run_scoped3A : memref<!tpu.dma_semaphore, #tpu.memory_space<semaphore_mem>>) {add = true}
        %dma_wait3A_611 = arith.constant 0 : i32
        %dma_wait3A_612 = arith.constant 0 : i32
        %dma_wait3A_613 = tpu.memref_slice %arg7[%dma_wait3A_611, %dma_wait3A_612] : memref<10240x128xf32, #tpu.memory_space<vmem_shared>> -> memref<10240x128xf32, #tpu.memory_space<vmem_shared>>
        tpu.wait_indirect_dma semaphore(%run_scoped3A : memref<!tpu.dma_semaphore, #tpu.memory_space<semaphore_mem>>) src(%arg27 : memref<40x128xf32, #tpu.memory_space<vmem>>) dst(%dma_wait3A_613 : memref<10240x128xf32, #tpu.memory_space<vmem_shared>>)
        tpu.yield
      }) : () -> ()
      %dma_wait3A_564 = tpu.memref_slice %arg3[%mul3A_2] : memref<320000xi32, #tpu.memory_space<hbm>> -> memref<40xi32, #tpu.memory_space<hbm>>
      %dma_wait3A_565 = tpu.memref_slice %arg3[%mul3A_2] : memref<320000xi32, #tpu.memory_space<hbm>> -> memref<40xi32, #tpu.memory_space<hbm>>
      tpu.wait_dma2 semaphore(%arg37 : memref<!tpu.dma_semaphore, #tpu.memory_space<semaphore_mem>>) src(%dma_wait3A_565 : memref<40xi32, #tpu.memory_space<hbm>>) dst(%arg12 : memref<40xi32, #tpu.memory_space<vmem>>)
      %dma_start3A_566 = arith.constant 0 : i32
      %dma_start3A_567 = arith.constant 0 : i32
      %dma_start3A_568 = tpu.memref_slice %arg2[%dma_start3A_566, %dma_start3A_567] : memref<10000x128xf32, #tpu.memory_space<hbm>> -> memref<10000x128xf32, #tpu.memory_space<hbm>>
      tpu.enqueue_indirect_dma source(%dma_start3A_568 : memref<10000x128xf32, #tpu.memory_space<hbm>>) target(%arg27 : memref<40x128xf32, #tpu.memory_space<vmem>>) offsets(%arg12 : memref<40xi32, #tpu.memory_space<vmem>>) semaphore(%arg32 : memref<!tpu.dma_semaphore, #tpu.memory_space<semaphore_mem>>)
      %add3A_569 = arith.constant 10 : i32
      %add3A_570 = arith.addi %add3A_547, %add3A_569 : i32
      %mul3A_571 = arith.constant 40 : i32
      %mul3A_572 = arith.muli %add3A_570, %mul3A_571 : i32
      %add3A_573 = arith.addi %mul3A_2, %mul3A_572 : i32
      %dma_start3A_574 = tpu.memref_slice %arg3[%add3A_573] : memref<320000xi32, #tpu.memory_space<hbm>> -> memref<40xi32, #tpu.memory_space<hbm>>
      %dma_start3A_575 = tpu.memref_slice %arg3[%add3A_573] : memref<320000xi32, #tpu.memory_space<hbm>> -> memref<40xi32, #tpu.memory_space<hbm>>
      tpu.enqueue_dma source(%dma_start3A_575 : memref<40xi32, #tpu.memory_space<hbm>>) target(%arg17 : memref<40xi32, #tpu.memory_space<vmem>>) target_semaphore(%arg42 : memref<!tpu.dma_semaphore, #tpu.memory_space<semaphore_mem>>)
      %mul3A_576 = arith.constant 10 : i32
      %mul3A_577 = arith.muli %add3A_287, %mul3A_576 : i32
      %add3A_578 = arith.constant 9 : i32
      %add3A_579 = arith.addi %mul3A_577, %add3A_578 : i32
      %dma_wait3A_580 = arith.constant 0 : i32
      %dma_wait3A_581 = arith.constant 0 : i32
      %dma_wait3A_582 = tpu.memref_slice %arg2[%dma_wait3A_580, %dma_wait3A_581] : memref<10000x128xf32, #tpu.memory_space<hbm>> -> memref<10000x128xf32, #tpu.memory_space<hbm>>
      tpu.wait_indirect_dma semaphore(%arg33 : memref<!tpu.dma_semaphore, #tpu.memory_space<semaphore_mem>>) src(%dma_wait3A_582 : memref<10000x128xf32, #tpu.memory_space<hbm>>) dst(%arg28 : memref<40x128xf32, #tpu.memory_space<vmem>>)
      %scan3A_583 = arith.constant 0 : i32
      %scan3A_584 = arith.constant 2 : i32
      %scan3A_585 = arith.addi %scan3A_583, %scan3A_584 : i32
      %scan3A_586 = arith.constant 1 : i32
      scf.for %scan3A_608 = %scan3A_583 to %scan3A_585 step %scan3A_586  : i32 {
        %mul3A_609 = arith.constant 16 : i32
        %mul3A_610 = arith.muli %scan3A_608, %mul3A_609 : i32
        %add3A_611 = arith.constant 0 : i32
        %add3A_612 = arith.addi %add3A_611, %mul3A_610 : i32
        %mul3A_613 = arith.constant 40 : i32
        %mul3A_614 = arith.muli %add3A_579, %mul3A_613 : i32
        %add3A_615 = arith.addi %mul3A_614, %add3A_612 : i32
        %get3A_616 = arith.index_cast %add3A_615 : i32 to index
        %get3A_617 = tpu.vector_load %arg8[%get3A_616] {strides = array<i32>} : memref<10000xi32, #tpu.memory_space<vmem>>, vector<16xi32>,
        %swap3A_618 = arith.index_cast %add3A_612 : i32 to index
        %swap3A_619 = tpu.vector_load %arg23[%swap3A_618] {strides = array<i32>} : memref<40xi32, #tpu.memory_space<vmem>>, vector<16xi32>,
        tpu.vector_store %arg23[%swap3A_618], %get3A_617 {strides = array<i32>} : memref<40xi32, #tpu.memory_space<vmem>>, vector<16xi32>,
      }
      %scan3A_587 = arith.constant 2 : i32
      %mul3A_588 = arith.constant 40 : i32
      %mul3A_589 = arith.muli %add3A_579, %mul3A_588 : i32
      %add3A_590 = arith.constant 24 : i32
      %add3A_591 = arith.addi %mul3A_589, %add3A_590 : i32
      %get3A_592 = arith.index_cast %add3A_591 : i32 to index
      %get3A_593 = tpu.vector_load %arg8[%get3A_592] {strides = array<i32>} : memref<10000xi32, #tpu.memory_space<vmem>>, vector<16xi32>,
      %swap3A_594 = arith.constant 24 : index
      %swap3A_595 = tpu.vector_load %arg23[%swap3A_594] {strides = array<i32>} : memref<40xi32, #tpu.memory_space<vmem>>, vector<16xi32>,
      tpu.vector_store %arg23[%swap3A_594], %get3A_593 {strides = array<i32>} : memref<40xi32, #tpu.memory_space<vmem>>, vector<16xi32>,
      "tpu.region"() ({
        %run_scoped3A = tpu.sem_alloc : memref<!tpu.dma_semaphore, #tpu.memory_space<semaphore_mem>>
        %dma_start3A_608 = arith.constant 0 : i32
        %dma_start3A_609 = arith.constant 0 : i32
        %dma_start3A_610 = tpu.memref_slice %arg7[%dma_start3A_608, %dma_start3A_609] : memref<10240x128xf32, #tpu.memory_space<vmem_shared>> -> memref<10240x128xf32, #tpu.memory_space<vmem_shared>>
        tpu.enqueue_indirect_dma source(%arg28 : memref<40x128xf32, #tpu.memory_space<vmem>>) target(%dma_start3A_610 : memref<10240x128xf32, #tpu.memory_space<vmem_shared>>) offsets(%arg23 : memref<40xi32, #tpu.memory_space<vmem>>) semaphore(%run_scoped3A : memref<!tpu.dma_semaphore, #tpu.memory_space<semaphore_mem>>) {add = true}
        %dma_wait3A_611 = arith.constant 0 : i32
        %dma_wait3A_612 = arith.constant 0 : i32
        %dma_wait3A_613 = tpu.memref_slice %arg7[%dma_wait3A_611, %dma_wait3A_612] : memref<10240x128xf32, #tpu.memory_space<vmem_shared>> -> memref<10240x128xf32, #tpu.memory_space<vmem_shared>>
        tpu.wait_indirect_dma semaphore(%run_scoped3A : memref<!tpu.dma_semaphore, #tpu.memory_space<semaphore_mem>>) src(%arg28 : memref<40x128xf32, #tpu.memory_space<vmem>>) dst(%dma_wait3A_613 : memref<10240x128xf32, #tpu.memory_space<vmem_shared>>)
        tpu.yield
      }) : () -> ()
      %dma_wait3A_596 = tpu.memref_slice %arg3[%mul3A_2] : memref<320000xi32, #tpu.memory_space<hbm>> -> memref<40xi32, #tpu.memory_space<hbm>>
      %dma_wait3A_597 = tpu.memref_slice %arg3[%mul3A_2] : memref<320000xi32, #tpu.memory_space<hbm>> -> memref<40xi32, #tpu.memory_space<hbm>>
      tpu.wait_dma2 semaphore(%arg38 : memref<!tpu.dma_semaphore, #tpu.memory_space<semaphore_mem>>) src(%dma_wait3A_597 : memref<40xi32, #tpu.memory_space<hbm>>) dst(%arg13 : memref<40xi32, #tpu.memory_space<vmem>>)
      %dma_start3A_598 = arith.constant 0 : i32
      %dma_start3A_599 = arith.constant 0 : i32
      %dma_start3A_600 = tpu.memref_slice %arg2[%dma_start3A_598, %dma_start3A_599] : memref<10000x128xf32, #tpu.memory_space<hbm>> -> memref<10000x128xf32, #tpu.memory_space<hbm>>
      tpu.enqueue_indirect_dma source(%dma_start3A_600 : memref<10000x128xf32, #tpu.memory_space<hbm>>) target(%arg28 : memref<40x128xf32, #tpu.memory_space<vmem>>) offsets(%arg13 : memref<40xi32, #tpu.memory_space<vmem>>) semaphore(%arg33 : memref<!tpu.dma_semaphore, #tpu.memory_space<semaphore_mem>>)
      %add3A_601 = arith.constant 10 : i32
      %add3A_602 = arith.addi %add3A_579, %add3A_601 : i32
      %mul3A_603 = arith.constant 40 : i32
      %mul3A_604 = arith.muli %add3A_602, %mul3A_603 : i32
      %add3A_605 = arith.addi %mul3A_2, %mul3A_604 : i32
      %dma_start3A_606 = tpu.memref_slice %arg3[%add3A_605] : memref<320000xi32, #tpu.memory_space<hbm>> -> memref<40xi32, #tpu.memory_space<hbm>>
      %dma_start3A_607 = tpu.memref_slice %arg3[%add3A_605] : memref<320000xi32, #tpu.memory_space<hbm>> -> memref<40xi32, #tpu.memory_space<hbm>>
      tpu.enqueue_dma source(%dma_start3A_607 : memref<40xi32, #tpu.memory_space<hbm>>) target(%arg18 : memref<40xi32, #tpu.memory_space<vmem>>) target_semaphore(%arg43 : memref<!tpu.dma_semaphore, #tpu.memory_space<semaphore_mem>>)
    }
    %scan3A_131 = arith.constant 24 : i32
    %dma_wait3A_132 = arith.constant 0 : i32
    %dma_wait3A_133 = arith.constant 0 : i32
    %dma_wait3A_134 = tpu.memref_slice %arg2[%dma_wait3A_132, %dma_wait3A_133] : memref<10000x128xf32, #tpu.memory_space<hbm>> -> memref<10000x128xf32, #tpu.memory_space<hbm>>
    tpu.wait_indirect_dma semaphore(%arg29 : memref<!tpu.dma_semaphore, #tpu.memory_space<semaphore_mem>>) src(%dma_wait3A_134 : memref<10000x128xf32, #tpu.memory_space<hbm>>) dst(%arg24 : memref<40x128xf32, #tpu.memory_space<vmem>>)
    %scan3A_135 = arith.constant 0 : i32
    %scan3A_136 = arith.constant 2 : i32
    %scan3A_137 = arith.addi %scan3A_135, %scan3A_136 : i32
    %scan3A_138 = arith.constant 1 : i32
    scf.for %scan3A_283 = %scan3A_135 to %scan3A_137 step %scan3A_138  : i32 {
      %mul3A_284 = arith.constant 16 : i32
      %mul3A_285 = arith.muli %scan3A_283, %mul3A_284 : i32
      %add3A_286 = arith.constant 0 : i32
      %add3A_287 = arith.addi %add3A_286, %mul3A_285 : i32
      %add3A_288 = arith.constant 9600 : i32
      %add3A_289 = arith.addi %add3A_288, %add3A_287 : i32
      %get3A_290 = arith.index_cast %add3A_289 : i32 to index
      %get3A_291 = tpu.vector_load %arg8[%get3A_290] {strides = array<i32>} : memref<10000xi32, #tpu.memory_space<vmem>>, vector<16xi32>,
      %swap3A_292 = arith.index_cast %add3A_287 : i32 to index
      %swap3A_293 = tpu.vector_load %arg19[%swap3A_292] {strides = array<i32>} : memref<40xi32, #tpu.memory_space<vmem>>, vector<16xi32>,
      tpu.vector_store %arg19[%swap3A_292], %get3A_291 {strides = array<i32>} : memref<40xi32, #tpu.memory_space<vmem>>, vector<16xi32>,
    }
    %scan3A_139 = arith.constant 2 : i32
    %get3A = arith.constant 9624 : index
    %get3A_140 = tpu.vector_load %arg8[%get3A] {strides = array<i32>} : memref<10000xi32, #tpu.memory_space<vmem>>, vector<16xi32>,
    %swap3A_141 = arith.constant 24 : index
    %swap3A_142 = tpu.vector_load %arg19[%swap3A_141] {strides = array<i32>} : memref<40xi32, #tpu.memory_space<vmem>>, vector<16xi32>,
    tpu.vector_store %arg19[%swap3A_141], %get3A_140 {strides = array<i32>} : memref<40xi32, #tpu.memory_space<vmem>>, vector<16xi32>,
    "tpu.region"() ({
      %run_scoped3A = tpu.sem_alloc : memref<!tpu.dma_semaphore, #tpu.memory_space<semaphore_mem>>
      %dma_start3A_283 = arith.constant 0 : i32
      %dma_start3A_284 = arith.constant 0 : i32
      %dma_start3A_285 = tpu.memref_slice %arg7[%dma_start3A_283, %dma_start3A_284] : memref<10240x128xf32, #tpu.memory_space<vmem_shared>> -> memref<10240x128xf32, #tpu.memory_space<vmem_shared>>
      tpu.enqueue_indirect_dma source(%arg24 : memref<40x128xf32, #tpu.memory_space<vmem>>) target(%dma_start3A_285 : memref<10240x128xf32, #tpu.memory_space<vmem_shared>>) offsets(%arg19 : memref<40xi32, #tpu.memory_space<vmem>>) semaphore(%run_scoped3A : memref<!tpu.dma_semaphore, #tpu.memory_space<semaphore_mem>>) {add = true}
      %dma_wait3A_286 = arith.constant 0 : i32
      %dma_wait3A_287 = arith.constant 0 : i32
      %dma_wait3A_288 = tpu.memref_slice %arg7[%dma_wait3A_286, %dma_wait3A_287] : memref<10240x128xf32, #tpu.memory_space<vmem_shared>> -> memref<10240x128xf32, #tpu.memory_space<vmem_shared>>
      tpu.wait_indirect_dma semaphore(%run_scoped3A : memref<!tpu.dma_semaphore, #tpu.memory_space<semaphore_mem>>) src(%arg24 : memref<40x128xf32, #tpu.memory_space<vmem>>) dst(%dma_wait3A_288 : memref<10240x128xf32, #tpu.memory_space<vmem_shared>>)
      tpu.yield
    }) : () -> ()
    %dma_wait3A_143 = tpu.memref_slice %arg3[%mul3A_2] : memref<320000xi32, #tpu.memory_space<hbm>> -> memref<40xi32, #tpu.memory_space<hbm>>
    %dma_wait3A_144 = tpu.memref_slice %arg3[%mul3A_2] : memref<320000xi32, #tpu.memory_space<hbm>> -> memref<40xi32, #tpu.memory_space<hbm>>
    tpu.wait_dma2 semaphore(%arg39 : memref<!tpu.dma_semaphore, #tpu.memory_space<semaphore_mem>>) src(%dma_wait3A_144 : memref<40xi32, #tpu.memory_space<hbm>>) dst(%arg14 : memref<40xi32, #tpu.memory_space<vmem>>)
    %dma_start3A_145 = arith.constant 0 : i32
    %dma_start3A_146 = arith.constant 0 : i32
    %dma_start3A_147 = tpu.memref_slice %arg2[%dma_start3A_145, %dma_start3A_146] : memref<10000x128xf32, #tpu.memory_space<hbm>> -> memref<10000x128xf32, #tpu.memory_space<hbm>>
    tpu.enqueue_indirect_dma source(%dma_start3A_147 : memref<10000x128xf32, #tpu.memory_space<hbm>>) target(%arg24 : memref<40x128xf32, #tpu.memory_space<vmem>>) offsets(%arg14 : memref<40xi32, #tpu.memory_space<vmem>>) semaphore(%arg29 : memref<!tpu.dma_semaphore, #tpu.memory_space<semaphore_mem>>)
    %dma_wait3A_148 = arith.constant 0 : i32
    %dma_wait3A_149 = arith.constant 0 : i32
    %dma_wait3A_150 = tpu.memref_slice %arg2[%dma_wait3A_148, %dma_wait3A_149] : memref<10000x128xf32, #tpu.memory_space<hbm>> -> memref<10000x128xf32, #tpu.memory_space<hbm>>
    tpu.wait_indirect_dma semaphore(%arg30 : memref<!tpu.dma_semaphore, #tpu.memory_space<semaphore_mem>>) src(%dma_wait3A_150 : memref<10000x128xf32, #tpu.memory_space<hbm>>) dst(%arg25 : memref<40x128xf32, #tpu.memory_space<vmem>>)
    %scan3A_151 = arith.constant 0 : i32
    %scan3A_152 = arith.constant 2 : i32
    %scan3A_153 = arith.addi %scan3A_151, %scan3A_152 : i32
    %scan3A_154 = arith.constant 1 : i32
    scf.for %scan3A_283 = %scan3A_151 to %scan3A_153 step %scan3A_154  : i32 {
      %mul3A_284 = arith.constant 16 : i32
      %mul3A_285 = arith.muli %scan3A_283, %mul3A_284 : i32
      %add3A_286 = arith.constant 0 : i32
      %add3A_287 = arith.addi %add3A_286, %mul3A_285 : i32
      %add3A_288 = arith.constant 9640 : i32
      %add3A_289 = arith.addi %add3A_288, %add3A_287 : i32
      %get3A_290 = arith.index_cast %add3A_289 : i32 to index
      %get3A_291 = tpu.vector_load %arg8[%get3A_290] {strides = array<i32>} : memref<10000xi32, #tpu.memory_space<vmem>>, vector<16xi32>,
      %swap3A_292 = arith.index_cast %add3A_287 : i32 to index
      %swap3A_293 = tpu.vector_load %arg20[%swap3A_292] {strides = array<i32>} : memref<40xi32, #tpu.memory_space<vmem>>, vector<16xi32>,
      tpu.vector_store %arg20[%swap3A_292], %get3A_291 {strides = array<i32>} : memref<40xi32, #tpu.memory_space<vmem>>, vector<16xi32>,
    }
    %scan3A_155 = arith.constant 2 : i32
    %get3A_156 = arith.constant 9664 : index
    %get3A_157 = tpu.vector_load %arg8[%get3A_156] {strides = array<i32>} : memref<10000xi32, #tpu.memory_space<vmem>>, vector<16xi32>,
    %swap3A_158 = arith.constant 24 : index
    %swap3A_159 = tpu.vector_load %arg20[%swap3A_158] {strides = array<i32>} : memref<40xi32, #tpu.memory_space<vmem>>, vector<16xi32>,
    tpu.vector_store %arg20[%swap3A_158], %get3A_157 {strides = array<i32>} : memref<40xi32, #tpu.memory_space<vmem>>, vector<16xi32>,
    "tpu.region"() ({
      %run_scoped3A = tpu.sem_alloc : memref<!tpu.dma_semaphore, #tpu.memory_space<semaphore_mem>>
      %dma_start3A_283 = arith.constant 0 : i32
      %dma_start3A_284 = arith.constant 0 : i32
      %dma_start3A_285 = tpu.memref_slice %arg7[%dma_start3A_283, %dma_start3A_284] : memref<10240x128xf32, #tpu.memory_space<vmem_shared>> -> memref<10240x128xf32, #tpu.memory_space<vmem_shared>>
      tpu.enqueue_indirect_dma source(%arg25 : memref<40x128xf32, #tpu.memory_space<vmem>>) target(%dma_start3A_285 : memref<10240x128xf32, #tpu.memory_space<vmem_shared>>) offsets(%arg20 : memref<40xi32, #tpu.memory_space<vmem>>) semaphore(%run_scoped3A : memref<!tpu.dma_semaphore, #tpu.memory_space<semaphore_mem>>) {add = true}
      %dma_wait3A_286 = arith.constant 0 : i32
      %dma_wait3A_287 = arith.constant 0 : i32
      %dma_wait3A_288 = tpu.memref_slice %arg7[%dma_wait3A_286, %dma_wait3A_287] : memref<10240x128xf32, #tpu.memory_space<vmem_shared>> -> memref<10240x128xf32, #tpu.memory_space<vmem_shared>>
      tpu.wait_indirect_dma semaphore(%run_scoped3A : memref<!tpu.dma_semaphore, #tpu.memory_space<semaphore_mem>>) src(%arg25 : memref<40x128xf32, #tpu.memory_space<vmem>>) dst(%dma_wait3A_288 : memref<10240x128xf32, #tpu.memory_space<vmem_shared>>)
      tpu.yield
    }) : () -> ()
    %dma_wait3A_160 = tpu.memref_slice %arg3[%mul3A_2] : memref<320000xi32, #tpu.memory_space<hbm>> -> memref<40xi32, #tpu.memory_space<hbm>>
    %dma_wait3A_161 = tpu.memref_slice %arg3[%mul3A_2] : memref<320000xi32, #tpu.memory_space<hbm>> -> memref<40xi32, #tpu.memory_space<hbm>>
    tpu.wait_dma2 semaphore(%arg40 : memref<!tpu.dma_semaphore, #tpu.memory_space<semaphore_mem>>) src(%dma_wait3A_161 : memref<40xi32, #tpu.memory_space<hbm>>) dst(%arg15 : memref<40xi32, #tpu.memory_space<vmem>>)
    %dma_start3A_162 = arith.constant 0 : i32
    %dma_start3A_163 = arith.constant 0 : i32
    %dma_start3A_164 = tpu.memref_slice %arg2[%dma_start3A_162, %dma_start3A_163] : memref<10000x128xf32, #tpu.memory_space<hbm>> -> memref<10000x128xf32, #tpu.memory_space<hbm>>
    tpu.enqueue_indirect_dma source(%dma_start3A_164 : memref<10000x128xf32, #tpu.memory_space<hbm>>) target(%arg25 : memref<40x128xf32, #tpu.memory_space<vmem>>) offsets(%arg15 : memref<40xi32, #tpu.memory_space<vmem>>) semaphore(%arg30 : memref<!tpu.dma_semaphore, #tpu.memory_space<semaphore_mem>>)
    %dma_wait3A_165 = arith.constant 0 : i32
    %dma_wait3A_166 = arith.constant 0 : i32
    %dma_wait3A_167 = tpu.memref_slice %arg2[%dma_wait3A_165, %dma_wait3A_166] : memref<10000x128xf32, #tpu.memory_space<hbm>> -> memref<10000x128xf32, #tpu.memory_space<hbm>>
    tpu.wait_indirect_dma semaphore(%arg31 : memref<!tpu.dma_semaphore, #tpu.memory_space<semaphore_mem>>) src(%dma_wait3A_167 : memref<10000x128xf32, #tpu.memory_space<hbm>>) dst(%arg26 : memref<40x128xf32, #tpu.memory_space<vmem>>)
    %scan3A_168 = arith.constant 0 : i32
    %scan3A_169 = arith.constant 2 : i32
    %scan3A_170 = arith.addi %scan3A_168, %scan3A_169 : i32
    %scan3A_171 = arith.constant 1 : i32
    scf.for %scan3A_283 = %scan3A_168 to %scan3A_170 step %scan3A_171  : i32 {
      %mul3A_284 = arith.constant 16 : i32
      %mul3A_285 = arith.muli %scan3A_283, %mul3A_284 : i32
      %add3A_286 = arith.constant 0 : i32
      %add3A_287 = arith.addi %add3A_286, %mul3A_285 : i32
      %add3A_288 = arith.constant 9680 : i32
      %add3A_289 = arith.addi %add3A_288, %add3A_287 : i32
      %get3A_290 = arith.index_cast %add3A_289 : i32 to index
      %get3A_291 = tpu.vector_load %arg8[%get3A_290] {strides = array<i32>} : memref<10000xi32, #tpu.memory_space<vmem>>, vector<16xi32>,
      %swap3A_292 = arith.index_cast %add3A_287 : i32 to index
      %swap3A_293 = tpu.vector_load %arg21[%swap3A_292] {strides = array<i32>} : memref<40xi32, #tpu.memory_space<vmem>>, vector<16xi32>,
      tpu.vector_store %arg21[%swap3A_292], %get3A_291 {strides = array<i32>} : memref<40xi32, #tpu.memory_space<vmem>>, vector<16xi32>,
    }
    %scan3A_172 = arith.constant 2 : i32
    %get3A_173 = arith.constant 9704 : index
    %get3A_174 = tpu.vector_load %arg8[%get3A_173] {strides = array<i32>} : memref<10000xi32, #tpu.memory_space<vmem>>, vector<16xi32>,
    %swap3A_175 = arith.constant 24 : index
    %swap3A_176 = tpu.vector_load %arg21[%swap3A_175] {strides = array<i32>} : memref<40xi32, #tpu.memory_space<vmem>>, vector<16xi32>,
    tpu.vector_store %arg21[%swap3A_175], %get3A_174 {strides = array<i32>} : memref<40xi32, #tpu.memory_space<vmem>>, vector<16xi32>,
    "tpu.region"() ({
      %run_scoped3A = tpu.sem_alloc : memref<!tpu.dma_semaphore, #tpu.memory_space<semaphore_mem>>
      %dma_start3A_283 = arith.constant 0 : i32
      %dma_start3A_284 = arith.constant 0 : i32
      %dma_start3A_285 = tpu.memref_slice %arg7[%dma_start3A_283, %dma_start3A_284] : memref<10240x128xf32, #tpu.memory_space<vmem_shared>> -> memref<10240x128xf32, #tpu.memory_space<vmem_shared>>
      tpu.enqueue_indirect_dma source(%arg26 : memref<40x128xf32, #tpu.memory_space<vmem>>) target(%dma_start3A_285 : memref<10240x128xf32, #tpu.memory_space<vmem_shared>>) offsets(%arg21 : memref<40xi32, #tpu.memory_space<vmem>>) semaphore(%run_scoped3A : memref<!tpu.dma_semaphore, #tpu.memory_space<semaphore_mem>>) {add = true}
      %dma_wait3A_286 = arith.constant 0 : i32
      %dma_wait3A_287 = arith.constant 0 : i32
      %dma_wait3A_288 = tpu.memref_slice %arg7[%dma_wait3A_286, %dma_wait3A_287] : memref<10240x128xf32, #tpu.memory_space<vmem_shared>> -> memref<10240x128xf32, #tpu.memory_space<vmem_shared>>
      tpu.wait_indirect_dma semaphore(%run_scoped3A : memref<!tpu.dma_semaphore, #tpu.memory_space<semaphore_mem>>) src(%arg26 : memref<40x128xf32, #tpu.memory_space<vmem>>) dst(%dma_wait3A_288 : memref<10240x128xf32, #tpu.memory_space<vmem_shared>>)
      tpu.yield
    }) : () -> ()
    %dma_wait3A_177 = tpu.memref_slice %arg3[%mul3A_2] : memref<320000xi32, #tpu.memory_space<hbm>> -> memref<40xi32, #tpu.memory_space<hbm>>
    %dma_wait3A_178 = tpu.memref_slice %arg3[%mul3A_2] : memref<320000xi32, #tpu.memory_space<hbm>> -> memref<40xi32, #tpu.memory_space<hbm>>
    tpu.wait_dma2 semaphore(%arg41 : memref<!tpu.dma_semaphore, #tpu.memory_space<semaphore_mem>>) src(%dma_wait3A_178 : memref<40xi32, #tpu.memory_space<hbm>>) dst(%arg16 : memref<40xi32, #tpu.memory_space<vmem>>)
    %dma_start3A_179 = arith.constant 0 : i32
    %dma_start3A_180 = arith.constant 0 : i32
    %dma_start3A_181 = tpu.memref_slice %arg2[%dma_start3A_179, %dma_start3A_180] : memref<10000x128xf32, #tpu.memory_space<hbm>> -> memref<10000x128xf32, #tpu.memory_space<hbm>>
    tpu.enqueue_indirect_dma source(%dma_start3A_181 : memref<10000x128xf32, #tpu.memory_space<hbm>>) target(%arg26 : memref<40x128xf32, #tpu.memory_space<vmem>>) offsets(%arg16 : memref<40xi32, #tpu.memory_space<vmem>>) semaphore(%arg31 : memref<!tpu.dma_semaphore, #tpu.memory_space<semaphore_mem>>)
    %dma_wait3A_182 = arith.constant 0 : i32
    %dma_wait3A_183 = arith.constant 0 : i32
    %dma_wait3A_184 = tpu.memref_slice %arg2[%dma_wait3A_182, %dma_wait3A_183] : memref<10000x128xf32, #tpu.memory_space<hbm>> -> memref<10000x128xf32, #tpu.memory_space<hbm>>
    tpu.wait_indirect_dma semaphore(%arg32 : memref<!tpu.dma_semaphore, #tpu.memory_space<semaphore_mem>>) src(%dma_wait3A_184 : memref<10000x128xf32, #tpu.memory_space<hbm>>) dst(%arg27 : memref<40x128xf32, #tpu.memory_space<vmem>>)
    %scan3A_185 = arith.constant 0 : i32
    %scan3A_186 = arith.constant 2 : i32
    %scan3A_187 = arith.addi %scan3A_185, %scan3A_186 : i32
    %scan3A_188 = arith.constant 1 : i32
    scf.for %scan3A_283 = %scan3A_185 to %scan3A_187 step %scan3A_188  : i32 {
      %mul3A_284 = arith.constant 16 : i32
      %mul3A_285 = arith.muli %scan3A_283, %mul3A_284 : i32
      %add3A_286 = arith.constant 0 : i32
      %add3A_287 = arith.addi %add3A_286, %mul3A_285 : i32
      %add3A_288 = arith.constant 9720 : i32
      %add3A_289 = arith.addi %add3A_288, %add3A_287 : i32
      %get3A_290 = arith.index_cast %add3A_289 : i32 to index
      %get3A_291 = tpu.vector_load %arg8[%get3A_290] {strides = array<i32>} : memref<10000xi32, #tpu.memory_space<vmem>>, vector<16xi32>,
      %swap3A_292 = arith.index_cast %add3A_287 : i32 to index
      %swap3A_293 = tpu.vector_load %arg22[%swap3A_292] {strides = array<i32>} : memref<40xi32, #tpu.memory_space<vmem>>, vector<16xi32>,
      tpu.vector_store %arg22[%swap3A_292], %get3A_291 {strides = array<i32>} : memref<40xi32, #tpu.memory_space<vmem>>, vector<16xi32>,
    }
    %scan3A_189 = arith.constant 2 : i32
    %get3A_190 = arith.constant 9744 : index
    %get3A_191 = tpu.vector_load %arg8[%get3A_190] {strides = array<i32>} : memref<10000xi32, #tpu.memory_space<vmem>>, vector<16xi32>,
    %swap3A_192 = arith.constant 24 : index
    %swap3A_193 = tpu.vector_load %arg22[%swap3A_192] {strides = array<i32>} : memref<40xi32, #tpu.memory_space<vmem>>, vector<16xi32>,
    tpu.vector_store %arg22[%swap3A_192], %get3A_191 {strides = array<i32>} : memref<40xi32, #tpu.memory_space<vmem>>, vector<16xi32>,
    "tpu.region"() ({
      %run_scoped3A = tpu.sem_alloc : memref<!tpu.dma_semaphore, #tpu.memory_space<semaphore_mem>>
      %dma_start3A_283 = arith.constant 0 : i32
      %dma_start3A_284 = arith.constant 0 : i32
      %dma_start3A_285 = tpu.memref_slice %arg7[%dma_start3A_283, %dma_start3A_284] : memref<10240x128xf32, #tpu.memory_space<vmem_shared>> -> memref<10240x128xf32, #tpu.memory_space<vmem_shared>>
      tpu.enqueue_indirect_dma source(%arg27 : memref<40x128xf32, #tpu.memory_space<vmem>>) target(%dma_start3A_285 : memref<10240x128xf32, #tpu.memory_space<vmem_shared>>) offsets(%arg22 : memref<40xi32, #tpu.memory_space<vmem>>) semaphore(%run_scoped3A : memref<!tpu.dma_semaphore, #tpu.memory_space<semaphore_mem>>) {add = true}
      %dma_wait3A_286 = arith.constant 0 : i32
      %dma_wait3A_287 = arith.constant 0 : i32
      %dma_wait3A_288 = tpu.memref_slice %arg7[%dma_wait3A_286, %dma_wait3A_287] : memref<10240x128xf32, #tpu.memory_space<vmem_shared>> -> memref<10240x128xf32, #tpu.memory_space<vmem_shared>>
      tpu.wait_indirect_dma semaphore(%run_scoped3A : memref<!tpu.dma_semaphore, #tpu.memory_space<semaphore_mem>>) src(%arg27 : memref<40x128xf32, #tpu.memory_space<vmem>>) dst(%dma_wait3A_288 : memref<10240x128xf32, #tpu.memory_space<vmem_shared>>)
      tpu.yield
    }) : () -> ()
    %dma_wait3A_194 = tpu.memref_slice %arg3[%mul3A_2] : memref<320000xi32, #tpu.memory_space<hbm>> -> memref<40xi32, #tpu.memory_space<hbm>>
    %dma_wait3A_195 = tpu.memref_slice %arg3[%mul3A_2] : memref<320000xi32, #tpu.memory_space<hbm>> -> memref<40xi32, #tpu.memory_space<hbm>>
    tpu.wait_dma2 semaphore(%arg42 : memref<!tpu.dma_semaphore, #tpu.memory_space<semaphore_mem>>) src(%dma_wait3A_195 : memref<40xi32, #tpu.memory_space<hbm>>) dst(%arg17 : memref<40xi32, #tpu.memory_space<vmem>>)
    %dma_start3A_196 = arith.constant 0 : i32
    %dma_start3A_197 = arith.constant 0 : i32
    %dma_start3A_198 = tpu.memref_slice %arg2[%dma_start3A_196, %dma_start3A_197] : memref<10000x128xf32, #tpu.memory_space<hbm>> -> memref<10000x128xf32, #tpu.memory_space<hbm>>
    tpu.enqueue_indirect_dma source(%dma_start3A_198 : memref<10000x128xf32, #tpu.memory_space<hbm>>) target(%arg27 : memref<40x128xf32, #tpu.memory_space<vmem>>) offsets(%arg17 : memref<40xi32, #tpu.memory_space<vmem>>) semaphore(%arg32 : memref<!tpu.dma_semaphore, #tpu.memory_space<semaphore_mem>>)
    %dma_wait3A_199 = arith.constant 0 : i32
    %dma_wait3A_200 = arith.constant 0 : i32
    %dma_wait3A_201 = tpu.memref_slice %arg2[%dma_wait3A_199, %dma_wait3A_200] : memref<10000x128xf32, #tpu.memory_space<hbm>> -> memref<10000x128xf32, #tpu.memory_space<hbm>>
    tpu.wait_indirect_dma semaphore(%arg33 : memref<!tpu.dma_semaphore, #tpu.memory_space<semaphore_mem>>) src(%dma_wait3A_201 : memref<10000x128xf32, #tpu.memory_space<hbm>>) dst(%arg28 : memref<40x128xf32, #tpu.memory_space<vmem>>)
    %scan3A_202 = arith.constant 0 : i32
    %scan3A_203 = arith.constant 2 : i32
    %scan3A_204 = arith.addi %scan3A_202, %scan3A_203 : i32
    %scan3A_205 = arith.constant 1 : i32
    scf.for %scan3A_283 = %scan3A_202 to %scan3A_204 step %scan3A_205  : i32 {
      %mul3A_284 = arith.constant 16 : i32
      %mul3A_285 = arith.muli %scan3A_283, %mul3A_284 : i32
      %add3A_286 = arith.constant 0 : i32
      %add3A_287 = arith.addi %add3A_286, %mul3A_285 : i32
      %add3A_288 = arith.constant 9760 : i32
      %add3A_289 = arith.addi %add3A_288, %add3A_287 : i32
      %get3A_290 = arith.index_cast %add3A_289 : i32 to index
      %get3A_291 = tpu.vector_load %arg8[%get3A_290] {strides = array<i32>} : memref<10000xi32, #tpu.memory_space<vmem>>, vector<16xi32>,
      %swap3A_292 = arith.index_cast %add3A_287 : i32 to index
      %swap3A_293 = tpu.vector_load %arg23[%swap3A_292] {strides = array<i32>} : memref<40xi32, #tpu.memory_space<vmem>>, vector<16xi32>,
      tpu.vector_store %arg23[%swap3A_292], %get3A_291 {strides = array<i32>} : memref<40xi32, #tpu.memory_space<vmem>>, vector<16xi32>,
    }
    %scan3A_206 = arith.constant 2 : i32
    %get3A_207 = arith.constant 9784 : index
    %get3A_208 = tpu.vector_load %arg8[%get3A_207] {strides = array<i32>} : memref<10000xi32, #tpu.memory_space<vmem>>, vector<16xi32>,
    %swap3A_209 = arith.constant 24 : index
    %swap3A_210 = tpu.vector_load %arg23[%swap3A_209] {strides = array<i32>} : memref<40xi32, #tpu.memory_space<vmem>>, vector<16xi32>,
    tpu.vector_store %arg23[%swap3A_209], %get3A_208 {strides = array<i32>} : memref<40xi32, #tpu.memory_space<vmem>>, vector<16xi32>,
    "tpu.region"() ({
      %run_scoped3A = tpu.sem_alloc : memref<!tpu.dma_semaphore, #tpu.memory_space<semaphore_mem>>
      %dma_start3A_283 = arith.constant 0 : i32
      %dma_start3A_284 = arith.constant 0 : i32
      %dma_start3A_285 = tpu.memref_slice %arg7[%dma_start3A_283, %dma_start3A_284] : memref<10240x128xf32, #tpu.memory_space<vmem_shared>> -> memref<10240x128xf32, #tpu.memory_space<vmem_shared>>
      tpu.enqueue_indirect_dma source(%arg28 : memref<40x128xf32, #tpu.memory_space<vmem>>) target(%dma_start3A_285 : memref<10240x128xf32, #tpu.memory_space<vmem_shared>>) offsets(%arg23 : memref<40xi32, #tpu.memory_space<vmem>>) semaphore(%run_scoped3A : memref<!tpu.dma_semaphore, #tpu.memory_space<semaphore_mem>>) {add = true}
      %dma_wait3A_286 = arith.constant 0 : i32
      %dma_wait3A_287 = arith.constant 0 : i32
      %dma_wait3A_288 = tpu.memref_slice %arg7[%dma_wait3A_286, %dma_wait3A_287] : memref<10240x128xf32, #tpu.memory_space<vmem_shared>> -> memref<10240x128xf32, #tpu.memory_space<vmem_shared>>
      tpu.wait_indirect_dma semaphore(%run_scoped3A : memref<!tpu.dma_semaphore, #tpu.memory_space<semaphore_mem>>) src(%arg28 : memref<40x128xf32, #tpu.memory_space<vmem>>) dst(%dma_wait3A_288 : memref<10240x128xf32, #tpu.memory_space<vmem_shared>>)
      tpu.yield
    }) : () -> ()
    %dma_wait3A_211 = tpu.memref_slice %arg3[%mul3A_2] : memref<320000xi32, #tpu.memory_space<hbm>> -> memref<40xi32, #tpu.memory_space<hbm>>
    %dma_wait3A_212 = tpu.memref_slice %arg3[%mul3A_2] : memref<320000xi32, #tpu.memory_space<hbm>> -> memref<40xi32, #tpu.memory_space<hbm>>
    tpu.wait_dma2 semaphore(%arg43 : memref<!tpu.dma_semaphore, #tpu.memory_space<semaphore_mem>>) src(%dma_wait3A_212 : memref<40xi32, #tpu.memory_space<hbm>>) dst(%arg18 : memref<40xi32, #tpu.memory_space<vmem>>)
    %dma_start3A_213 = arith.constant 0 : i32
    %dma_start3A_214 = arith.constant 0 : i32
    %dma_start3A_215 = tpu.memref_slice %arg2[%dma_start3A_213, %dma_start3A_214] : memref<10000x128xf32, #tpu.memory_space<hbm>> -> memref<10000x128xf32, #tpu.memory_space<hbm>>
    tpu.enqueue_indirect_dma source(%dma_start3A_215 : memref<10000x128xf32, #tpu.memory_space<hbm>>) target(%arg28 : memref<40x128xf32, #tpu.memory_space<vmem>>) offsets(%arg18 : memref<40xi32, #tpu.memory_space<vmem>>) semaphore(%arg33 : memref<!tpu.dma_semaphore, #tpu.memory_space<semaphore_mem>>)
    %dma_wait3A_216 = arith.constant 0 : i32
    %dma_wait3A_217 = arith.constant 0 : i32
    %dma_wait3A_218 = tpu.memref_slice %arg2[%dma_wait3A_216, %dma_wait3A_217] : memref<10000x128xf32, #tpu.memory_space<hbm>> -> memref<10000x128xf32, #tpu.memory_space<hbm>>
    tpu.wait_indirect_dma semaphore(%arg29 : memref<!tpu.dma_semaphore, #tpu.memory_space<semaphore_mem>>) src(%dma_wait3A_218 : memref<10000x128xf32, #tpu.memory_space<hbm>>) dst(%arg24 : memref<40x128xf32, #tpu.memory_space<vmem>>)
    %scan3A_219 = arith.constant 0 : i32
    %scan3A_220 = arith.constant 2 : i32
    %scan3A_221 = arith.addi %scan3A_219, %scan3A_220 : i32
    %scan3A_222 = arith.constant 1 : i32
    scf.for %scan3A_283 = %scan3A_219 to %scan3A_221 step %scan3A_222  : i32 {
      %mul3A_284 = arith.constant 16 : i32
      %mul3A_285 = arith.muli %scan3A_283, %mul3A_284 : i32
      %add3A_286 = arith.constant 0 : i32
      %add3A_287 = arith.addi %add3A_286, %mul3A_285 : i32
      %add3A_288 = arith.constant 9800 : i32
      %add3A_289 = arith.addi %add3A_288, %add3A_287 : i32
      %get3A_290 = arith.index_cast %add3A_289 : i32 to index
      %get3A_291 = tpu.vector_load %arg8[%get3A_290] {strides = array<i32>} : memref<10000xi32, #tpu.memory_space<vmem>>, vector<16xi32>,
      %swap3A_292 = arith.index_cast %add3A_287 : i32 to index
      %swap3A_293 = tpu.vector_load %arg19[%swap3A_292] {strides = array<i32>} : memref<40xi32, #tpu.memory_space<vmem>>, vector<16xi32>,
      tpu.vector_store %arg19[%swap3A_292], %get3A_291 {strides = array<i32>} : memref<40xi32, #tpu.memory_space<vmem>>, vector<16xi32>,
    }
    %scan3A_223 = arith.constant 2 : i32
    %get3A_224 = arith.constant 9824 : index
    %get3A_225 = tpu.vector_load %arg8[%get3A_224] {strides = array<i32>} : memref<10000xi32, #tpu.memory_space<vmem>>, vector<16xi32>,
    %swap3A_226 = arith.constant 24 : index
    %swap3A_227 = tpu.vector_load %arg19[%swap3A_226] {strides = array<i32>} : memref<40xi32, #tpu.memory_space<vmem>>, vector<16xi32>,
    tpu.vector_store %arg19[%swap3A_226], %get3A_225 {strides = array<i32>} : memref<40xi32, #tpu.memory_space<vmem>>, vector<16xi32>,
    "tpu.region"() ({
      %run_scoped3A = tpu.sem_alloc : memref<!tpu.dma_semaphore, #tpu.memory_space<semaphore_mem>>
      %dma_start3A_283 = arith.constant 0 : i32
      %dma_start3A_284 = arith.constant 0 : i32
      %dma_start3A_285 = tpu.memref_slice %arg7[%dma_start3A_283, %dma_start3A_284] : memref<10240x128xf32, #tpu.memory_space<vmem_shared>> -> memref<10240x128xf32, #tpu.memory_space<vmem_shared>>
      tpu.enqueue_indirect_dma source(%arg24 : memref<40x128xf32, #tpu.memory_space<vmem>>) target(%dma_start3A_285 : memref<10240x128xf32, #tpu.memory_space<vmem_shared>>) offsets(%arg19 : memref<40xi32, #tpu.memory_space<vmem>>) semaphore(%run_scoped3A : memref<!tpu.dma_semaphore, #tpu.memory_space<semaphore_mem>>) {add = true}
      %dma_wait3A_286 = arith.constant 0 : i32
      %dma_wait3A_287 = arith.constant 0 : i32
      %dma_wait3A_288 = tpu.memref_slice %arg7[%dma_wait3A_286, %dma_wait3A_287] : memref<10240x128xf32, #tpu.memory_space<vmem_shared>> -> memref<10240x128xf32, #tpu.memory_space<vmem_shared>>
      tpu.wait_indirect_dma semaphore(%run_scoped3A : memref<!tpu.dma_semaphore, #tpu.memory_space<semaphore_mem>>) src(%arg24 : memref<40x128xf32, #tpu.memory_space<vmem>>) dst(%dma_wait3A_288 : memref<10240x128xf32, #tpu.memory_space<vmem_shared>>)
      tpu.yield
    }) : () -> ()
    %dma_wait3A_228 = arith.constant 0 : i32
    %dma_wait3A_229 = arith.constant 0 : i32
    %dma_wait3A_230 = tpu.memref_slice %arg2[%dma_wait3A_228, %dma_wait3A_229] : memref<10000x128xf32, #tpu.memory_space<hbm>> -> memref<10000x128xf32, #tpu.memory_space<hbm>>
    tpu.wait_indirect_dma semaphore(%arg30 : memref<!tpu.dma_semaphore, #tpu.memory_space<semaphore_mem>>) src(%dma_wait3A_230 : memref<10000x128xf32, #tpu.memory_space<hbm>>) dst(%arg25 : memref<40x128xf32, #tpu.memory_space<vmem>>)
    %scan3A_231 = arith.constant 0 : i32
    %scan3A_232 = arith.constant 2 : i32
    %scan3A_233 = arith.addi %scan3A_231, %scan3A_232 : i32
    %scan3A_234 = arith.constant 1 : i32
    scf.for %scan3A_283 = %scan3A_231 to %scan3A_233 step %scan3A_234  : i32 {
      %mul3A_284 = arith.constant 16 : i32
      %mul3A_285 = arith.muli %scan3A_283, %mul3A_284 : i32
      %add3A_286 = arith.constant 0 : i32
      %add3A_287 = arith.addi %add3A_286, %mul3A_285 : i32
      %add3A_288 = arith.constant 9840 : i32
      %add3A_289 = arith.addi %add3A_288, %add3A_287 : i32
      %get3A_290 = arith.index_cast %add3A_289 : i32 to index
      %get3A_291 = tpu.vector_load %arg8[%get3A_290] {strides = array<i32>} : memref<10000xi32, #tpu.memory_space<vmem>>, vector<16xi32>,
      %swap3A_292 = arith.index_cast %add3A_287 : i32 to index
      %swap3A_293 = tpu.vector_load %arg20[%swap3A_292] {strides = array<i32>} : memref<40xi32, #tpu.memory_space<vmem>>, vector<16xi32>,
      tpu.vector_store %arg20[%swap3A_292], %get3A_291 {strides = array<i32>} : memref<40xi32, #tpu.memory_space<vmem>>, vector<16xi32>,
    }
    %scan3A_235 = arith.constant 2 : i32
    %get3A_236 = arith.constant 9864 : index
    %get3A_237 = tpu.vector_load %arg8[%get3A_236] {strides = array<i32>} : memref<10000xi32, #tpu.memory_space<vmem>>, vector<16xi32>,
    %swap3A_238 = arith.constant 24 : index
    %swap3A_239 = tpu.vector_load %arg20[%swap3A_238] {strides = array<i32>} : memref<40xi32, #tpu.memory_space<vmem>>, vector<16xi32>,
    tpu.vector_store %arg20[%swap3A_238], %get3A_237 {strides = array<i32>} : memref<40xi32, #tpu.memory_space<vmem>>, vector<16xi32>,
    "tpu.region"() ({
      %run_scoped3A = tpu.sem_alloc : memref<!tpu.dma_semaphore, #tpu.memory_space<semaphore_mem>>
      %dma_start3A_283 = arith.constant 0 : i32
      %dma_start3A_284 = arith.constant 0 : i32
      %dma_start3A_285 = tpu.memref_slice %arg7[%dma_start3A_283, %dma_start3A_284] : memref<10240x128xf32, #tpu.memory_space<vmem_shared>> -> memref<10240x128xf32, #tpu.memory_space<vmem_shared>>
      tpu.enqueue_indirect_dma source(%arg25 : memref<40x128xf32, #tpu.memory_space<vmem>>) target(%dma_start3A_285 : memref<10240x128xf32, #tpu.memory_space<vmem_shared>>) offsets(%arg20 : memref<40xi32, #tpu.memory_space<vmem>>) semaphore(%run_scoped3A : memref<!tpu.dma_semaphore, #tpu.memory_space<semaphore_mem>>) {add = true}
      %dma_wait3A_286 = arith.constant 0 : i32
      %dma_wait3A_287 = arith.constant 0 : i32
      %dma_wait3A_288 = tpu.memref_slice %arg7[%dma_wait3A_286, %dma_wait3A_287] : memref<10240x128xf32, #tpu.memory_space<vmem_shared>> -> memref<10240x128xf32, #tpu.memory_space<vmem_shared>>
      tpu.wait_indirect_dma semaphore(%run_scoped3A : memref<!tpu.dma_semaphore, #tpu.memory_space<semaphore_mem>>) src(%arg25 : memref<40x128xf32, #tpu.memory_space<vmem>>) dst(%dma_wait3A_288 : memref<10240x128xf32, #tpu.memory_space<vmem_shared>>)
      tpu.yield
    }) : () -> ()
    %dma_wait3A_240 = arith.constant 0 : i32
    %dma_wait3A_241 = arith.constant 0 : i32
    %dma_wait3A_242 = tpu.memref_slice %arg2[%dma_wait3A_240, %dma_wait3A_241] : memref<10000x128xf32, #tpu.memory_space<hbm>> -> memref<10000x128xf32, #tpu.memory_space<hbm>>
    tpu.wait_indirect_dma semaphore(%arg31 : memref<!tpu.dma_semaphore, #tpu.memory_space<semaphore_mem>>) src(%dma_wait3A_242 : memref<10000x128xf32, #tpu.memory_space<hbm>>) dst(%arg26 : memref<40x128xf32, #tpu.memory_space<vmem>>)
    %scan3A_243 = arith.constant 0 : i32
    %scan3A_244 = arith.constant 2 : i32
    %scan3A_245 = arith.addi %scan3A_243, %scan3A_244 : i32
    %scan3A_246 = arith.constant 1 : i32
    scf.for %scan3A_283 = %scan3A_243 to %scan3A_245 step %scan3A_246  : i32 {
      %mul3A_284 = arith.constant 16 : i32
      %mul3A_285 = arith.muli %scan3A_283, %mul3A_284 : i32
      %add3A_286 = arith.constant 0 : i32
      %add3A_287 = arith.addi %add3A_286, %mul3A_285 : i32
      %add3A_288 = arith.constant 9880 : i32
      %add3A_289 = arith.addi %add3A_288, %add3A_287 : i32
      %get3A_290 = arith.index_cast %add3A_289 : i32 to index
      %get3A_291 = tpu.vector_load %arg8[%get3A_290] {strides = array<i32>} : memref<10000xi32, #tpu.memory_space<vmem>>, vector<16xi32>,
      %swap3A_292 = arith.index_cast %add3A_287 : i32 to index
      %swap3A_293 = tpu.vector_load %arg21[%swap3A_292] {strides = array<i32>} : memref<40xi32, #tpu.memory_space<vmem>>, vector<16xi32>,
      tpu.vector_store %arg21[%swap3A_292], %get3A_291 {strides = array<i32>} : memref<40xi32, #tpu.memory_space<vmem>>, vector<16xi32>,
    }
    %scan3A_247 = arith.constant 2 : i32
    %get3A_248 = arith.constant 9904 : index
    %get3A_249 = tpu.vector_load %arg8[%get3A_248] {strides = array<i32>} : memref<10000xi32, #tpu.memory_space<vmem>>, vector<16xi32>,
    %swap3A_250 = arith.constant 24 : index
    %swap3A_251 = tpu.vector_load %arg21[%swap3A_250] {strides = array<i32>} : memref<40xi32, #tpu.memory_space<vmem>>, vector<16xi32>,
    tpu.vector_store %arg21[%swap3A_250], %get3A_249 {strides = array<i32>} : memref<40xi32, #tpu.memory_space<vmem>>, vector<16xi32>,
    "tpu.region"() ({
      %run_scoped3A = tpu.sem_alloc : memref<!tpu.dma_semaphore, #tpu.memory_space<semaphore_mem>>
      %dma_start3A_283 = arith.constant 0 : i32
      %dma_start3A_284 = arith.constant 0 : i32
      %dma_start3A_285 = tpu.memref_slice %arg7[%dma_start3A_283, %dma_start3A_284] : memref<10240x128xf32, #tpu.memory_space<vmem_shared>> -> memref<10240x128xf32, #tpu.memory_space<vmem_shared>>
      tpu.enqueue_indirect_dma source(%arg26 : memref<40x128xf32, #tpu.memory_space<vmem>>) target(%dma_start3A_285 : memref<10240x128xf32, #tpu.memory_space<vmem_shared>>) offsets(%arg21 : memref<40xi32, #tpu.memory_space<vmem>>) semaphore(%run_scoped3A : memref<!tpu.dma_semaphore, #tpu.memory_space<semaphore_mem>>) {add = true}
      %dma_wait3A_286 = arith.constant 0 : i32
      %dma_wait3A_287 = arith.constant 0 : i32
      %dma_wait3A_288 = tpu.memref_slice %arg7[%dma_wait3A_286, %dma_wait3A_287] : memref<10240x128xf32, #tpu.memory_space<vmem_shared>> -> memref<10240x128xf32, #tpu.memory_space<vmem_shared>>
      tpu.wait_indirect_dma semaphore(%run_scoped3A : memref<!tpu.dma_semaphore, #tpu.memory_space<semaphore_mem>>) src(%arg26 : memref<40x128xf32, #tpu.memory_space<vmem>>) dst(%dma_wait3A_288 : memref<10240x128xf32, #tpu.memory_space<vmem_shared>>)
      tpu.yield
    }) : () -> ()
    %dma_wait3A_252 = arith.constant 0 : i32
    %dma_wait3A_253 = arith.constant 0 : i32
    %dma_wait3A_254 = tpu.memref_slice %arg2[%dma_wait3A_252, %dma_wait3A_253] : memref<10000x128xf32, #tpu.memory_space<hbm>> -> memref<10000x128xf32, #tpu.memory_space<hbm>>
    tpu.wait_indirect_dma semaphore(%arg32 : memref<!tpu.dma_semaphore, #tpu.memory_space<semaphore_mem>>) src(%dma_wait3A_254 : memref<10000x128xf32, #tpu.memory_space<hbm>>) dst(%arg27 : memref<40x128xf32, #tpu.memory_space<vmem>>)
    %scan3A_255 = arith.constant 0 : i32
    %scan3A_256 = arith.constant 2 : i32
    %scan3A_257 = arith.addi %scan3A_255, %scan3A_256 : i32
    %scan3A_258 = arith.constant 1 : i32
    scf.for %scan3A_283 = %scan3A_255 to %scan3A_257 step %scan3A_258  : i32 {
      %mul3A_284 = arith.constant 16 : i32
      %mul3A_285 = arith.muli %scan3A_283, %mul3A_284 : i32
      %add3A_286 = arith.constant 0 : i32
      %add3A_287 = arith.addi %add3A_286, %mul3A_285 : i32
      %add3A_288 = arith.constant 9920 : i32
      %add3A_289 = arith.addi %add3A_288, %add3A_287 : i32
      %get3A_290 = arith.index_cast %add3A_289 : i32 to index
      %get3A_291 = tpu.vector_load %arg8[%get3A_290] {strides = array<i32>} : memref<10000xi32, #tpu.memory_space<vmem>>, vector<16xi32>,
      %swap3A_292 = arith.index_cast %add3A_287 : i32 to index
      %swap3A_293 = tpu.vector_load %arg22[%swap3A_292] {strides = array<i32>} : memref<40xi32, #tpu.memory_space<vmem>>, vector<16xi32>,
      tpu.vector_store %arg22[%swap3A_292], %get3A_291 {strides = array<i32>} : memref<40xi32, #tpu.memory_space<vmem>>, vector<16xi32>,
    }
    %scan3A_259 = arith.constant 2 : i32
    %get3A_260 = arith.constant 9944 : index
    %get3A_261 = tpu.vector_load %arg8[%get3A_260] {strides = array<i32>} : memref<10000xi32, #tpu.memory_space<vmem>>, vector<16xi32>,
    %swap3A_262 = arith.constant 24 : index
    %swap3A_263 = tpu.vector_load %arg22[%swap3A_262] {strides = array<i32>} : memref<40xi32, #tpu.memory_space<vmem>>, vector<16xi32>,
    tpu.vector_store %arg22[%swap3A_262], %get3A_261 {strides = array<i32>} : memref<40xi32, #tpu.memory_space<vmem>>, vector<16xi32>,
    "tpu.region"() ({
      %run_scoped3A = tpu.sem_alloc : memref<!tpu.dma_semaphore, #tpu.memory_space<semaphore_mem>>
      %dma_start3A_283 = arith.constant 0 : i32
      %dma_start3A_284 = arith.constant 0 : i32
      %dma_start3A_285 = tpu.memref_slice %arg7[%dma_start3A_283, %dma_start3A_284] : memref<10240x128xf32, #tpu.memory_space<vmem_shared>> -> memref<10240x128xf32, #tpu.memory_space<vmem_shared>>
      tpu.enqueue_indirect_dma source(%arg27 : memref<40x128xf32, #tpu.memory_space<vmem>>) target(%dma_start3A_285 : memref<10240x128xf32, #tpu.memory_space<vmem_shared>>) offsets(%arg22 : memref<40xi32, #tpu.memory_space<vmem>>) semaphore(%run_scoped3A : memref<!tpu.dma_semaphore, #tpu.memory_space<semaphore_mem>>) {add = true}
      %dma_wait3A_286 = arith.constant 0 : i32
      %dma_wait3A_287 = arith.constant 0 : i32
      %dma_wait3A_288 = tpu.memref_slice %arg7[%dma_wait3A_286, %dma_wait3A_287] : memref<10240x128xf32, #tpu.memory_space<vmem_shared>> -> memref<10240x128xf32, #tpu.memory_space<vmem_shared>>
      tpu.wait_indirect_dma semaphore(%run_scoped3A : memref<!tpu.dma_semaphore, #tpu.memory_space<semaphore_mem>>) src(%arg27 : memref<40x128xf32, #tpu.memory_space<vmem>>) dst(%dma_wait3A_288 : memref<10240x128xf32, #tpu.memory_space<vmem_shared>>)
      tpu.yield
    }) : () -> ()
    %dma_wait3A_264 = arith.constant 0 : i32
    %dma_wait3A_265 = arith.constant 0 : i32
    %dma_wait3A_266 = tpu.memref_slice %arg2[%dma_wait3A_264, %dma_wait3A_265] : memref<10000x128xf32, #tpu.memory_space<hbm>> -> memref<10000x128xf32, #tpu.memory_space<hbm>>
    tpu.wait_indirect_dma semaphore(%arg33 : memref<!tpu.dma_semaphore, #tpu.memory_space<semaphore_mem>>) src(%dma_wait3A_266 : memref<10000x128xf32, #tpu.memory_space<hbm>>) dst(%arg28 : memref<40x128xf32, #tpu.memory_space<vmem>>)
    %scan3A_267 = arith.constant 0 : i32
    %scan3A_268 = arith.constant 2 : i32
    %scan3A_269 = arith.addi %scan3A_267, %scan3A_268 : i32
    %scan3A_270 = arith.constant 1 : i32
    scf.for %scan3A_283 = %scan3A_267 to %scan3A_269 step %scan3A_270  : i32 {
      %mul3A_284 = arith.constant 16 : i32
      %mul3A_285 = arith.muli %scan3A_283, %mul3A_284 : i32
      %add3A_286 = arith.constant 0 : i32
      %add3A_287 = arith.addi %add3A_286, %mul3A_285 : i32
      %add3A_288 = arith.constant 9960 : i32
      %add3A_289 = arith.addi %add3A_288, %add3A_287 : i32
      %get3A_290 = arith.index_cast %add3A_289 : i32 to index
      %get3A_291 = tpu.vector_load %arg8[%get3A_290] {strides = array<i32>} : memref<10000xi32, #tpu.memory_space<vmem>>, vector<16xi32>,
      %swap3A_292 = arith.index_cast %add3A_287 : i32 to index
      %swap3A_293 = tpu.vector_load %arg23[%swap3A_292] {strides = array<i32>} : memref<40xi32, #tpu.memory_space<vmem>>, vector<16xi32>,
      tpu.vector_store %arg23[%swap3A_292], %get3A_291 {strides = array<i32>} : memref<40xi32, #tpu.memory_space<vmem>>, vector<16xi32>,
    }
    %scan3A_271 = arith.constant 2 : i32
    %get3A_272 = arith.constant 9984 : index
    %get3A_273 = tpu.vector_load %arg8[%get3A_272] {strides = array<i32>} : memref<10000xi32, #tpu.memory_space<vmem>>, vector<16xi32>,
    %swap3A_274 = arith.constant 24 : index
    %swap3A_275 = tpu.vector_load %arg23[%swap3A_274] {strides = array<i32>} : memref<40xi32, #tpu.memory_space<vmem>>, vector<16xi32>,
    tpu.vector_store %arg23[%swap3A_274], %get3A_273 {strides = array<i32>} : memref<40xi32, #tpu.memory_space<vmem>>, vector<16xi32>,
    "tpu.region"() ({
      %run_scoped3A = tpu.sem_alloc : memref<!tpu.dma_semaphore, #tpu.memory_space<semaphore_mem>>
      %dma_start3A_283 = arith.constant 0 : i32
      %dma_start3A_284 = arith.constant 0 : i32
      %dma_start3A_285 = tpu.memref_slice %arg7[%dma_start3A_283, %dma_start3A_284] : memref<10240x128xf32, #tpu.memory_space<vmem_shared>> -> memref<10240x128xf32, #tpu.memory_space<vmem_shared>>
      tpu.enqueue_indirect_dma source(%arg28 : memref<40x128xf32, #tpu.memory_space<vmem>>) target(%dma_start3A_285 : memref<10240x128xf32, #tpu.memory_space<vmem_shared>>) offsets(%arg23 : memref<40xi32, #tpu.memory_space<vmem>>) semaphore(%run_scoped3A : memref<!tpu.dma_semaphore, #tpu.memory_space<semaphore_mem>>) {add = true}
      %dma_wait3A_286 = arith.constant 0 : i32
      %dma_wait3A_287 = arith.constant 0 : i32
      %dma_wait3A_288 = tpu.memref_slice %arg7[%dma_wait3A_286, %dma_wait3A_287] : memref<10240x128xf32, #tpu.memory_space<vmem_shared>> -> memref<10240x128xf32, #tpu.memory_space<vmem_shared>>
      tpu.wait_indirect_dma semaphore(%run_scoped3A : memref<!tpu.dma_semaphore, #tpu.memory_space<semaphore_mem>>) src(%arg28 : memref<40x128xf32, #tpu.memory_space<vmem>>) dst(%dma_wait3A_288 : memref<10240x128xf32, #tpu.memory_space<vmem_shared>>)
      tpu.yield
    }) : () -> ()
    "tpu.region"() ({
      %run_scoped3A = tpu.sem_alloc : memref<!tpu.dma_semaphore, #tpu.memory_space<semaphore_mem>>
      %dma_start3A_283 = arith.constant 0 : i32
      %dma_start3A_284 = arith.constant 0 : i32
      %dma_start3A_285 = tpu.memref_slice %arg45[%dma_start3A_283, %dma_start3A_284] : memref<80x128xf32, #tpu.memory_space<vmem_shared>> -> memref<80x128xf32, #tpu.memory_space<vmem_shared>>
      tpu.enqueue_indirect_dma source(%arg46 : memref<80x128xf32, #tpu.memory_space<vmem>>) target(%dma_start3A_285 : memref<80x128xf32, #tpu.memory_space<vmem_shared>>) offsets(%arg47 : memref<80xi32, #tpu.memory_space<vmem>>) semaphore(%run_scoped3A : memref<!tpu.dma_semaphore, #tpu.memory_space<semaphore_mem>>) {add = true}
      %dma_wait3A_286 = arith.constant 0 : i32
      %dma_wait3A_287 = arith.constant 0 : i32
      %dma_wait3A_288 = tpu.memref_slice %arg45[%dma_wait3A_286, %dma_wait3A_287] : memref<80x128xf32, #tpu.memory_space<vmem_shared>> -> memref<80x128xf32, #tpu.memory_space<vmem_shared>>
      tpu.wait_indirect_dma semaphore(%run_scoped3A : memref<!tpu.dma_semaphore, #tpu.memory_space<semaphore_mem>>) src(%arg46 : memref<80x128xf32, #tpu.memory_space<vmem>>) dst(%dma_wait3A_288 : memref<80x128xf32, #tpu.memory_space<vmem_shared>>)
      tpu.yield
    }) : () -> ()
    %barrier3A_276 = arith.constant 0 : index
    tpu.barrier barrier_id(%barrier3A_276)
    %mul3A_277 = arith.constant 640 : i32
    %mul3A_278 = arith.muli %arg1, %mul3A_277 : i32
    "tpu.region"() ({
      %run_scoped3A = tpu.sem_alloc : memref<!tpu.dma_semaphore, #tpu.memory_space<semaphore_mem>>
      %dma_start3A_283 = arith.constant 0 : i32
      %dma_start3A_284 = tpu.memref_slice %arg5[%arg0, %mul3A_278, %dma_start3A_283] : memref<2x10240x128xf32, #tpu.memory_space<hbm>> -> memref<1x640x128xf32, #tpu.memory_space<hbm>>
      %dma_start3A_285 = tpu.memref_squeeze %dma_start3A_284 : memref<1x640x128xf32, #tpu.memory_space<hbm>> -> memref<640x128xf32, #tpu.memory_space<hbm>>
      %dma_start3A_286 = arith.constant 0 : i32
      %dma_start3A_287 = tpu.memref_slice %arg7[%mul3A_278, %dma_start3A_286] : memref<10240x128xf32, #tpu.memory_space<vmem_shared>> -> memref<640x128xf32, #tpu.memory_space<vmem_shared>>
      tpu.enqueue_dma source(%dma_start3A_287 : memref<640x128xf32, #tpu.memory_space<vmem_shared>>) target(%dma_start3A_285 : memref<640x128xf32, #tpu.memory_space<hbm>>) target_semaphore(%run_scoped3A : memref<!tpu.dma_semaphore, #tpu.memory_space<semaphore_mem>>)
      %dma_wait3A_288 = arith.constant 0 : i32
      %dma_wait3A_289 = tpu.memref_slice %arg5[%arg0, %mul3A_278, %dma_wait3A_288] : memref<2x10240x128xf32, #tpu.memory_space<hbm>> -> memref<1x640x128xf32, #tpu.memory_space<hbm>>
      %dma_wait3A_290 = tpu.memref_squeeze %dma_wait3A_289 : memref<1x640x128xf32, #tpu.memory_space<hbm>> -> memref<640x128xf32, #tpu.memory_space<hbm>>
      %dma_wait3A_291 = arith.constant 0 : i32
      %dma_wait3A_292 = tpu.memref_slice %arg7[%mul3A_278, %dma_wait3A_291] : memref<10240x128xf32, #tpu.memory_space<vmem_shared>> -> memref<640x128xf32, #tpu.memory_space<vmem_shared>>
      tpu.wait_dma2 semaphore(%run_scoped3A : memref<!tpu.dma_semaphore, #tpu.memory_space<semaphore_mem>>) src(%dma_wait3A_292 : memref<640x128xf32, #tpu.memory_space<vmem_shared>>) dst(%dma_wait3A_290 : memref<640x128xf32, #tpu.memory_space<hbm>>)
      tpu.yield
    }) : () -> ()
    %eq3A = arith.constant 0 : i32
    %eq3A_279 = arith.cmpi eq, %arg1, %eq3A : i32
    %convert_element_type3A_280 = arith.extui %eq3A_279 : i1 to i32
    %cond3A_281 = arith.constant 0 : i32
    %cond3A_282 = arith.cmpi ne, %convert_element_type3A_280, %cond3A_281 : i32
    scf.if %cond3A_282 {
      "tpu.region"() ({
        %run_scoped3A = tpu.sem_alloc : memref<!tpu.dma_semaphore, #tpu.memory_space<semaphore_mem>>
        %dma_start3A_283 = arith.constant 0 : i32
        %dma_start3A_284 = arith.constant 0 : i32
        %dma_start3A_285 = tpu.memref_slice %arg6[%arg0, %dma_start3A_283, %dma_start3A_284] : memref<2x80x128xf32, #tpu.memory_space<hbm>> -> memref<1x80x128xf32, #tpu.memory_space<hbm>>
        %dma_start3A_286 = tpu.memref_squeeze %dma_start3A_285 : memref<1x80x128xf32, #tpu.memory_space<hbm>> -> memref<80x128xf32, #tpu.memory_space<hbm>>
        tpu.enqueue_dma source(%arg45 : memref<80x128xf32, #tpu.memory_space<vmem_shared>>) target(%dma_start3A_286 : memref<80x128xf32, #tpu.memory_space<hbm>>) target_semaphore(%run_scoped3A : memref<!tpu.dma_semaphore, #tpu.memory_space<semaphore_mem>>)
        %dma_wait3A_287 = arith.constant 0 : i32
        %dma_wait3A_288 = arith.constant 0 : i32
        %dma_wait3A_289 = tpu.memref_slice %arg6[%arg0, %dma_wait3A_287, %dma_wait3A_288] : memref<2x80x128xf32, #tpu.memory_space<hbm>> -> memref<1x80x128xf32, #tpu.memory_space<hbm>>
        %dma_wait3A_290 = tpu.memref_squeeze %dma_wait3A_289 : memref<1x80x128xf32, #tpu.memory_space<hbm>> -> memref<80x128xf32, #tpu.memory_space<hbm>>
        tpu.wait_dma2 semaphore(%run_scoped3A : memref<!tpu.dma_semaphore, #tpu.memory_space<semaphore_mem>>) src(%arg45 : memref<80x128xf32, #tpu.memory_space<vmem_shared>>) dst(%dma_wait3A_290 : memref<80x128xf32, #tpu.memory_space<hbm>>)
        tpu.yield
      }) : () -> ()
    } else {
    }
    return
  }
}

#map = affine_map<(d0, d1) -> (0, 0)>
#map1 = affine_map<(d0, d1) -> (0)>
#map2 = affine_map<(d0, d1) -> (0, 0, 0)>
module attributes {stable_mosaic.version = 14 : i64} {
  func.func @k(%arg0: i32, %arg1: i32, %arg2: memref<10000x128xf32, #tpu.memory_space<hbm>>, %arg3: memref<320000xi32, #tpu.memory_space<hbm>>, %arg4: memref<320000xi32, #tpu.memory_space<hbm>>, %arg5: memref<2x10240x128xf32, #tpu.memory_space<hbm>>, %arg6: memref<10240x128xf32, #tpu.memory_space<vmem_shared>>, %arg7: memref<10000xi32, #tpu.memory_space<vmem>>, %arg8: memref<40xi32, #tpu.memory_space<vmem>>, %arg9: memref<40xi32, #tpu.memory_space<vmem>>, %arg10: memref<40xi32, #tpu.memory_space<vmem>>, %arg11: memref<40xi32, #tpu.memory_space<vmem>>, %arg12: memref<40xi32, #tpu.memory_space<vmem>>, %arg13: memref<40xi32, #tpu.memory_space<vmem>>, %arg14: memref<40xi32, #tpu.memory_space<vmem>>, %arg15: memref<40xi32, #tpu.memory_space<vmem>>, %arg16: memref<40xi32, #tpu.memory_space<vmem>>, %arg17: memref<40xi32, #tpu.memory_space<vmem>>, %arg18: memref<40xi32, #tpu.memory_space<vmem>>, %arg19: memref<40xi32, #tpu.memory_space<vmem>>, %arg20: memref<40xi32, #tpu.memory_space<vmem>>, %arg21: memref<40xi32, #tpu.memory_space<vmem>>, %arg22: memref<40xi32, #tpu.memory_space<vmem>>, %arg23: memref<40x128xf32, #tpu.memory_space<vmem>>, %arg24: memref<40x128xf32, #tpu.memory_space<vmem>>, %arg25: memref<40x128xf32, #tpu.memory_space<vmem>>, %arg26: memref<40x128xf32, #tpu.memory_space<vmem>>, %arg27: memref<40x128xf32, #tpu.memory_space<vmem>>, %arg28: memref<!tpu.dma_semaphore, #tpu.memory_space<semaphore_mem>>, %arg29: memref<!tpu.dma_semaphore, #tpu.memory_space<semaphore_mem>>, %arg30: memref<!tpu.dma_semaphore, #tpu.memory_space<semaphore_mem>>, %arg31: memref<!tpu.dma_semaphore, #tpu.memory_space<semaphore_mem>>, %arg32: memref<!tpu.dma_semaphore, #tpu.memory_space<semaphore_mem>>, %arg33: memref<!tpu.dma_semaphore, #tpu.memory_space<semaphore_mem>>, %arg34: memref<!tpu.dma_semaphore, #tpu.memory_space<semaphore_mem>>, %arg35: memref<!tpu.dma_semaphore, #tpu.memory_space<semaphore_mem>>, %arg36: memref<!tpu.dma_semaphore, #tpu.memory_space<semaphore_mem>>, %arg37: memref<!tpu.dma_semaphore, #tpu.memory_space<semaphore_mem>>, %arg38: memref<!tpu.dma_semaphore, #tpu.memory_space<semaphore_mem>>, %arg39: memref<!tpu.dma_semaphore, #tpu.memory_space<semaphore_mem>>, %arg40: memref<!tpu.dma_semaphore, #tpu.memory_space<semaphore_mem>>, %arg41: memref<!tpu.dma_semaphore, #tpu.memory_space<semaphore_mem>>, %arg42: memref<!tpu.dma_semaphore, #tpu.memory_space<semaphore_mem>>, %arg43: memref<!tpu.dma_semaphore, #tpu.memory_space<semaphore_mem>>) attributes {dimension_semantics = [#tpu.dimension_semantics<core_parallel>, #tpu.dimension_semantics<subcore_parallel>], iteration_bounds = array<i64: 2, 16>, scalar_prefetch = 0 : i64, scratch_operands = 38 : i64, tpu.core_type = #tpu.core_type<sc_vector_subcore>, window_params = [{transform_indices = #map}, {transform_indices = #map1}, {transform_indices = #map1}, {transform_indices = #map2}]} {
    %mul3A = arith.constant 2 : i32
    %mul3A_0 = arith.muli %arg1, %mul3A : i32
    %add3A = arith.addi %mul3A_0, %arg0 : i32
    %mul3A_1 = arith.constant 10000 : i32
    %mul3A_2 = arith.muli %add3A, %mul3A_1 : i32
    %dma_start3A = tpu.memref_slice %arg4[%mul3A_2] : memref<320000xi32, #tpu.memory_space<hbm>> -> memref<10000xi32, #tpu.memory_space<hbm>>
    %dma_start3A_3 = tpu.memref_slice %arg4[%mul3A_2] : memref<320000xi32, #tpu.memory_space<hbm>> -> memref<10000xi32, #tpu.memory_space<hbm>>
    tpu.enqueue_dma source(%dma_start3A_3 : memref<10000xi32, #tpu.memory_space<hbm>>) target(%arg7 : memref<10000xi32, #tpu.memory_space<vmem>>) target_semaphore(%arg43 : memref<!tpu.dma_semaphore, #tpu.memory_space<semaphore_mem>>)
    %add3A_4 = arith.constant 0 : i32
    %add3A_5 = arith.addi %mul3A_2, %add3A_4 : i32
    %dma_start3A_6 = tpu.memref_slice %arg3[%add3A_5] : memref<320000xi32, #tpu.memory_space<hbm>> -> memref<40xi32, #tpu.memory_space<hbm>>
    %dma_start3A_7 = tpu.memref_slice %arg3[%add3A_5] : memref<320000xi32, #tpu.memory_space<hbm>> -> memref<40xi32, #tpu.memory_space<hbm>>
    tpu.enqueue_dma source(%dma_start3A_7 : memref<40xi32, #tpu.memory_space<hbm>>) target(%arg8 : memref<40xi32, #tpu.memory_space<vmem>>) target_semaphore(%arg33 : memref<!tpu.dma_semaphore, #tpu.memory_space<semaphore_mem>>)
    %add3A_8 = arith.constant 40 : i32
    %add3A_9 = arith.addi %mul3A_2, %add3A_8 : i32
    %dma_start3A_10 = tpu.memref_slice %arg3[%add3A_9] : memref<320000xi32, #tpu.memory_space<hbm>> -> memref<40xi32, #tpu.memory_space<hbm>>
    %dma_start3A_11 = tpu.memref_slice %arg3[%add3A_9] : memref<320000xi32, #tpu.memory_space<hbm>> -> memref<40xi32, #tpu.memory_space<hbm>>
    tpu.enqueue_dma source(%dma_start3A_11 : memref<40xi32, #tpu.memory_space<hbm>>) target(%arg9 : memref<40xi32, #tpu.memory_space<vmem>>) target_semaphore(%arg34 : memref<!tpu.dma_semaphore, #tpu.memory_space<semaphore_mem>>)
    %add3A_12 = arith.constant 80 : i32
    %add3A_13 = arith.addi %mul3A_2, %add3A_12 : i32
    %dma_start3A_14 = tpu.memref_slice %arg3[%add3A_13] : memref<320000xi32, #tpu.memory_space<hbm>> -> memref<40xi32, #tpu.memory_space<hbm>>
    %dma_start3A_15 = tpu.memref_slice %arg3[%add3A_13] : memref<320000xi32, #tpu.memory_space<hbm>> -> memref<40xi32, #tpu.memory_space<hbm>>
    tpu.enqueue_dma source(%dma_start3A_15 : memref<40xi32, #tpu.memory_space<hbm>>) target(%arg10 : memref<40xi32, #tpu.memory_space<vmem>>) target_semaphore(%arg35 : memref<!tpu.dma_semaphore, #tpu.memory_space<semaphore_mem>>)
    %add3A_16 = arith.constant 120 : i32
    %add3A_17 = arith.addi %mul3A_2, %add3A_16 : i32
    %dma_start3A_18 = tpu.memref_slice %arg3[%add3A_17] : memref<320000xi32, #tpu.memory_space<hbm>> -> memref<40xi32, #tpu.memory_space<hbm>>
    %dma_start3A_19 = tpu.memref_slice %arg3[%add3A_17] : memref<320000xi32, #tpu.memory_space<hbm>> -> memref<40xi32, #tpu.memory_space<hbm>>
    tpu.enqueue_dma source(%dma_start3A_19 : memref<40xi32, #tpu.memory_space<hbm>>) target(%arg11 : memref<40xi32, #tpu.memory_space<vmem>>) target_semaphore(%arg36 : memref<!tpu.dma_semaphore, #tpu.memory_space<semaphore_mem>>)
    %add3A_20 = arith.constant 160 : i32
    %add3A_21 = arith.addi %mul3A_2, %add3A_20 : i32
    %dma_start3A_22 = tpu.memref_slice %arg3[%add3A_21] : memref<320000xi32, #tpu.memory_space<hbm>> -> memref<40xi32, #tpu.memory_space<hbm>>
    %dma_start3A_23 = tpu.memref_slice %arg3[%add3A_21] : memref<320000xi32, #tpu.memory_space<hbm>> -> memref<40xi32, #tpu.memory_space<hbm>>
    tpu.enqueue_dma source(%dma_start3A_23 : memref<40xi32, #tpu.memory_space<hbm>>) target(%arg12 : memref<40xi32, #tpu.memory_space<vmem>>) target_semaphore(%arg37 : memref<!tpu.dma_semaphore, #tpu.memory_space<semaphore_mem>>)
    %add3A_24 = arith.constant 200 : i32
    %add3A_25 = arith.addi %mul3A_2, %add3A_24 : i32
    %dma_start3A_26 = tpu.memref_slice %arg3[%add3A_25] : memref<320000xi32, #tpu.memory_space<hbm>> -> memref<40xi32, #tpu.memory_space<hbm>>
    %dma_start3A_27 = tpu.memref_slice %arg3[%add3A_25] : memref<320000xi32, #tpu.memory_space<hbm>> -> memref<40xi32, #tpu.memory_space<hbm>>
    tpu.enqueue_dma source(%dma_start3A_27 : memref<40xi32, #tpu.memory_space<hbm>>) target(%arg13 : memref<40xi32, #tpu.memory_space<vmem>>) target_semaphore(%arg38 : memref<!tpu.dma_semaphore, #tpu.memory_space<semaphore_mem>>)
    %add3A_28 = arith.constant 240 : i32
    %add3A_29 = arith.addi %mul3A_2, %add3A_28 : i32
    %dma_start3A_30 = tpu.memref_slice %arg3[%add3A_29] : memref<320000xi32, #tpu.memory_space<hbm>> -> memref<40xi32, #tpu.memory_space<hbm>>
    %dma_start3A_31 = tpu.memref_slice %arg3[%add3A_29] : memref<320000xi32, #tpu.memory_space<hbm>> -> memref<40xi32, #tpu.memory_space<hbm>>
    tpu.enqueue_dma source(%dma_start3A_31 : memref<40xi32, #tpu.memory_space<hbm>>) target(%arg14 : memref<40xi32, #tpu.memory_space<vmem>>) target_semaphore(%arg39 : memref<!tpu.dma_semaphore, #tpu.memory_space<semaphore_mem>>)
    %add3A_32 = arith.constant 280 : i32
    %add3A_33 = arith.addi %mul3A_2, %add3A_32 : i32
    %dma_start3A_34 = tpu.memref_slice %arg3[%add3A_33] : memref<320000xi32, #tpu.memory_space<hbm>> -> memref<40xi32, #tpu.memory_space<hbm>>
    %dma_start3A_35 = tpu.memref_slice %arg3[%add3A_33] : memref<320000xi32, #tpu.memory_space<hbm>> -> memref<40xi32, #tpu.memory_space<hbm>>
    tpu.enqueue_dma source(%dma_start3A_35 : memref<40xi32, #tpu.memory_space<hbm>>) target(%arg15 : memref<40xi32, #tpu.memory_space<vmem>>) target_semaphore(%arg40 : memref<!tpu.dma_semaphore, #tpu.memory_space<semaphore_mem>>)
    %add3A_36 = arith.constant 320 : i32
    %add3A_37 = arith.addi %mul3A_2, %add3A_36 : i32
    %dma_start3A_38 = tpu.memref_slice %arg3[%add3A_37] : memref<320000xi32, #tpu.memory_space<hbm>> -> memref<40xi32, #tpu.memory_space<hbm>>
    %dma_start3A_39 = tpu.memref_slice %arg3[%add3A_37] : memref<320000xi32, #tpu.memory_space<hbm>> -> memref<40xi32, #tpu.memory_space<hbm>>
    tpu.enqueue_dma source(%dma_start3A_39 : memref<40xi32, #tpu.memory_space<hbm>>) target(%arg16 : memref<40xi32, #tpu.memory_space<vmem>>) target_semaphore(%arg41 : memref<!tpu.dma_semaphore, #tpu.memory_space<semaphore_mem>>)
    %add3A_40 = arith.constant 360 : i32
    %add3A_41 = arith.addi %mul3A_2, %add3A_40 : i32
    %dma_start3A_42 = tpu.memref_slice %arg3[%add3A_41] : memref<320000xi32, #tpu.memory_space<hbm>> -> memref<40xi32, #tpu.memory_space<hbm>>
    %dma_start3A_43 = tpu.memref_slice %arg3[%add3A_41] : memref<320000xi32, #tpu.memory_space<hbm>> -> memref<40xi32, #tpu.memory_space<hbm>>
    tpu.enqueue_dma source(%dma_start3A_43 : memref<40xi32, #tpu.memory_space<hbm>>) target(%arg17 : memref<40xi32, #tpu.memory_space<vmem>>) target_semaphore(%arg42 : memref<!tpu.dma_semaphore, #tpu.memory_space<semaphore_mem>>)
    %scan3A = arith.constant 0 : i32
    %scan3A_44 = arith.constant 40 : i32
    %scan3A_45 = arith.addi %scan3A, %scan3A_44 : i32
    %scan3A_46 = arith.constant 1 : i32
    scf.for %scan3A_237 = %scan3A to %scan3A_45 step %scan3A_46  : i32 {
      %mul3A_238 = arith.constant 1 : i32
      %mul3A_239 = arith.muli %scan3A_237, %mul3A_238 : i32
      %add3A_240 = arith.constant 0 : i32
      %add3A_241 = arith.addi %add3A_240, %mul3A_239 : i32
      %scan3A_242 = arith.constant 0 : i32
      %scan3A_243 = arith.constant 8 : i32
      %scan3A_244 = arith.addi %scan3A_242, %scan3A_243 : i32
      %scan3A_245 = arith.constant 1 : i32
      scf.for %scan3A_247 = %scan3A_242 to %scan3A_244 step %scan3A_245  : i32 {
        %mul3A_248 = arith.constant 16 : i32
        %mul3A_249 = arith.muli %scan3A_247, %mul3A_248 : i32
        %add3A_250 = arith.constant 0 : i32
        %add3A_251 = arith.addi %add3A_250, %mul3A_249 : i32
        %broadcast_in_dim3A = arith.constant 0.000000e+00 : f32
        %broadcast_in_dim3A_252 = vector.broadcast %broadcast_in_dim3A : f32 to vector<16xf32>
        %swap3A_253 = arith.index_cast %add3A_241 : i32 to index
        %swap3A_254 = arith.index_cast %add3A_251 : i32 to index
        %swap3A_255 = tpu.vector_load %arg23[%swap3A_253, %swap3A_254] {strides = array<i32>} : memref<40x128xf32, #tpu.memory_space<vmem>>, vector<16xf32>,
        tpu.vector_store %arg23[%swap3A_253, %swap3A_254], %broadcast_in_dim3A_252 {strides = array<i32>} : memref<40x128xf32, #tpu.memory_space<vmem>>, vector<16xf32>,
      }
      %scan3A_246 = arith.constant 8 : i32
    }
    %scan3A_47 = arith.constant 40 : i32
    %dma_wait3A = tpu.memref_slice %arg4[%mul3A_2] : memref<320000xi32, #tpu.memory_space<hbm>> -> memref<10000xi32, #tpu.memory_space<hbm>>
    %dma_wait3A_48 = tpu.memref_slice %arg4[%mul3A_2] : memref<320000xi32, #tpu.memory_space<hbm>> -> memref<10000xi32, #tpu.memory_space<hbm>>
    tpu.wait_dma2 semaphore(%arg43 : memref<!tpu.dma_semaphore, #tpu.memory_space<semaphore_mem>>) src(%dma_wait3A_48 : memref<10000xi32, #tpu.memory_space<hbm>>) dst(%arg7 : memref<10000xi32, #tpu.memory_space<vmem>>)
    %mul3A_49 = arith.constant 640 : i32
    %mul3A_50 = arith.muli %arg1, %mul3A_49 : i32
    %scan3A_51 = arith.constant 0 : i32
    %scan3A_52 = arith.constant 16 : i32
    %scan3A_53 = arith.addi %scan3A_51, %scan3A_52 : i32
    %scan3A_54 = arith.constant 1 : i32
    scf.for %scan3A_237 = %scan3A_51 to %scan3A_53 step %scan3A_54  : i32 {
      %mul3A_238 = arith.constant 1 : i32
      %mul3A_239 = arith.muli %scan3A_237, %mul3A_238 : i32
      %add3A_240 = arith.constant 0 : i32
      %add3A_241 = arith.addi %add3A_240, %mul3A_239 : i32
      %mul3A_242 = arith.constant 40 : i32
      %mul3A_243 = arith.muli %add3A_241, %mul3A_242 : i32
      %add3A_244 = arith.addi %mul3A_50, %mul3A_243 : i32
      %dma_start3A_245 = arith.constant 0 : i32
      %dma_start3A_246 = tpu.memref_slice %arg6[%add3A_244, %dma_start3A_245] : memref<10240x128xf32, #tpu.memory_space<vmem_shared>> -> memref<40x128xf32, #tpu.memory_space<vmem_shared>>
      %dma_start3A_247 = arith.constant 0 : i32
      %dma_start3A_248 = tpu.memref_slice %arg6[%add3A_244, %dma_start3A_247] : memref<10240x128xf32, #tpu.memory_space<vmem_shared>> -> memref<40x128xf32, #tpu.memory_space<vmem_shared>>
      tpu.enqueue_dma source(%arg23 : memref<40x128xf32, #tpu.memory_space<vmem>>) target(%dma_start3A_248 : memref<40x128xf32, #tpu.memory_space<vmem_shared>>) target_semaphore(%arg43 : memref<!tpu.dma_semaphore, #tpu.memory_space<semaphore_mem>>)
    }
    %scan3A_55 = arith.constant 16 : i32
    %scan3A_56 = arith.constant 0 : i32
    %scan3A_57 = arith.constant 16 : i32
    %scan3A_58 = arith.addi %scan3A_56, %scan3A_57 : i32
    %scan3A_59 = arith.constant 1 : i32
    scf.for %scan3A_237 = %scan3A_56 to %scan3A_58 step %scan3A_59  : i32 {
      %mul3A_238 = arith.constant 1 : i32
      %mul3A_239 = arith.muli %scan3A_237, %mul3A_238 : i32
      %add3A_240 = arith.constant 0 : i32
      %add3A_241 = arith.addi %add3A_240, %mul3A_239 : i32
      %dma_wait3A_242 = arith.constant 0 : i32
      %dma_wait3A_243 = tpu.memref_slice %arg6[%mul3A_50, %dma_wait3A_242] : memref<10240x128xf32, #tpu.memory_space<vmem_shared>> -> memref<40x128xf32, #tpu.memory_space<vmem_shared>>
      %dma_wait3A_244 = arith.constant 0 : i32
      %dma_wait3A_245 = tpu.memref_slice %arg6[%mul3A_50, %dma_wait3A_244] : memref<10240x128xf32, #tpu.memory_space<vmem_shared>> -> memref<40x128xf32, #tpu.memory_space<vmem_shared>>
      tpu.wait_dma2 semaphore(%arg43 : memref<!tpu.dma_semaphore, #tpu.memory_space<semaphore_mem>>) src(%arg23 : memref<40x128xf32, #tpu.memory_space<vmem>>) dst(%dma_wait3A_245 : memref<40x128xf32, #tpu.memory_space<vmem_shared>>)
    }
    %scan3A_60 = arith.constant 16 : i32
    %dma_wait3A_61 = tpu.memref_slice %arg3[%mul3A_2] : memref<320000xi32, #tpu.memory_space<hbm>> -> memref<40xi32, #tpu.memory_space<hbm>>
    %dma_wait3A_62 = tpu.memref_slice %arg3[%mul3A_2] : memref<320000xi32, #tpu.memory_space<hbm>> -> memref<40xi32, #tpu.memory_space<hbm>>
    tpu.wait_dma2 semaphore(%arg33 : memref<!tpu.dma_semaphore, #tpu.memory_space<semaphore_mem>>) src(%dma_wait3A_62 : memref<40xi32, #tpu.memory_space<hbm>>) dst(%arg8 : memref<40xi32, #tpu.memory_space<vmem>>)
    %dma_start3A_63 = arith.constant 0 : i32
    %dma_start3A_64 = arith.constant 0 : i32
    %dma_start3A_65 = tpu.memref_slice %arg2[%dma_start3A_63, %dma_start3A_64] : memref<10000x128xf32, #tpu.memory_space<hbm>> -> memref<10000x128xf32, #tpu.memory_space<hbm>>
    tpu.enqueue_indirect_dma source(%dma_start3A_65 : memref<10000x128xf32, #tpu.memory_space<hbm>>) target(%arg23 : memref<40x128xf32, #tpu.memory_space<vmem>>) offsets(%arg8 : memref<40xi32, #tpu.memory_space<vmem>>) semaphore(%arg28 : memref<!tpu.dma_semaphore, #tpu.memory_space<semaphore_mem>>)
    %dma_wait3A_66 = tpu.memref_slice %arg3[%mul3A_2] : memref<320000xi32, #tpu.memory_space<hbm>> -> memref<40xi32, #tpu.memory_space<hbm>>
    %dma_wait3A_67 = tpu.memref_slice %arg3[%mul3A_2] : memref<320000xi32, #tpu.memory_space<hbm>> -> memref<40xi32, #tpu.memory_space<hbm>>
    tpu.wait_dma2 semaphore(%arg34 : memref<!tpu.dma_semaphore, #tpu.memory_space<semaphore_mem>>) src(%dma_wait3A_67 : memref<40xi32, #tpu.memory_space<hbm>>) dst(%arg9 : memref<40xi32, #tpu.memory_space<vmem>>)
    %dma_start3A_68 = arith.constant 0 : i32
    %dma_start3A_69 = arith.constant 0 : i32
    %dma_start3A_70 = tpu.memref_slice %arg2[%dma_start3A_68, %dma_start3A_69] : memref<10000x128xf32, #tpu.memory_space<hbm>> -> memref<10000x128xf32, #tpu.memory_space<hbm>>
    tpu.enqueue_indirect_dma source(%dma_start3A_70 : memref<10000x128xf32, #tpu.memory_space<hbm>>) target(%arg24 : memref<40x128xf32, #tpu.memory_space<vmem>>) offsets(%arg9 : memref<40xi32, #tpu.memory_space<vmem>>) semaphore(%arg29 : memref<!tpu.dma_semaphore, #tpu.memory_space<semaphore_mem>>)
    %dma_wait3A_71 = tpu.memref_slice %arg3[%mul3A_2] : memref<320000xi32, #tpu.memory_space<hbm>> -> memref<40xi32, #tpu.memory_space<hbm>>
    %dma_wait3A_72 = tpu.memref_slice %arg3[%mul3A_2] : memref<320000xi32, #tpu.memory_space<hbm>> -> memref<40xi32, #tpu.memory_space<hbm>>
    tpu.wait_dma2 semaphore(%arg35 : memref<!tpu.dma_semaphore, #tpu.memory_space<semaphore_mem>>) src(%dma_wait3A_72 : memref<40xi32, #tpu.memory_space<hbm>>) dst(%arg10 : memref<40xi32, #tpu.memory_space<vmem>>)
    %dma_start3A_73 = arith.constant 0 : i32
    %dma_start3A_74 = arith.constant 0 : i32
    %dma_start3A_75 = tpu.memref_slice %arg2[%dma_start3A_73, %dma_start3A_74] : memref<10000x128xf32, #tpu.memory_space<hbm>> -> memref<10000x128xf32, #tpu.memory_space<hbm>>
    tpu.enqueue_indirect_dma source(%dma_start3A_75 : memref<10000x128xf32, #tpu.memory_space<hbm>>) target(%arg25 : memref<40x128xf32, #tpu.memory_space<vmem>>) offsets(%arg10 : memref<40xi32, #tpu.memory_space<vmem>>) semaphore(%arg30 : memref<!tpu.dma_semaphore, #tpu.memory_space<semaphore_mem>>)
    %dma_wait3A_76 = tpu.memref_slice %arg3[%mul3A_2] : memref<320000xi32, #tpu.memory_space<hbm>> -> memref<40xi32, #tpu.memory_space<hbm>>
    %dma_wait3A_77 = tpu.memref_slice %arg3[%mul3A_2] : memref<320000xi32, #tpu.memory_space<hbm>> -> memref<40xi32, #tpu.memory_space<hbm>>
    tpu.wait_dma2 semaphore(%arg36 : memref<!tpu.dma_semaphore, #tpu.memory_space<semaphore_mem>>) src(%dma_wait3A_77 : memref<40xi32, #tpu.memory_space<hbm>>) dst(%arg11 : memref<40xi32, #tpu.memory_space<vmem>>)
    %dma_start3A_78 = arith.constant 0 : i32
    %dma_start3A_79 = arith.constant 0 : i32
    %dma_start3A_80 = tpu.memref_slice %arg2[%dma_start3A_78, %dma_start3A_79] : memref<10000x128xf32, #tpu.memory_space<hbm>> -> memref<10000x128xf32, #tpu.memory_space<hbm>>
    tpu.enqueue_indirect_dma source(%dma_start3A_80 : memref<10000x128xf32, #tpu.memory_space<hbm>>) target(%arg26 : memref<40x128xf32, #tpu.memory_space<vmem>>) offsets(%arg11 : memref<40xi32, #tpu.memory_space<vmem>>) semaphore(%arg31 : memref<!tpu.dma_semaphore, #tpu.memory_space<semaphore_mem>>)
    %dma_wait3A_81 = tpu.memref_slice %arg3[%mul3A_2] : memref<320000xi32, #tpu.memory_space<hbm>> -> memref<40xi32, #tpu.memory_space<hbm>>
    %dma_wait3A_82 = tpu.memref_slice %arg3[%mul3A_2] : memref<320000xi32, #tpu.memory_space<hbm>> -> memref<40xi32, #tpu.memory_space<hbm>>
    tpu.wait_dma2 semaphore(%arg37 : memref<!tpu.dma_semaphore, #tpu.memory_space<semaphore_mem>>) src(%dma_wait3A_82 : memref<40xi32, #tpu.memory_space<hbm>>) dst(%arg12 : memref<40xi32, #tpu.memory_space<vmem>>)
    %dma_start3A_83 = arith.constant 0 : i32
    %dma_start3A_84 = arith.constant 0 : i32
    %dma_start3A_85 = tpu.memref_slice %arg2[%dma_start3A_83, %dma_start3A_84] : memref<10000x128xf32, #tpu.memory_space<hbm>> -> memref<10000x128xf32, #tpu.memory_space<hbm>>
    tpu.enqueue_indirect_dma source(%dma_start3A_85 : memref<10000x128xf32, #tpu.memory_space<hbm>>) target(%arg27 : memref<40x128xf32, #tpu.memory_space<vmem>>) offsets(%arg12 : memref<40xi32, #tpu.memory_space<vmem>>) semaphore(%arg32 : memref<!tpu.dma_semaphore, #tpu.memory_space<semaphore_mem>>)
    %barrier3A = arith.constant 0 : index
    tpu.barrier barrier_id(%barrier3A)
    %scan3A_86 = arith.constant 0 : i32
    %scan3A_87 = arith.constant 24 : i32
    %scan3A_88 = arith.addi %scan3A_86, %scan3A_87 : i32
    %scan3A_89 = arith.constant 1 : i32
    scf.for %scan3A_237 = %scan3A_86 to %scan3A_88 step %scan3A_89  : i32 {
      %mul3A_238 = arith.constant 1 : i32
      %mul3A_239 = arith.muli %scan3A_237, %mul3A_238 : i32
      %add3A_240 = arith.constant 0 : i32
      %add3A_241 = arith.addi %add3A_240, %mul3A_239 : i32
      %mul3A_242 = arith.constant 10 : i32
      %mul3A_243 = arith.muli %add3A_241, %mul3A_242 : i32
      %add3A_244 = arith.constant 0 : i32
      %add3A_245 = arith.addi %mul3A_243, %add3A_244 : i32
      %dma_wait3A_246 = arith.constant 0 : i32
      %dma_wait3A_247 = arith.constant 0 : i32
      %dma_wait3A_248 = tpu.memref_slice %arg2[%dma_wait3A_246, %dma_wait3A_247] : memref<10000x128xf32, #tpu.memory_space<hbm>> -> memref<10000x128xf32, #tpu.memory_space<hbm>>
      tpu.wait_indirect_dma semaphore(%arg28 : memref<!tpu.dma_semaphore, #tpu.memory_space<semaphore_mem>>) src(%dma_wait3A_248 : memref<10000x128xf32, #tpu.memory_space<hbm>>) dst(%arg23 : memref<40x128xf32, #tpu.memory_space<vmem>>)
      %scan3A_249 = arith.constant 0 : i32
      %scan3A_250 = arith.constant 2 : i32
      %scan3A_251 = arith.addi %scan3A_249, %scan3A_250 : i32
      %scan3A_252 = arith.constant 1 : i32
      scf.for %scan3A_562 = %scan3A_249 to %scan3A_251 step %scan3A_252  : i32 {
        %mul3A_563 = arith.constant 16 : i32
        %mul3A_564 = arith.muli %scan3A_562, %mul3A_563 : i32
        %add3A_565 = arith.constant 0 : i32
        %add3A_566 = arith.addi %add3A_565, %mul3A_564 : i32
        %mul3A_567 = arith.constant 40 : i32
        %mul3A_568 = arith.muli %add3A_245, %mul3A_567 : i32
        %add3A_569 = arith.addi %mul3A_568, %add3A_566 : i32
        %get3A_570 = arith.index_cast %add3A_569 : i32 to index
        %get3A_571 = tpu.vector_load %arg7[%get3A_570] {strides = array<i32>} : memref<10000xi32, #tpu.memory_space<vmem>>, vector<16xi32>,
        %swap3A_572 = arith.index_cast %add3A_566 : i32 to index
        %swap3A_573 = tpu.vector_load %arg18[%swap3A_572] {strides = array<i32>} : memref<40xi32, #tpu.memory_space<vmem>>, vector<16xi32>,
        tpu.vector_store %arg18[%swap3A_572], %get3A_571 {strides = array<i32>} : memref<40xi32, #tpu.memory_space<vmem>>, vector<16xi32>,
      }
      %scan3A_253 = arith.constant 2 : i32
      %mul3A_254 = arith.constant 40 : i32
      %mul3A_255 = arith.muli %add3A_245, %mul3A_254 : i32
      %add3A_256 = arith.constant 24 : i32
      %add3A_257 = arith.addi %mul3A_255, %add3A_256 : i32
      %get3A_258 = arith.index_cast %add3A_257 : i32 to index
      %get3A_259 = tpu.vector_load %arg7[%get3A_258] {strides = array<i32>} : memref<10000xi32, #tpu.memory_space<vmem>>, vector<16xi32>,
      %swap3A_260 = arith.constant 24 : index
      %swap3A_261 = tpu.vector_load %arg18[%swap3A_260] {strides = array<i32>} : memref<40xi32, #tpu.memory_space<vmem>>, vector<16xi32>,
      tpu.vector_store %arg18[%swap3A_260], %get3A_259 {strides = array<i32>} : memref<40xi32, #tpu.memory_space<vmem>>, vector<16xi32>,
      "tpu.region"() ({
        %run_scoped3A = tpu.sem_alloc : memref<!tpu.dma_semaphore, #tpu.memory_space<semaphore_mem>>
        %dma_start3A_562 = arith.constant 0 : i32
        %dma_start3A_563 = arith.constant 0 : i32
        %dma_start3A_564 = tpu.memref_slice %arg6[%dma_start3A_562, %dma_start3A_563] : memref<10240x128xf32, #tpu.memory_space<vmem_shared>> -> memref<10240x128xf32, #tpu.memory_space<vmem_shared>>
        tpu.enqueue_indirect_dma source(%arg23 : memref<40x128xf32, #tpu.memory_space<vmem>>) target(%dma_start3A_564 : memref<10240x128xf32, #tpu.memory_space<vmem_shared>>) offsets(%arg18 : memref<40xi32, #tpu.memory_space<vmem>>) semaphore(%run_scoped3A : memref<!tpu.dma_semaphore, #tpu.memory_space<semaphore_mem>>) {add = true}
        %dma_wait3A_565 = arith.constant 0 : i32
        %dma_wait3A_566 = arith.constant 0 : i32
        %dma_wait3A_567 = tpu.memref_slice %arg6[%dma_wait3A_565, %dma_wait3A_566] : memref<10240x128xf32, #tpu.memory_space<vmem_shared>> -> memref<10240x128xf32, #tpu.memory_space<vmem_shared>>
        tpu.wait_indirect_dma semaphore(%run_scoped3A : memref<!tpu.dma_semaphore, #tpu.memory_space<semaphore_mem>>) src(%arg23 : memref<40x128xf32, #tpu.memory_space<vmem>>) dst(%dma_wait3A_567 : memref<10240x128xf32, #tpu.memory_space<vmem_shared>>)
        tpu.yield
      }) : () -> ()
      %dma_wait3A_262 = tpu.memref_slice %arg3[%mul3A_2] : memref<320000xi32, #tpu.memory_space<hbm>> -> memref<40xi32, #tpu.memory_space<hbm>>
      %dma_wait3A_263 = tpu.memref_slice %arg3[%mul3A_2] : memref<320000xi32, #tpu.memory_space<hbm>> -> memref<40xi32, #tpu.memory_space<hbm>>
      tpu.wait_dma2 semaphore(%arg38 : memref<!tpu.dma_semaphore, #tpu.memory_space<semaphore_mem>>) src(%dma_wait3A_263 : memref<40xi32, #tpu.memory_space<hbm>>) dst(%arg13 : memref<40xi32, #tpu.memory_space<vmem>>)
      %dma_start3A_264 = arith.constant 0 : i32
      %dma_start3A_265 = arith.constant 0 : i32
      %dma_start3A_266 = tpu.memref_slice %arg2[%dma_start3A_264, %dma_start3A_265] : memref<10000x128xf32, #tpu.memory_space<hbm>> -> memref<10000x128xf32, #tpu.memory_space<hbm>>
      tpu.enqueue_indirect_dma source(%dma_start3A_266 : memref<10000x128xf32, #tpu.memory_space<hbm>>) target(%arg23 : memref<40x128xf32, #tpu.memory_space<vmem>>) offsets(%arg13 : memref<40xi32, #tpu.memory_space<vmem>>) semaphore(%arg28 : memref<!tpu.dma_semaphore, #tpu.memory_space<semaphore_mem>>)
      %add3A_267 = arith.constant 10 : i32
      %add3A_268 = arith.addi %add3A_245, %add3A_267 : i32
      %mul3A_269 = arith.constant 40 : i32
      %mul3A_270 = arith.muli %add3A_268, %mul3A_269 : i32
      %add3A_271 = arith.addi %mul3A_2, %mul3A_270 : i32
      %dma_start3A_272 = tpu.memref_slice %arg3[%add3A_271] : memref<320000xi32, #tpu.memory_space<hbm>> -> memref<40xi32, #tpu.memory_space<hbm>>
      %dma_start3A_273 = tpu.memref_slice %arg3[%add3A_271] : memref<320000xi32, #tpu.memory_space<hbm>> -> memref<40xi32, #tpu.memory_space<hbm>>
      tpu.enqueue_dma source(%dma_start3A_273 : memref<40xi32, #tpu.memory_space<hbm>>) target(%arg8 : memref<40xi32, #tpu.memory_space<vmem>>) target_semaphore(%arg33 : memref<!tpu.dma_semaphore, #tpu.memory_space<semaphore_mem>>)
      %mul3A_274 = arith.constant 10 : i32
      %mul3A_275 = arith.muli %add3A_241, %mul3A_274 : i32
      %add3A_276 = arith.constant 1 : i32
      %add3A_277 = arith.addi %mul3A_275, %add3A_276 : i32
      %dma_wait3A_278 = arith.constant 0 : i32
      %dma_wait3A_279 = arith.constant 0 : i32
      %dma_wait3A_280 = tpu.memref_slice %arg2[%dma_wait3A_278, %dma_wait3A_279] : memref<10000x128xf32, #tpu.memory_space<hbm>> -> memref<10000x128xf32, #tpu.memory_space<hbm>>
      tpu.wait_indirect_dma semaphore(%arg29 : memref<!tpu.dma_semaphore, #tpu.memory_space<semaphore_mem>>) src(%dma_wait3A_280 : memref<10000x128xf32, #tpu.memory_space<hbm>>) dst(%arg24 : memref<40x128xf32, #tpu.memory_space<vmem>>)
      %scan3A_281 = arith.constant 0 : i32
      %scan3A_282 = arith.constant 2 : i32
      %scan3A_283 = arith.addi %scan3A_281, %scan3A_282 : i32
      %scan3A_284 = arith.constant 1 : i32
      scf.for %scan3A_562 = %scan3A_281 to %scan3A_283 step %scan3A_284  : i32 {
        %mul3A_563 = arith.constant 16 : i32
        %mul3A_564 = arith.muli %scan3A_562, %mul3A_563 : i32
        %add3A_565 = arith.constant 0 : i32
        %add3A_566 = arith.addi %add3A_565, %mul3A_564 : i32
        %mul3A_567 = arith.constant 40 : i32
        %mul3A_568 = arith.muli %add3A_277, %mul3A_567 : i32
        %add3A_569 = arith.addi %mul3A_568, %add3A_566 : i32
        %get3A_570 = arith.index_cast %add3A_569 : i32 to index
        %get3A_571 = tpu.vector_load %arg7[%get3A_570] {strides = array<i32>} : memref<10000xi32, #tpu.memory_space<vmem>>, vector<16xi32>,
        %swap3A_572 = arith.index_cast %add3A_566 : i32 to index
        %swap3A_573 = tpu.vector_load %arg19[%swap3A_572] {strides = array<i32>} : memref<40xi32, #tpu.memory_space<vmem>>, vector<16xi32>,
        tpu.vector_store %arg19[%swap3A_572], %get3A_571 {strides = array<i32>} : memref<40xi32, #tpu.memory_space<vmem>>, vector<16xi32>,
      }
      %scan3A_285 = arith.constant 2 : i32
      %mul3A_286 = arith.constant 40 : i32
      %mul3A_287 = arith.muli %add3A_277, %mul3A_286 : i32
      %add3A_288 = arith.constant 24 : i32
      %add3A_289 = arith.addi %mul3A_287, %add3A_288 : i32
      %get3A_290 = arith.index_cast %add3A_289 : i32 to index
      %get3A_291 = tpu.vector_load %arg7[%get3A_290] {strides = array<i32>} : memref<10000xi32, #tpu.memory_space<vmem>>, vector<16xi32>,
      %swap3A_292 = arith.constant 24 : index
      %swap3A_293 = tpu.vector_load %arg19[%swap3A_292] {strides = array<i32>} : memref<40xi32, #tpu.memory_space<vmem>>, vector<16xi32>,
      tpu.vector_store %arg19[%swap3A_292], %get3A_291 {strides = array<i32>} : memref<40xi32, #tpu.memory_space<vmem>>, vector<16xi32>,
      "tpu.region"() ({
        %run_scoped3A = tpu.sem_alloc : memref<!tpu.dma_semaphore, #tpu.memory_space<semaphore_mem>>
        %dma_start3A_562 = arith.constant 0 : i32
        %dma_start3A_563 = arith.constant 0 : i32
        %dma_start3A_564 = tpu.memref_slice %arg6[%dma_start3A_562, %dma_start3A_563] : memref<10240x128xf32, #tpu.memory_space<vmem_shared>> -> memref<10240x128xf32, #tpu.memory_space<vmem_shared>>
        tpu.enqueue_indirect_dma source(%arg24 : memref<40x128xf32, #tpu.memory_space<vmem>>) target(%dma_start3A_564 : memref<10240x128xf32, #tpu.memory_space<vmem_shared>>) offsets(%arg19 : memref<40xi32, #tpu.memory_space<vmem>>) semaphore(%run_scoped3A : memref<!tpu.dma_semaphore, #tpu.memory_space<semaphore_mem>>) {add = true}
        %dma_wait3A_565 = arith.constant 0 : i32
        %dma_wait3A_566 = arith.constant 0 : i32
        %dma_wait3A_567 = tpu.memref_slice %arg6[%dma_wait3A_565, %dma_wait3A_566] : memref<10240x128xf32, #tpu.memory_space<vmem_shared>> -> memref<10240x128xf32, #tpu.memory_space<vmem_shared>>
        tpu.wait_indirect_dma semaphore(%run_scoped3A : memref<!tpu.dma_semaphore, #tpu.memory_space<semaphore_mem>>) src(%arg24 : memref<40x128xf32, #tpu.memory_space<vmem>>) dst(%dma_wait3A_567 : memref<10240x128xf32, #tpu.memory_space<vmem_shared>>)
        tpu.yield
      }) : () -> ()
      %dma_wait3A_294 = tpu.memref_slice %arg3[%mul3A_2] : memref<320000xi32, #tpu.memory_space<hbm>> -> memref<40xi32, #tpu.memory_space<hbm>>
      %dma_wait3A_295 = tpu.memref_slice %arg3[%mul3A_2] : memref<320000xi32, #tpu.memory_space<hbm>> -> memref<40xi32, #tpu.memory_space<hbm>>
      tpu.wait_dma2 semaphore(%arg39 : memref<!tpu.dma_semaphore, #tpu.memory_space<semaphore_mem>>) src(%dma_wait3A_295 : memref<40xi32, #tpu.memory_space<hbm>>) dst(%arg14 : memref<40xi32, #tpu.memory_space<vmem>>)
      %dma_start3A_296 = arith.constant 0 : i32
      %dma_start3A_297 = arith.constant 0 : i32
      %dma_start3A_298 = tpu.memref_slice %arg2[%dma_start3A_296, %dma_start3A_297] : memref<10000x128xf32, #tpu.memory_space<hbm>> -> memref<10000x128xf32, #tpu.memory_space<hbm>>
      tpu.enqueue_indirect_dma source(%dma_start3A_298 : memref<10000x128xf32, #tpu.memory_space<hbm>>) target(%arg24 : memref<40x128xf32, #tpu.memory_space<vmem>>) offsets(%arg14 : memref<40xi32, #tpu.memory_space<vmem>>) semaphore(%arg29 : memref<!tpu.dma_semaphore, #tpu.memory_space<semaphore_mem>>)
      %add3A_299 = arith.constant 10 : i32
      %add3A_300 = arith.addi %add3A_277, %add3A_299 : i32
      %mul3A_301 = arith.constant 40 : i32
      %mul3A_302 = arith.muli %add3A_300, %mul3A_301 : i32
      %add3A_303 = arith.addi %mul3A_2, %mul3A_302 : i32
      %dma_start3A_304 = tpu.memref_slice %arg3[%add3A_303] : memref<320000xi32, #tpu.memory_space<hbm>> -> memref<40xi32, #tpu.memory_space<hbm>>
      %dma_start3A_305 = tpu.memref_slice %arg3[%add3A_303] : memref<320000xi32, #tpu.memory_space<hbm>> -> memref<40xi32, #tpu.memory_space<hbm>>
      tpu.enqueue_dma source(%dma_start3A_305 : memref<40xi32, #tpu.memory_space<hbm>>) target(%arg9 : memref<40xi32, #tpu.memory_space<vmem>>) target_semaphore(%arg34 : memref<!tpu.dma_semaphore, #tpu.memory_space<semaphore_mem>>)
      %mul3A_306 = arith.constant 10 : i32
      %mul3A_307 = arith.muli %add3A_241, %mul3A_306 : i32
      %add3A_308 = arith.constant 2 : i32
      %add3A_309 = arith.addi %mul3A_307, %add3A_308 : i32
      %dma_wait3A_310 = arith.constant 0 : i32
      %dma_wait3A_311 = arith.constant 0 : i32
      %dma_wait3A_312 = tpu.memref_slice %arg2[%dma_wait3A_310, %dma_wait3A_311] : memref<10000x128xf32, #tpu.memory_space<hbm>> -> memref<10000x128xf32, #tpu.memory_space<hbm>>
      tpu.wait_indirect_dma semaphore(%arg30 : memref<!tpu.dma_semaphore, #tpu.memory_space<semaphore_mem>>) src(%dma_wait3A_312 : memref<10000x128xf32, #tpu.memory_space<hbm>>) dst(%arg25 : memref<40x128xf32, #tpu.memory_space<vmem>>)
      %scan3A_313 = arith.constant 0 : i32
      %scan3A_314 = arith.constant 2 : i32
      %scan3A_315 = arith.addi %scan3A_313, %scan3A_314 : i32
      %scan3A_316 = arith.constant 1 : i32
      scf.for %scan3A_562 = %scan3A_313 to %scan3A_315 step %scan3A_316  : i32 {
        %mul3A_563 = arith.constant 16 : i32
        %mul3A_564 = arith.muli %scan3A_562, %mul3A_563 : i32
        %add3A_565 = arith.constant 0 : i32
        %add3A_566 = arith.addi %add3A_565, %mul3A_564 : i32
        %mul3A_567 = arith.constant 40 : i32
        %mul3A_568 = arith.muli %add3A_309, %mul3A_567 : i32
        %add3A_569 = arith.addi %mul3A_568, %add3A_566 : i32
        %get3A_570 = arith.index_cast %add3A_569 : i32 to index
        %get3A_571 = tpu.vector_load %arg7[%get3A_570] {strides = array<i32>} : memref<10000xi32, #tpu.memory_space<vmem>>, vector<16xi32>,
        %swap3A_572 = arith.index_cast %add3A_566 : i32 to index
        %swap3A_573 = tpu.vector_load %arg20[%swap3A_572] {strides = array<i32>} : memref<40xi32, #tpu.memory_space<vmem>>, vector<16xi32>,
        tpu.vector_store %arg20[%swap3A_572], %get3A_571 {strides = array<i32>} : memref<40xi32, #tpu.memory_space<vmem>>, vector<16xi32>,
      }
      %scan3A_317 = arith.constant 2 : i32
      %mul3A_318 = arith.constant 40 : i32
      %mul3A_319 = arith.muli %add3A_309, %mul3A_318 : i32
      %add3A_320 = arith.constant 24 : i32
      %add3A_321 = arith.addi %mul3A_319, %add3A_320 : i32
      %get3A_322 = arith.index_cast %add3A_321 : i32 to index
      %get3A_323 = tpu.vector_load %arg7[%get3A_322] {strides = array<i32>} : memref<10000xi32, #tpu.memory_space<vmem>>, vector<16xi32>,
      %swap3A_324 = arith.constant 24 : index
      %swap3A_325 = tpu.vector_load %arg20[%swap3A_324] {strides = array<i32>} : memref<40xi32, #tpu.memory_space<vmem>>, vector<16xi32>,
      tpu.vector_store %arg20[%swap3A_324], %get3A_323 {strides = array<i32>} : memref<40xi32, #tpu.memory_space<vmem>>, vector<16xi32>,
      "tpu.region"() ({
        %run_scoped3A = tpu.sem_alloc : memref<!tpu.dma_semaphore, #tpu.memory_space<semaphore_mem>>
        %dma_start3A_562 = arith.constant 0 : i32
        %dma_start3A_563 = arith.constant 0 : i32
        %dma_start3A_564 = tpu.memref_slice %arg6[%dma_start3A_562, %dma_start3A_563] : memref<10240x128xf32, #tpu.memory_space<vmem_shared>> -> memref<10240x128xf32, #tpu.memory_space<vmem_shared>>
        tpu.enqueue_indirect_dma source(%arg25 : memref<40x128xf32, #tpu.memory_space<vmem>>) target(%dma_start3A_564 : memref<10240x128xf32, #tpu.memory_space<vmem_shared>>) offsets(%arg20 : memref<40xi32, #tpu.memory_space<vmem>>) semaphore(%run_scoped3A : memref<!tpu.dma_semaphore, #tpu.memory_space<semaphore_mem>>) {add = true}
        %dma_wait3A_565 = arith.constant 0 : i32
        %dma_wait3A_566 = arith.constant 0 : i32
        %dma_wait3A_567 = tpu.memref_slice %arg6[%dma_wait3A_565, %dma_wait3A_566] : memref<10240x128xf32, #tpu.memory_space<vmem_shared>> -> memref<10240x128xf32, #tpu.memory_space<vmem_shared>>
        tpu.wait_indirect_dma semaphore(%run_scoped3A : memref<!tpu.dma_semaphore, #tpu.memory_space<semaphore_mem>>) src(%arg25 : memref<40x128xf32, #tpu.memory_space<vmem>>) dst(%dma_wait3A_567 : memref<10240x128xf32, #tpu.memory_space<vmem_shared>>)
        tpu.yield
      }) : () -> ()
      %dma_wait3A_326 = tpu.memref_slice %arg3[%mul3A_2] : memref<320000xi32, #tpu.memory_space<hbm>> -> memref<40xi32, #tpu.memory_space<hbm>>
      %dma_wait3A_327 = tpu.memref_slice %arg3[%mul3A_2] : memref<320000xi32, #tpu.memory_space<hbm>> -> memref<40xi32, #tpu.memory_space<hbm>>
      tpu.wait_dma2 semaphore(%arg40 : memref<!tpu.dma_semaphore, #tpu.memory_space<semaphore_mem>>) src(%dma_wait3A_327 : memref<40xi32, #tpu.memory_space<hbm>>) dst(%arg15 : memref<40xi32, #tpu.memory_space<vmem>>)
      %dma_start3A_328 = arith.constant 0 : i32
      %dma_start3A_329 = arith.constant 0 : i32
      %dma_start3A_330 = tpu.memref_slice %arg2[%dma_start3A_328, %dma_start3A_329] : memref<10000x128xf32, #tpu.memory_space<hbm>> -> memref<10000x128xf32, #tpu.memory_space<hbm>>
      tpu.enqueue_indirect_dma source(%dma_start3A_330 : memref<10000x128xf32, #tpu.memory_space<hbm>>) target(%arg25 : memref<40x128xf32, #tpu.memory_space<vmem>>) offsets(%arg15 : memref<40xi32, #tpu.memory_space<vmem>>) semaphore(%arg30 : memref<!tpu.dma_semaphore, #tpu.memory_space<semaphore_mem>>)
      %add3A_331 = arith.constant 10 : i32
      %add3A_332 = arith.addi %add3A_309, %add3A_331 : i32
      %mul3A_333 = arith.constant 40 : i32
      %mul3A_334 = arith.muli %add3A_332, %mul3A_333 : i32
      %add3A_335 = arith.addi %mul3A_2, %mul3A_334 : i32
      %dma_start3A_336 = tpu.memref_slice %arg3[%add3A_335] : memref<320000xi32, #tpu.memory_space<hbm>> -> memref<40xi32, #tpu.memory_space<hbm>>
      %dma_start3A_337 = tpu.memref_slice %arg3[%add3A_335] : memref<320000xi32, #tpu.memory_space<hbm>> -> memref<40xi32, #tpu.memory_space<hbm>>
      tpu.enqueue_dma source(%dma_start3A_337 : memref<40xi32, #tpu.memory_space<hbm>>) target(%arg10 : memref<40xi32, #tpu.memory_space<vmem>>) target_semaphore(%arg35 : memref<!tpu.dma_semaphore, #tpu.memory_space<semaphore_mem>>)
      %mul3A_338 = arith.constant 10 : i32
      %mul3A_339 = arith.muli %add3A_241, %mul3A_338 : i32
      %add3A_340 = arith.constant 3 : i32
      %add3A_341 = arith.addi %mul3A_339, %add3A_340 : i32
      %dma_wait3A_342 = arith.constant 0 : i32
      %dma_wait3A_343 = arith.constant 0 : i32
      %dma_wait3A_344 = tpu.memref_slice %arg2[%dma_wait3A_342, %dma_wait3A_343] : memref<10000x128xf32, #tpu.memory_space<hbm>> -> memref<10000x128xf32, #tpu.memory_space<hbm>>
      tpu.wait_indirect_dma semaphore(%arg31 : memref<!tpu.dma_semaphore, #tpu.memory_space<semaphore_mem>>) src(%dma_wait3A_344 : memref<10000x128xf32, #tpu.memory_space<hbm>>) dst(%arg26 : memref<40x128xf32, #tpu.memory_space<vmem>>)
      %scan3A_345 = arith.constant 0 : i32
      %scan3A_346 = arith.constant 2 : i32
      %scan3A_347 = arith.addi %scan3A_345, %scan3A_346 : i32
      %scan3A_348 = arith.constant 1 : i32
      scf.for %scan3A_562 = %scan3A_345 to %scan3A_347 step %scan3A_348  : i32 {
        %mul3A_563 = arith.constant 16 : i32
        %mul3A_564 = arith.muli %scan3A_562, %mul3A_563 : i32
        %add3A_565 = arith.constant 0 : i32
        %add3A_566 = arith.addi %add3A_565, %mul3A_564 : i32
        %mul3A_567 = arith.constant 40 : i32
        %mul3A_568 = arith.muli %add3A_341, %mul3A_567 : i32
        %add3A_569 = arith.addi %mul3A_568, %add3A_566 : i32
        %get3A_570 = arith.index_cast %add3A_569 : i32 to index
        %get3A_571 = tpu.vector_load %arg7[%get3A_570] {strides = array<i32>} : memref<10000xi32, #tpu.memory_space<vmem>>, vector<16xi32>,
        %swap3A_572 = arith.index_cast %add3A_566 : i32 to index
        %swap3A_573 = tpu.vector_load %arg21[%swap3A_572] {strides = array<i32>} : memref<40xi32, #tpu.memory_space<vmem>>, vector<16xi32>,
        tpu.vector_store %arg21[%swap3A_572], %get3A_571 {strides = array<i32>} : memref<40xi32, #tpu.memory_space<vmem>>, vector<16xi32>,
      }
      %scan3A_349 = arith.constant 2 : i32
      %mul3A_350 = arith.constant 40 : i32
      %mul3A_351 = arith.muli %add3A_341, %mul3A_350 : i32
      %add3A_352 = arith.constant 24 : i32
      %add3A_353 = arith.addi %mul3A_351, %add3A_352 : i32
      %get3A_354 = arith.index_cast %add3A_353 : i32 to index
      %get3A_355 = tpu.vector_load %arg7[%get3A_354] {strides = array<i32>} : memref<10000xi32, #tpu.memory_space<vmem>>, vector<16xi32>,
      %swap3A_356 = arith.constant 24 : index
      %swap3A_357 = tpu.vector_load %arg21[%swap3A_356] {strides = array<i32>} : memref<40xi32, #tpu.memory_space<vmem>>, vector<16xi32>,
      tpu.vector_store %arg21[%swap3A_356], %get3A_355 {strides = array<i32>} : memref<40xi32, #tpu.memory_space<vmem>>, vector<16xi32>,
      "tpu.region"() ({
        %run_scoped3A = tpu.sem_alloc : memref<!tpu.dma_semaphore, #tpu.memory_space<semaphore_mem>>
        %dma_start3A_562 = arith.constant 0 : i32
        %dma_start3A_563 = arith.constant 0 : i32
        %dma_start3A_564 = tpu.memref_slice %arg6[%dma_start3A_562, %dma_start3A_563] : memref<10240x128xf32, #tpu.memory_space<vmem_shared>> -> memref<10240x128xf32, #tpu.memory_space<vmem_shared>>
        tpu.enqueue_indirect_dma source(%arg26 : memref<40x128xf32, #tpu.memory_space<vmem>>) target(%dma_start3A_564 : memref<10240x128xf32, #tpu.memory_space<vmem_shared>>) offsets(%arg21 : memref<40xi32, #tpu.memory_space<vmem>>) semaphore(%run_scoped3A : memref<!tpu.dma_semaphore, #tpu.memory_space<semaphore_mem>>) {add = true}
        %dma_wait3A_565 = arith.constant 0 : i32
        %dma_wait3A_566 = arith.constant 0 : i32
        %dma_wait3A_567 = tpu.memref_slice %arg6[%dma_wait3A_565, %dma_wait3A_566] : memref<10240x128xf32, #tpu.memory_space<vmem_shared>> -> memref<10240x128xf32, #tpu.memory_space<vmem_shared>>
        tpu.wait_indirect_dma semaphore(%run_scoped3A : memref<!tpu.dma_semaphore, #tpu.memory_space<semaphore_mem>>) src(%arg26 : memref<40x128xf32, #tpu.memory_space<vmem>>) dst(%dma_wait3A_567 : memref<10240x128xf32, #tpu.memory_space<vmem_shared>>)
        tpu.yield
      }) : () -> ()
      %dma_wait3A_358 = tpu.memref_slice %arg3[%mul3A_2] : memref<320000xi32, #tpu.memory_space<hbm>> -> memref<40xi32, #tpu.memory_space<hbm>>
      %dma_wait3A_359 = tpu.memref_slice %arg3[%mul3A_2] : memref<320000xi32, #tpu.memory_space<hbm>> -> memref<40xi32, #tpu.memory_space<hbm>>
      tpu.wait_dma2 semaphore(%arg41 : memref<!tpu.dma_semaphore, #tpu.memory_space<semaphore_mem>>) src(%dma_wait3A_359 : memref<40xi32, #tpu.memory_space<hbm>>) dst(%arg16 : memref<40xi32, #tpu.memory_space<vmem>>)
      %dma_start3A_360 = arith.constant 0 : i32
      %dma_start3A_361 = arith.constant 0 : i32
      %dma_start3A_362 = tpu.memref_slice %arg2[%dma_start3A_360, %dma_start3A_361] : memref<10000x128xf32, #tpu.memory_space<hbm>> -> memref<10000x128xf32, #tpu.memory_space<hbm>>
      tpu.enqueue_indirect_dma source(%dma_start3A_362 : memref<10000x128xf32, #tpu.memory_space<hbm>>) target(%arg26 : memref<40x128xf32, #tpu.memory_space<vmem>>) offsets(%arg16 : memref<40xi32, #tpu.memory_space<vmem>>) semaphore(%arg31 : memref<!tpu.dma_semaphore, #tpu.memory_space<semaphore_mem>>)
      %add3A_363 = arith.constant 10 : i32
      %add3A_364 = arith.addi %add3A_341, %add3A_363 : i32
      %mul3A_365 = arith.constant 40 : i32
      %mul3A_366 = arith.muli %add3A_364, %mul3A_365 : i32
      %add3A_367 = arith.addi %mul3A_2, %mul3A_366 : i32
      %dma_start3A_368 = tpu.memref_slice %arg3[%add3A_367] : memref<320000xi32, #tpu.memory_space<hbm>> -> memref<40xi32, #tpu.memory_space<hbm>>
      %dma_start3A_369 = tpu.memref_slice %arg3[%add3A_367] : memref<320000xi32, #tpu.memory_space<hbm>> -> memref<40xi32, #tpu.memory_space<hbm>>
      tpu.enqueue_dma source(%dma_start3A_369 : memref<40xi32, #tpu.memory_space<hbm>>) target(%arg11 : memref<40xi32, #tpu.memory_space<vmem>>) target_semaphore(%arg36 : memref<!tpu.dma_semaphore, #tpu.memory_space<semaphore_mem>>)
      %mul3A_370 = arith.constant 10 : i32
      %mul3A_371 = arith.muli %add3A_241, %mul3A_370 : i32
      %add3A_372 = arith.constant 4 : i32
      %add3A_373 = arith.addi %mul3A_371, %add3A_372 : i32
      %dma_wait3A_374 = arith.constant 0 : i32
      %dma_wait3A_375 = arith.constant 0 : i32
      %dma_wait3A_376 = tpu.memref_slice %arg2[%dma_wait3A_374, %dma_wait3A_375] : memref<10000x128xf32, #tpu.memory_space<hbm>> -> memref<10000x128xf32, #tpu.memory_space<hbm>>
      tpu.wait_indirect_dma semaphore(%arg32 : memref<!tpu.dma_semaphore, #tpu.memory_space<semaphore_mem>>) src(%dma_wait3A_376 : memref<10000x128xf32, #tpu.memory_space<hbm>>) dst(%arg27 : memref<40x128xf32, #tpu.memory_space<vmem>>)
      %scan3A_377 = arith.constant 0 : i32
      %scan3A_378 = arith.constant 2 : i32
      %scan3A_379 = arith.addi %scan3A_377, %scan3A_378 : i32
      %scan3A_380 = arith.constant 1 : i32
      scf.for %scan3A_562 = %scan3A_377 to %scan3A_379 step %scan3A_380  : i32 {
        %mul3A_563 = arith.constant 16 : i32
        %mul3A_564 = arith.muli %scan3A_562, %mul3A_563 : i32
        %add3A_565 = arith.constant 0 : i32
        %add3A_566 = arith.addi %add3A_565, %mul3A_564 : i32
        %mul3A_567 = arith.constant 40 : i32
        %mul3A_568 = arith.muli %add3A_373, %mul3A_567 : i32
        %add3A_569 = arith.addi %mul3A_568, %add3A_566 : i32
        %get3A_570 = arith.index_cast %add3A_569 : i32 to index
        %get3A_571 = tpu.vector_load %arg7[%get3A_570] {strides = array<i32>} : memref<10000xi32, #tpu.memory_space<vmem>>, vector<16xi32>,
        %swap3A_572 = arith.index_cast %add3A_566 : i32 to index
        %swap3A_573 = tpu.vector_load %arg22[%swap3A_572] {strides = array<i32>} : memref<40xi32, #tpu.memory_space<vmem>>, vector<16xi32>,
        tpu.vector_store %arg22[%swap3A_572], %get3A_571 {strides = array<i32>} : memref<40xi32, #tpu.memory_space<vmem>>, vector<16xi32>,
      }
      %scan3A_381 = arith.constant 2 : i32
      %mul3A_382 = arith.constant 40 : i32
      %mul3A_383 = arith.muli %add3A_373, %mul3A_382 : i32
      %add3A_384 = arith.constant 24 : i32
      %add3A_385 = arith.addi %mul3A_383, %add3A_384 : i32
      %get3A_386 = arith.index_cast %add3A_385 : i32 to index
      %get3A_387 = tpu.vector_load %arg7[%get3A_386] {strides = array<i32>} : memref<10000xi32, #tpu.memory_space<vmem>>, vector<16xi32>,
      %swap3A_388 = arith.constant 24 : index
      %swap3A_389 = tpu.vector_load %arg22[%swap3A_388] {strides = array<i32>} : memref<40xi32, #tpu.memory_space<vmem>>, vector<16xi32>,
      tpu.vector_store %arg22[%swap3A_388], %get3A_387 {strides = array<i32>} : memref<40xi32, #tpu.memory_space<vmem>>, vector<16xi32>,
      "tpu.region"() ({
        %run_scoped3A = tpu.sem_alloc : memref<!tpu.dma_semaphore, #tpu.memory_space<semaphore_mem>>
        %dma_start3A_562 = arith.constant 0 : i32
        %dma_start3A_563 = arith.constant 0 : i32
        %dma_start3A_564 = tpu.memref_slice %arg6[%dma_start3A_562, %dma_start3A_563] : memref<10240x128xf32, #tpu.memory_space<vmem_shared>> -> memref<10240x128xf32, #tpu.memory_space<vmem_shared>>
        tpu.enqueue_indirect_dma source(%arg27 : memref<40x128xf32, #tpu.memory_space<vmem>>) target(%dma_start3A_564 : memref<10240x128xf32, #tpu.memory_space<vmem_shared>>) offsets(%arg22 : memref<40xi32, #tpu.memory_space<vmem>>) semaphore(%run_scoped3A : memref<!tpu.dma_semaphore, #tpu.memory_space<semaphore_mem>>) {add = true}
        %dma_wait3A_565 = arith.constant 0 : i32
        %dma_wait3A_566 = arith.constant 0 : i32
        %dma_wait3A_567 = tpu.memref_slice %arg6[%dma_wait3A_565, %dma_wait3A_566] : memref<10240x128xf32, #tpu.memory_space<vmem_shared>> -> memref<10240x128xf32, #tpu.memory_space<vmem_shared>>
        tpu.wait_indirect_dma semaphore(%run_scoped3A : memref<!tpu.dma_semaphore, #tpu.memory_space<semaphore_mem>>) src(%arg27 : memref<40x128xf32, #tpu.memory_space<vmem>>) dst(%dma_wait3A_567 : memref<10240x128xf32, #tpu.memory_space<vmem_shared>>)
        tpu.yield
      }) : () -> ()
      %dma_wait3A_390 = tpu.memref_slice %arg3[%mul3A_2] : memref<320000xi32, #tpu.memory_space<hbm>> -> memref<40xi32, #tpu.memory_space<hbm>>
      %dma_wait3A_391 = tpu.memref_slice %arg3[%mul3A_2] : memref<320000xi32, #tpu.memory_space<hbm>> -> memref<40xi32, #tpu.memory_space<hbm>>
      tpu.wait_dma2 semaphore(%arg42 : memref<!tpu.dma_semaphore, #tpu.memory_space<semaphore_mem>>) src(%dma_wait3A_391 : memref<40xi32, #tpu.memory_space<hbm>>) dst(%arg17 : memref<40xi32, #tpu.memory_space<vmem>>)
      %dma_start3A_392 = arith.constant 0 : i32
      %dma_start3A_393 = arith.constant 0 : i32
      %dma_start3A_394 = tpu.memref_slice %arg2[%dma_start3A_392, %dma_start3A_393] : memref<10000x128xf32, #tpu.memory_space<hbm>> -> memref<10000x128xf32, #tpu.memory_space<hbm>>
      tpu.enqueue_indirect_dma source(%dma_start3A_394 : memref<10000x128xf32, #tpu.memory_space<hbm>>) target(%arg27 : memref<40x128xf32, #tpu.memory_space<vmem>>) offsets(%arg17 : memref<40xi32, #tpu.memory_space<vmem>>) semaphore(%arg32 : memref<!tpu.dma_semaphore, #tpu.memory_space<semaphore_mem>>)
      %add3A_395 = arith.constant 10 : i32
      %add3A_396 = arith.addi %add3A_373, %add3A_395 : i32
      %mul3A_397 = arith.constant 40 : i32
      %mul3A_398 = arith.muli %add3A_396, %mul3A_397 : i32
      %add3A_399 = arith.addi %mul3A_2, %mul3A_398 : i32
      %dma_start3A_400 = tpu.memref_slice %arg3[%add3A_399] : memref<320000xi32, #tpu.memory_space<hbm>> -> memref<40xi32, #tpu.memory_space<hbm>>
      %dma_start3A_401 = tpu.memref_slice %arg3[%add3A_399] : memref<320000xi32, #tpu.memory_space<hbm>> -> memref<40xi32, #tpu.memory_space<hbm>>
      tpu.enqueue_dma source(%dma_start3A_401 : memref<40xi32, #tpu.memory_space<hbm>>) target(%arg12 : memref<40xi32, #tpu.memory_space<vmem>>) target_semaphore(%arg37 : memref<!tpu.dma_semaphore, #tpu.memory_space<semaphore_mem>>)
      %mul3A_402 = arith.constant 10 : i32
      %mul3A_403 = arith.muli %add3A_241, %mul3A_402 : i32
      %add3A_404 = arith.constant 5 : i32
      %add3A_405 = arith.addi %mul3A_403, %add3A_404 : i32
      %dma_wait3A_406 = arith.constant 0 : i32
      %dma_wait3A_407 = arith.constant 0 : i32
      %dma_wait3A_408 = tpu.memref_slice %arg2[%dma_wait3A_406, %dma_wait3A_407] : memref<10000x128xf32, #tpu.memory_space<hbm>> -> memref<10000x128xf32, #tpu.memory_space<hbm>>
      tpu.wait_indirect_dma semaphore(%arg28 : memref<!tpu.dma_semaphore, #tpu.memory_space<semaphore_mem>>) src(%dma_wait3A_408 : memref<10000x128xf32, #tpu.memory_space<hbm>>) dst(%arg23 : memref<40x128xf32, #tpu.memory_space<vmem>>)
      %scan3A_409 = arith.constant 0 : i32
      %scan3A_410 = arith.constant 2 : i32
      %scan3A_411 = arith.addi %scan3A_409, %scan3A_410 : i32
      %scan3A_412 = arith.constant 1 : i32
      scf.for %scan3A_562 = %scan3A_409 to %scan3A_411 step %scan3A_412  : i32 {
        %mul3A_563 = arith.constant 16 : i32
        %mul3A_564 = arith.muli %scan3A_562, %mul3A_563 : i32
        %add3A_565 = arith.constant 0 : i32
        %add3A_566 = arith.addi %add3A_565, %mul3A_564 : i32
        %mul3A_567 = arith.constant 40 : i32
        %mul3A_568 = arith.muli %add3A_405, %mul3A_567 : i32
        %add3A_569 = arith.addi %mul3A_568, %add3A_566 : i32
        %get3A_570 = arith.index_cast %add3A_569 : i32 to index
        %get3A_571 = tpu.vector_load %arg7[%get3A_570] {strides = array<i32>} : memref<10000xi32, #tpu.memory_space<vmem>>, vector<16xi32>,
        %swap3A_572 = arith.index_cast %add3A_566 : i32 to index
        %swap3A_573 = tpu.vector_load %arg18[%swap3A_572] {strides = array<i32>} : memref<40xi32, #tpu.memory_space<vmem>>, vector<16xi32>,
        tpu.vector_store %arg18[%swap3A_572], %get3A_571 {strides = array<i32>} : memref<40xi32, #tpu.memory_space<vmem>>, vector<16xi32>,
      }
      %scan3A_413 = arith.constant 2 : i32
      %mul3A_414 = arith.constant 40 : i32
      %mul3A_415 = arith.muli %add3A_405, %mul3A_414 : i32
      %add3A_416 = arith.constant 24 : i32
      %add3A_417 = arith.addi %mul3A_415, %add3A_416 : i32
      %get3A_418 = arith.index_cast %add3A_417 : i32 to index
      %get3A_419 = tpu.vector_load %arg7[%get3A_418] {strides = array<i32>} : memref<10000xi32, #tpu.memory_space<vmem>>, vector<16xi32>,
      %swap3A_420 = arith.constant 24 : index
      %swap3A_421 = tpu.vector_load %arg18[%swap3A_420] {strides = array<i32>} : memref<40xi32, #tpu.memory_space<vmem>>, vector<16xi32>,
      tpu.vector_store %arg18[%swap3A_420], %get3A_419 {strides = array<i32>} : memref<40xi32, #tpu.memory_space<vmem>>, vector<16xi32>,
      "tpu.region"() ({
        %run_scoped3A = tpu.sem_alloc : memref<!tpu.dma_semaphore, #tpu.memory_space<semaphore_mem>>
        %dma_start3A_562 = arith.constant 0 : i32
        %dma_start3A_563 = arith.constant 0 : i32
        %dma_start3A_564 = tpu.memref_slice %arg6[%dma_start3A_562, %dma_start3A_563] : memref<10240x128xf32, #tpu.memory_space<vmem_shared>> -> memref<10240x128xf32, #tpu.memory_space<vmem_shared>>
        tpu.enqueue_indirect_dma source(%arg23 : memref<40x128xf32, #tpu.memory_space<vmem>>) target(%dma_start3A_564 : memref<10240x128xf32, #tpu.memory_space<vmem_shared>>) offsets(%arg18 : memref<40xi32, #tpu.memory_space<vmem>>) semaphore(%run_scoped3A : memref<!tpu.dma_semaphore, #tpu.memory_space<semaphore_mem>>) {add = true}
        %dma_wait3A_565 = arith.constant 0 : i32
        %dma_wait3A_566 = arith.constant 0 : i32
        %dma_wait3A_567 = tpu.memref_slice %arg6[%dma_wait3A_565, %dma_wait3A_566] : memref<10240x128xf32, #tpu.memory_space<vmem_shared>> -> memref<10240x128xf32, #tpu.memory_space<vmem_shared>>
        tpu.wait_indirect_dma semaphore(%run_scoped3A : memref<!tpu.dma_semaphore, #tpu.memory_space<semaphore_mem>>) src(%arg23 : memref<40x128xf32, #tpu.memory_space<vmem>>) dst(%dma_wait3A_567 : memref<10240x128xf32, #tpu.memory_space<vmem_shared>>)
        tpu.yield
      }) : () -> ()
      %dma_wait3A_422 = tpu.memref_slice %arg3[%mul3A_2] : memref<320000xi32, #tpu.memory_space<hbm>> -> memref<40xi32, #tpu.memory_space<hbm>>
      %dma_wait3A_423 = tpu.memref_slice %arg3[%mul3A_2] : memref<320000xi32, #tpu.memory_space<hbm>> -> memref<40xi32, #tpu.memory_space<hbm>>
      tpu.wait_dma2 semaphore(%arg33 : memref<!tpu.dma_semaphore, #tpu.memory_space<semaphore_mem>>) src(%dma_wait3A_423 : memref<40xi32, #tpu.memory_space<hbm>>) dst(%arg8 : memref<40xi32, #tpu.memory_space<vmem>>)
      %dma_start3A_424 = arith.constant 0 : i32
      %dma_start3A_425 = arith.constant 0 : i32
      %dma_start3A_426 = tpu.memref_slice %arg2[%dma_start3A_424, %dma_start3A_425] : memref<10000x128xf32, #tpu.memory_space<hbm>> -> memref<10000x128xf32, #tpu.memory_space<hbm>>
      tpu.enqueue_indirect_dma source(%dma_start3A_426 : memref<10000x128xf32, #tpu.memory_space<hbm>>) target(%arg23 : memref<40x128xf32, #tpu.memory_space<vmem>>) offsets(%arg8 : memref<40xi32, #tpu.memory_space<vmem>>) semaphore(%arg28 : memref<!tpu.dma_semaphore, #tpu.memory_space<semaphore_mem>>)
      %add3A_427 = arith.constant 10 : i32
      %add3A_428 = arith.addi %add3A_405, %add3A_427 : i32
      %mul3A_429 = arith.constant 40 : i32
      %mul3A_430 = arith.muli %add3A_428, %mul3A_429 : i32
      %add3A_431 = arith.addi %mul3A_2, %mul3A_430 : i32
      %dma_start3A_432 = tpu.memref_slice %arg3[%add3A_431] : memref<320000xi32, #tpu.memory_space<hbm>> -> memref<40xi32, #tpu.memory_space<hbm>>
      %dma_start3A_433 = tpu.memref_slice %arg3[%add3A_431] : memref<320000xi32, #tpu.memory_space<hbm>> -> memref<40xi32, #tpu.memory_space<hbm>>
      tpu.enqueue_dma source(%dma_start3A_433 : memref<40xi32, #tpu.memory_space<hbm>>) target(%arg13 : memref<40xi32, #tpu.memory_space<vmem>>) target_semaphore(%arg38 : memref<!tpu.dma_semaphore, #tpu.memory_space<semaphore_mem>>)
      %mul3A_434 = arith.constant 10 : i32
      %mul3A_435 = arith.muli %add3A_241, %mul3A_434 : i32
      %add3A_436 = arith.constant 6 : i32
      %add3A_437 = arith.addi %mul3A_435, %add3A_436 : i32
      %dma_wait3A_438 = arith.constant 0 : i32
      %dma_wait3A_439 = arith.constant 0 : i32
      %dma_wait3A_440 = tpu.memref_slice %arg2[%dma_wait3A_438, %dma_wait3A_439] : memref<10000x128xf32, #tpu.memory_space<hbm>> -> memref<10000x128xf32, #tpu.memory_space<hbm>>
      tpu.wait_indirect_dma semaphore(%arg29 : memref<!tpu.dma_semaphore, #tpu.memory_space<semaphore_mem>>) src(%dma_wait3A_440 : memref<10000x128xf32, #tpu.memory_space<hbm>>) dst(%arg24 : memref<40x128xf32, #tpu.memory_space<vmem>>)
      %scan3A_441 = arith.constant 0 : i32
      %scan3A_442 = arith.constant 2 : i32
      %scan3A_443 = arith.addi %scan3A_441, %scan3A_442 : i32
      %scan3A_444 = arith.constant 1 : i32
      scf.for %scan3A_562 = %scan3A_441 to %scan3A_443 step %scan3A_444  : i32 {
        %mul3A_563 = arith.constant 16 : i32
        %mul3A_564 = arith.muli %scan3A_562, %mul3A_563 : i32
        %add3A_565 = arith.constant 0 : i32
        %add3A_566 = arith.addi %add3A_565, %mul3A_564 : i32
        %mul3A_567 = arith.constant 40 : i32
        %mul3A_568 = arith.muli %add3A_437, %mul3A_567 : i32
        %add3A_569 = arith.addi %mul3A_568, %add3A_566 : i32
        %get3A_570 = arith.index_cast %add3A_569 : i32 to index
        %get3A_571 = tpu.vector_load %arg7[%get3A_570] {strides = array<i32>} : memref<10000xi32, #tpu.memory_space<vmem>>, vector<16xi32>,
        %swap3A_572 = arith.index_cast %add3A_566 : i32 to index
        %swap3A_573 = tpu.vector_load %arg19[%swap3A_572] {strides = array<i32>} : memref<40xi32, #tpu.memory_space<vmem>>, vector<16xi32>,
        tpu.vector_store %arg19[%swap3A_572], %get3A_571 {strides = array<i32>} : memref<40xi32, #tpu.memory_space<vmem>>, vector<16xi32>,
      }
      %scan3A_445 = arith.constant 2 : i32
      %mul3A_446 = arith.constant 40 : i32
      %mul3A_447 = arith.muli %add3A_437, %mul3A_446 : i32
      %add3A_448 = arith.constant 24 : i32
      %add3A_449 = arith.addi %mul3A_447, %add3A_448 : i32
      %get3A_450 = arith.index_cast %add3A_449 : i32 to index
      %get3A_451 = tpu.vector_load %arg7[%get3A_450] {strides = array<i32>} : memref<10000xi32, #tpu.memory_space<vmem>>, vector<16xi32>,
      %swap3A_452 = arith.constant 24 : index
      %swap3A_453 = tpu.vector_load %arg19[%swap3A_452] {strides = array<i32>} : memref<40xi32, #tpu.memory_space<vmem>>, vector<16xi32>,
      tpu.vector_store %arg19[%swap3A_452], %get3A_451 {strides = array<i32>} : memref<40xi32, #tpu.memory_space<vmem>>, vector<16xi32>,
      "tpu.region"() ({
        %run_scoped3A = tpu.sem_alloc : memref<!tpu.dma_semaphore, #tpu.memory_space<semaphore_mem>>
        %dma_start3A_562 = arith.constant 0 : i32
        %dma_start3A_563 = arith.constant 0 : i32
        %dma_start3A_564 = tpu.memref_slice %arg6[%dma_start3A_562, %dma_start3A_563] : memref<10240x128xf32, #tpu.memory_space<vmem_shared>> -> memref<10240x128xf32, #tpu.memory_space<vmem_shared>>
        tpu.enqueue_indirect_dma source(%arg24 : memref<40x128xf32, #tpu.memory_space<vmem>>) target(%dma_start3A_564 : memref<10240x128xf32, #tpu.memory_space<vmem_shared>>) offsets(%arg19 : memref<40xi32, #tpu.memory_space<vmem>>) semaphore(%run_scoped3A : memref<!tpu.dma_semaphore, #tpu.memory_space<semaphore_mem>>) {add = true}
        %dma_wait3A_565 = arith.constant 0 : i32
        %dma_wait3A_566 = arith.constant 0 : i32
        %dma_wait3A_567 = tpu.memref_slice %arg6[%dma_wait3A_565, %dma_wait3A_566] : memref<10240x128xf32, #tpu.memory_space<vmem_shared>> -> memref<10240x128xf32, #tpu.memory_space<vmem_shared>>
        tpu.wait_indirect_dma semaphore(%run_scoped3A : memref<!tpu.dma_semaphore, #tpu.memory_space<semaphore_mem>>) src(%arg24 : memref<40x128xf32, #tpu.memory_space<vmem>>) dst(%dma_wait3A_567 : memref<10240x128xf32, #tpu.memory_space<vmem_shared>>)
        tpu.yield
      }) : () -> ()
      %dma_wait3A_454 = tpu.memref_slice %arg3[%mul3A_2] : memref<320000xi32, #tpu.memory_space<hbm>> -> memref<40xi32, #tpu.memory_space<hbm>>
      %dma_wait3A_455 = tpu.memref_slice %arg3[%mul3A_2] : memref<320000xi32, #tpu.memory_space<hbm>> -> memref<40xi32, #tpu.memory_space<hbm>>
      tpu.wait_dma2 semaphore(%arg34 : memref<!tpu.dma_semaphore, #tpu.memory_space<semaphore_mem>>) src(%dma_wait3A_455 : memref<40xi32, #tpu.memory_space<hbm>>) dst(%arg9 : memref<40xi32, #tpu.memory_space<vmem>>)
      %dma_start3A_456 = arith.constant 0 : i32
      %dma_start3A_457 = arith.constant 0 : i32
      %dma_start3A_458 = tpu.memref_slice %arg2[%dma_start3A_456, %dma_start3A_457] : memref<10000x128xf32, #tpu.memory_space<hbm>> -> memref<10000x128xf32, #tpu.memory_space<hbm>>
      tpu.enqueue_indirect_dma source(%dma_start3A_458 : memref<10000x128xf32, #tpu.memory_space<hbm>>) target(%arg24 : memref<40x128xf32, #tpu.memory_space<vmem>>) offsets(%arg9 : memref<40xi32, #tpu.memory_space<vmem>>) semaphore(%arg29 : memref<!tpu.dma_semaphore, #tpu.memory_space<semaphore_mem>>)
      %add3A_459 = arith.constant 10 : i32
      %add3A_460 = arith.addi %add3A_437, %add3A_459 : i32
      %mul3A_461 = arith.constant 40 : i32
      %mul3A_462 = arith.muli %add3A_460, %mul3A_461 : i32
      %add3A_463 = arith.addi %mul3A_2, %mul3A_462 : i32
      %dma_start3A_464 = tpu.memref_slice %arg3[%add3A_463] : memref<320000xi32, #tpu.memory_space<hbm>> -> memref<40xi32, #tpu.memory_space<hbm>>
      %dma_start3A_465 = tpu.memref_slice %arg3[%add3A_463] : memref<320000xi32, #tpu.memory_space<hbm>> -> memref<40xi32, #tpu.memory_space<hbm>>
      tpu.enqueue_dma source(%dma_start3A_465 : memref<40xi32, #tpu.memory_space<hbm>>) target(%arg14 : memref<40xi32, #tpu.memory_space<vmem>>) target_semaphore(%arg39 : memref<!tpu.dma_semaphore, #tpu.memory_space<semaphore_mem>>)
      %mul3A_466 = arith.constant 10 : i32
      %mul3A_467 = arith.muli %add3A_241, %mul3A_466 : i32
      %add3A_468 = arith.constant 7 : i32
      %add3A_469 = arith.addi %mul3A_467, %add3A_468 : i32
      %dma_wait3A_470 = arith.constant 0 : i32
      %dma_wait3A_471 = arith.constant 0 : i32
      %dma_wait3A_472 = tpu.memref_slice %arg2[%dma_wait3A_470, %dma_wait3A_471] : memref<10000x128xf32, #tpu.memory_space<hbm>> -> memref<10000x128xf32, #tpu.memory_space<hbm>>
      tpu.wait_indirect_dma semaphore(%arg30 : memref<!tpu.dma_semaphore, #tpu.memory_space<semaphore_mem>>) src(%dma_wait3A_472 : memref<10000x128xf32, #tpu.memory_space<hbm>>) dst(%arg25 : memref<40x128xf32, #tpu.memory_space<vmem>>)
      %scan3A_473 = arith.constant 0 : i32
      %scan3A_474 = arith.constant 2 : i32
      %scan3A_475 = arith.addi %scan3A_473, %scan3A_474 : i32
      %scan3A_476 = arith.constant 1 : i32
      scf.for %scan3A_562 = %scan3A_473 to %scan3A_475 step %scan3A_476  : i32 {
        %mul3A_563 = arith.constant 16 : i32
        %mul3A_564 = arith.muli %scan3A_562, %mul3A_563 : i32
        %add3A_565 = arith.constant 0 : i32
        %add3A_566 = arith.addi %add3A_565, %mul3A_564 : i32
        %mul3A_567 = arith.constant 40 : i32
        %mul3A_568 = arith.muli %add3A_469, %mul3A_567 : i32
        %add3A_569 = arith.addi %mul3A_568, %add3A_566 : i32
        %get3A_570 = arith.index_cast %add3A_569 : i32 to index
        %get3A_571 = tpu.vector_load %arg7[%get3A_570] {strides = array<i32>} : memref<10000xi32, #tpu.memory_space<vmem>>, vector<16xi32>,
        %swap3A_572 = arith.index_cast %add3A_566 : i32 to index
        %swap3A_573 = tpu.vector_load %arg20[%swap3A_572] {strides = array<i32>} : memref<40xi32, #tpu.memory_space<vmem>>, vector<16xi32>,
        tpu.vector_store %arg20[%swap3A_572], %get3A_571 {strides = array<i32>} : memref<40xi32, #tpu.memory_space<vmem>>, vector<16xi32>,
      }
      %scan3A_477 = arith.constant 2 : i32
      %mul3A_478 = arith.constant 40 : i32
      %mul3A_479 = arith.muli %add3A_469, %mul3A_478 : i32
      %add3A_480 = arith.constant 24 : i32
      %add3A_481 = arith.addi %mul3A_479, %add3A_480 : i32
      %get3A_482 = arith.index_cast %add3A_481 : i32 to index
      %get3A_483 = tpu.vector_load %arg7[%get3A_482] {strides = array<i32>} : memref<10000xi32, #tpu.memory_space<vmem>>, vector<16xi32>,
      %swap3A_484 = arith.constant 24 : index
      %swap3A_485 = tpu.vector_load %arg20[%swap3A_484] {strides = array<i32>} : memref<40xi32, #tpu.memory_space<vmem>>, vector<16xi32>,
      tpu.vector_store %arg20[%swap3A_484], %get3A_483 {strides = array<i32>} : memref<40xi32, #tpu.memory_space<vmem>>, vector<16xi32>,
      "tpu.region"() ({
        %run_scoped3A = tpu.sem_alloc : memref<!tpu.dma_semaphore, #tpu.memory_space<semaphore_mem>>
        %dma_start3A_562 = arith.constant 0 : i32
        %dma_start3A_563 = arith.constant 0 : i32
        %dma_start3A_564 = tpu.memref_slice %arg6[%dma_start3A_562, %dma_start3A_563] : memref<10240x128xf32, #tpu.memory_space<vmem_shared>> -> memref<10240x128xf32, #tpu.memory_space<vmem_shared>>
        tpu.enqueue_indirect_dma source(%arg25 : memref<40x128xf32, #tpu.memory_space<vmem>>) target(%dma_start3A_564 : memref<10240x128xf32, #tpu.memory_space<vmem_shared>>) offsets(%arg20 : memref<40xi32, #tpu.memory_space<vmem>>) semaphore(%run_scoped3A : memref<!tpu.dma_semaphore, #tpu.memory_space<semaphore_mem>>) {add = true}
        %dma_wait3A_565 = arith.constant 0 : i32
        %dma_wait3A_566 = arith.constant 0 : i32
        %dma_wait3A_567 = tpu.memref_slice %arg6[%dma_wait3A_565, %dma_wait3A_566] : memref<10240x128xf32, #tpu.memory_space<vmem_shared>> -> memref<10240x128xf32, #tpu.memory_space<vmem_shared>>
        tpu.wait_indirect_dma semaphore(%run_scoped3A : memref<!tpu.dma_semaphore, #tpu.memory_space<semaphore_mem>>) src(%arg25 : memref<40x128xf32, #tpu.memory_space<vmem>>) dst(%dma_wait3A_567 : memref<10240x128xf32, #tpu.memory_space<vmem_shared>>)
        tpu.yield
      }) : () -> ()
      %dma_wait3A_486 = tpu.memref_slice %arg3[%mul3A_2] : memref<320000xi32, #tpu.memory_space<hbm>> -> memref<40xi32, #tpu.memory_space<hbm>>
      %dma_wait3A_487 = tpu.memref_slice %arg3[%mul3A_2] : memref<320000xi32, #tpu.memory_space<hbm>> -> memref<40xi32, #tpu.memory_space<hbm>>
      tpu.wait_dma2 semaphore(%arg35 : memref<!tpu.dma_semaphore, #tpu.memory_space<semaphore_mem>>) src(%dma_wait3A_487 : memref<40xi32, #tpu.memory_space<hbm>>) dst(%arg10 : memref<40xi32, #tpu.memory_space<vmem>>)
      %dma_start3A_488 = arith.constant 0 : i32
      %dma_start3A_489 = arith.constant 0 : i32
      %dma_start3A_490 = tpu.memref_slice %arg2[%dma_start3A_488, %dma_start3A_489] : memref<10000x128xf32, #tpu.memory_space<hbm>> -> memref<10000x128xf32, #tpu.memory_space<hbm>>
      tpu.enqueue_indirect_dma source(%dma_start3A_490 : memref<10000x128xf32, #tpu.memory_space<hbm>>) target(%arg25 : memref<40x128xf32, #tpu.memory_space<vmem>>) offsets(%arg10 : memref<40xi32, #tpu.memory_space<vmem>>) semaphore(%arg30 : memref<!tpu.dma_semaphore, #tpu.memory_space<semaphore_mem>>)
      %add3A_491 = arith.constant 10 : i32
      %add3A_492 = arith.addi %add3A_469, %add3A_491 : i32
      %mul3A_493 = arith.constant 40 : i32
      %mul3A_494 = arith.muli %add3A_492, %mul3A_493 : i32
      %add3A_495 = arith.addi %mul3A_2, %mul3A_494 : i32
      %dma_start3A_496 = tpu.memref_slice %arg3[%add3A_495] : memref<320000xi32, #tpu.memory_space<hbm>> -> memref<40xi32, #tpu.memory_space<hbm>>
      %dma_start3A_497 = tpu.memref_slice %arg3[%add3A_495] : memref<320000xi32, #tpu.memory_space<hbm>> -> memref<40xi32, #tpu.memory_space<hbm>>
      tpu.enqueue_dma source(%dma_start3A_497 : memref<40xi32, #tpu.memory_space<hbm>>) target(%arg15 : memref<40xi32, #tpu.memory_space<vmem>>) target_semaphore(%arg40 : memref<!tpu.dma_semaphore, #tpu.memory_space<semaphore_mem>>)
      %mul3A_498 = arith.constant 10 : i32
      %mul3A_499 = arith.muli %add3A_241, %mul3A_498 : i32
      %add3A_500 = arith.constant 8 : i32
      %add3A_501 = arith.addi %mul3A_499, %add3A_500 : i32
      %dma_wait3A_502 = arith.constant 0 : i32
      %dma_wait3A_503 = arith.constant 0 : i32
      %dma_wait3A_504 = tpu.memref_slice %arg2[%dma_wait3A_502, %dma_wait3A_503] : memref<10000x128xf32, #tpu.memory_space<hbm>> -> memref<10000x128xf32, #tpu.memory_space<hbm>>
      tpu.wait_indirect_dma semaphore(%arg31 : memref<!tpu.dma_semaphore, #tpu.memory_space<semaphore_mem>>) src(%dma_wait3A_504 : memref<10000x128xf32, #tpu.memory_space<hbm>>) dst(%arg26 : memref<40x128xf32, #tpu.memory_space<vmem>>)
      %scan3A_505 = arith.constant 0 : i32
      %scan3A_506 = arith.constant 2 : i32
      %scan3A_507 = arith.addi %scan3A_505, %scan3A_506 : i32
      %scan3A_508 = arith.constant 1 : i32
      scf.for %scan3A_562 = %scan3A_505 to %scan3A_507 step %scan3A_508  : i32 {
        %mul3A_563 = arith.constant 16 : i32
        %mul3A_564 = arith.muli %scan3A_562, %mul3A_563 : i32
        %add3A_565 = arith.constant 0 : i32
        %add3A_566 = arith.addi %add3A_565, %mul3A_564 : i32
        %mul3A_567 = arith.constant 40 : i32
        %mul3A_568 = arith.muli %add3A_501, %mul3A_567 : i32
        %add3A_569 = arith.addi %mul3A_568, %add3A_566 : i32
        %get3A_570 = arith.index_cast %add3A_569 : i32 to index
        %get3A_571 = tpu.vector_load %arg7[%get3A_570] {strides = array<i32>} : memref<10000xi32, #tpu.memory_space<vmem>>, vector<16xi32>,
        %swap3A_572 = arith.index_cast %add3A_566 : i32 to index
        %swap3A_573 = tpu.vector_load %arg21[%swap3A_572] {strides = array<i32>} : memref<40xi32, #tpu.memory_space<vmem>>, vector<16xi32>,
        tpu.vector_store %arg21[%swap3A_572], %get3A_571 {strides = array<i32>} : memref<40xi32, #tpu.memory_space<vmem>>, vector<16xi32>,
      }
      %scan3A_509 = arith.constant 2 : i32
      %mul3A_510 = arith.constant 40 : i32
      %mul3A_511 = arith.muli %add3A_501, %mul3A_510 : i32
      %add3A_512 = arith.constant 24 : i32
      %add3A_513 = arith.addi %mul3A_511, %add3A_512 : i32
      %get3A_514 = arith.index_cast %add3A_513 : i32 to index
      %get3A_515 = tpu.vector_load %arg7[%get3A_514] {strides = array<i32>} : memref<10000xi32, #tpu.memory_space<vmem>>, vector<16xi32>,
      %swap3A_516 = arith.constant 24 : index
      %swap3A_517 = tpu.vector_load %arg21[%swap3A_516] {strides = array<i32>} : memref<40xi32, #tpu.memory_space<vmem>>, vector<16xi32>,
      tpu.vector_store %arg21[%swap3A_516], %get3A_515 {strides = array<i32>} : memref<40xi32, #tpu.memory_space<vmem>>, vector<16xi32>,
      "tpu.region"() ({
        %run_scoped3A = tpu.sem_alloc : memref<!tpu.dma_semaphore, #tpu.memory_space<semaphore_mem>>
        %dma_start3A_562 = arith.constant 0 : i32
        %dma_start3A_563 = arith.constant 0 : i32
        %dma_start3A_564 = tpu.memref_slice %arg6[%dma_start3A_562, %dma_start3A_563] : memref<10240x128xf32, #tpu.memory_space<vmem_shared>> -> memref<10240x128xf32, #tpu.memory_space<vmem_shared>>
        tpu.enqueue_indirect_dma source(%arg26 : memref<40x128xf32, #tpu.memory_space<vmem>>) target(%dma_start3A_564 : memref<10240x128xf32, #tpu.memory_space<vmem_shared>>) offsets(%arg21 : memref<40xi32, #tpu.memory_space<vmem>>) semaphore(%run_scoped3A : memref<!tpu.dma_semaphore, #tpu.memory_space<semaphore_mem>>) {add = true}
        %dma_wait3A_565 = arith.constant 0 : i32
        %dma_wait3A_566 = arith.constant 0 : i32
        %dma_wait3A_567 = tpu.memref_slice %arg6[%dma_wait3A_565, %dma_wait3A_566] : memref<10240x128xf32, #tpu.memory_space<vmem_shared>> -> memref<10240x128xf32, #tpu.memory_space<vmem_shared>>
        tpu.wait_indirect_dma semaphore(%run_scoped3A : memref<!tpu.dma_semaphore, #tpu.memory_space<semaphore_mem>>) src(%arg26 : memref<40x128xf32, #tpu.memory_space<vmem>>) dst(%dma_wait3A_567 : memref<10240x128xf32, #tpu.memory_space<vmem_shared>>)
        tpu.yield
      }) : () -> ()
      %dma_wait3A_518 = tpu.memref_slice %arg3[%mul3A_2] : memref<320000xi32, #tpu.memory_space<hbm>> -> memref<40xi32, #tpu.memory_space<hbm>>
      %dma_wait3A_519 = tpu.memref_slice %arg3[%mul3A_2] : memref<320000xi32, #tpu.memory_space<hbm>> -> memref<40xi32, #tpu.memory_space<hbm>>
      tpu.wait_dma2 semaphore(%arg36 : memref<!tpu.dma_semaphore, #tpu.memory_space<semaphore_mem>>) src(%dma_wait3A_519 : memref<40xi32, #tpu.memory_space<hbm>>) dst(%arg11 : memref<40xi32, #tpu.memory_space<vmem>>)
      %dma_start3A_520 = arith.constant 0 : i32
      %dma_start3A_521 = arith.constant 0 : i32
      %dma_start3A_522 = tpu.memref_slice %arg2[%dma_start3A_520, %dma_start3A_521] : memref<10000x128xf32, #tpu.memory_space<hbm>> -> memref<10000x128xf32, #tpu.memory_space<hbm>>
      tpu.enqueue_indirect_dma source(%dma_start3A_522 : memref<10000x128xf32, #tpu.memory_space<hbm>>) target(%arg26 : memref<40x128xf32, #tpu.memory_space<vmem>>) offsets(%arg11 : memref<40xi32, #tpu.memory_space<vmem>>) semaphore(%arg31 : memref<!tpu.dma_semaphore, #tpu.memory_space<semaphore_mem>>)
      %add3A_523 = arith.constant 10 : i32
      %add3A_524 = arith.addi %add3A_501, %add3A_523 : i32
      %mul3A_525 = arith.constant 40 : i32
      %mul3A_526 = arith.muli %add3A_524, %mul3A_525 : i32
      %add3A_527 = arith.addi %mul3A_2, %mul3A_526 : i32
      %dma_start3A_528 = tpu.memref_slice %arg3[%add3A_527] : memref<320000xi32, #tpu.memory_space<hbm>> -> memref<40xi32, #tpu.memory_space<hbm>>
      %dma_start3A_529 = tpu.memref_slice %arg3[%add3A_527] : memref<320000xi32, #tpu.memory_space<hbm>> -> memref<40xi32, #tpu.memory_space<hbm>>
      tpu.enqueue_dma source(%dma_start3A_529 : memref<40xi32, #tpu.memory_space<hbm>>) target(%arg16 : memref<40xi32, #tpu.memory_space<vmem>>) target_semaphore(%arg41 : memref<!tpu.dma_semaphore, #tpu.memory_space<semaphore_mem>>)
      %mul3A_530 = arith.constant 10 : i32
      %mul3A_531 = arith.muli %add3A_241, %mul3A_530 : i32
      %add3A_532 = arith.constant 9 : i32
      %add3A_533 = arith.addi %mul3A_531, %add3A_532 : i32
      %dma_wait3A_534 = arith.constant 0 : i32
      %dma_wait3A_535 = arith.constant 0 : i32
      %dma_wait3A_536 = tpu.memref_slice %arg2[%dma_wait3A_534, %dma_wait3A_535] : memref<10000x128xf32, #tpu.memory_space<hbm>> -> memref<10000x128xf32, #tpu.memory_space<hbm>>
      tpu.wait_indirect_dma semaphore(%arg32 : memref<!tpu.dma_semaphore, #tpu.memory_space<semaphore_mem>>) src(%dma_wait3A_536 : memref<10000x128xf32, #tpu.memory_space<hbm>>) dst(%arg27 : memref<40x128xf32, #tpu.memory_space<vmem>>)
      %scan3A_537 = arith.constant 0 : i32
      %scan3A_538 = arith.constant 2 : i32
      %scan3A_539 = arith.addi %scan3A_537, %scan3A_538 : i32
      %scan3A_540 = arith.constant 1 : i32
      scf.for %scan3A_562 = %scan3A_537 to %scan3A_539 step %scan3A_540  : i32 {
        %mul3A_563 = arith.constant 16 : i32
        %mul3A_564 = arith.muli %scan3A_562, %mul3A_563 : i32
        %add3A_565 = arith.constant 0 : i32
        %add3A_566 = arith.addi %add3A_565, %mul3A_564 : i32
        %mul3A_567 = arith.constant 40 : i32
        %mul3A_568 = arith.muli %add3A_533, %mul3A_567 : i32
        %add3A_569 = arith.addi %mul3A_568, %add3A_566 : i32
        %get3A_570 = arith.index_cast %add3A_569 : i32 to index
        %get3A_571 = tpu.vector_load %arg7[%get3A_570] {strides = array<i32>} : memref<10000xi32, #tpu.memory_space<vmem>>, vector<16xi32>,
        %swap3A_572 = arith.index_cast %add3A_566 : i32 to index
        %swap3A_573 = tpu.vector_load %arg22[%swap3A_572] {strides = array<i32>} : memref<40xi32, #tpu.memory_space<vmem>>, vector<16xi32>,
        tpu.vector_store %arg22[%swap3A_572], %get3A_571 {strides = array<i32>} : memref<40xi32, #tpu.memory_space<vmem>>, vector<16xi32>,
      }
      %scan3A_541 = arith.constant 2 : i32
      %mul3A_542 = arith.constant 40 : i32
      %mul3A_543 = arith.muli %add3A_533, %mul3A_542 : i32
      %add3A_544 = arith.constant 24 : i32
      %add3A_545 = arith.addi %mul3A_543, %add3A_544 : i32
      %get3A_546 = arith.index_cast %add3A_545 : i32 to index
      %get3A_547 = tpu.vector_load %arg7[%get3A_546] {strides = array<i32>} : memref<10000xi32, #tpu.memory_space<vmem>>, vector<16xi32>,
      %swap3A_548 = arith.constant 24 : index
      %swap3A_549 = tpu.vector_load %arg22[%swap3A_548] {strides = array<i32>} : memref<40xi32, #tpu.memory_space<vmem>>, vector<16xi32>,
      tpu.vector_store %arg22[%swap3A_548], %get3A_547 {strides = array<i32>} : memref<40xi32, #tpu.memory_space<vmem>>, vector<16xi32>,
      "tpu.region"() ({
        %run_scoped3A = tpu.sem_alloc : memref<!tpu.dma_semaphore, #tpu.memory_space<semaphore_mem>>
        %dma_start3A_562 = arith.constant 0 : i32
        %dma_start3A_563 = arith.constant 0 : i32
        %dma_start3A_564 = tpu.memref_slice %arg6[%dma_start3A_562, %dma_start3A_563] : memref<10240x128xf32, #tpu.memory_space<vmem_shared>> -> memref<10240x128xf32, #tpu.memory_space<vmem_shared>>
        tpu.enqueue_indirect_dma source(%arg27 : memref<40x128xf32, #tpu.memory_space<vmem>>) target(%dma_start3A_564 : memref<10240x128xf32, #tpu.memory_space<vmem_shared>>) offsets(%arg22 : memref<40xi32, #tpu.memory_space<vmem>>) semaphore(%run_scoped3A : memref<!tpu.dma_semaphore, #tpu.memory_space<semaphore_mem>>) {add = true}
        %dma_wait3A_565 = arith.constant 0 : i32
        %dma_wait3A_566 = arith.constant 0 : i32
        %dma_wait3A_567 = tpu.memref_slice %arg6[%dma_wait3A_565, %dma_wait3A_566] : memref<10240x128xf32, #tpu.memory_space<vmem_shared>> -> memref<10240x128xf32, #tpu.memory_space<vmem_shared>>
        tpu.wait_indirect_dma semaphore(%run_scoped3A : memref<!tpu.dma_semaphore, #tpu.memory_space<semaphore_mem>>) src(%arg27 : memref<40x128xf32, #tpu.memory_space<vmem>>) dst(%dma_wait3A_567 : memref<10240x128xf32, #tpu.memory_space<vmem_shared>>)
        tpu.yield
      }) : () -> ()
      %dma_wait3A_550 = tpu.memref_slice %arg3[%mul3A_2] : memref<320000xi32, #tpu.memory_space<hbm>> -> memref<40xi32, #tpu.memory_space<hbm>>
      %dma_wait3A_551 = tpu.memref_slice %arg3[%mul3A_2] : memref<320000xi32, #tpu.memory_space<hbm>> -> memref<40xi32, #tpu.memory_space<hbm>>
      tpu.wait_dma2 semaphore(%arg37 : memref<!tpu.dma_semaphore, #tpu.memory_space<semaphore_mem>>) src(%dma_wait3A_551 : memref<40xi32, #tpu.memory_space<hbm>>) dst(%arg12 : memref<40xi32, #tpu.memory_space<vmem>>)
      %dma_start3A_552 = arith.constant 0 : i32
      %dma_start3A_553 = arith.constant 0 : i32
      %dma_start3A_554 = tpu.memref_slice %arg2[%dma_start3A_552, %dma_start3A_553] : memref<10000x128xf32, #tpu.memory_space<hbm>> -> memref<10000x128xf32, #tpu.memory_space<hbm>>
      tpu.enqueue_indirect_dma source(%dma_start3A_554 : memref<10000x128xf32, #tpu.memory_space<hbm>>) target(%arg27 : memref<40x128xf32, #tpu.memory_space<vmem>>) offsets(%arg12 : memref<40xi32, #tpu.memory_space<vmem>>) semaphore(%arg32 : memref<!tpu.dma_semaphore, #tpu.memory_space<semaphore_mem>>)
      %add3A_555 = arith.constant 10 : i32
      %add3A_556 = arith.addi %add3A_533, %add3A_555 : i32
      %mul3A_557 = arith.constant 40 : i32
      %mul3A_558 = arith.muli %add3A_556, %mul3A_557 : i32
      %add3A_559 = arith.addi %mul3A_2, %mul3A_558 : i32
      %dma_start3A_560 = tpu.memref_slice %arg3[%add3A_559] : memref<320000xi32, #tpu.memory_space<hbm>> -> memref<40xi32, #tpu.memory_space<hbm>>
      %dma_start3A_561 = tpu.memref_slice %arg3[%add3A_559] : memref<320000xi32, #tpu.memory_space<hbm>> -> memref<40xi32, #tpu.memory_space<hbm>>
      tpu.enqueue_dma source(%dma_start3A_561 : memref<40xi32, #tpu.memory_space<hbm>>) target(%arg17 : memref<40xi32, #tpu.memory_space<vmem>>) target_semaphore(%arg42 : memref<!tpu.dma_semaphore, #tpu.memory_space<semaphore_mem>>)
    }
    %scan3A_90 = arith.constant 24 : i32
    %dma_wait3A_91 = arith.constant 0 : i32
    %dma_wait3A_92 = arith.constant 0 : i32
    %dma_wait3A_93 = tpu.memref_slice %arg2[%dma_wait3A_91, %dma_wait3A_92] : memref<10000x128xf32, #tpu.memory_space<hbm>> -> memref<10000x128xf32, #tpu.memory_space<hbm>>
    tpu.wait_indirect_dma semaphore(%arg28 : memref<!tpu.dma_semaphore, #tpu.memory_space<semaphore_mem>>) src(%dma_wait3A_93 : memref<10000x128xf32, #tpu.memory_space<hbm>>) dst(%arg23 : memref<40x128xf32, #tpu.memory_space<vmem>>)
    %scan3A_94 = arith.constant 0 : i32
    %scan3A_95 = arith.constant 2 : i32
    %scan3A_96 = arith.addi %scan3A_94, %scan3A_95 : i32
    %scan3A_97 = arith.constant 1 : i32
    scf.for %scan3A_237 = %scan3A_94 to %scan3A_96 step %scan3A_97  : i32 {
      %mul3A_238 = arith.constant 16 : i32
      %mul3A_239 = arith.muli %scan3A_237, %mul3A_238 : i32
      %add3A_240 = arith.constant 0 : i32
      %add3A_241 = arith.addi %add3A_240, %mul3A_239 : i32
      %add3A_242 = arith.constant 9600 : i32
      %add3A_243 = arith.addi %add3A_242, %add3A_241 : i32
      %get3A_244 = arith.index_cast %add3A_243 : i32 to index
      %get3A_245 = tpu.vector_load %arg7[%get3A_244] {strides = array<i32>} : memref<10000xi32, #tpu.memory_space<vmem>>, vector<16xi32>,
      %swap3A_246 = arith.index_cast %add3A_241 : i32 to index
      %swap3A_247 = tpu.vector_load %arg18[%swap3A_246] {strides = array<i32>} : memref<40xi32, #tpu.memory_space<vmem>>, vector<16xi32>,
      tpu.vector_store %arg18[%swap3A_246], %get3A_245 {strides = array<i32>} : memref<40xi32, #tpu.memory_space<vmem>>, vector<16xi32>,
    }
    %scan3A_98 = arith.constant 2 : i32
    %get3A = arith.constant 9624 : index
    %get3A_99 = tpu.vector_load %arg7[%get3A] {strides = array<i32>} : memref<10000xi32, #tpu.memory_space<vmem>>, vector<16xi32>,
    %swap3A = arith.constant 24 : index
    %swap3A_100 = tpu.vector_load %arg18[%swap3A] {strides = array<i32>} : memref<40xi32, #tpu.memory_space<vmem>>, vector<16xi32>,
    tpu.vector_store %arg18[%swap3A], %get3A_99 {strides = array<i32>} : memref<40xi32, #tpu.memory_space<vmem>>, vector<16xi32>,
    "tpu.region"() ({
      %run_scoped3A = tpu.sem_alloc : memref<!tpu.dma_semaphore, #tpu.memory_space<semaphore_mem>>
      %dma_start3A_237 = arith.constant 0 : i32
      %dma_start3A_238 = arith.constant 0 : i32
      %dma_start3A_239 = tpu.memref_slice %arg6[%dma_start3A_237, %dma_start3A_238] : memref<10240x128xf32, #tpu.memory_space<vmem_shared>> -> memref<10240x128xf32, #tpu.memory_space<vmem_shared>>
      tpu.enqueue_indirect_dma source(%arg23 : memref<40x128xf32, #tpu.memory_space<vmem>>) target(%dma_start3A_239 : memref<10240x128xf32, #tpu.memory_space<vmem_shared>>) offsets(%arg18 : memref<40xi32, #tpu.memory_space<vmem>>) semaphore(%run_scoped3A : memref<!tpu.dma_semaphore, #tpu.memory_space<semaphore_mem>>) {add = true}
      %dma_wait3A_240 = arith.constant 0 : i32
      %dma_wait3A_241 = arith.constant 0 : i32
      %dma_wait3A_242 = tpu.memref_slice %arg6[%dma_wait3A_240, %dma_wait3A_241] : memref<10240x128xf32, #tpu.memory_space<vmem_shared>> -> memref<10240x128xf32, #tpu.memory_space<vmem_shared>>
      tpu.wait_indirect_dma semaphore(%run_scoped3A : memref<!tpu.dma_semaphore, #tpu.memory_space<semaphore_mem>>) src(%arg23 : memref<40x128xf32, #tpu.memory_space<vmem>>) dst(%dma_wait3A_242 : memref<10240x128xf32, #tpu.memory_space<vmem_shared>>)
      tpu.yield
    }) : () -> ()
    %dma_wait3A_101 = tpu.memref_slice %arg3[%mul3A_2] : memref<320000xi32, #tpu.memory_space<hbm>> -> memref<40xi32, #tpu.memory_space<hbm>>
    %dma_wait3A_102 = tpu.memref_slice %arg3[%mul3A_2] : memref<320000xi32, #tpu.memory_space<hbm>> -> memref<40xi32, #tpu.memory_space<hbm>>
    tpu.wait_dma2 semaphore(%arg38 : memref<!tpu.dma_semaphore, #tpu.memory_space<semaphore_mem>>) src(%dma_wait3A_102 : memref<40xi32, #tpu.memory_space<hbm>>) dst(%arg13 : memref<40xi32, #tpu.memory_space<vmem>>)
    %dma_start3A_103 = arith.constant 0 : i32
    %dma_start3A_104 = arith.constant 0 : i32
    %dma_start3A_105 = tpu.memref_slice %arg2[%dma_start3A_103, %dma_start3A_104] : memref<10000x128xf32, #tpu.memory_space<hbm>> -> memref<10000x128xf32, #tpu.memory_space<hbm>>
    tpu.enqueue_indirect_dma source(%dma_start3A_105 : memref<10000x128xf32, #tpu.memory_space<hbm>>) target(%arg23 : memref<40x128xf32, #tpu.memory_space<vmem>>) offsets(%arg13 : memref<40xi32, #tpu.memory_space<vmem>>) semaphore(%arg28 : memref<!tpu.dma_semaphore, #tpu.memory_space<semaphore_mem>>)
    %dma_wait3A_106 = arith.constant 0 : i32
    %dma_wait3A_107 = arith.constant 0 : i32
    %dma_wait3A_108 = tpu.memref_slice %arg2[%dma_wait3A_106, %dma_wait3A_107] : memref<10000x128xf32, #tpu.memory_space<hbm>> -> memref<10000x128xf32, #tpu.memory_space<hbm>>
    tpu.wait_indirect_dma semaphore(%arg29 : memref<!tpu.dma_semaphore, #tpu.memory_space<semaphore_mem>>) src(%dma_wait3A_108 : memref<10000x128xf32, #tpu.memory_space<hbm>>) dst(%arg24 : memref<40x128xf32, #tpu.memory_space<vmem>>)
    %scan3A_109 = arith.constant 0 : i32
    %scan3A_110 = arith.constant 2 : i32
    %scan3A_111 = arith.addi %scan3A_109, %scan3A_110 : i32
    %scan3A_112 = arith.constant 1 : i32
    scf.for %scan3A_237 = %scan3A_109 to %scan3A_111 step %scan3A_112  : i32 {
      %mul3A_238 = arith.constant 16 : i32
      %mul3A_239 = arith.muli %scan3A_237, %mul3A_238 : i32
      %add3A_240 = arith.constant 0 : i32
      %add3A_241 = arith.addi %add3A_240, %mul3A_239 : i32
      %add3A_242 = arith.constant 9640 : i32
      %add3A_243 = arith.addi %add3A_242, %add3A_241 : i32
      %get3A_244 = arith.index_cast %add3A_243 : i32 to index
      %get3A_245 = tpu.vector_load %arg7[%get3A_244] {strides = array<i32>} : memref<10000xi32, #tpu.memory_space<vmem>>, vector<16xi32>,
      %swap3A_246 = arith.index_cast %add3A_241 : i32 to index
      %swap3A_247 = tpu.vector_load %arg19[%swap3A_246] {strides = array<i32>} : memref<40xi32, #tpu.memory_space<vmem>>, vector<16xi32>,
      tpu.vector_store %arg19[%swap3A_246], %get3A_245 {strides = array<i32>} : memref<40xi32, #tpu.memory_space<vmem>>, vector<16xi32>,
    }
    %scan3A_113 = arith.constant 2 : i32
    %get3A_114 = arith.constant 9664 : index
    %get3A_115 = tpu.vector_load %arg7[%get3A_114] {strides = array<i32>} : memref<10000xi32, #tpu.memory_space<vmem>>, vector<16xi32>,
    %swap3A_116 = arith.constant 24 : index
    %swap3A_117 = tpu.vector_load %arg19[%swap3A_116] {strides = array<i32>} : memref<40xi32, #tpu.memory_space<vmem>>, vector<16xi32>,
    tpu.vector_store %arg19[%swap3A_116], %get3A_115 {strides = array<i32>} : memref<40xi32, #tpu.memory_space<vmem>>, vector<16xi32>,
    "tpu.region"() ({
      %run_scoped3A = tpu.sem_alloc : memref<!tpu.dma_semaphore, #tpu.memory_space<semaphore_mem>>
      %dma_start3A_237 = arith.constant 0 : i32
      %dma_start3A_238 = arith.constant 0 : i32
      %dma_start3A_239 = tpu.memref_slice %arg6[%dma_start3A_237, %dma_start3A_238] : memref<10240x128xf32, #tpu.memory_space<vmem_shared>> -> memref<10240x128xf32, #tpu.memory_space<vmem_shared>>
      tpu.enqueue_indirect_dma source(%arg24 : memref<40x128xf32, #tpu.memory_space<vmem>>) target(%dma_start3A_239 : memref<10240x128xf32, #tpu.memory_space<vmem_shared>>) offsets(%arg19 : memref<40xi32, #tpu.memory_space<vmem>>) semaphore(%run_scoped3A : memref<!tpu.dma_semaphore, #tpu.memory_space<semaphore_mem>>) {add = true}
      %dma_wait3A_240 = arith.constant 0 : i32
      %dma_wait3A_241 = arith.constant 0 : i32
      %dma_wait3A_242 = tpu.memref_slice %arg6[%dma_wait3A_240, %dma_wait3A_241] : memref<10240x128xf32, #tpu.memory_space<vmem_shared>> -> memref<10240x128xf32, #tpu.memory_space<vmem_shared>>
      tpu.wait_indirect_dma semaphore(%run_scoped3A : memref<!tpu.dma_semaphore, #tpu.memory_space<semaphore_mem>>) src(%arg24 : memref<40x128xf32, #tpu.memory_space<vmem>>) dst(%dma_wait3A_242 : memref<10240x128xf32, #tpu.memory_space<vmem_shared>>)
      tpu.yield
    }) : () -> ()
    %dma_wait3A_118 = tpu.memref_slice %arg3[%mul3A_2] : memref<320000xi32, #tpu.memory_space<hbm>> -> memref<40xi32, #tpu.memory_space<hbm>>
    %dma_wait3A_119 = tpu.memref_slice %arg3[%mul3A_2] : memref<320000xi32, #tpu.memory_space<hbm>> -> memref<40xi32, #tpu.memory_space<hbm>>
    tpu.wait_dma2 semaphore(%arg39 : memref<!tpu.dma_semaphore, #tpu.memory_space<semaphore_mem>>) src(%dma_wait3A_119 : memref<40xi32, #tpu.memory_space<hbm>>) dst(%arg14 : memref<40xi32, #tpu.memory_space<vmem>>)
    %dma_start3A_120 = arith.constant 0 : i32
    %dma_start3A_121 = arith.constant 0 : i32
    %dma_start3A_122 = tpu.memref_slice %arg2[%dma_start3A_120, %dma_start3A_121] : memref<10000x128xf32, #tpu.memory_space<hbm>> -> memref<10000x128xf32, #tpu.memory_space<hbm>>
    tpu.enqueue_indirect_dma source(%dma_start3A_122 : memref<10000x128xf32, #tpu.memory_space<hbm>>) target(%arg24 : memref<40x128xf32, #tpu.memory_space<vmem>>) offsets(%arg14 : memref<40xi32, #tpu.memory_space<vmem>>) semaphore(%arg29 : memref<!tpu.dma_semaphore, #tpu.memory_space<semaphore_mem>>)
    %dma_wait3A_123 = arith.constant 0 : i32
    %dma_wait3A_124 = arith.constant 0 : i32
    %dma_wait3A_125 = tpu.memref_slice %arg2[%dma_wait3A_123, %dma_wait3A_124] : memref<10000x128xf32, #tpu.memory_space<hbm>> -> memref<10000x128xf32, #tpu.memory_space<hbm>>
    tpu.wait_indirect_dma semaphore(%arg30 : memref<!tpu.dma_semaphore, #tpu.memory_space<semaphore_mem>>) src(%dma_wait3A_125 : memref<10000x128xf32, #tpu.memory_space<hbm>>) dst(%arg25 : memref<40x128xf32, #tpu.memory_space<vmem>>)
    %scan3A_126 = arith.constant 0 : i32
    %scan3A_127 = arith.constant 2 : i32
    %scan3A_128 = arith.addi %scan3A_126, %scan3A_127 : i32
    %scan3A_129 = arith.constant 1 : i32
    scf.for %scan3A_237 = %scan3A_126 to %scan3A_128 step %scan3A_129  : i32 {
      %mul3A_238 = arith.constant 16 : i32
      %mul3A_239 = arith.muli %scan3A_237, %mul3A_238 : i32
      %add3A_240 = arith.constant 0 : i32
      %add3A_241 = arith.addi %add3A_240, %mul3A_239 : i32
      %add3A_242 = arith.constant 9680 : i32
      %add3A_243 = arith.addi %add3A_242, %add3A_241 : i32
      %get3A_244 = arith.index_cast %add3A_243 : i32 to index
      %get3A_245 = tpu.vector_load %arg7[%get3A_244] {strides = array<i32>} : memref<10000xi32, #tpu.memory_space<vmem>>, vector<16xi32>,
      %swap3A_246 = arith.index_cast %add3A_241 : i32 to index
      %swap3A_247 = tpu.vector_load %arg20[%swap3A_246] {strides = array<i32>} : memref<40xi32, #tpu.memory_space<vmem>>, vector<16xi32>,
      tpu.vector_store %arg20[%swap3A_246], %get3A_245 {strides = array<i32>} : memref<40xi32, #tpu.memory_space<vmem>>, vector<16xi32>,
    }
    %scan3A_130 = arith.constant 2 : i32
    %get3A_131 = arith.constant 9704 : index
    %get3A_132 = tpu.vector_load %arg7[%get3A_131] {strides = array<i32>} : memref<10000xi32, #tpu.memory_space<vmem>>, vector<16xi32>,
    %swap3A_133 = arith.constant 24 : index
    %swap3A_134 = tpu.vector_load %arg20[%swap3A_133] {strides = array<i32>} : memref<40xi32, #tpu.memory_space<vmem>>, vector<16xi32>,
    tpu.vector_store %arg20[%swap3A_133], %get3A_132 {strides = array<i32>} : memref<40xi32, #tpu.memory_space<vmem>>, vector<16xi32>,
    "tpu.region"() ({
      %run_scoped3A = tpu.sem_alloc : memref<!tpu.dma_semaphore, #tpu.memory_space<semaphore_mem>>
      %dma_start3A_237 = arith.constant 0 : i32
      %dma_start3A_238 = arith.constant 0 : i32
      %dma_start3A_239 = tpu.memref_slice %arg6[%dma_start3A_237, %dma_start3A_238] : memref<10240x128xf32, #tpu.memory_space<vmem_shared>> -> memref<10240x128xf32, #tpu.memory_space<vmem_shared>>
      tpu.enqueue_indirect_dma source(%arg25 : memref<40x128xf32, #tpu.memory_space<vmem>>) target(%dma_start3A_239 : memref<10240x128xf32, #tpu.memory_space<vmem_shared>>) offsets(%arg20 : memref<40xi32, #tpu.memory_space<vmem>>) semaphore(%run_scoped3A : memref<!tpu.dma_semaphore, #tpu.memory_space<semaphore_mem>>) {add = true}
      %dma_wait3A_240 = arith.constant 0 : i32
      %dma_wait3A_241 = arith.constant 0 : i32
      %dma_wait3A_242 = tpu.memref_slice %arg6[%dma_wait3A_240, %dma_wait3A_241] : memref<10240x128xf32, #tpu.memory_space<vmem_shared>> -> memref<10240x128xf32, #tpu.memory_space<vmem_shared>>
      tpu.wait_indirect_dma semaphore(%run_scoped3A : memref<!tpu.dma_semaphore, #tpu.memory_space<semaphore_mem>>) src(%arg25 : memref<40x128xf32, #tpu.memory_space<vmem>>) dst(%dma_wait3A_242 : memref<10240x128xf32, #tpu.memory_space<vmem_shared>>)
      tpu.yield
    }) : () -> ()
    %dma_wait3A_135 = tpu.memref_slice %arg3[%mul3A_2] : memref<320000xi32, #tpu.memory_space<hbm>> -> memref<40xi32, #tpu.memory_space<hbm>>
    %dma_wait3A_136 = tpu.memref_slice %arg3[%mul3A_2] : memref<320000xi32, #tpu.memory_space<hbm>> -> memref<40xi32, #tpu.memory_space<hbm>>
    tpu.wait_dma2 semaphore(%arg40 : memref<!tpu.dma_semaphore, #tpu.memory_space<semaphore_mem>>) src(%dma_wait3A_136 : memref<40xi32, #tpu.memory_space<hbm>>) dst(%arg15 : memref<40xi32, #tpu.memory_space<vmem>>)
    %dma_start3A_137 = arith.constant 0 : i32
    %dma_start3A_138 = arith.constant 0 : i32
    %dma_start3A_139 = tpu.memref_slice %arg2[%dma_start3A_137, %dma_start3A_138] : memref<10000x128xf32, #tpu.memory_space<hbm>> -> memref<10000x128xf32, #tpu.memory_space<hbm>>
    tpu.enqueue_indirect_dma source(%dma_start3A_139 : memref<10000x128xf32, #tpu.memory_space<hbm>>) target(%arg25 : memref<40x128xf32, #tpu.memory_space<vmem>>) offsets(%arg15 : memref<40xi32, #tpu.memory_space<vmem>>) semaphore(%arg30 : memref<!tpu.dma_semaphore, #tpu.memory_space<semaphore_mem>>)
    %dma_wait3A_140 = arith.constant 0 : i32
    %dma_wait3A_141 = arith.constant 0 : i32
    %dma_wait3A_142 = tpu.memref_slice %arg2[%dma_wait3A_140, %dma_wait3A_141] : memref<10000x128xf32, #tpu.memory_space<hbm>> -> memref<10000x128xf32, #tpu.memory_space<hbm>>
    tpu.wait_indirect_dma semaphore(%arg31 : memref<!tpu.dma_semaphore, #tpu.memory_space<semaphore_mem>>) src(%dma_wait3A_142 : memref<10000x128xf32, #tpu.memory_space<hbm>>) dst(%arg26 : memref<40x128xf32, #tpu.memory_space<vmem>>)
    %scan3A_143 = arith.constant 0 : i32
    %scan3A_144 = arith.constant 2 : i32
    %scan3A_145 = arith.addi %scan3A_143, %scan3A_144 : i32
    %scan3A_146 = arith.constant 1 : i32
    scf.for %scan3A_237 = %scan3A_143 to %scan3A_145 step %scan3A_146  : i32 {
      %mul3A_238 = arith.constant 16 : i32
      %mul3A_239 = arith.muli %scan3A_237, %mul3A_238 : i32
      %add3A_240 = arith.constant 0 : i32
      %add3A_241 = arith.addi %add3A_240, %mul3A_239 : i32
      %add3A_242 = arith.constant 9720 : i32
      %add3A_243 = arith.addi %add3A_242, %add3A_241 : i32
      %get3A_244 = arith.index_cast %add3A_243 : i32 to index
      %get3A_245 = tpu.vector_load %arg7[%get3A_244] {strides = array<i32>} : memref<10000xi32, #tpu.memory_space<vmem>>, vector<16xi32>,
      %swap3A_246 = arith.index_cast %add3A_241 : i32 to index
      %swap3A_247 = tpu.vector_load %arg21[%swap3A_246] {strides = array<i32>} : memref<40xi32, #tpu.memory_space<vmem>>, vector<16xi32>,
      tpu.vector_store %arg21[%swap3A_246], %get3A_245 {strides = array<i32>} : memref<40xi32, #tpu.memory_space<vmem>>, vector<16xi32>,
    }
    %scan3A_147 = arith.constant 2 : i32
    %get3A_148 = arith.constant 9744 : index
    %get3A_149 = tpu.vector_load %arg7[%get3A_148] {strides = array<i32>} : memref<10000xi32, #tpu.memory_space<vmem>>, vector<16xi32>,
    %swap3A_150 = arith.constant 24 : index
    %swap3A_151 = tpu.vector_load %arg21[%swap3A_150] {strides = array<i32>} : memref<40xi32, #tpu.memory_space<vmem>>, vector<16xi32>,
    tpu.vector_store %arg21[%swap3A_150], %get3A_149 {strides = array<i32>} : memref<40xi32, #tpu.memory_space<vmem>>, vector<16xi32>,
    "tpu.region"() ({
      %run_scoped3A = tpu.sem_alloc : memref<!tpu.dma_semaphore, #tpu.memory_space<semaphore_mem>>
      %dma_start3A_237 = arith.constant 0 : i32
      %dma_start3A_238 = arith.constant 0 : i32
      %dma_start3A_239 = tpu.memref_slice %arg6[%dma_start3A_237, %dma_start3A_238] : memref<10240x128xf32, #tpu.memory_space<vmem_shared>> -> memref<10240x128xf32, #tpu.memory_space<vmem_shared>>
      tpu.enqueue_indirect_dma source(%arg26 : memref<40x128xf32, #tpu.memory_space<vmem>>) target(%dma_start3A_239 : memref<10240x128xf32, #tpu.memory_space<vmem_shared>>) offsets(%arg21 : memref<40xi32, #tpu.memory_space<vmem>>) semaphore(%run_scoped3A : memref<!tpu.dma_semaphore, #tpu.memory_space<semaphore_mem>>) {add = true}
      %dma_wait3A_240 = arith.constant 0 : i32
      %dma_wait3A_241 = arith.constant 0 : i32
      %dma_wait3A_242 = tpu.memref_slice %arg6[%dma_wait3A_240, %dma_wait3A_241] : memref<10240x128xf32, #tpu.memory_space<vmem_shared>> -> memref<10240x128xf32, #tpu.memory_space<vmem_shared>>
      tpu.wait_indirect_dma semaphore(%run_scoped3A : memref<!tpu.dma_semaphore, #tpu.memory_space<semaphore_mem>>) src(%arg26 : memref<40x128xf32, #tpu.memory_space<vmem>>) dst(%dma_wait3A_242 : memref<10240x128xf32, #tpu.memory_space<vmem_shared>>)
      tpu.yield
    }) : () -> ()
    %dma_wait3A_152 = tpu.memref_slice %arg3[%mul3A_2] : memref<320000xi32, #tpu.memory_space<hbm>> -> memref<40xi32, #tpu.memory_space<hbm>>
    %dma_wait3A_153 = tpu.memref_slice %arg3[%mul3A_2] : memref<320000xi32, #tpu.memory_space<hbm>> -> memref<40xi32, #tpu.memory_space<hbm>>
    tpu.wait_dma2 semaphore(%arg41 : memref<!tpu.dma_semaphore, #tpu.memory_space<semaphore_mem>>) src(%dma_wait3A_153 : memref<40xi32, #tpu.memory_space<hbm>>) dst(%arg16 : memref<40xi32, #tpu.memory_space<vmem>>)
    %dma_start3A_154 = arith.constant 0 : i32
    %dma_start3A_155 = arith.constant 0 : i32
    %dma_start3A_156 = tpu.memref_slice %arg2[%dma_start3A_154, %dma_start3A_155] : memref<10000x128xf32, #tpu.memory_space<hbm>> -> memref<10000x128xf32, #tpu.memory_space<hbm>>
    tpu.enqueue_indirect_dma source(%dma_start3A_156 : memref<10000x128xf32, #tpu.memory_space<hbm>>) target(%arg26 : memref<40x128xf32, #tpu.memory_space<vmem>>) offsets(%arg16 : memref<40xi32, #tpu.memory_space<vmem>>) semaphore(%arg31 : memref<!tpu.dma_semaphore, #tpu.memory_space<semaphore_mem>>)
    %dma_wait3A_157 = arith.constant 0 : i32
    %dma_wait3A_158 = arith.constant 0 : i32
    %dma_wait3A_159 = tpu.memref_slice %arg2[%dma_wait3A_157, %dma_wait3A_158] : memref<10000x128xf32, #tpu.memory_space<hbm>> -> memref<10000x128xf32, #tpu.memory_space<hbm>>
    tpu.wait_indirect_dma semaphore(%arg32 : memref<!tpu.dma_semaphore, #tpu.memory_space<semaphore_mem>>) src(%dma_wait3A_159 : memref<10000x128xf32, #tpu.memory_space<hbm>>) dst(%arg27 : memref<40x128xf32, #tpu.memory_space<vmem>>)
    %scan3A_160 = arith.constant 0 : i32
    %scan3A_161 = arith.constant 2 : i32
    %scan3A_162 = arith.addi %scan3A_160, %scan3A_161 : i32
    %scan3A_163 = arith.constant 1 : i32
    scf.for %scan3A_237 = %scan3A_160 to %scan3A_162 step %scan3A_163  : i32 {
      %mul3A_238 = arith.constant 16 : i32
      %mul3A_239 = arith.muli %scan3A_237, %mul3A_238 : i32
      %add3A_240 = arith.constant 0 : i32
      %add3A_241 = arith.addi %add3A_240, %mul3A_239 : i32
      %add3A_242 = arith.constant 9760 : i32
      %add3A_243 = arith.addi %add3A_242, %add3A_241 : i32
      %get3A_244 = arith.index_cast %add3A_243 : i32 to index
      %get3A_245 = tpu.vector_load %arg7[%get3A_244] {strides = array<i32>} : memref<10000xi32, #tpu.memory_space<vmem>>, vector<16xi32>,
      %swap3A_246 = arith.index_cast %add3A_241 : i32 to index
      %swap3A_247 = tpu.vector_load %arg22[%swap3A_246] {strides = array<i32>} : memref<40xi32, #tpu.memory_space<vmem>>, vector<16xi32>,
      tpu.vector_store %arg22[%swap3A_246], %get3A_245 {strides = array<i32>} : memref<40xi32, #tpu.memory_space<vmem>>, vector<16xi32>,
    }
    %scan3A_164 = arith.constant 2 : i32
    %get3A_165 = arith.constant 9784 : index
    %get3A_166 = tpu.vector_load %arg7[%get3A_165] {strides = array<i32>} : memref<10000xi32, #tpu.memory_space<vmem>>, vector<16xi32>,
    %swap3A_167 = arith.constant 24 : index
    %swap3A_168 = tpu.vector_load %arg22[%swap3A_167] {strides = array<i32>} : memref<40xi32, #tpu.memory_space<vmem>>, vector<16xi32>,
    tpu.vector_store %arg22[%swap3A_167], %get3A_166 {strides = array<i32>} : memref<40xi32, #tpu.memory_space<vmem>>, vector<16xi32>,
    "tpu.region"() ({
      %run_scoped3A = tpu.sem_alloc : memref<!tpu.dma_semaphore, #tpu.memory_space<semaphore_mem>>
      %dma_start3A_237 = arith.constant 0 : i32
      %dma_start3A_238 = arith.constant 0 : i32
      %dma_start3A_239 = tpu.memref_slice %arg6[%dma_start3A_237, %dma_start3A_238] : memref<10240x128xf32, #tpu.memory_space<vmem_shared>> -> memref<10240x128xf32, #tpu.memory_space<vmem_shared>>
      tpu.enqueue_indirect_dma source(%arg27 : memref<40x128xf32, #tpu.memory_space<vmem>>) target(%dma_start3A_239 : memref<10240x128xf32, #tpu.memory_space<vmem_shared>>) offsets(%arg22 : memref<40xi32, #tpu.memory_space<vmem>>) semaphore(%run_scoped3A : memref<!tpu.dma_semaphore, #tpu.memory_space<semaphore_mem>>) {add = true}
      %dma_wait3A_240 = arith.constant 0 : i32
      %dma_wait3A_241 = arith.constant 0 : i32
      %dma_wait3A_242 = tpu.memref_slice %arg6[%dma_wait3A_240, %dma_wait3A_241] : memref<10240x128xf32, #tpu.memory_space<vmem_shared>> -> memref<10240x128xf32, #tpu.memory_space<vmem_shared>>
      tpu.wait_indirect_dma semaphore(%run_scoped3A : memref<!tpu.dma_semaphore, #tpu.memory_space<semaphore_mem>>) src(%arg27 : memref<40x128xf32, #tpu.memory_space<vmem>>) dst(%dma_wait3A_242 : memref<10240x128xf32, #tpu.memory_space<vmem_shared>>)
      tpu.yield
    }) : () -> ()
    %dma_wait3A_169 = tpu.memref_slice %arg3[%mul3A_2] : memref<320000xi32, #tpu.memory_space<hbm>> -> memref<40xi32, #tpu.memory_space<hbm>>
    %dma_wait3A_170 = tpu.memref_slice %arg3[%mul3A_2] : memref<320000xi32, #tpu.memory_space<hbm>> -> memref<40xi32, #tpu.memory_space<hbm>>
    tpu.wait_dma2 semaphore(%arg42 : memref<!tpu.dma_semaphore, #tpu.memory_space<semaphore_mem>>) src(%dma_wait3A_170 : memref<40xi32, #tpu.memory_space<hbm>>) dst(%arg17 : memref<40xi32, #tpu.memory_space<vmem>>)
    %dma_start3A_171 = arith.constant 0 : i32
    %dma_start3A_172 = arith.constant 0 : i32
    %dma_start3A_173 = tpu.memref_slice %arg2[%dma_start3A_171, %dma_start3A_172] : memref<10000x128xf32, #tpu.memory_space<hbm>> -> memref<10000x128xf32, #tpu.memory_space<hbm>>
    tpu.enqueue_indirect_dma source(%dma_start3A_173 : memref<10000x128xf32, #tpu.memory_space<hbm>>) target(%arg27 : memref<40x128xf32, #tpu.memory_space<vmem>>) offsets(%arg17 : memref<40xi32, #tpu.memory_space<vmem>>) semaphore(%arg32 : memref<!tpu.dma_semaphore, #tpu.memory_space<semaphore_mem>>)
    %dma_wait3A_174 = arith.constant 0 : i32
    %dma_wait3A_175 = arith.constant 0 : i32
    %dma_wait3A_176 = tpu.memref_slice %arg2[%dma_wait3A_174, %dma_wait3A_175] : memref<10000x128xf32, #tpu.memory_space<hbm>> -> memref<10000x128xf32, #tpu.memory_space<hbm>>
    tpu.wait_indirect_dma semaphore(%arg28 : memref<!tpu.dma_semaphore, #tpu.memory_space<semaphore_mem>>) src(%dma_wait3A_176 : memref<10000x128xf32, #tpu.memory_space<hbm>>) dst(%arg23 : memref<40x128xf32, #tpu.memory_space<vmem>>)
    %scan3A_177 = arith.constant 0 : i32
    %scan3A_178 = arith.constant 2 : i32
    %scan3A_179 = arith.addi %scan3A_177, %scan3A_178 : i32
    %scan3A_180 = arith.constant 1 : i32
    scf.for %scan3A_237 = %scan3A_177 to %scan3A_179 step %scan3A_180  : i32 {
      %mul3A_238 = arith.constant 16 : i32
      %mul3A_239 = arith.muli %scan3A_237, %mul3A_238 : i32
      %add3A_240 = arith.constant 0 : i32
      %add3A_241 = arith.addi %add3A_240, %mul3A_239 : i32
      %add3A_242 = arith.constant 9800 : i32
      %add3A_243 = arith.addi %add3A_242, %add3A_241 : i32
      %get3A_244 = arith.index_cast %add3A_243 : i32 to index
      %get3A_245 = tpu.vector_load %arg7[%get3A_244] {strides = array<i32>} : memref<10000xi32, #tpu.memory_space<vmem>>, vector<16xi32>,
      %swap3A_246 = arith.index_cast %add3A_241 : i32 to index
      %swap3A_247 = tpu.vector_load %arg18[%swap3A_246] {strides = array<i32>} : memref<40xi32, #tpu.memory_space<vmem>>, vector<16xi32>,
      tpu.vector_store %arg18[%swap3A_246], %get3A_245 {strides = array<i32>} : memref<40xi32, #tpu.memory_space<vmem>>, vector<16xi32>,
    }
    %scan3A_181 = arith.constant 2 : i32
    %get3A_182 = arith.constant 9824 : index
    %get3A_183 = tpu.vector_load %arg7[%get3A_182] {strides = array<i32>} : memref<10000xi32, #tpu.memory_space<vmem>>, vector<16xi32>,
    %swap3A_184 = arith.constant 24 : index
    %swap3A_185 = tpu.vector_load %arg18[%swap3A_184] {strides = array<i32>} : memref<40xi32, #tpu.memory_space<vmem>>, vector<16xi32>,
    tpu.vector_store %arg18[%swap3A_184], %get3A_183 {strides = array<i32>} : memref<40xi32, #tpu.memory_space<vmem>>, vector<16xi32>,
    "tpu.region"() ({
      %run_scoped3A = tpu.sem_alloc : memref<!tpu.dma_semaphore, #tpu.memory_space<semaphore_mem>>
      %dma_start3A_237 = arith.constant 0 : i32
      %dma_start3A_238 = arith.constant 0 : i32
      %dma_start3A_239 = tpu.memref_slice %arg6[%dma_start3A_237, %dma_start3A_238] : memref<10240x128xf32, #tpu.memory_space<vmem_shared>> -> memref<10240x128xf32, #tpu.memory_space<vmem_shared>>
      tpu.enqueue_indirect_dma source(%arg23 : memref<40x128xf32, #tpu.memory_space<vmem>>) target(%dma_start3A_239 : memref<10240x128xf32, #tpu.memory_space<vmem_shared>>) offsets(%arg18 : memref<40xi32, #tpu.memory_space<vmem>>) semaphore(%run_scoped3A : memref<!tpu.dma_semaphore, #tpu.memory_space<semaphore_mem>>) {add = true}
      %dma_wait3A_240 = arith.constant 0 : i32
      %dma_wait3A_241 = arith.constant 0 : i32
      %dma_wait3A_242 = tpu.memref_slice %arg6[%dma_wait3A_240, %dma_wait3A_241] : memref<10240x128xf32, #tpu.memory_space<vmem_shared>> -> memref<10240x128xf32, #tpu.memory_space<vmem_shared>>
      tpu.wait_indirect_dma semaphore(%run_scoped3A : memref<!tpu.dma_semaphore, #tpu.memory_space<semaphore_mem>>) src(%arg23 : memref<40x128xf32, #tpu.memory_space<vmem>>) dst(%dma_wait3A_242 : memref<10240x128xf32, #tpu.memory_space<vmem_shared>>)
      tpu.yield
    }) : () -> ()
    %dma_wait3A_186 = arith.constant 0 : i32
    %dma_wait3A_187 = arith.constant 0 : i32
    %dma_wait3A_188 = tpu.memref_slice %arg2[%dma_wait3A_186, %dma_wait3A_187] : memref<10000x128xf32, #tpu.memory_space<hbm>> -> memref<10000x128xf32, #tpu.memory_space<hbm>>
    tpu.wait_indirect_dma semaphore(%arg29 : memref<!tpu.dma_semaphore, #tpu.memory_space<semaphore_mem>>) src(%dma_wait3A_188 : memref<10000x128xf32, #tpu.memory_space<hbm>>) dst(%arg24 : memref<40x128xf32, #tpu.memory_space<vmem>>)
    %scan3A_189 = arith.constant 0 : i32
    %scan3A_190 = arith.constant 2 : i32
    %scan3A_191 = arith.addi %scan3A_189, %scan3A_190 : i32
    %scan3A_192 = arith.constant 1 : i32
    scf.for %scan3A_237 = %scan3A_189 to %scan3A_191 step %scan3A_192  : i32 {
      %mul3A_238 = arith.constant 16 : i32
      %mul3A_239 = arith.muli %scan3A_237, %mul3A_238 : i32
      %add3A_240 = arith.constant 0 : i32
      %add3A_241 = arith.addi %add3A_240, %mul3A_239 : i32
      %add3A_242 = arith.constant 9840 : i32
      %add3A_243 = arith.addi %add3A_242, %add3A_241 : i32
      %get3A_244 = arith.index_cast %add3A_243 : i32 to index
      %get3A_245 = tpu.vector_load %arg7[%get3A_244] {strides = array<i32>} : memref<10000xi32, #tpu.memory_space<vmem>>, vector<16xi32>,
      %swap3A_246 = arith.index_cast %add3A_241 : i32 to index
      %swap3A_247 = tpu.vector_load %arg19[%swap3A_246] {strides = array<i32>} : memref<40xi32, #tpu.memory_space<vmem>>, vector<16xi32>,
      tpu.vector_store %arg19[%swap3A_246], %get3A_245 {strides = array<i32>} : memref<40xi32, #tpu.memory_space<vmem>>, vector<16xi32>,
    }
    %scan3A_193 = arith.constant 2 : i32
    %get3A_194 = arith.constant 9864 : index
    %get3A_195 = tpu.vector_load %arg7[%get3A_194] {strides = array<i32>} : memref<10000xi32, #tpu.memory_space<vmem>>, vector<16xi32>,
    %swap3A_196 = arith.constant 24 : index
    %swap3A_197 = tpu.vector_load %arg19[%swap3A_196] {strides = array<i32>} : memref<40xi32, #tpu.memory_space<vmem>>, vector<16xi32>,
    tpu.vector_store %arg19[%swap3A_196], %get3A_195 {strides = array<i32>} : memref<40xi32, #tpu.memory_space<vmem>>, vector<16xi32>,
    "tpu.region"() ({
      %run_scoped3A = tpu.sem_alloc : memref<!tpu.dma_semaphore, #tpu.memory_space<semaphore_mem>>
      %dma_start3A_237 = arith.constant 0 : i32
      %dma_start3A_238 = arith.constant 0 : i32
      %dma_start3A_239 = tpu.memref_slice %arg6[%dma_start3A_237, %dma_start3A_238] : memref<10240x128xf32, #tpu.memory_space<vmem_shared>> -> memref<10240x128xf32, #tpu.memory_space<vmem_shared>>
      tpu.enqueue_indirect_dma source(%arg24 : memref<40x128xf32, #tpu.memory_space<vmem>>) target(%dma_start3A_239 : memref<10240x128xf32, #tpu.memory_space<vmem_shared>>) offsets(%arg19 : memref<40xi32, #tpu.memory_space<vmem>>) semaphore(%run_scoped3A : memref<!tpu.dma_semaphore, #tpu.memory_space<semaphore_mem>>) {add = true}
      %dma_wait3A_240 = arith.constant 0 : i32
      %dma_wait3A_241 = arith.constant 0 : i32
      %dma_wait3A_242 = tpu.memref_slice %arg6[%dma_wait3A_240, %dma_wait3A_241] : memref<10240x128xf32, #tpu.memory_space<vmem_shared>> -> memref<10240x128xf32, #tpu.memory_space<vmem_shared>>
      tpu.wait_indirect_dma semaphore(%run_scoped3A : memref<!tpu.dma_semaphore, #tpu.memory_space<semaphore_mem>>) src(%arg24 : memref<40x128xf32, #tpu.memory_space<vmem>>) dst(%dma_wait3A_242 : memref<10240x128xf32, #tpu.memory_space<vmem_shared>>)
      tpu.yield
    }) : () -> ()
    %dma_wait3A_198 = arith.constant 0 : i32
    %dma_wait3A_199 = arith.constant 0 : i32
    %dma_wait3A_200 = tpu.memref_slice %arg2[%dma_wait3A_198, %dma_wait3A_199] : memref<10000x128xf32, #tpu.memory_space<hbm>> -> memref<10000x128xf32, #tpu.memory_space<hbm>>
    tpu.wait_indirect_dma semaphore(%arg30 : memref<!tpu.dma_semaphore, #tpu.memory_space<semaphore_mem>>) src(%dma_wait3A_200 : memref<10000x128xf32, #tpu.memory_space<hbm>>) dst(%arg25 : memref<40x128xf32, #tpu.memory_space<vmem>>)
    %scan3A_201 = arith.constant 0 : i32
    %scan3A_202 = arith.constant 2 : i32
    %scan3A_203 = arith.addi %scan3A_201, %scan3A_202 : i32
    %scan3A_204 = arith.constant 1 : i32
    scf.for %scan3A_237 = %scan3A_201 to %scan3A_203 step %scan3A_204  : i32 {
      %mul3A_238 = arith.constant 16 : i32
      %mul3A_239 = arith.muli %scan3A_237, %mul3A_238 : i32
      %add3A_240 = arith.constant 0 : i32
      %add3A_241 = arith.addi %add3A_240, %mul3A_239 : i32
      %add3A_242 = arith.constant 9880 : i32
      %add3A_243 = arith.addi %add3A_242, %add3A_241 : i32
      %get3A_244 = arith.index_cast %add3A_243 : i32 to index
      %get3A_245 = tpu.vector_load %arg7[%get3A_244] {strides = array<i32>} : memref<10000xi32, #tpu.memory_space<vmem>>, vector<16xi32>,
      %swap3A_246 = arith.index_cast %add3A_241 : i32 to index
      %swap3A_247 = tpu.vector_load %arg20[%swap3A_246] {strides = array<i32>} : memref<40xi32, #tpu.memory_space<vmem>>, vector<16xi32>,
      tpu.vector_store %arg20[%swap3A_246], %get3A_245 {strides = array<i32>} : memref<40xi32, #tpu.memory_space<vmem>>, vector<16xi32>,
    }
    %scan3A_205 = arith.constant 2 : i32
    %get3A_206 = arith.constant 9904 : index
    %get3A_207 = tpu.vector_load %arg7[%get3A_206] {strides = array<i32>} : memref<10000xi32, #tpu.memory_space<vmem>>, vector<16xi32>,
    %swap3A_208 = arith.constant 24 : index
    %swap3A_209 = tpu.vector_load %arg20[%swap3A_208] {strides = array<i32>} : memref<40xi32, #tpu.memory_space<vmem>>, vector<16xi32>,
    tpu.vector_store %arg20[%swap3A_208], %get3A_207 {strides = array<i32>} : memref<40xi32, #tpu.memory_space<vmem>>, vector<16xi32>,
    "tpu.region"() ({
      %run_scoped3A = tpu.sem_alloc : memref<!tpu.dma_semaphore, #tpu.memory_space<semaphore_mem>>
      %dma_start3A_237 = arith.constant 0 : i32
      %dma_start3A_238 = arith.constant 0 : i32
      %dma_start3A_239 = tpu.memref_slice %arg6[%dma_start3A_237, %dma_start3A_238] : memref<10240x128xf32, #tpu.memory_space<vmem_shared>> -> memref<10240x128xf32, #tpu.memory_space<vmem_shared>>
      tpu.enqueue_indirect_dma source(%arg25 : memref<40x128xf32, #tpu.memory_space<vmem>>) target(%dma_start3A_239 : memref<10240x128xf32, #tpu.memory_space<vmem_shared>>) offsets(%arg20 : memref<40xi32, #tpu.memory_space<vmem>>) semaphore(%run_scoped3A : memref<!tpu.dma_semaphore, #tpu.memory_space<semaphore_mem>>) {add = true}
      %dma_wait3A_240 = arith.constant 0 : i32
      %dma_wait3A_241 = arith.constant 0 : i32
      %dma_wait3A_242 = tpu.memref_slice %arg6[%dma_wait3A_240, %dma_wait3A_241] : memref<10240x128xf32, #tpu.memory_space<vmem_shared>> -> memref<10240x128xf32, #tpu.memory_space<vmem_shared>>
      tpu.wait_indirect_dma semaphore(%run_scoped3A : memref<!tpu.dma_semaphore, #tpu.memory_space<semaphore_mem>>) src(%arg25 : memref<40x128xf32, #tpu.memory_space<vmem>>) dst(%dma_wait3A_242 : memref<10240x128xf32, #tpu.memory_space<vmem_shared>>)
      tpu.yield
    }) : () -> ()
    %dma_wait3A_210 = arith.constant 0 : i32
    %dma_wait3A_211 = arith.constant 0 : i32
    %dma_wait3A_212 = tpu.memref_slice %arg2[%dma_wait3A_210, %dma_wait3A_211] : memref<10000x128xf32, #tpu.memory_space<hbm>> -> memref<10000x128xf32, #tpu.memory_space<hbm>>
    tpu.wait_indirect_dma semaphore(%arg31 : memref<!tpu.dma_semaphore, #tpu.memory_space<semaphore_mem>>) src(%dma_wait3A_212 : memref<10000x128xf32, #tpu.memory_space<hbm>>) dst(%arg26 : memref<40x128xf32, #tpu.memory_space<vmem>>)
    %scan3A_213 = arith.constant 0 : i32
    %scan3A_214 = arith.constant 2 : i32
    %scan3A_215 = arith.addi %scan3A_213, %scan3A_214 : i32
    %scan3A_216 = arith.constant 1 : i32
    scf.for %scan3A_237 = %scan3A_213 to %scan3A_215 step %scan3A_216  : i32 {
      %mul3A_238 = arith.constant 16 : i32
      %mul3A_239 = arith.muli %scan3A_237, %mul3A_238 : i32
      %add3A_240 = arith.constant 0 : i32
      %add3A_241 = arith.addi %add3A_240, %mul3A_239 : i32
      %add3A_242 = arith.constant 9920 : i32
      %add3A_243 = arith.addi %add3A_242, %add3A_241 : i32
      %get3A_244 = arith.index_cast %add3A_243 : i32 to index
      %get3A_245 = tpu.vector_load %arg7[%get3A_244] {strides = array<i32>} : memref<10000xi32, #tpu.memory_space<vmem>>, vector<16xi32>,
      %swap3A_246 = arith.index_cast %add3A_241 : i32 to index
      %swap3A_247 = tpu.vector_load %arg21[%swap3A_246] {strides = array<i32>} : memref<40xi32, #tpu.memory_space<vmem>>, vector<16xi32>,
      tpu.vector_store %arg21[%swap3A_246], %get3A_245 {strides = array<i32>} : memref<40xi32, #tpu.memory_space<vmem>>, vector<16xi32>,
    }
    %scan3A_217 = arith.constant 2 : i32
    %get3A_218 = arith.constant 9944 : index
    %get3A_219 = tpu.vector_load %arg7[%get3A_218] {strides = array<i32>} : memref<10000xi32, #tpu.memory_space<vmem>>, vector<16xi32>,
    %swap3A_220 = arith.constant 24 : index
    %swap3A_221 = tpu.vector_load %arg21[%swap3A_220] {strides = array<i32>} : memref<40xi32, #tpu.memory_space<vmem>>, vector<16xi32>,
    tpu.vector_store %arg21[%swap3A_220], %get3A_219 {strides = array<i32>} : memref<40xi32, #tpu.memory_space<vmem>>, vector<16xi32>,
    "tpu.region"() ({
      %run_scoped3A = tpu.sem_alloc : memref<!tpu.dma_semaphore, #tpu.memory_space<semaphore_mem>>
      %dma_start3A_237 = arith.constant 0 : i32
      %dma_start3A_238 = arith.constant 0 : i32
      %dma_start3A_239 = tpu.memref_slice %arg6[%dma_start3A_237, %dma_start3A_238] : memref<10240x128xf32, #tpu.memory_space<vmem_shared>> -> memref<10240x128xf32, #tpu.memory_space<vmem_shared>>
      tpu.enqueue_indirect_dma source(%arg26 : memref<40x128xf32, #tpu.memory_space<vmem>>) target(%dma_start3A_239 : memref<10240x128xf32, #tpu.memory_space<vmem_shared>>) offsets(%arg21 : memref<40xi32, #tpu.memory_space<vmem>>) semaphore(%run_scoped3A : memref<!tpu.dma_semaphore, #tpu.memory_space<semaphore_mem>>) {add = true}
      %dma_wait3A_240 = arith.constant 0 : i32
      %dma_wait3A_241 = arith.constant 0 : i32
      %dma_wait3A_242 = tpu.memref_slice %arg6[%dma_wait3A_240, %dma_wait3A_241] : memref<10240x128xf32, #tpu.memory_space<vmem_shared>> -> memref<10240x128xf32, #tpu.memory_space<vmem_shared>>
      tpu.wait_indirect_dma semaphore(%run_scoped3A : memref<!tpu.dma_semaphore, #tpu.memory_space<semaphore_mem>>) src(%arg26 : memref<40x128xf32, #tpu.memory_space<vmem>>) dst(%dma_wait3A_242 : memref<10240x128xf32, #tpu.memory_space<vmem_shared>>)
      tpu.yield
    }) : () -> ()
    %dma_wait3A_222 = arith.constant 0 : i32
    %dma_wait3A_223 = arith.constant 0 : i32
    %dma_wait3A_224 = tpu.memref_slice %arg2[%dma_wait3A_222, %dma_wait3A_223] : memref<10000x128xf32, #tpu.memory_space<hbm>> -> memref<10000x128xf32, #tpu.memory_space<hbm>>
    tpu.wait_indirect_dma semaphore(%arg32 : memref<!tpu.dma_semaphore, #tpu.memory_space<semaphore_mem>>) src(%dma_wait3A_224 : memref<10000x128xf32, #tpu.memory_space<hbm>>) dst(%arg27 : memref<40x128xf32, #tpu.memory_space<vmem>>)
    %scan3A_225 = arith.constant 0 : i32
    %scan3A_226 = arith.constant 2 : i32
    %scan3A_227 = arith.addi %scan3A_225, %scan3A_226 : i32
    %scan3A_228 = arith.constant 1 : i32
    scf.for %scan3A_237 = %scan3A_225 to %scan3A_227 step %scan3A_228  : i32 {
      %mul3A_238 = arith.constant 16 : i32
      %mul3A_239 = arith.muli %scan3A_237, %mul3A_238 : i32
      %add3A_240 = arith.constant 0 : i32
      %add3A_241 = arith.addi %add3A_240, %mul3A_239 : i32
      %add3A_242 = arith.constant 9960 : i32
      %add3A_243 = arith.addi %add3A_242, %add3A_241 : i32
      %get3A_244 = arith.index_cast %add3A_243 : i32 to index
      %get3A_245 = tpu.vector_load %arg7[%get3A_244] {strides = array<i32>} : memref<10000xi32, #tpu.memory_space<vmem>>, vector<16xi32>,
      %swap3A_246 = arith.index_cast %add3A_241 : i32 to index
      %swap3A_247 = tpu.vector_load %arg22[%swap3A_246] {strides = array<i32>} : memref<40xi32, #tpu.memory_space<vmem>>, vector<16xi32>,
      tpu.vector_store %arg22[%swap3A_246], %get3A_245 {strides = array<i32>} : memref<40xi32, #tpu.memory_space<vmem>>, vector<16xi32>,
    }
    %scan3A_229 = arith.constant 2 : i32
    %get3A_230 = arith.constant 9984 : index
    %get3A_231 = tpu.vector_load %arg7[%get3A_230] {strides = array<i32>} : memref<10000xi32, #tpu.memory_space<vmem>>, vector<16xi32>,
    %swap3A_232 = arith.constant 24 : index
    %swap3A_233 = tpu.vector_load %arg22[%swap3A_232] {strides = array<i32>} : memref<40xi32, #tpu.memory_space<vmem>>, vector<16xi32>,
    tpu.vector_store %arg22[%swap3A_232], %get3A_231 {strides = array<i32>} : memref<40xi32, #tpu.memory_space<vmem>>, vector<16xi32>,
    "tpu.region"() ({
      %run_scoped3A = tpu.sem_alloc : memref<!tpu.dma_semaphore, #tpu.memory_space<semaphore_mem>>
      %dma_start3A_237 = arith.constant 0 : i32
      %dma_start3A_238 = arith.constant 0 : i32
      %dma_start3A_239 = tpu.memref_slice %arg6[%dma_start3A_237, %dma_start3A_238] : memref<10240x128xf32, #tpu.memory_space<vmem_shared>> -> memref<10240x128xf32, #tpu.memory_space<vmem_shared>>
      tpu.enqueue_indirect_dma source(%arg27 : memref<40x128xf32, #tpu.memory_space<vmem>>) target(%dma_start3A_239 : memref<10240x128xf32, #tpu.memory_space<vmem_shared>>) offsets(%arg22 : memref<40xi32, #tpu.memory_space<vmem>>) semaphore(%run_scoped3A : memref<!tpu.dma_semaphore, #tpu.memory_space<semaphore_mem>>) {add = true}
      %dma_wait3A_240 = arith.constant 0 : i32
      %dma_wait3A_241 = arith.constant 0 : i32
      %dma_wait3A_242 = tpu.memref_slice %arg6[%dma_wait3A_240, %dma_wait3A_241] : memref<10240x128xf32, #tpu.memory_space<vmem_shared>> -> memref<10240x128xf32, #tpu.memory_space<vmem_shared>>
      tpu.wait_indirect_dma semaphore(%run_scoped3A : memref<!tpu.dma_semaphore, #tpu.memory_space<semaphore_mem>>) src(%arg27 : memref<40x128xf32, #tpu.memory_space<vmem>>) dst(%dma_wait3A_242 : memref<10240x128xf32, #tpu.memory_space<vmem_shared>>)
      tpu.yield
    }) : () -> ()
    %barrier3A_234 = arith.constant 0 : index
    tpu.barrier barrier_id(%barrier3A_234)
    %mul3A_235 = arith.constant 640 : i32
    %mul3A_236 = arith.muli %arg1, %mul3A_235 : i32
    "tpu.region"() ({
      %run_scoped3A = tpu.sem_alloc : memref<!tpu.dma_semaphore, #tpu.memory_space<semaphore_mem>>
      %dma_start3A_237 = arith.constant 0 : i32
      %dma_start3A_238 = tpu.memref_slice %arg5[%arg0, %mul3A_236, %dma_start3A_237] : memref<2x10240x128xf32, #tpu.memory_space<hbm>> -> memref<1x640x128xf32, #tpu.memory_space<hbm>>
      %dma_start3A_239 = tpu.memref_squeeze %dma_start3A_238 : memref<1x640x128xf32, #tpu.memory_space<hbm>> -> memref<640x128xf32, #tpu.memory_space<hbm>>
      %dma_start3A_240 = arith.constant 0 : i32
      %dma_start3A_241 = tpu.memref_slice %arg6[%mul3A_236, %dma_start3A_240] : memref<10240x128xf32, #tpu.memory_space<vmem_shared>> -> memref<640x128xf32, #tpu.memory_space<vmem_shared>>
      tpu.enqueue_dma source(%dma_start3A_241 : memref<640x128xf32, #tpu.memory_space<vmem_shared>>) target(%dma_start3A_239 : memref<640x128xf32, #tpu.memory_space<hbm>>) target_semaphore(%run_scoped3A : memref<!tpu.dma_semaphore, #tpu.memory_space<semaphore_mem>>)
      %dma_wait3A_242 = arith.constant 0 : i32
      %dma_wait3A_243 = tpu.memref_slice %arg5[%arg0, %mul3A_236, %dma_wait3A_242] : memref<2x10240x128xf32, #tpu.memory_space<hbm>> -> memref<1x640x128xf32, #tpu.memory_space<hbm>>
      %dma_wait3A_244 = tpu.memref_squeeze %dma_wait3A_243 : memref<1x640x128xf32, #tpu.memory_space<hbm>> -> memref<640x128xf32, #tpu.memory_space<hbm>>
      %dma_wait3A_245 = arith.constant 0 : i32
      %dma_wait3A_246 = tpu.memref_slice %arg6[%mul3A_236, %dma_wait3A_245] : memref<10240x128xf32, #tpu.memory_space<vmem_shared>> -> memref<640x128xf32, #tpu.memory_space<vmem_shared>>
      tpu.wait_dma2 semaphore(%run_scoped3A : memref<!tpu.dma_semaphore, #tpu.memory_space<semaphore_mem>>) src(%dma_wait3A_246 : memref<640x128xf32, #tpu.memory_space<vmem_shared>>) dst(%dma_wait3A_244 : memref<640x128xf32, #tpu.memory_space<hbm>>)
      tpu.yield
    }) : () -> ()
    return
  }
}

module attributes {stable_mosaic.version = 14 : i64} {
  func.func @_mm3_body(%arg0: i32, %arg1: memref<1024x128xf32, #tpu.memory_space<vmem>>, %arg2: memref<2x1024x128xf32, #tpu.memory_space<vmem>>, %arg3: memref<1024x1xf32, #tpu.memory_space<vmem>>, %arg4: memref<1024x128xf32, #tpu.memory_space<vmem>>, %arg5: memref<1x500xi32, #tpu.memory_space<vmem>>, %arg6: memref<1x500xi32, #tpu.memory_space<vmem>>, %arg7: memref<1024x128xf32, #tpu.memory_space<vmem>>) attributes {dimension_semantics = [#tpu.dimension_semantics<arbitrary>], iteration_bounds = array<i64: 10>, scalar_prefetch = 0 : i64, scratch_operands = 0 : i64, tpu.core_type = #tpu.core_type<tc>, window_params = [{transform_indices = @transform_0, window_bounds = array<i64: 1024, 128>}, {transform_indices = @transform_1, window_bounds = array<i64: 2, 1024, 128>}, {transform_indices = @transform_2, window_bounds = array<i64: 1024, 1>}, {transform_indices = @transform_3, window_bounds = array<i64: 1024, 128>}, {pipeline_mode = #tpu.pipeline_mode<synchronous>, transform_indices = @transform_4, window_bounds = array<i64: 1, 500>}, {pipeline_mode = #tpu.pipeline_mode<synchronous>, transform_indices = @transform_5, window_bounds = array<i64: 1, 500>}, {transform_indices = @transform_6, window_bounds = array<i64: 1024, 128>}]} {
    %get3A = arith.constant 0 : index
    %get3A_0 = arith.constant 0 : index
    %get3A_1 = arith.constant 0 : index
    %get3A_2 = vector.load %arg2[%get3A, %get3A_0, %get3A_1] : memref<2x1024x128xf32, #tpu.memory_space<vmem>>, vector<1x1024x128xf32>
    %get3A_3 = vector.shape_cast %get3A_2 : vector<1x1024x128xf32> to vector<1024x128xf32>
    %get3A_4 = arith.constant 1 : index
    %get3A_5 = arith.constant 0 : index
    %get3A_6 = arith.constant 0 : index
    %get3A_7 = vector.load %arg2[%get3A_4, %get3A_5, %get3A_6] : memref<2x1024x128xf32, #tpu.memory_space<vmem>>, vector<1x1024x128xf32>
    %get3A_8 = vector.shape_cast %get3A_7 : vector<1x1024x128xf32> to vector<1024x128xf32>
    %add3A = arith.addf %get3A_3, %get3A_8 : vector<1024x128xf32>
    %get3A_9 = arith.constant 0 : index
    %get3A_10 = arith.constant 0 : index
    %get3A_11 = vector.load %arg1[%get3A_9, %get3A_10] : memref<1024x128xf32, #tpu.memory_space<vmem>>, vector<1024x128xf32>
    %get3A_12 = arith.constant 0 : index
    %get3A_13 = arith.constant 0 : index
    %get3A_14 = vector.load %arg3[%get3A_12, %get3A_13] : memref<1024x1xf32, #tpu.memory_space<vmem>>, vector<1024x1xf32>
    %mul3A = vector.broadcast %get3A_14 : vector<1024x1xf32> to vector<1024x128xf32>
    %mul3A_15 = arith.mulf %add3A, %mul3A : vector<1024x128xf32>
    %add3A_16 = arith.addf %get3A_11, %mul3A_15 : vector<1024x128xf32>
    %iota3A = tpu.iota {dimensions = array<i32: 0>} : vector<1024x1xi32>
    %mul3A_17 = arith.constant 1024 : i32
    %mul3A_18 = arith.muli %arg0, %mul3A_17 : i32
    %add3A_19 = vector.broadcast %mul3A_18 : i32 to vector<1024x1xi32>
    %add3A_20 = arith.addi %iota3A, %add3A_19 : vector<1024x1xi32>
    %get3A_21 = arith.constant 0 : index
    %get3A_22 = arith.constant 0 : index
    %get3A_23 = vector.load %arg5[%get3A_21, %get3A_22] : memref<1x500xi32, #tpu.memory_space<vmem>>, vector<1x500xi32>
    %eq3A = vector.broadcast %add3A_20 : vector<1024x1xi32> to vector<1024x500xi32>
    %eq3A_24 = vector.broadcast %get3A_23 : vector<1x500xi32> to vector<1024x500xi32>
    %eq3A_25 = arith.cmpi eq, %eq3A, %eq3A_24 : vector<1024x500xi32>
    %reduce_or3A = arith.constant 1.000000e+00 : f32
    %reduce_or3A_26 = arith.constant 0.000000e+00 : f32
    %reduce_or3A_27 = vector.broadcast %reduce_or3A : f32 to vector<1024x500xf32>
    %reduce_or3A_28 = vector.broadcast %reduce_or3A_26 : f32 to vector<1024x500xf32>
    %reduce_or3A_29 = arith.select %eq3A_25, %reduce_or3A_27, %reduce_or3A_28 : vector<1024x500xi1>, vector<1024x500xf32>
    %reduce_or3A_30 = arith.constant dense<0xFF800000> : vector<1024xf32>
    %reduce_or3A_31 = vector.multi_reduction <maximumf>, %reduce_or3A_29, %reduce_or3A_30 [1] : vector<1024x500xf32> to vector<1024xf32>
    %reduce_or3A_32 = arith.constant 0.000000e+00 : f32
    %reduce_or3A_33 = vector.broadcast %reduce_or3A_32 : f32 to vector<1024xf32>
    %reduce_or3A_34 = arith.cmpf ogt, %reduce_or3A_31, %reduce_or3A_33 : vector<1024xf32>
    %broadcast_in_dim3A = vector.shape_cast %reduce_or3A_34 : vector<1024xi1> to vector<1024x1xi1>
    %get3A_35 = arith.constant 0 : index
    %get3A_36 = arith.constant 0 : index
    %get3A_37 = vector.load %arg6[%get3A_35, %get3A_36] : memref<1x500xi32, #tpu.memory_space<vmem>>, vector<1x500xi32>
    %eq3A_38 = vector.broadcast %add3A_20 : vector<1024x1xi32> to vector<1024x500xi32>
    %eq3A_39 = vector.broadcast %get3A_37 : vector<1x500xi32> to vector<1024x500xi32>
    %eq3A_40 = arith.cmpi eq, %eq3A_38, %eq3A_39 : vector<1024x500xi32>
    %reduce_or3A_41 = arith.constant 1.000000e+00 : f32
    %reduce_or3A_42 = arith.constant 0.000000e+00 : f32
    %reduce_or3A_43 = vector.broadcast %reduce_or3A_41 : f32 to vector<1024x500xf32>
    %reduce_or3A_44 = vector.broadcast %reduce_or3A_42 : f32 to vector<1024x500xf32>
    %reduce_or3A_45 = arith.select %eq3A_40, %reduce_or3A_43, %reduce_or3A_44 : vector<1024x500xi1>, vector<1024x500xf32>
    %reduce_or3A_46 = arith.constant dense<0xFF800000> : vector<1024xf32>
    %reduce_or3A_47 = vector.multi_reduction <maximumf>, %reduce_or3A_45, %reduce_or3A_46 [1] : vector<1024x500xf32> to vector<1024xf32>
    %reduce_or3A_48 = arith.constant 0.000000e+00 : f32
    %reduce_or3A_49 = vector.broadcast %reduce_or3A_48 : f32 to vector<1024xf32>
    %reduce_or3A_50 = arith.cmpf ogt, %reduce_or3A_47, %reduce_or3A_49 : vector<1024xf32>
    %broadcast_in_dim3A_51 = vector.shape_cast %reduce_or3A_50 : vector<1024xi1> to vector<1024x1xi1>
    %or3A = arith.ori %broadcast_in_dim3A, %broadcast_in_dim3A_51 : vector<1024x1xi1>
    %not3A = arith.constant dense<true> : vector<1024x1xi1>
    %not3A_52 = arith.xori %or3A, %not3A : vector<1024x1xi1>
    %get3A_53 = arith.constant 0 : index
    %get3A_54 = arith.constant 0 : index
    %get3A_55 = vector.load %arg4[%get3A_53, %get3A_54] : memref<1024x128xf32, #tpu.memory_space<vmem>>, vector<1024x128xf32>
    %broadcast_in_dim3A_56 = vector.shape_cast %not3A_52 : vector<1024x1xi1> to vector<1024x1xi1>
    %broadcast_in_dim3A_57 = vector.broadcast %broadcast_in_dim3A_56 : vector<1024x1xi1> to vector<1024x128xi1>
    %select_n3A = arith.select %broadcast_in_dim3A_57, %get3A_55, %add3A_16 : vector<1024x128xi1>, vector<1024x128xf32>
    %broadcast_in_dim3A_58 = arith.constant 0.000000e+00 : f32
    %broadcast_in_dim3A_59 = vector.broadcast %broadcast_in_dim3A_58 : f32 to vector<1024x128xf32>
    %broadcast_in_dim3A_60 = vector.shape_cast %broadcast_in_dim3A_51 : vector<1024x1xi1> to vector<1024x1xi1>
    %broadcast_in_dim3A_61 = vector.broadcast %broadcast_in_dim3A_60 : vector<1024x1xi1> to vector<1024x128xi1>
    %select_n3A_62 = arith.select %broadcast_in_dim3A_61, %add3A_16, %broadcast_in_dim3A_59 : vector<1024x128xi1>, vector<1024x128xf32>
    %add3A_63 = arith.addf %select_n3A, %select_n3A_62 : vector<1024x128xf32>
    %swap3A = arith.constant 0 : index
    %swap3A_64 = arith.constant 0 : index
    %swap3A_65 = vector.load %arg7[%swap3A, %swap3A_64] : memref<1024x128xf32, #tpu.memory_space<vmem>>, vector<1024x128xf32>
    tpu.vector_store %arg7[%swap3A, %swap3A_64], %add3A_63 {strides = array<i32>} : memref<1024x128xf32, #tpu.memory_space<vmem>>, vector<1024x128xf32>,
    return
  }
  func.func @transform_0(%arg0: i32) -> (i32, i32) {
    %c0_i32 = arith.constant 0 : i32
    %c0_i32_0 = arith.constant 0 : i32
    return %arg0, %c0_i32 : i32, i32
  }
  func.func @transform_1(%arg0: i32) -> (i32, i32, i32) {
    %c0_i32 = arith.constant 0 : i32
    %c0_i32_0 = arith.constant 0 : i32
    %c0_i32_1 = arith.constant 0 : i32
    return %c0_i32, %arg0, %c0_i32_0 : i32, i32, i32
  }
  func.func @transform_2(%arg0: i32) -> (i32, i32) {
    %c0_i32 = arith.constant 0 : i32
    %c0_i32_0 = arith.constant 0 : i32
    return %arg0, %c0_i32 : i32, i32
  }
  func.func @transform_3(%arg0: i32) -> (i32, i32) {
    %c0_i32 = arith.constant 0 : i32
    %c0_i32_0 = arith.constant 0 : i32
    return %arg0, %c0_i32 : i32, i32
  }
  func.func @transform_4(%arg0: i32) -> (i32, i32) {
    %c0_i32 = arith.constant 0 : i32
    %c0_i32_0 = arith.constant 0 : i32
    %c0_i32_1 = arith.constant 0 : i32
    return %c0_i32, %c0_i32_0 : i32, i32
  }
  func.func @transform_5(%arg0: i32) -> (i32, i32) {
    %c0_i32 = arith.constant 0 : i32
    %c0_i32_0 = arith.constant 0 : i32
    %c0_i32_1 = arith.constant 0 : i32
    return %c0_i32, %c0_i32_0 : i32, i32
  }
  func.func @transform_6(%arg0: i32) -> (i32, i32) {
    %c0_i32 = arith.constant 0 : i32
    %c0_i32_0 = arith.constant 0 : i32
    return %arg0, %c0_i32 : i32, i32
  }
}

module attributes {stable_mosaic.version = 14 : i64} {
  func.func @_mm2_body(%arg0: i32, %arg1: memref<1024x128xf32, #tpu.memory_space<vmem>>, %arg2: memref<2x1024x128xf32, #tpu.memory_space<vmem>>, %arg3: memref<2x1024x1xf32, #tpu.memory_space<vmem>>, %arg4: memref<128x128xf32, #tpu.memory_space<vmem>>, %arg5: memref<128x128xf32, #tpu.memory_space<vmem>>, %arg6: memref<1x128xf32, #tpu.memory_space<vmem>>, %arg7: memref<128x128xf32, #tpu.memory_space<vmem>>, %arg8: memref<128x128xf32, #tpu.memory_space<vmem>>, %arg9: memref<1x128xf32, #tpu.memory_space<vmem>>, %arg10: memref<1024x128xf32, #tpu.memory_space<vmem>>, %arg11: memref<1024x128xf32, #tpu.memory_space<vmem>>, %arg12: memref<1024x1xf32, #tpu.memory_space<vmem>>) attributes {dimension_semantics = [#tpu.dimension_semantics<arbitrary>], iteration_bounds = array<i64: 10>, scalar_prefetch = 0 : i64, scratch_operands = 0 : i64, tpu.core_type = #tpu.core_type<tc>, window_params = [{transform_indices = @transform_0, window_bounds = array<i64: 1024, 128>}, {transform_indices = @transform_1, window_bounds = array<i64: 2, 1024, 128>}, {transform_indices = @transform_2, window_bounds = array<i64: 2, 1024, 1>}, {pipeline_mode = #tpu.pipeline_mode<synchronous>, transform_indices = @transform_3, window_bounds = array<i64: 128, 128>}, {pipeline_mode = #tpu.pipeline_mode<synchronous>, transform_indices = @transform_4, window_bounds = array<i64: 128, 128>}, {pipeline_mode = #tpu.pipeline_mode<synchronous>, transform_indices = @transform_5, window_bounds = array<i64: 1, 128>}, {pipeline_mode = #tpu.pipeline_mode<synchronous>, transform_indices = @transform_6, window_bounds = array<i64: 128, 128>}, {pipeline_mode = #tpu.pipeline_mode<synchronous>, transform_indices = @transform_7, window_bounds = array<i64: 128, 128>}, {pipeline_mode = #tpu.pipeline_mode<synchronous>, transform_indices = @transform_8, window_bounds = array<i64: 1, 128>}, {transform_indices = @transform_9, window_bounds = array<i64: 1024, 128>}, {transform_indices = @transform_10, window_bounds = array<i64: 1024, 128>}, {transform_indices = @transform_11, window_bounds = array<i64: 1024, 1>}]} {
    %get3A = arith.constant 0 : index
    %get3A_0 = arith.constant 0 : index
    %get3A_1 = arith.constant 0 : index
    %get3A_2 = vector.load %arg2[%get3A, %get3A_0, %get3A_1] : memref<2x1024x128xf32, #tpu.memory_space<vmem>>, vector<1x1024x128xf32>
    %get3A_3 = vector.shape_cast %get3A_2 : vector<1x1024x128xf32> to vector<1024x128xf32>
    %get3A_4 = arith.constant 1 : index
    %get3A_5 = arith.constant 0 : index
    %get3A_6 = arith.constant 0 : index
    %get3A_7 = vector.load %arg2[%get3A_4, %get3A_5, %get3A_6] : memref<2x1024x128xf32, #tpu.memory_space<vmem>>, vector<1x1024x128xf32>
    %get3A_8 = vector.shape_cast %get3A_7 : vector<1x1024x128xf32> to vector<1024x128xf32>
    %add3A = arith.addf %get3A_3, %get3A_8 : vector<1024x128xf32>
    %get3A_9 = arith.constant 0 : index
    %get3A_10 = arith.constant 0 : index
    %get3A_11 = arith.constant 0 : index
    %get3A_12 = vector.load %arg3[%get3A_9, %get3A_10, %get3A_11] : memref<2x1024x1xf32, #tpu.memory_space<vmem>>, vector<1x1024x1xf32>
    %get3A_13 = vector.shape_cast %get3A_12 : vector<1x1024x1xf32> to vector<1024x1xf32>
    %get3A_14 = arith.constant 1 : index
    %get3A_15 = arith.constant 0 : index
    %get3A_16 = arith.constant 0 : index
    %get3A_17 = vector.load %arg3[%get3A_14, %get3A_15, %get3A_16] : memref<2x1024x1xf32, #tpu.memory_space<vmem>>, vector<1x1024x1xf32>
    %get3A_18 = vector.shape_cast %get3A_17 : vector<1x1024x1xf32> to vector<1024x1xf32>
    %add3A_19 = arith.addf %get3A_13, %get3A_18 : vector<1024x1xf32>
    %max3A = arith.constant 1.000000e+00 : f32
    %max3A_20 = vector.broadcast %max3A : f32 to vector<1024x1xf32>
    %max3A_21 = arith.maximumf %add3A_19, %max3A_20 : vector<1024x1xf32>
    %div3A = arith.constant 1.000000e+00 : f32
    %div3A_22 = vector.broadcast %div3A : f32 to vector<1024x1xf32>
    %div3A_23 = arith.divf %div3A_22, %max3A_21 : vector<1024x1xf32>
    %get3A_24 = arith.constant 0 : index
    %get3A_25 = arith.constant 0 : index
    %get3A_26 = vector.load %arg1[%get3A_24, %get3A_25] : memref<1024x128xf32, #tpu.memory_space<vmem>>, vector<1024x128xf32>
    %get3A_27 = arith.constant 0 : index
    %get3A_28 = arith.constant 0 : index
    %get3A_29 = vector.load %arg5[%get3A_27, %get3A_28] : memref<128x128xf32, #tpu.memory_space<vmem>>, vector<128x128xf32>
    %dot_general3A = arith.constant dense<0.000000e+00> : vector<1024x128xf32>
    %dot_general3A_30 = tpu.matmul %get3A_26, %get3A_29, %dot_general3A {dimension_numbers = #tpu.dot_dimension_numbers<[1], [0], [0], [1], [0, 0, 1, 1], [], []>, transpose_lhs_hint = false} : vector<1024x128xf32>, vector<128x128xf32>, vector<1024x128xf32> -> vector<1024x128xf32>
    %mul3A = vector.broadcast %div3A_23 : vector<1024x1xf32> to vector<1024x128xf32>
    %mul3A_31 = arith.mulf %add3A, %mul3A : vector<1024x128xf32>
    %get3A_32 = arith.constant 0 : index
    %get3A_33 = arith.constant 0 : index
    %get3A_34 = vector.load %arg4[%get3A_32, %get3A_33] : memref<128x128xf32, #tpu.memory_space<vmem>>, vector<128x128xf32>
    %dot_general3A_35 = arith.constant dense<0.000000e+00> : vector<1024x128xf32>
    %dot_general3A_36 = tpu.matmul %mul3A_31, %get3A_34, %dot_general3A_35 {dimension_numbers = #tpu.dot_dimension_numbers<[1], [0], [0], [1], [0, 0, 1, 1], [], []>, transpose_lhs_hint = false} : vector<1024x128xf32>, vector<128x128xf32>, vector<1024x128xf32> -> vector<1024x128xf32>
    %add3A_37 = arith.addf %dot_general3A_30, %dot_general3A_36 : vector<1024x128xf32>
    %get3A_38 = arith.constant 0 : index
    %get3A_39 = arith.constant 0 : index
    %get3A_40 = vector.load %arg6[%get3A_38, %get3A_39] : memref<1x128xf32, #tpu.memory_space<vmem>>, vector<1x128xf32>
    %add3A_41 = vector.broadcast %get3A_40 : vector<1x128xf32> to vector<1024x128xf32>
    %add3A_42 = arith.addf %add3A_37, %add3A_41 : vector<1024x128xf32>
    %max3A_43 = arith.constant 0.000000e+00 : f32
    %max3A_44 = vector.broadcast %max3A_43 : f32 to vector<1024x128xf32>
    %max3A_45 = arith.maximumf %add3A_42, %max3A_44 : vector<1024x128xf32>
    %get3A_46 = arith.constant 0 : index
    %get3A_47 = arith.constant 0 : index
    %get3A_48 = vector.load %arg7[%get3A_46, %get3A_47] : memref<128x128xf32, #tpu.memory_space<vmem>>, vector<128x128xf32>
    %dot_general3A_49 = arith.constant dense<0.000000e+00> : vector<1024x128xf32>
    %dot_general3A_50 = tpu.matmul %max3A_45, %get3A_48, %dot_general3A_49 {dimension_numbers = #tpu.dot_dimension_numbers<[1], [0], [0], [1], [0, 0, 1, 1], [], []>, transpose_lhs_hint = false} : vector<1024x128xf32>, vector<128x128xf32>, vector<1024x128xf32> -> vector<1024x128xf32>
    %swap3A = arith.constant 0 : index
    %swap3A_51 = arith.constant 0 : index
    %swap3A_52 = vector.load %arg10[%swap3A, %swap3A_51] : memref<1024x128xf32, #tpu.memory_space<vmem>>, vector<1024x128xf32>
    tpu.vector_store %arg10[%swap3A, %swap3A_51], %dot_general3A_50 {strides = array<i32>} : memref<1024x128xf32, #tpu.memory_space<vmem>>, vector<1024x128xf32>,
    %get3A_53 = arith.constant 0 : index
    %get3A_54 = arith.constant 0 : index
    %get3A_55 = vector.load %arg8[%get3A_53, %get3A_54] : memref<128x128xf32, #tpu.memory_space<vmem>>, vector<128x128xf32>
    %dot_general3A_56 = arith.constant dense<0.000000e+00> : vector<1024x128xf32>
    %dot_general3A_57 = tpu.matmul %max3A_45, %get3A_55, %dot_general3A_56 {dimension_numbers = #tpu.dot_dimension_numbers<[1], [0], [0], [1], [0, 0, 1, 1], [], []>, transpose_lhs_hint = false} : vector<1024x128xf32>, vector<128x128xf32>, vector<1024x128xf32> -> vector<1024x128xf32>
    %get3A_58 = arith.constant 0 : index
    %get3A_59 = arith.constant 0 : index
    %get3A_60 = vector.load %arg9[%get3A_58, %get3A_59] : memref<1x128xf32, #tpu.memory_space<vmem>>, vector<1x128xf32>
    %add3A_61 = vector.broadcast %get3A_60 : vector<1x128xf32> to vector<1024x128xf32>
    %add3A_62 = arith.addf %dot_general3A_57, %add3A_61 : vector<1024x128xf32>
    %swap3A_63 = arith.constant 0 : index
    %swap3A_64 = arith.constant 0 : index
    %swap3A_65 = vector.load %arg11[%swap3A_63, %swap3A_64] : memref<1024x128xf32, #tpu.memory_space<vmem>>, vector<1024x128xf32>
    tpu.vector_store %arg11[%swap3A_63, %swap3A_64], %add3A_62 {strides = array<i32>} : memref<1024x128xf32, #tpu.memory_space<vmem>>, vector<1024x128xf32>,
    %swap3A_66 = arith.constant 0 : index
    %swap3A_67 = arith.constant 0 : index
    %swap3A_68 = vector.load %arg12[%swap3A_66, %swap3A_67] : memref<1024x1xf32, #tpu.memory_space<vmem>>, vector<1024x1xf32>
    tpu.vector_store %arg12[%swap3A_66, %swap3A_67], %div3A_23 {strides = array<i32>} : memref<1024x1xf32, #tpu.memory_space<vmem>>, vector<1024x1xf32>,
    return
  }
  func.func @transform_0(%arg0: i32) -> (i32, i32) {
    %c0_i32 = arith.constant 0 : i32
    %c0_i32_0 = arith.constant 0 : i32
    return %arg0, %c0_i32 : i32, i32
  }
  func.func @transform_1(%arg0: i32) -> (i32, i32, i32) {
    %c0_i32 = arith.constant 0 : i32
    %c0_i32_0 = arith.constant 0 : i32
    %c0_i32_1 = arith.constant 0 : i32
    return %c0_i32, %arg0, %c0_i32_0 : i32, i32, i32
  }
  func.func @transform_2(%arg0: i32) -> (i32, i32, i32) {
    %c0_i32 = arith.constant 0 : i32
    %c0_i32_0 = arith.constant 0 : i32
    %c0_i32_1 = arith.constant 0 : i32
    return %c0_i32, %arg0, %c0_i32_0 : i32, i32, i32
  }
  func.func @transform_3(%arg0: i32) -> (i32, i32) {
    %c0_i32 = arith.constant 0 : i32
    %c0_i32_0 = arith.constant 0 : i32
    %c0_i32_1 = arith.constant 0 : i32
    return %c0_i32, %c0_i32_0 : i32, i32
  }
  func.func @transform_4(%arg0: i32) -> (i32, i32) {
    %c0_i32 = arith.constant 0 : i32
    %c0_i32_0 = arith.constant 0 : i32
    %c0_i32_1 = arith.constant 0 : i32
    return %c0_i32, %c0_i32_0 : i32, i32
  }
  func.func @transform_5(%arg0: i32) -> (i32, i32) {
    %c0_i32 = arith.constant 0 : i32
    %c0_i32_0 = arith.constant 0 : i32
    %c0_i32_1 = arith.constant 0 : i32
    return %c0_i32, %c0_i32_0 : i32, i32
  }
  func.func @transform_6(%arg0: i32) -> (i32, i32) {
    %c0_i32 = arith.constant 0 : i32
    %c0_i32_0 = arith.constant 0 : i32
    %c0_i32_1 = arith.constant 0 : i32
    return %c0_i32, %c0_i32_0 : i32, i32
  }
  func.func @transform_7(%arg0: i32) -> (i32, i32) {
    %c0_i32 = arith.constant 0 : i32
    %c0_i32_0 = arith.constant 0 : i32
    %c0_i32_1 = arith.constant 0 : i32
    return %c0_i32, %c0_i32_0 : i32, i32
  }
  func.func @transform_8(%arg0: i32) -> (i32, i32) {
    %c0_i32 = arith.constant 0 : i32
    %c0_i32_0 = arith.constant 0 : i32
    %c0_i32_1 = arith.constant 0 : i32
    return %c0_i32, %c0_i32_0 : i32, i32
  }
  func.func @transform_9(%arg0: i32) -> (i32, i32) {
    %c0_i32 = arith.constant 0 : i32
    %c0_i32_0 = arith.constant 0 : i32
    return %arg0, %c0_i32 : i32, i32
  }
  func.func @transform_10(%arg0: i32) -> (i32, i32) {
    %c0_i32 = arith.constant 0 : i32
    %c0_i32_0 = arith.constant 0 : i32
    return %arg0, %c0_i32 : i32, i32
  }
  func.func @transform_11(%arg0: i32) -> (i32, i32) {
    %c0_i32 = arith.constant 0 : i32
    %c0_i32_0 = arith.constant 0 : i32
    return %arg0, %c0_i32 : i32, i32
  }
}

</mosaic_0001>

<sc_bundles>
// kernel: kernel.6.cloned.1.call-start
scs
__scs_entry_jumppad:
0x0: {  	(pc) =	sbr.rel $0x88, $3  }
0x1: {  	(tag) =	ssettag $0x0;
	lr =	simm.s32 $0x1  }
0x2: {  	[smem:$0x3F96] =	sst lr;
	_ =	strace $0xD0000000  }
0x3: {  	_ = 	snop  }
0x4: {  	_ = 	snop  }
0x5: {  	_ = 	snop  }
0x6: {  	_ = 	snop  }
0x7: {  	_ = 	snop  }
__scs_overlays_trampoline_lowered:
0x8: {  	[smem:$0x3FA5] =	sst s0  }
0x9: {  	[smem:$0x3FA6] =	sst s1  }
0xa: {  	[smem:$0x3FA7] =	sst s2  }
0xb: {  	[smem:$0x3FA8] =	sst s3  }
0xc: {  	[smem:$0x3FA9] =	sst s4  }
0xd: {  	[smem:$0x3FAA] =	sst s5  }
0xe: {  	[smem:$0x3FAB] =	sst s6  }
0xf: {  	[smem:$0x3FAC] =	sst s7  }
0x10: {  	[smem:$0x3FAD] =	sst s8  }
0x11: {  	[smem:$0x3FAE] =	sst s9;
	s0 =	simm.s32 @!p0 $0x0  }
0x12: {  	s1 =	sld [smem:$0x3F94];
	s0 =	simm.s32 @p0 $0x1  }
0x13: {  	[smem:$0x3FAF] =	sst s0;
	s0 =	simm.s32 @!p1 $0x0  }
0x14: {  	s2 =	sld [smem:$0x3F93];
	s0 =	simm.s32 @p1 $0x1  }
0x15: {  	[smem:$0x3FB0] =	sst s0;
	s0 =	simm.s32 @!p2 $0x0  }
0x16: {  	s3 =	sld [smem:$0x3FDB];
	s0 =	simm.s32 @p2 $0x1  }
0x17: {  	s4 =	simm.s32 $0x1BF5;
	[smem:$0x3FB2] =	sst s0  }
0x18: {  	s0 =	sld [smem:$0x3F95];
	_ =	swait.ge [sflag:s4], $0x0  }
0x19: {  	s7 =	sld [smem:$0x3F96]  }
0x1a: {  	s8 =	sadd.s32 $0xFFFFE003, lr  }
0x1b: {  	s9 =	sadd.s32 $0xFFFFFEF7, lr;
	s5 =	simm.s32 $0xFFFFFFFF;
	p2 =	slt.u32 s8, $0xFFFFF086  }
0x1c: {  	p1 =	slt.u32 s9, $0xF7A;
	s5 =	simm.s32 @!p2 $0x0  }
0x1d: {  	s5 =	simm.s32 @p1 $0x1;
	p0 =	seq.s32 s7, s2  }
0x1e: {  	s7 =	smul.u32 @!p0 $0xF7A, s2;
	p2 =	seq.s32 @!p0 s5, $0x0  }
0x1f: {  	s9 =	smul.u32 $0xF7A, s1;
	s8 =	simm.s32 @!p0 $0x1BF5;
	p2 =	por !p2, p0  }
0x20: {  	[sflag:s8] =	ssyncset.s32 @!p0 $0xFFFFF086;
	s6 =	sadd.s32 @!p0 s3, s7;
	s7 =	simm.s32 @!p0 $0x108  }
0x21: {  	s3 =	sadd.s32 s3, s9;
	s6 =	sadd.s32 @!p0 $0x88, s6;
	s7 =	simm.s32 @p2 $0x1082  }
0x22: {  	[simem:s7], [sflag:s8] =	dma.local @!p0 [hbm:s6], $0xF7A  }
0x23: {  	s9 =	sor.u32 $0xD0000000, s2;
	s6 =	simm.s32 $0x108;
	_ =	swait.ge @!p0 [sflag:s8], $0x0  }
0x24: {  	s3 =	sadd.s32 $0x88, s3;
	s6 =	simm.s32 @!p1 $0x1082;
	[sflag:s4] =	ssyncset.s32 $0xFFFFF086  }
0x25: {  	[simem:s6], [sflag:s4] =	dma.local [hbm:s3], $0xF7A  }
0x26: {  	[smem:$0x3F96] =	sst s1;
	(tag) =	ssettag s2;
	_ =	strace s9  }
0x27: {  	s1 =	sld [smem:$0x3FA6]  }
0x28: {  	s2 =	sld [smem:$0x3FA7]  }
0x29: {  	s4 =	sld [smem:$0x3FA9]  }
0x2a: {  	p0 =	seq.s32 s5, $0x0;
	s5 =	sld [smem:$0x3FAA]  }
0x2b: {  	s6 =	sld [smem:$0x3FAB]  }
0x2c: {  	s7 =	sld [smem:$0x3FAC]  }
0x2d: {  	s3 =	simm.s32 $0x108;
	s8 =	sld [smem:$0x3FAD]  }
0x2e: {  	s3 =	simm.s32 @!p0 $0x1082;
	s9 =	sld [smem:$0x3FAE]  }
0x2f: {  	lr =	sadd.s32 s0, s3;
	s0 =	sld [smem:$0x3FA5]  }
0x30: {  	s3 =	sld [smem:$0x3FA8]  }
0x31: {  	[smem:$0x3FB1] =	sst s10  }
0x32: {  	s10 =	sld [smem:$0x3FAF];
	_ =	sdelay $0x3  }
0x33: {  	p0 =	seq.s32 s10, $0x1;
	s10 =	sld [smem:$0x3FB1];
	_ =	sdelay $0x3  }
0x34: {  	[smem:$0x3FB1] =	sst s10  }
0x35: {  	s10 =	sld [smem:$0x3FB0];
	_ =	sdelay $0x3  }
0x36: {  	p1 =	seq.s32 s10, $0x1;
	s10 =	sld [smem:$0x3FB1];
	_ =	sdelay $0x3  }
0x37: {  	[smem:$0x3FB1] =	sst s10  }
0x38: {  	s10 =	sld [smem:$0x3FB2]  }
0x39: {  	_ = 	snop;
	(pc) =	sbr.ind lr, $3  }
0x3a: {  	_ = 	snop  }
0x3b: {  	_ = 	snop  }
0x3c: {  	p2 =	seq.s32 s10, $0x1;
	s10 =	sld [smem:$0x3FB1]  }
0x3d: {  	_ =	shalt  }
0x3e: {  	_ =	shalt  }
0x3f: {  	_ =	shalt  }
0x40: {  	_ =	shalt  }
0x41: {  	_ =	shalt  }
0x42: {  	_ =	shalt  }
0x43: {  	_ =	shalt  }
0x44: {  	_ =	shalt  }
0x45: {  	_ =	shalt  }
0x46: {  	_ =	shalt  }
0x47: {  	_ =	shalt  }
0x48: {  	_ =	shalt  }
0x49: {  	_ =	shalt  }
0x4a: {  	_ =	shalt  }
0x4b: {  	_ =	shalt  }
0x4c: {  	_ =	shalt  }
0x4d: {  	_ =	shalt  }
0x4e: {  	_ =	shalt  }
0x4f: {  	_ =	shalt  }
0x50: {  	_ =	shalt  }
0x51: {  	_ =	shalt  }
0x52: {  	_ =	shalt  }
0x53: {  	_ =	shalt  }
0x54: {  	_ =	shalt  }
0x55: {  	_ =	shalt  }
0x56: {  	_ =	shalt  }
0x57: {  	_ =	shalt  }
0x58: {  	_ =	shalt  }
0x59: {  	_ =	shalt  }
0x5a: {  	_ =	shalt  }
0x5b: {  	_ =	shalt  }
0x5c: {  	_ =	shalt  }
0x5d: {  	_ =	shalt  }
0x5e: {  	_ =	shalt  }
0x5f: {  	_ =	shalt  }
0x60: {  	_ =	shalt  }
0x61: {  	_ =	shalt  }
0x62: {  	_ =	shalt  }
0x63: {  	_ =	shalt  }
0x64: {  	_ =	shalt  }
0x65: {  	_ =	shalt  }
0x66: {  	_ =	shalt  }
0x67: {  	_ =	shalt  }
0x68: {  	_ =	shalt  }
0x69: {  	_ =	shalt  }
0x6a: {  	_ =	shalt  }
0x6b: {  	_ =	shalt  }
0x6c: {  	_ =	shalt  }
0x6d: {  	_ =	shalt  }
0x6e: {  	_ =	shalt  }
0x6f: {  	_ =	shalt  }
0x70: {  	_ =	shalt  }
0x71: {  	_ =	shalt  }
0x72: {  	_ =	shalt  }
0x73: {  	_ =	shalt  }
0x74: {  	_ =	shalt  }
0x75: {  	_ =	shalt  }
0x76: {  	_ =	shalt  }
0x77: {  	_ =	shalt  }
0x78: {  	_ =	shalt  }
0x79: {  	_ =	shalt  }
0x7a: {  	_ =	shalt  }
0x7b: {  	_ =	shalt  }
0x7c: {  	_ =	shalt  }
0x7d: {  	_ =	shalt  }
0x7e: {  	_ =	shalt  }
0x7f: {  	_ =	shalt  }
0x80: {  	_ =	shalt  }
0x81: {  	_ =	shalt  }
0x82: {  	_ =	shalt  }
0x83: {  	_ =	shalt  }
0x84: {  	_ =	shalt  }
0x85: {  	_ =	shalt  }
0x86: {  	_ =	shalt  }
0x87: {  	_ =	shalt  }
.Lfunc_end0:
.L_simem_size_0:
called_computation_lowered:
.L_overlay_start_0:
0x88: {  	s2 =	sld [smem:$0x3FD9]  }
0x89: {  	s3 =	sld [smem:$0x3FFE];
	_ =	sdelay $0x1  }
0x8a: {  	s1 =	srdreg.scid  }
0x8b: {  	s0 =	sand.u32 $0x1, s1  }
0x8c: {  	s17 =	sshll.u32 s0, $0xA;
	s2 =	sadd.s32 s3, s2  }
0x8d: {  	s2 =	sadd.s32 s2, s17  }
0x8e: {  	[smem:$0x3FBD] =	sst s2  }
0x8f: {  	_ = 	snop  }
0x90: {  	s2 =	sld [smem:$0x3FC9]  }
0x91: {  	s18 =	sld [smem:$0x3FD0];
	(tm) =	ssettm $0x1  }
0x92: {  	s4 =	sld [smem:$0x3FFB];
	_ =	sdelay $0x3  }
0x93: {  	_ =	strace s4  }
0x94: {  	s4 =	sld [smem:$0x3FFC];
	_ =	sdelay $0x3  }
0x95: {  	_ =	strace s4  }
0x96: {  	s4 =	sld [smem:$0x3FFD];
	_ =	sdelay $0x3  }
0x97: {  	_ =	strace s4  }
0x98: {  	_ =	strace $0x8FFFFFFF  }
0x99: {  	s19 =	sld [smem:$0x3FDB];
	_ =	sdelay $0x1  }
0x9a: {  	s5 =	simm.s32 $_scs_section_size  }
0x9b: {  	s6 =	simm.s32 $_size__tile_overlayer_lowered;
	s7 =	simm.s32 $_tile_overlayer_lowered  }
0x9c: {  	s22 =	simm.s32 $0x1BFF;
	s21 =	sshll.u32 s7, $0x1;
	s4 =	sadd.s32 s5, s19  }
0x9d: {  	s8 =	simm.s32 $0x0;
	s20 =	sshll.u32 s6, $0x1;
	s6 =	sadd.s32 s21, s4  }
0x9e: {  	[timem:s8], [sflag:s22] =	dma.local [hbm:s6], s20  }
0x9f: {  	_ =	swait.ge [sflag:s22], s20  }
0xa0: {  	s5 =	ssub.s32 $0x0, s20;
	[sflag:s22] =	ssyncset.done $0x0  }
0xa1: {  	[sflag:s22] =	ssyncadd.s32 s5;
	_ =	sdelay $0x1  }
0xa2: {  	s23 =	simm.s32 $0x1B8B  }
0xa3: {  	_ =	swait.ge [sflag:s23], $0x1  }
0xa4: {  	[sflag:s23] =	ssyncset.done $0x0  }
0xa5: {  	s25 =	simm.s32 $0x1B8E;
	s24 =	sld [smem:$0x3FFE];
	[sflag:s23] =	ssyncadd.s32 $0xFFFFFFFF  }
0xa6: {  	s26 =	simm.s32 $execute0_lowered;
	[smem:$0x3FD2] =	sst s25  }
0xa7: {  	s6 =	sshll.u32 s26, $0x1;
	_ =	strace $0x80000046;
	[dreg:$0x1] =	wrdreg $0xFFFFFFFF  }
0xa8: {  	s28 =	simm.s32 $_size_execute0_lowered;
	s4 =	sadd.s32 s4, s6;
	[dreg:$0x0] =	wrdreg $0x0  }
0xa9: {  	s6 =	sshll.u32 s28, $0x1;
	[dreg:$0x2] =	wrdreg s4  }
0xaa: {  	[dreg:$0x3] =	wrdreg s6  }
0xab: {  	[dreg:$0x4] =	wrdreg $0xC0  }
0xac: {  	_ =	task [dreg:s8], $0x5FFFF  }
0xad: {  	[dreg:$0x1] =	wrdreg $0xFFFFFFFF  }
0xae: {  	[dreg:$0x0] =	wrdreg $0x60  }
0xaf: {  	[dreg:$0x2] =	wrdreg s2  }
0xb0: {  	[dreg:$0x3] =	wrdreg s24  }
0xb1: {  	[dreg:$0x4] =	wrdreg s18  }
0xb2: {  	[dreg:$0x5] =	wrdreg $0x0  }
0xb3: {  	[dreg:$0x6] =	wrdreg $0x1D3000  }
0xb4: {  	[dreg:$0x7] =	wrdreg $0x9  }
0xb5: {  	_ =	task.clear_ibuf [dreg:s8], $0x8FFFF;
	_ =	strace $0x90000046  }
0xb6: {  	s29 =	simm.s32 $0x9;
	_ =	strace $0x80000048  }
0xb7: {  	_ =	swait.ge [sflag:s29], $0x1  }
0xb8: {  	[sflag:s29] =	ssyncadd.s32 $0xFFFFFFFF  }
0xb9: {  	_ =	strace $0x90000048  }
0xba: {  	_ =	sfence  }
0xbb: {  	s30 =	sld [smem:$0x0];
	_ =	sdelay $0x2  }
0xbc: {  	s31 =	sshll.u32 s1, $0xD;
	s1 =	sshrl.u32 s1, $0x2  }
0xbd: {  	s3 =	sand.u32 $0x4000, s31;
	s1 =	sadd.s32 s1, s30  }
0xbe: {  	s0 =	sor.u32 s3, s0;
	s1 =	sshll.u32 s1, $0x11  }
0xbf: {  	s0 =	sor.u32 s1, s0  }
0xc0: {  	s0 =	sadd.s32 $0x8F2B, s0  }
0xc1: {  	[sflag:s0] =	ssyncadd.remote.s32 $0x1  }
0xc2: {  	_ =	sfence.sel $0xFFFF  }
0xc3: {  	[dreg:$0x0] =	wrdreg $0xFFFFFFFF;
	(pc) =	sbr.abs _section_cstart, $3  }
0xc4: {  	[dreg:$0x1] =	wrdreg $0xFFFFFFFF  }
0xc5: {  	_ =	task.clear_ibuf [dreg:s8], $0x2FFFF;
	_ =	strace $0x9FFFFFFF  }
0xc6: {  	(tm) =	ssettm $0x7FFFFFFF  }
0xc7: {  	_ =	shalt  }
tec
execute0_lowered:
.L_overlay_start_1:
0x0: {  	(tag) =	ssettag $0x1  }
0x1: {  	s19 =	rddreg [dreg:$0x0]  }
0x2: {  	s1 =	rddreg [dreg:$0x1];
	s2 =	srdreg.scid  }
0x3: {  	s12 =	stileid.u32;
	s4 =	rddreg [dreg:$0x2]  }
0x4: {  	s24 =	rddreg [dreg:$0x3];
	s8 =	smul.u32 $0x14000, s12  }
0x5: {  	s13 =	rddreg [dreg:$0x4];
	s2 =	sand.u32 $0x1, s2;
	s26 =	smul.u32 $0x4E20, s12  }
0x6: {  	s28 =	simm.s32 $0x0;
	s5 =	sshll.u32 s12, $0x1;
	s7 =	smul.u32 $0x140000, s2  }
0x7: {  	[smem:$0x7FF] =	sst s28;
	s5 =	sor.u32 s2, s5;
	s31 =	smul.u32 $0x2710, s2  }
0x8: {  	s16 =	sadd.s32 $0xC600, s1;
	_ =	strace $0x80000047;
	s6 =	smul.u32 $0x2710, s5  }
0x9: {  	[dreg:$0xf] =	wrdreg s16;
	s5 =	ssub.s32 $0x2, s2;
	s2 =	smul.u32 $0x500, s2  }
0xa: {  	s7 =	sadd.s32 s8, s7;
	s11 =	sshrl.u32 s5, $0x1;
	s9 =	sshrl.u32 s6, $0x3  }
0xb: {  	s7 =	sshrl.u32 s7, $0x3;
	s14 =	sadd.s32 $0x28, s6;
	s2 =	sadd.s32 s4, s2  }
0xc: {  	s10 =	sadd.s32 s9, s1;
	s15 =	sadd.s32 s16, s9;
	[dreg:$0x1d] =	wrdreg s2  }
0xd: {  	s8 =	sshrl.u32 s14, $0x3;
	s10 =	sadd.s32 $0x2800, s10;
	[dreg:$0x11] =	wrdreg s15  }
0xe: {  	s17 =	sadd.s32 $0x78, s6;
	s8 =	sadd.s32 s16, s8;
	[dreg:$0x10] =	wrdreg s10  }
0xf: {  	s18 =	sadd.s32 $0xC8, s6;
	s20 =	sadd.s32 $0xA, s15;
	[dreg:$0x12] =	wrdreg s8  }
0x10: {  	s9 =	sshrl.u32 s18, $0x3;
	s21 =	sadd.s32 $0x14, s15;
	[dreg:$0x13] =	wrdreg s20  }
0x11: {  	s25 =	sadd.s32 $0x118, s6;
	s22 =	sadd.s32 s16, s9;
	[dreg:$0x15] =	wrdreg s21  }
0x12: {  	s6 =	sadd.s32 $0x168, s6;
	s23 =	sadd.s32 $0x1E, s15;
	[dreg:$0x16] =	wrdreg s22  }
0x13: {  	s6 =	sshrl.u32 s6, $0x3;
	s0 =	sadd.s32 $0x28, s15;
	[dreg:$0x17] =	wrdreg s23  }
0x14: {  	s7 =	sadd.s32 s7, s1;
	s6 =	sadd.s32 s16, s6;
	[dreg:$0x19] =	wrdreg s0  }
0x15: {  	s7 =	sadd.s32 $0x16400, s7;
	s8 =	sshrl.u32 s17, $0x3;
	[dreg:$0x1a] =	wrdreg s6  }
0x16: {  	s1 =	ssub.s32 s5, s11;
	[dreg:$0x1c] =	wrdreg s7;
	s8 =	sadd.s32 s16, s8  }
0x17: {  	s1 =	smax.u32 s1, $0x1;
	[dreg:$0x14] =	wrdreg s8;
	s8 =	sshrl.u32 s25, $0x3  }
0x18: {  	s3 =	sshll.u32 s12, $0xA;
	[dreg:$0x1f] =	wrdreg s1;
	s8 =	sadd.s32 s16, s8  }
0x19: {  	s6 =	sadd.s32 s3, s13;
	[dreg:$0x18] =	wrdreg s8;
	s8 =	sadd.s32 s31, s26  }
0x1a: {  	[dreg:$0x1b] =	wrdreg s6;
	s31 =	smul.u32 $0x50000, s12;
	s5 =	sadd.s32 $0x2F8, s8  }
0x1b: {  	s9 =	sadd.s32 $0x2D0, s8;
	s14 =	sadd.s32 $0x2A8, s8;
	s17 =	sadd.s32 $0x280, s8  }
0x1c: {  	s18 =	sadd.s32 $0x258, s8;
	s23 =	sadd.s32 $0x230, s8;
	s6 =	sshrl.u32 s5, $0x3  }
0x1d: {  	s26 =	sadd.s32 $0x208, s8;
	s11 =	sshrl.u32 s9, $0x3;
	s10 =	sadd.s32 s6, s16  }
0x1e: {  	s15 =	sshrl.u32 s14, $0x3;
	s13 =	sadd.s32 s11, s16;
	[dreg:$0x6] =	wrdreg s10  }
0x1f: {  	s4 =	sshrl.u32 s17, $0x3;
	s2 =	sadd.s32 s15, s16;
	[dreg:$0x7] =	wrdreg s13  }
0x20: {  	s21 =	sshrl.u32 s18, $0x3;
	s20 =	sadd.s32 s4, s16;
	[dreg:$0x8] =	wrdreg s2  }
0x21: {  	s25 =	sshrl.u32 s23, $0x3;
	s22 =	sadd.s32 s21, s16;
	[dreg:$0x9] =	wrdreg s20  }
0x22: {  	s4 =	sshrl.u32 s26, $0x3;
	[dreg:$0xa] =	wrdreg s22;
	s2 =	sadd.s32 s25, s16  }
0x23: {  	s3 =	sadd.s32 $0x1E0, s8;
	s0 =	sadd.s32 s4, s16;
	[dreg:$0xb] =	wrdreg s2  }
0x24: {  	s6 =	sshrl.u32 s31, $0x2;
	s10 =	sadd.s32 $0x190, s8;
	[dreg:$0xc] =	wrdreg s0  }
0x25: {  	s4 =	sshrl.u32 s3, $0x3;
	s23 =	sadd.s32 s6, s24;
	[smem:$0x7F0] =	sst s10  }
0x26: {  	s2 =	sadd.s32 s4, s16;
	[dreg:$0x1e] =	wrdreg s23  }
0x27: {  	s7 =	sadd.s32 $0x1400, s23;
	[dreg:$0xd] =	wrdreg s2  }
0x28: {  	s9 =	sadd.s32 $0x2800, s23;
	[smem:$0x7EE] =	sst s7  }
0x29: {  	p1 =	sgt.u32 s12, $0x9;
	s11 =	sadd.s32 $0x3C00, s23;
	[smem:$0x7EF] =	sst s9  }
0x2a: {  	p0 =	sne.s32 s12, $0x0;
	s12 =	sadd.s32 $0x5000, s23;
	[smem:$0x7F1] =	sst s11  }
0x2b: {  	s13 =	sadd.s32 $0x6400, s23;
	[smem:$0x7F2] =	sst s12  }
0x2c: {  	s30 =	simm.s32 $0x6;
	s14 =	sadd.s32 $0x7800, s23;
	[smem:$0x7F3] =	sst s13  }
0x2d: {  	s29 =	simm.s32 $0x28;
	s15 =	sadd.s32 $0x8C00, s23;
	[smem:$0x7F4] =	sst s14  }
0x2e: {  	s1 =	simm.s32 $0x16F00;
	s17 =	sadd.s32 $0xA000, s23;
	[smem:$0x7F5] =	sst s15  }
0x2f: {  	s5 =	sadd.s32 $0x1B8, s8;
	s18 =	sadd.s32 $0xB400, s23;
	[smem:$0x7F6] =	sst s17  }
0x30: {  	s3 =	simm.s32 $0x16B80;
	s20 =	sadd.s32 $0xC800, s23;
	[smem:$0x7F7] =	sst s18  }
0x31: {  	s4 =	sshrl.u32 s5, $0x3;
	s21 =	sadd.s32 $0xDC00, s23;
	[smem:$0x7F8] =	sst s20  }
0x32: {  	s22 =	sadd.s32 $0xF000, s23;
	s25 =	sadd.s32 $0x10400, s23;
	[smem:$0x7F9] =	sst s21  }
0x33: {  	s26 =	sadd.s32 $0x11800, s23;
	s31 =	sadd.s32 $0x12C00, s23;
	[smem:$0x7FA] =	sst s22  }
0x34: {  	s0 =	simm.s32 $0x16980;
	s5 =	simm.s32 $0x16B00;
	[smem:$0x7FB] =	sst s25  }
0x35: {  	s10 =	simm.s32 $0x1AB00;
	s6 =	sadd.s32 s4, s16;
	[smem:$0x7FC] =	sst s26  }
0x36: {  	[smem:$0x7FD] =	sst s31;
	s14 =	simm.s32 $0x16780;
	s15 =	simm.s32 $0x16800  }
0x37: {  	s22 =	simm.s32 $0x16880;
	s9 =	simm.s32 $0x16900;
	s18 =	simm.s32 $0x16A00  }
0x38: {  	s13 =	simm.s32 $0x16A80;
	s20 =	simm.s32 $0x16C00;
	s26 =	simm.s32 $0x18300  }
0x39: {  	v0 =	vlaneseq.u32;
	s7 =	simm.s32 $0x19700;
	s17 =	simm.s32 $0x9;
	s21 =	simm.s32 $0x1BF00  }
0x3a: {  	v1 =	vimm.f32 $0.0e+00;
	v6 =	vimm.f32 $1.000000000e+00;
	v2 =	vor.u32 $0x10, v0;
	s25 =	simm.s32 $0x11;
	s12 =	simm.s32 $0x4;
	s4 =	simm.s32 $0x16E80  }
0x3b: {  	v3 =	vor.u32 $0x20, v0;
	v4 =	vor.u32 $0x30, v0;
	v5 =	vor.u32 $0x40, v0;
	s2 =	simm.s32 $0x0;
	[dreg:$0xe] =	wrdreg s6;
	s6 =	simm.s32 $0x5  }
.LBB2_1:
0x3c: {  	s8 =	rddreg [dreg:$0x10];
	s11 =	simm.s32 $0x14000  }
0x3d: {  	[tilespmem:s11], [sflag:$0x10] =	stream.linear.gather [hbm4b:s8+s28], $0x2710, $0x38;
	[tilespmem:$0x1FE00] =	vst v63  }
0x3e: {  	s31 =	rddreg [dreg:$0x11]  }
0x3f: {  	[tilespmem:s14], [sflag:$0x6] =	stream.linear.gather [hbm4b:s31+s28], $0x28, $0x38;
	[tilespmem:$0x1FE00] =	vst v63  }
0x40: {  	s11 =	rddreg [dreg:$0x12]  }
0x41: {  	[tilespmem:s15], [sflag:$0x7] =	stream.linear.gather [hbm4b:s11+s28], $0x28, $0x38;
	[tilespmem:$0x1FE00] =	vst v63  }
0x42: {  	s31 =	rddreg [dreg:$0x13]  }
0x43: {  	[tilespmem:s22], [sflag:$0x8] =	stream.linear.gather [hbm4b:s31+s28], $0x28, $0x38;
	[tilespmem:$0x1FE00] =	vst v63  }
0x44: {  	s11 =	rddreg [dreg:$0x14]  }
0x45: {  	[tilespmem:s9], [sflag:$0x9] =	stream.linear.gather [hbm4b:s11+s28], $0x28, $0x38;
	[tilespmem:$0x1FE00] =	vst v63  }
0x46: {  	s31 =	rddreg [dreg:$0x15]  }
0x47: {  	[tilespmem:s0], [sflag:$0xA] =	stream.linear.gather [hbm4b:s31+s28], $0x28, $0x38;
	[tilespmem:$0x1FE00] =	vst v63  }
0x48: {  	s11 =	rddreg [dreg:$0x16]  }
0x49: {  	[tilespmem:s18], [sflag:$0xB] =	stream.linear.gather [hbm4b:s11+s28], $0x28, $0x38;
	[tilespmem:$0x1FE00] =	vst v63  }
0x4a: {  	s31 =	rddreg [dreg:$0x17]  }
0x4b: {  	[tilespmem:s13], [sflag:$0xC] =	stream.linear.gather [hbm4b:s31+s28], $0x28, $0x38;
	[tilespmem:$0x1FE00] =	vst v63  }
0x4c: {  	s11 =	rddreg [dreg:$0x18]  }
0x4d: {  	[tilespmem:s5], [sflag:$0xD] =	stream.linear.gather [hbm4b:s11+s28], $0x28, $0x38;
	[tilespmem:$0x1FE00] =	vst v63  }
0x4e: {  	s13 =	rddreg [dreg:$0x19]  }
0x4f: {  	[tilespmem:s3], [sflag:$0xE] =	stream.linear.gather [hbm4b:s13+s28], $0x28, $0x38;
	[tilespmem:$0x1FE00] =	vst v63  }
0x50: {  	s8 =	simm.s32 $0x70;
	s31 =	rddreg [dreg:$0x1a];
	s11 =	simm.s32 $0x3C0  }
0x51: {  	[tilespmem:s20], [sflag:$0xF] =	stream.linear.gather [hbm4b:s31+s28], $0x28, $0x38;
	[tilespmem:$0x1FE00] =	vst v63  }
.LBB2_2:
0x52: {  	p2 =	sne.s32 s11, $0x4FC0;
	[tilespmem:s8+$0x16F00] =	vst v1  }
0x53: {  	[tilespmem:s8+$0x16E90] =	vst v1  }
0x54: {  	[tilespmem:s8+$0x16EA0] =	vst v1  }
.Ltmp0:
0x55: {  	[tilespmem:s8+$0x16EB0] =	vst v1;
	(pc) =	sbr.rel @p2 .LBB2_2-.Ltmp0, $4  }
0x56: {  	[tilespmem:s8+$0x16EC0] =	vst v1  }
0x57: {  	[tilespmem:s8+$0x16ED0] =	vst v1  }
0x58: {  	[tilespmem:s8+$0x16EE0] =	vst v1  }
0x59: {  	[tilespmem:s8+$0x16EF0] =	vst v1;
	s8 =	sshra.s32 s11, $0x2;
	s11 =	sadd.s32 $0x200, s11  }
0x5a: {  	[tilespmem:s8+$0x16F00] =	vst v1  }
0x5b: {  	[tilespmem:s8+$0x16E90] =	vst v1  }
0x5c: {  	[tilespmem:s8+$0x16EA0] =	vst v1  }
0x5d: {  	[tilespmem:s8+$0x16EB0] =	vst v1  }
0x5e: {  	[tilespmem:s8+$0x16EC0] =	vst v1  }
0x5f: {  	[tilespmem:s8+$0x16ED0] =	vst v1  }
0x60: {  	[tilespmem:s8+$0x16EE0] =	vst v1  }
0x61: {  	[tilespmem:s8+$0x16EF0] =	vst v1;
	s8 =	simm.s32 $0x70;
	s11 =	simm.s32 $0x3C0  }
.LBB2_4:
0x62: {  	p2 =	sne.s32 s11, $0x9FC0;
	[tilespmem:s8+$0x1D580] =	vst v1  }
0x63: {  	[tilespmem:s8+$0x1D510] =	vst v1  }
0x64: {  	[tilespmem:s8+$0x1D520] =	vst v1  }
.Ltmp1:
0x65: {  	[tilespmem:s8+$0x1D530] =	vst v1;
	(pc) =	sbr.rel @p2 .LBB2_4-.Ltmp1, $4  }
0x66: {  	[tilespmem:s8+$0x1D540] =	vst v1  }
0x67: {  	[tilespmem:s8+$0x1D550] =	vst v1  }
0x68: {  	[tilespmem:s8+$0x1D560] =	vst v1  }
0x69: {  	[tilespmem:s8+$0x1D570] =	vst v1;
	s8 =	sshra.s32 s11, $0x2;
	s11 =	sadd.s32 $0x200, s11  }
0x6a: {  	[tilespmem:s8+$0x1D580] =	vst v1  }
0x6b: {  	[tilespmem:s8+$0x1D510] =	vst v1  }
0x6c: {  	[tilespmem:s8+$0x1D520] =	vst v1  }
0x6d: {  	[tilespmem:s8+$0x1D530] =	vst v1  }
0x6e: {  	[tilespmem:s8+$0x1D540] =	vst v1  }
0x6f: {  	[tilespmem:s8+$0x1D550] =	vst v1  }
0x70: {  	[tilespmem:s8+$0x1D560] =	vst v1  }
0x71: {  	[tilespmem:s8+$0x1D570] =	vst v1  }
0x72: {  	[tilespmem:$0x1FD80] =	vst v0  }
0x73: {  	[tilespmem:$0x1FD90] =	vst v2  }
0x74: {  	[tilespmem:$0x1FDA0] =	vst v3  }
0x75: {  	[tilespmem:$0x1FDB0] =	vst v4  }
0x76: {  	[smem:$0x7ED] =	sst s2;
	s11 =	simm.s32 $0x10;
	[tilespmem:$0x1FDC0] =	vst v5  }
0x77: {  	_ =	swait.ge [sflag:s11], $0x2710  }
0x78: {  	[sflag:s11] =	ssyncset.done $0x0  }
0x79: {  	[sflag:s11] =	ssyncadd.s32 $0xFFFFD8F0  }
0x7a: {  	[spmem:s23] =	stream.linear.scatter [tilespmem:s1], [sflag:$0x10], $0x1400, $0x38;
	[tilespmem:$0x1FE00] =	vst v63  }
0x7b: {  	s23 =	sld [smem:$0x7EE];
	_ =	sdelay $0x1  }
0x7c: {  	s31 =	sld [smem:$0x7EF]  }
0x7d: {  	[spmem:s23] =	stream.linear.scatter [tilespmem:s1], [sflag:$0x10], $0x1400, $0x38;
	[tilespmem:$0x1FE00] =	vst v63  }
0x7e: {  	s2 =	sld [smem:$0x7F1]  }
0x7f: {  	[spmem:s31] =	stream.linear.scatter [tilespmem:s1], [sflag:$0x10], $0x1400, $0x38;
	[tilespmem:$0x1FE00] =	vst v63  }
0x80: {  	s3 =	sld [smem:$0x7F2]  }
0x81: {  	[spmem:s2] =	stream.linear.scatter [tilespmem:s1], [sflag:$0x10], $0x1400, $0x38;
	[tilespmem:$0x1FE00] =	vst v63  }
0x82: {  	s5 =	sld [smem:$0x7F3]  }
0x83: {  	[spmem:s3] =	stream.linear.scatter [tilespmem:s1], [sflag:$0x10], $0x1400, $0x38;
	[tilespmem:$0x1FE00] =	vst v63  }
0x84: {  	s13 =	sld [smem:$0x7F4]  }
0x85: {  	[spmem:s5] =	stream.linear.scatter [tilespmem:s1], [sflag:$0x10], $0x1400, $0x38;
	[tilespmem:$0x1FE00] =	vst v63  }
0x86: {  	s20 =	sld [smem:$0x7F5]  }
0x87: {  	[spmem:s13] =	stream.linear.scatter [tilespmem:s1], [sflag:$0x10], $0x1400, $0x38;
	[tilespmem:$0x1FE00] =	vst v63  }
0x88: {  	s23 =	sld [smem:$0x7F6]  }
0x89: {  	[spmem:s20] =	stream.linear.scatter [tilespmem:s1], [sflag:$0x10], $0x1400, $0x38;
	[tilespmem:$0x1FE00] =	vst v63  }
0x8a: {  	s31 =	sld [smem:$0x7F7]  }
0x8b: {  	[spmem:s23] =	stream.linear.scatter [tilespmem:s1], [sflag:$0x10], $0x1400, $0x38;
	[tilespmem:$0x1FE00] =	vst v63  }
0x8c: {  	s2 =	sld [smem:$0x7F8]  }
0x8d: {  	[spmem:s31] =	stream.linear.scatter [tilespmem:s1], [sflag:$0x10], $0x1400, $0x38;
	[tilespmem:$0x1FE00] =	vst v63  }
0x8e: {  	s3 =	sld [smem:$0x7F9]  }
0x8f: {  	[spmem:s2] =	stream.linear.scatter [tilespmem:s1], [sflag:$0x10], $0x1400, $0x38;
	[tilespmem:$0x1FE00] =	vst v63  }
0x90: {  	s5 =	sld [smem:$0x7FA]  }
0x91: {  	[spmem:s3] =	stream.linear.scatter [tilespmem:s1], [sflag:$0x10], $0x1400, $0x38;
	[tilespmem:$0x1FE00] =	vst v63  }
0x92: {  	s13 =	sld [smem:$0x7FB]  }
0x93: {  	[spmem:s5] =	stream.linear.scatter [tilespmem:s1], [sflag:$0x10], $0x1400, $0x38;
	[tilespmem:$0x1FE00] =	vst v63  }
0x94: {  	s20 =	sld [smem:$0x7FC]  }
0x95: {  	[spmem:s13] =	stream.linear.scatter [tilespmem:s1], [sflag:$0x10], $0x1400, $0x38;
	[tilespmem:$0x1FE00] =	vst v63  }
0x96: {  	s23 =	sld [smem:$0x7FD]  }
0x97: {  	[spmem:s20] =	stream.linear.scatter [tilespmem:s1], [sflag:$0x10], $0x1400, $0x38;
	[tilespmem:$0x1FE00] =	vst v63  }
0x98: {  	_ = 	snop  }
0x99: {  	[spmem:s23] =	stream.linear.scatter [tilespmem:s1], [sflag:$0x10], $0x1400, $0x38;
	[tilespmem:$0x1FE00] =	vst v63  }
0x9a: {  	_ =	swait.ge [sflag:s11], $0x1400  }
0x9b: {  	[sflag:s11] =	ssyncset.done $0x0  }
0x9c: {  	[sflag:s11] =	ssyncadd.s32 $0xFFFFEC00  }
0x9d: {  	_ =	swait.ge [sflag:s11], $0x1400  }
0x9e: {  	[sflag:s11] =	ssyncset.done $0x0  }
0x9f: {  	[sflag:s11] =	ssyncadd.s32 $0xFFFFEC00  }
0xa0: {  	_ =	swait.ge [sflag:s11], $0x1400  }
0xa1: {  	[sflag:s11] =	ssyncset.done $0x0  }
0xa2: {  	[sflag:s11] =	ssyncadd.s32 $0xFFFFEC00  }
0xa3: {  	_ =	swait.ge [sflag:s11], $0x1400  }
0xa4: {  	[sflag:s11] =	ssyncset.done $0x0  }
0xa5: {  	[sflag:s11] =	ssyncadd.s32 $0xFFFFEC00  }
0xa6: {  	_ =	swait.ge [sflag:s11], $0x1400  }
0xa7: {  	[sflag:s11] =	ssyncset.done $0x0  }
0xa8: {  	[sflag:s11] =	ssyncadd.s32 $0xFFFFEC00  }
0xa9: {  	_ =	swait.ge [sflag:s11], $0x1400  }
0xaa: {  	[sflag:s11] =	ssyncset.done $0x0  }
0xab: {  	[sflag:s11] =	ssyncadd.s32 $0xFFFFEC00  }
0xac: {  	_ =	swait.ge [sflag:s11], $0x1400  }
0xad: {  	[sflag:s11] =	ssyncset.done $0x0  }
0xae: {  	[sflag:s11] =	ssyncadd.s32 $0xFFFFEC00  }
0xaf: {  	_ =	swait.ge [sflag:s11], $0x1400  }
0xb0: {  	[sflag:s11] =	ssyncset.done $0x0  }
0xb1: {  	[sflag:s11] =	ssyncadd.s32 $0xFFFFEC00  }
0xb2: {  	_ =	swait.ge [sflag:s11], $0x1400  }
0xb3: {  	[sflag:s11] =	ssyncset.done $0x0  }
0xb4: {  	[sflag:s11] =	ssyncadd.s32 $0xFFFFEC00  }
0xb5: {  	_ =	swait.ge [sflag:s11], $0x1400  }
0xb6: {  	[sflag:s11] =	ssyncset.done $0x0  }
0xb7: {  	[sflag:s11] =	ssyncadd.s32 $0xFFFFEC00  }
0xb8: {  	_ =	swait.ge [sflag:s11], $0x1400  }
0xb9: {  	[sflag:s11] =	ssyncset.done $0x0  }
0xba: {  	[sflag:s11] =	ssyncadd.s32 $0xFFFFEC00  }
0xbb: {  	_ =	swait.ge [sflag:s11], $0x1400  }
0xbc: {  	[sflag:s11] =	ssyncset.done $0x0  }
0xbd: {  	[sflag:s11] =	ssyncadd.s32 $0xFFFFEC00  }
0xbe: {  	_ =	swait.ge [sflag:s11], $0x1400  }
0xbf: {  	[sflag:s11] =	ssyncset.done $0x0  }
0xc0: {  	[sflag:s11] =	ssyncadd.s32 $0xFFFFEC00  }
0xc1: {  	_ =	swait.ge [sflag:s11], $0x1400  }
0xc2: {  	[sflag:s11] =	ssyncset.done $0x0  }
0xc3: {  	[sflag:s11] =	ssyncadd.s32 $0xFFFFEC00  }
0xc4: {  	_ =	swait.ge [sflag:s11], $0x1400  }
0xc5: {  	[sflag:s11] =	ssyncset.done $0x0  }
0xc6: {  	[sflag:s11] =	ssyncadd.s32 $0xFFFFEC00  }
0xc7: {  	_ =	swait.ge [sflag:s11], $0x1400  }
0xc8: {  	[sflag:s11] =	ssyncset.done $0x0  }
0xc9: {  	s8 =	simm.s32 @!p1 $0x1D580;
	[sflag:s11] =	ssyncadd.s32 $0xFFFFEC00;
	s11 =	rddreg [dreg:$0x1b]  }
0xca: {  	[spmem:s11] =	stream.linear.scatter @!p1 [tilespmem:s8], [sflag:$0x11], $0x400, $0x38;
	[tilespmem:$0x1FE00] =	vst v63  }
0xcb: {  	s8 =	simm.s32 @!p1 $0x11  }
0xcc: {  	_ =	swait.ge @!p1 [sflag:s8], $0x400  }
0xcd: {  	[sflag:s8] =	ssyncset.done @!p1 $0x0  }
0xce: {  	[sflag:s8] =	ssyncadd.s32 @!p1 $0xFFFFFC00  }
0xcf: {  	_ =	swait.ge [sflag:s30], $0x28  }
0xd0: {  	[sflag:s30] =	ssyncset.done $0x0  }
0xd1: {  	s20 =	simm.s32 $0x7;
	[sflag:s30] =	ssyncadd.s32 $0xFFFFFFD8  }
0xd2: {  	[tilespmem:s1], [sflag:$0x1] =	stream.indirect.gather [hbm4b:s19+s29], $0x80, s14, s29, $0xb8;
	[tilespmem:$0x1FE00] =	vst v63  }
0xd3: {  	_ =	swait.ge [sflag:s20], $0x28  }
0xd4: {  	[sflag:s20] =	ssyncset.done $0x0  }
0xd5: {  	s23 =	simm.s32 $0x8;
	[sflag:s20] =	ssyncadd.s32 $0xFFFFFFD8  }
0xd6: {  	[tilespmem:s26], [sflag:$0x2] =	stream.indirect.gather [hbm4b:s19+s29], $0x80, s15, s29, $0xb8;
	[tilespmem:$0x1FE00] =	vst v63  }
0xd7: {  	_ =	swait.ge [sflag:s23], $0x28  }
0xd8: {  	[sflag:s23] =	ssyncset.done $0x0  }
0xd9: {  	[sflag:s23] =	ssyncadd.s32 $0xFFFFFFD8  }
0xda: {  	[tilespmem:s7], [sflag:$0x3] =	stream.indirect.gather [hbm4b:s19+s29], $0x80, s22, s29, $0xb8;
	[tilespmem:$0x1FE00] =	vst v63  }
0xdb: {  	_ =	swait.ge [sflag:s17], $0x28  }
0xdc: {  	[sflag:s17] =	ssyncset.done $0x0  }
0xdd: {  	s31 =	simm.s32 $0xA;
	[sflag:s17] =	ssyncadd.s32 $0xFFFFFFD8  }
0xde: {  	[tilespmem:s10], [sflag:$0x4] =	stream.indirect.gather [hbm4b:s19+s29], $0x80, s9, s29, $0xb8;
	[tilespmem:$0x1FE00] =	vst v63  }
0xdf: {  	_ =	swait.ge [sflag:s31], $0x28  }
0xe0: {  	s11 =	simm.s32 $0x0;
	[sflag:s31] =	ssyncset.done $0x0  }
0xe1: {  	s8 =	simm.s32 $0x40;
	s17 =	simm.s32 $0x1D580;
	[sflag:s31] =	ssyncadd.s32 $0xFFFFFFD8  }
0xe2: {  	[tilespmem:s21], [sflag:$0x5] =	stream.indirect.gather [hbm4b:s19+s29], $0x80, s0, s29, $0xb8;
	[tilespmem:$0x1FE00] =	vst v63  }
.LBB2_6:
0xe3: {  	p2 =	sne.s32 s8, $0x9C00;
	v7 =	vld [tilespmem:s11+$0x14000];
	_ =	sdelay $0x3  }
.Ltmp2:
0xe4: {  	(pc) =	sbr.rel @p2 .LBB2_6-.Ltmp2, $2  }
0xe5: {  	_ =	sdelay $0x2  }
0xe6: {  	s11 =	sshra.s32 s8, $0x2;
	s8 =	sadd.s32 $0x40, s8;
	[tilespmem:v7+s17+$0x0] =	vst.idx.add.f32.msk $0xffff, v6  }
0xe7: {  	v7 =	vld [tilespmem:s11+$0x14000];
	_ =	sdelay $0x7  }
0xe8: {  	[tilespmem:v7+s17+$0x0] =	vst.idx.add.f32.msk $0xffff, v6  }
0xe9: {  	s13 =	simm.s32 $0x1;
	[bflag:$0x0] =	sbarrier.arrive $0xFFFF  }
0xea: {  	_ =	swait.ge [sflag:s13], $0x1400  }
0xeb: {  	[sflag:s13] =	ssyncset.done $0x0  }
0xec: {  	s8 =	simm.s32 $0x140C8;
	[sflag:s13] =	ssyncadd.s32 $0xFFFFEC00  }
0xed: {  	v7 =	vld [tilespmem:s8+$0xFFFFFF38];
	_ =	sdelay $0x4  }
0xee: {  	[tilespmem:$0x16C80] =	vst v7  }
0xef: {  	v7 =	vld [tilespmem:s8+$0xFFFFFF48];
	_ =	sdelay $0x4  }
0xf0: {  	[tilespmem:$0x16C90] =	vst v7  }
0xf1: {  	v7 =	vld [tilespmem:s8+$0xFFFFFF50];
	_ =	sdelay $0x4  }
0xf2: {  	s0 =	simm.s32 $0x16C80;
	s1 =	simm.s32 $0x16F00;
	[tilespmem:$0x16C98] =	vst v7  }
0xf3: {  	[spmem:s24] =	stream.indirect.scatter.add.f32 [tilespmem:s1], [sflag:$0x11], $0x80, s0, s29, $0xb8;
	[tilespmem:$0x1FE00] =	vst v63  }
0xf4: {  	_ =	swait.ge [sflag:s25], $0x1400  }
0xf5: {  	[sflag:s25] =	ssyncset.done $0x0  }
0xf6: {  	s2 =	simm.s32 $0xB;
	[sflag:s25] =	ssyncadd.s32 $0xFFFFEC00  }
0xf7: {  	_ =	swait.ge [sflag:s2], $0x28  }
0xf8: {  	[sflag:s2] =	ssyncset.done $0x0;
	s17 =	sld [smem:$0x7F0]  }
0xf9: {  	[sflag:s2] =	ssyncadd.s32 $0xFFFFFFD8  }
0xfa: {  	[tilespmem:s1], [sflag:$0x1] =	stream.indirect.gather [hbm4b:s19+s29], $0x80, s18, s29, $0xb8;
	[tilespmem:$0x1FE00] =	vst v63  }
0xfb: {  	s10 =	sshrl.u32 s17, $0x3  }
0xfc: {  	s5 =	smov.u32 s24;
	s24 =	simm.s32 $0x2;
	s11 =	sadd.s32 s16, s10  }
0xfd: {  	[tilespmem:s14], [sflag:$0x6] =	stream.linear.gather [hbm4b:s11+s28], $0x28, $0x38;
	[tilespmem:$0x1FE00] =	vst v63  }
0xfe: {  	_ =	swait.ge [sflag:s24], $0x1400  }
0xff: {  	[sflag:s24] =	ssyncset.done $0x0  }
0x100: {  	[sflag:s24] =	ssyncadd.s32 $0xFFFFEC00  }
0x101: {  	v7 =	vld [tilespmem:s8+$0xFFFFFF60];
	_ =	sdelay $0x4  }
0x102: {  	[tilespmem:$0x16D00] =	vst v7  }
0x103: {  	v7 =	vld [tilespmem:s8+$0xFFFFFF70];
	_ =	sdelay $0x4  }
0x104: {  	[tilespmem:$0x16D10] =	vst v7  }
0x105: {  	v7 =	vld [tilespmem:s8+$0xFFFFFF78];
	_ =	sdelay $0x4  }
0x106: {  	s7 =	simm.s32 $0x18300;
	s31 =	simm.s32 $0x16D00;
	[tilespmem:$0x16D18] =	vst v7  }
0x107: {  	[spmem:s5] =	stream.indirect.scatter.add.f32 [tilespmem:s7], [sflag:$0x11], $0x80, s31, s29, $0xb8;
	[tilespmem:$0x1FE00] =	vst v63  }
0x108: {  	_ =	swait.ge [sflag:s25], $0x1400  }
0x109: {  	[sflag:s25] =	ssyncset.done $0x0  }
0x10a: {  	s21 =	simm.s32 $0xC;
	[sflag:s25] =	ssyncadd.s32 $0xFFFFEC00  }
0x10b: {  	_ =	swait.ge [sflag:s21], $0x28  }
0x10c: {  	[sflag:s21] =	ssyncset.done $0x0  }
0x10d: {  	s2 =	simm.s32 $0x16A80;
	s26 =	rddreg [dreg:$0xe];
	[sflag:s21] =	ssyncadd.s32 $0xFFFFFFD8  }
0x10e: {  	[tilespmem:s7], [sflag:$0x2] =	stream.indirect.gather [hbm4b:s19+s29], $0x80, s2, s29, $0xb8;
	[tilespmem:$0x1FE00] =	vst v63  }
0x10f: {  	s16 =	simm.s32 $0x3;
	s11 =	sadd.s32 $0x0, s26  }
0x110: {  	[tilespmem:s15], [sflag:$0x7] =	stream.linear.gather [hbm4b:s11+s28], $0x28, $0x38;
	[tilespmem:$0x1FE00] =	vst v63  }
0x111: {  	_ =	swait.ge [sflag:s16], $0x1400  }
0x112: {  	[sflag:s16] =	ssyncset.done $0x0  }
0x113: {  	[sflag:s16] =	ssyncadd.s32 $0xFFFFEC00  }
0x114: {  	v7 =	vld [tilespmem:s8+$0xFFFFFF88];
	_ =	sdelay $0x4  }
0x115: {  	[tilespmem:$0x16D80] =	vst v7  }
0x116: {  	v7 =	vld [tilespmem:s8+$0xFFFFFF98];
	_ =	sdelay $0x4  }
0x117: {  	[tilespmem:$0x16D90] =	vst v7  }
0x118: {  	v7 =	vld [tilespmem:s8+$0xFFFFFFA0];
	_ =	sdelay $0x4  }
0x119: {  	s26 =	simm.s32 $0x19700;
	s2 =	simm.s32 $0x16D80;
	[tilespmem:$0x16D98] =	vst v7  }
0x11a: {  	[spmem:s5] =	stream.indirect.scatter.add.f32 [tilespmem:s26], [sflag:$0x11], $0x80, s2, s29, $0xb8;
	[tilespmem:$0x1FE00] =	vst v63  }
0x11b: {  	_ =	swait.ge [sflag:s25], $0x1400  }
0x11c: {  	[sflag:s25] =	ssyncset.done $0x0  }
0x11d: {  	s10 =	simm.s32 $0xD;
	[sflag:s25] =	ssyncadd.s32 $0xFFFFEC00  }
0x11e: {  	_ =	swait.ge [sflag:s10], $0x28  }
0x11f: {  	[sflag:s10] =	ssyncset.done $0x0  }
0x120: {  	s3 =	rddreg [dreg:$0xd];
	[sflag:s10] =	ssyncadd.s32 $0xFFFFFFD8;
	s10 =	simm.s32 $0x16B00  }
0x121: {  	[tilespmem:s26], [sflag:$0x3] =	stream.indirect.gather [hbm4b:s19+s29], $0x80, s10, s29, $0xb8;
	[tilespmem:$0x1FE00] =	vst v63  }
0x122: {  	s11 =	sadd.s32 $0x0, s3  }
0x123: {  	[tilespmem:s22], [sflag:$0x8] =	stream.linear.gather [hbm4b:s11+s28], $0x28, $0x38;
	[tilespmem:$0x1FE00] =	vst v63  }
0x124: {  	_ =	swait.ge [sflag:s12], $0x1400  }
0x125: {  	[sflag:s12] =	ssyncset.done $0x0  }
0x126: {  	[sflag:s12] =	ssyncadd.s32 $0xFFFFEC00  }
0x127: {  	v7 =	vld [tilespmem:s8+$0xFFFFFFB0];
	_ =	sdelay $0x4  }
0x128: {  	[tilespmem:$0x16E00] =	vst v7  }
0x129: {  	v7 =	vld [tilespmem:s8+$0xFFFFFFC0];
	_ =	sdelay $0x4  }
0x12a: {  	[tilespmem:$0x16E10] =	vst v7  }
0x12b: {  	v7 =	vld [tilespmem:s8+$0xFFFFFFC8];
	_ =	sdelay $0x4  }
0x12c: {  	s10 =	simm.s32 $0x1AB00;
	s28 =	simm.s32 $0x16E00;
	[tilespmem:$0x16E18] =	vst v7  }
0x12d: {  	[spmem:s5] =	stream.indirect.scatter.add.f32 [tilespmem:s10], [sflag:$0x11], $0x80, s28, s29, $0xb8;
	[tilespmem:$0x1FE00] =	vst v63  }
0x12e: {  	_ =	swait.ge [sflag:s25], $0x1400  }
0x12f: {  	[sflag:s25] =	ssyncset.done $0x0  }
0x130: {  	s21 =	simm.s32 $0xE;
	[sflag:s25] =	ssyncadd.s32 $0xFFFFEC00  }
0x131: {  	_ =	swait.ge [sflag:s21], $0x28  }
0x132: {  	s3 =	smov.u32 s19;
	[sflag:s21] =	ssyncset.done $0x0  }
0x133: {  	s11 =	rddreg [dreg:$0xc];
	[sflag:s21] =	ssyncadd.s32 $0xFFFFFFD8;
	s21 =	simm.s32 $0x16B80  }
0x134: {  	[tilespmem:s10], [sflag:$0x4] =	stream.indirect.gather [hbm4b:s3+s29], $0x80, s21, s29, $0xb8;
	[tilespmem:$0x1FE00] =	vst v63  }
0x135: {  	s12 =	simm.s32 $0x0;
	s11 =	sadd.s32 $0x0, s11  }
0x136: {  	[tilespmem:s9], [sflag:$0x9] =	stream.linear.gather [hbm4b:s11+s12], $0x28, $0x38;
	[tilespmem:$0x1FE00] =	vst v63  }
0x137: {  	_ =	swait.ge [sflag:s6], $0x1400  }
0x138: {  	[sflag:s6] =	ssyncset.done $0x0  }
0x139: {  	[sflag:s6] =	ssyncadd.s32 $0xFFFFEC00  }
0x13a: {  	v7 =	vld [tilespmem:s8+$0xFFFFFFD8];
	_ =	sdelay $0x4  }
0x13b: {  	[tilespmem:$0x16E80] =	vst v7  }
0x13c: {  	v7 =	vld [tilespmem:s8+$0xFFFFFFE8];
	_ =	sdelay $0x4  }
0x13d: {  	[tilespmem:$0x16E90] =	vst v7  }
0x13e: {  	v7 =	vld [tilespmem:s8+$0xFFFFFFF0];
	_ =	sdelay $0x4  }
0x13f: {  	s21 =	simm.s32 $0x1BF00;
	[tilespmem:$0x16E98] =	vst v7  }
0x140: {  	[spmem:s5] =	stream.indirect.scatter.add.f32 [tilespmem:s21], [sflag:$0x11], $0x80, s4, s29, $0xb8;
	[tilespmem:$0x1FE00] =	vst v63  }
0x141: {  	_ =	swait.ge [sflag:s25], $0x1400  }
0x142: {  	[sflag:s25] =	ssyncset.done $0x0  }
0x143: {  	s4 =	simm.s32 $0xF;
	[sflag:s25] =	ssyncadd.s32 $0xFFFFEC00  }
0x144: {  	_ =	swait.ge [sflag:s4], $0x28  }
0x145: {  	[sflag:s4] =	ssyncset.done $0x0  }
0x146: {  	s11 =	rddreg [dreg:$0xb];
	[sflag:s4] =	ssyncadd.s32 $0xFFFFFFD8;
	s4 =	simm.s32 $0x16C00  }
0x147: {  	[tilespmem:s21], [sflag:$0x5] =	stream.indirect.gather [hbm4b:s3+s29], $0x80, s4, s29, $0xb8;
	[tilespmem:$0x1FE00] =	vst v63  }
0x148: {  	s11 =	sadd.s32 $0x0, s11;
	s4 =	simm.s32 $0x16980  }
0x149: {  	[tilespmem:s4], [sflag:$0xA] =	stream.linear.gather [hbm4b:s11+s12], $0x28, $0x38;
	[tilespmem:$0x1FE00] =	vst v63  }
0x14a: {  	_ =	swait.ge [sflag:s13], $0x1400  }
0x14b: {  	[sflag:s13] =	ssyncset.done $0x0  }
0x14c: {  	[sflag:s13] =	ssyncadd.s32 $0xFFFFEC00  }
0x14d: {  	v7 =	vld [tilespmem:s8+$0x0];
	_ =	sdelay $0x4  }
0x14e: {  	[tilespmem:$0x16C80] =	vst v7  }
0x14f: {  	v7 =	vld [tilespmem:s8+$0x10];
	_ =	sdelay $0x4  }
0x150: {  	[tilespmem:$0x16C90] =	vst v7  }
0x151: {  	v7 =	vld [tilespmem:s8+$0x18];
	_ =	sdelay $0x4  }
0x152: {  	s13 =	simm.s32 $0x16C80;
	[tilespmem:$0x16C98] =	vst v7  }
0x153: {  	[spmem:s5] =	stream.indirect.scatter.add.f32 [tilespmem:s1], [sflag:$0x11], $0x80, s13, s29, $0xb8;
	[tilespmem:$0x1FE00] =	vst v63  }
0x154: {  	_ =	swait.ge [sflag:s25], $0x1400  }
0x155: {  	[sflag:s25] =	ssyncset.done $0x0  }
0x156: {  	[sflag:s25] =	ssyncadd.s32 $0xFFFFEC00  }
0x157: {  	_ =	swait.ge [sflag:s30], $0x28  }
0x158: {  	[sflag:s30] =	ssyncset.done $0x0  }
0x159: {  	s13 =	rddreg [dreg:$0xa];
	[sflag:s30] =	ssyncadd.s32 $0xFFFFFFD8  }
0x15a: {  	[tilespmem:s1], [sflag:$0x1] =	stream.indirect.gather [hbm4b:s3+s29], $0x80, s14, s29, $0xb8;
	[tilespmem:$0x1FE00] =	vst v63  }
0x15b: {  	s11 =	sadd.s32 $0x0, s13  }
0x15c: {  	[tilespmem:s18], [sflag:$0xB] =	stream.linear.gather [hbm4b:s11+s12], $0x28, $0x38;
	[tilespmem:$0x1FE00] =	vst v63  }
0x15d: {  	_ =	swait.ge [sflag:s24], $0x1400  }
0x15e: {  	[sflag:s24] =	ssyncset.done $0x0  }
0x15f: {  	[sflag:s24] =	ssyncadd.s32 $0xFFFFEC00  }
0x160: {  	v7 =	vld [tilespmem:s8+$0x28];
	_ =	sdelay $0x4  }
0x161: {  	[tilespmem:$0x16D00] =	vst v7  }
0x162: {  	v7 =	vld [tilespmem:s8+$0x38];
	_ =	sdelay $0x4  }
0x163: {  	[tilespmem:$0x16D10] =	vst v7  }
0x164: {  	v7 =	vld [tilespmem:s8+$0x40];
	_ =	sdelay $0x4  }
0x165: {  	[tilespmem:$0x16D18] =	vst v7  }
0x166: {  	[spmem:s5] =	stream.indirect.scatter.add.f32 [tilespmem:s7], [sflag:$0x11], $0x80, s31, s29, $0xb8;
	[tilespmem:$0x1FE00] =	vst v63  }
0x167: {  	_ =	swait.ge [sflag:s25], $0x1400  }
0x168: {  	[sflag:s25] =	ssyncset.done $0x0  }
0x169: {  	[sflag:s25] =	ssyncadd.s32 $0xFFFFEC00  }
0x16a: {  	_ =	swait.ge [sflag:s20], $0x28  }
0x16b: {  	[sflag:s20] =	ssyncset.done $0x0  }
0x16c: {  	s14 =	rddreg [dreg:$0x9];
	[sflag:s20] =	ssyncadd.s32 $0xFFFFFFD8  }
0x16d: {  	[tilespmem:s7], [sflag:$0x2] =	stream.indirect.gather [hbm4b:s3+s29], $0x80, s15, s29, $0xb8;
	[tilespmem:$0x1FE00] =	vst v63  }
0x16e: {  	s11 =	sadd.s32 $0x0, s14;
	s15 =	simm.s32 $0x16A80  }
0x16f: {  	[tilespmem:s15], [sflag:$0xC] =	stream.linear.gather [hbm4b:s11+s12], $0x28, $0x38;
	[tilespmem:$0x1FE00] =	vst v63  }
0x170: {  	_ =	swait.ge [sflag:s16], $0x1400  }
0x171: {  	[sflag:s16] =	ssyncset.done $0x0  }
0x172: {  	[sflag:s16] =	ssyncadd.s32 $0xFFFFEC00  }
0x173: {  	v7 =	vld [tilespmem:s8+$0x50];
	_ =	sdelay $0x4  }
0x174: {  	[tilespmem:$0x16D80] =	vst v7  }
0x175: {  	v7 =	vld [tilespmem:s8+$0x60];
	_ =	sdelay $0x4  }
0x176: {  	[tilespmem:$0x16D90] =	vst v7  }
0x177: {  	v7 =	vld [tilespmem:s8+$0x68];
	_ =	sdelay $0x4  }
0x178: {  	[tilespmem:$0x16D98] =	vst v7  }
0x179: {  	[spmem:s5] =	stream.indirect.scatter.add.f32 [tilespmem:s26], [sflag:$0x11], $0x80, s2, s29, $0xb8;
	[tilespmem:$0x1FE00] =	vst v63  }
0x17a: {  	_ =	swait.ge [sflag:s25], $0x1400  }
0x17b: {  	[sflag:s25] =	ssyncset.done $0x0  }
0x17c: {  	[sflag:s25] =	ssyncadd.s32 $0xFFFFEC00  }
0x17d: {  	_ =	swait.ge [sflag:s23], $0x28  }
0x17e: {  	[sflag:s23] =	ssyncset.done $0x0  }
0x17f: {  	s18 =	rddreg [dreg:$0x8];
	[sflag:s23] =	ssyncadd.s32 $0xFFFFFFD8  }
0x180: {  	[tilespmem:s26], [sflag:$0x3] =	stream.indirect.gather [hbm4b:s3+s29], $0x80, s22, s29, $0xb8;
	[tilespmem:$0x1FE00] =	vst v63  }
0x181: {  	s19 =	simm.s32 $0x4;
	s20 =	simm.s32 $0x16B00;
	s11 =	sadd.s32 $0x0, s18  }
0x182: {  	[tilespmem:s20], [sflag:$0xD] =	stream.linear.gather [hbm4b:s11+s12], $0x28, $0x38;
	[tilespmem:$0x1FE00] =	vst v63  }
0x183: {  	_ =	swait.ge [sflag:s19], $0x1400  }
0x184: {  	[sflag:s19] =	ssyncset.done $0x0  }
0x185: {  	[sflag:s19] =	ssyncadd.s32 $0xFFFFEC00  }
0x186: {  	v7 =	vld [tilespmem:s8+$0x78];
	_ =	sdelay $0x4  }
0x187: {  	[tilespmem:$0x16E00] =	vst v7  }
0x188: {  	v7 =	vld [tilespmem:s8+$0x88];
	_ =	sdelay $0x4  }
0x189: {  	[tilespmem:$0x16E10] =	vst v7  }
0x18a: {  	v7 =	vld [tilespmem:s8+$0x90];
	_ =	sdelay $0x4  }
0x18b: {  	[tilespmem:$0x16E18] =	vst v7  }
0x18c: {  	[spmem:s5] =	stream.indirect.scatter.add.f32 [tilespmem:s10], [sflag:$0x11], $0x80, s28, s29, $0xb8;
	[tilespmem:$0x1FE00] =	vst v63  }
0x18d: {  	_ =	swait.ge [sflag:s25], $0x1400  }
0x18e: {  	[sflag:s25] =	ssyncset.done $0x0  }
0x18f: {  	s22 =	simm.s32 $0x9;
	[sflag:s25] =	ssyncadd.s32 $0xFFFFEC00  }
0x190: {  	_ =	swait.ge [sflag:s22], $0x28  }
0x191: {  	[sflag:s22] =	ssyncset.done $0x0  }
0x192: {  	s0 =	simm.s32 $0x5;
	s23 =	rddreg [dreg:$0x7];
	[sflag:s22] =	ssyncadd.s32 $0xFFFFFFD8  }
0x193: {  	[tilespmem:s10], [sflag:$0x4] =	stream.indirect.gather [hbm4b:s3+s29], $0x80, s9, s29, $0xb8;
	[tilespmem:$0x1FE00] =	vst v63  }
0x194: {  	s26 =	simm.s32 $0x16B80;
	s28 =	simm.s32 $0x0;
	s11 =	sadd.s32 $0x0, s23  }
0x195: {  	[tilespmem:s26], [sflag:$0xE] =	stream.linear.gather [hbm4b:s11+s28], $0x28, $0x38;
	[tilespmem:$0x1FE00] =	vst v63  }
0x196: {  	_ =	swait.ge [sflag:s0], $0x1400  }
0x197: {  	[sflag:s0] =	ssyncset.done $0x0  }
0x198: {  	[sflag:s0] =	ssyncadd.s32 $0xFFFFEC00  }
0x199: {  	v7 =	vld [tilespmem:s8+$0xA0];
	_ =	sdelay $0x4  }
0x19a: {  	[tilespmem:$0x16E80] =	vst v7  }
0x19b: {  	v7 =	vld [tilespmem:s8+$0xB0];
	_ =	sdelay $0x4  }
0x19c: {  	[tilespmem:$0x16E90] =	vst v7  }
0x19d: {  	v7 =	vld [tilespmem:s8+$0xB8];
	_ =	sdelay $0x4  }
0x19e: {  	s6 =	simm.s32 $0x16E80;
	[tilespmem:$0x16E98] =	vst v7  }
0x19f: {  	[spmem:s5] =	stream.indirect.scatter.add.f32 [tilespmem:s21], [sflag:$0x11], $0x80, s6, s29, $0xb8;
	[tilespmem:$0x1FE00] =	vst v63  }
0x1a0: {  	_ =	swait.ge [sflag:s25], $0x1400  }
0x1a1: {  	[sflag:s25] =	ssyncset.done $0x0  }
0x1a2: {  	s30 =	simm.s32 $0xA;
	s24 =	smov.u32 s5;
	[sflag:s25] =	ssyncadd.s32 $0xFFFFEC00  }
0x1a3: {  	s19 =	smov.u32 s3;
	s23 =	simm.s32 $0x32;
	_ =	swait.ge [sflag:s30], $0x28  }
0x1a4: {  	s11 =	simm.s32 $0x14258;
	[sflag:s30] =	ssyncset.done $0x0;
	s31 =	rddreg [dreg:$0x6]  }
0x1a5: {  	s8 =	sadd.s32 $0x190, s17;
	[sflag:s30] =	ssyncadd.s32 $0xFFFFFFD8;
	s14 =	sadd.s32 $0x0, s31  }
0x1a6: {  	[tilespmem:s21], [sflag:$0x5] =	stream.indirect.gather [hbm4b:s3+s29], $0x80, s4, s29, $0xb8;
	[tilespmem:$0x1FE00] =	vst v63  }
.LBB2_8:
0x1a7: {  	s18 =	simm.s32 $0x16C00;
	s13 =	simm.s32 $0x1  }
0x1a8: {  	[tilespmem:s18], [sflag:$0xF] =	stream.linear.gather [hbm4b:s14+s28], $0x28, $0x38;
	[tilespmem:$0x1FE00] =	vst v63  }
0x1a9: {  	_ =	swait.ge [sflag:s13], $0x1400  }
0x1aa: {  	[sflag:s13] =	ssyncset.done $0x0  }
0x1ab: {  	[sflag:s13] =	ssyncadd.s32 $0xFFFFEC00  }
0x1ac: {  	v7 =	vld [tilespmem:s11+$0xFFFFFF38];
	_ =	sdelay $0x4  }
0x1ad: {  	[tilespmem:$0x16C80] =	vst v7  }
0x1ae: {  	v7 =	vld [tilespmem:s11+$0xFFFFFF48];
	_ =	sdelay $0x4  }
0x1af: {  	[tilespmem:$0x16C90] =	vst v7  }
0x1b0: {  	v7 =	vld [tilespmem:s11+$0xFFFFFF50];
	_ =	sdelay $0x4  }
0x1b1: {  	s22 =	simm.s32 $0x16C80;
	s26 =	simm.s32 $0x16F00;
	[tilespmem:$0x16C98] =	vst v7  }
0x1b2: {  	[spmem:s24] =	stream.indirect.scatter.add.f32 [tilespmem:s26], [sflag:$0x11], $0x80, s22, s29, $0xb8;
	[tilespmem:$0x1FE00] =	vst v63  }
0x1b3: {  	_ =	swait.ge [sflag:s25], $0x1400  }
0x1b4: {  	[sflag:s25] =	ssyncset.done $0x0  }
0x1b5: {  	s2 =	simm.s32 $0xB;
	[sflag:s25] =	ssyncadd.s32 $0xFFFFEC00  }
0x1b6: {  	_ =	swait.ge [sflag:s2], $0x28  }
0x1b7: {  	s17 =	sshrl.u32 s8, $0x3;
	[sflag:s2] =	ssyncset.done $0x0  }
0x1b8: {  	s0 =	simm.s32 $0x16A00;
	s16 =	rddreg [dreg:$0xf];
	[sflag:s2] =	ssyncadd.s32 $0xFFFFFFD8  }
0x1b9: {  	[tilespmem:s26], [sflag:$0x1] =	stream.indirect.gather [hbm4b:s19+s29], $0x80, s0, s29, $0xb8;
	[tilespmem:$0x1FE00] =	vst v63  }
0x1ba: {  	s4 =	simm.s32 $0x16780;
	s17 =	sadd.s32 s16, s17;
	s16 =	simm.s32 $0x2  }
0x1bb: {  	[tilespmem:s4], [sflag:$0x6] =	stream.linear.gather [hbm4b:s17+s28], $0x28, $0x38;
	[tilespmem:$0x1FE00] =	vst v63  }
0x1bc: {  	_ =	swait.ge [sflag:s16], $0x1400  }
0x1bd: {  	[sflag:s16] =	ssyncset.done $0x0  }
0x1be: {  	[sflag:s16] =	ssyncadd.s32 $0xFFFFEC00  }
0x1bf: {  	v7 =	vld [tilespmem:s11+$0xFFFFFF60];
	_ =	sdelay $0x4  }
0x1c0: {  	[tilespmem:$0x16D00] =	vst v7  }
0x1c1: {  	v7 =	vld [tilespmem:s11+$0xFFFFFF70];
	_ =	sdelay $0x4  }
0x1c2: {  	[tilespmem:$0x16D10] =	vst v7  }
0x1c3: {  	v7 =	vld [tilespmem:s11+$0xFFFFFF78];
	_ =	sdelay $0x4  }
0x1c4: {  	s31 =	simm.s32 $0x16D00;
	s7 =	simm.s32 $0x18300;
	[tilespmem:$0x16D18] =	vst v7  }
0x1c5: {  	[spmem:s24] =	stream.indirect.scatter.add.f32 [tilespmem:s7], [sflag:$0x11], $0x80, s31, s29, $0xb8;
	[tilespmem:$0x1FE00] =	vst v63  }
0x1c6: {  	_ =	swait.ge [sflag:s25], $0x1400  }
0x1c7: {  	[sflag:s25] =	ssyncset.done $0x0  }
0x1c8: {  	s20 =	simm.s32 $0xC;
	[sflag:s25] =	ssyncadd.s32 $0xFFFFEC00  }
0x1c9: {  	_ =	swait.ge [sflag:s20], $0x28  }
0x1ca: {  	s30 =	simm.s32 $0x16A80;
	[sflag:s20] =	ssyncset.done $0x0  }
0x1cb: {  	s14 =	smov.u32 s23;
	s21 =	rddreg [dreg:$0xe];
	[sflag:s20] =	ssyncadd.s32 $0xFFFFFFD8  }
0x1cc: {  	[tilespmem:s7], [sflag:$0x2] =	stream.indirect.gather [hbm4b:s19+s29], $0x80, s30, s29, $0xb8;
	[tilespmem:$0x1FE00] =	vst v63  }
0x1cd: {  	s9 =	simm.s32 $0x16800;
	s17 =	sadd.s32 s14, s21;
	s19 =	simm.s32 $0x3  }
0x1ce: {  	[tilespmem:s9], [sflag:$0x7] =	stream.linear.gather [hbm4b:s17+s28], $0x28, $0x38;
	[tilespmem:$0x1FE00] =	vst v63  }
0x1cf: {  	_ =	swait.ge [sflag:s19], $0x1400  }
0x1d0: {  	[sflag:s19] =	ssyncset.done $0x0  }
0x1d1: {  	[sflag:s19] =	ssyncadd.s32 $0xFFFFEC00  }
0x1d2: {  	v7 =	vld [tilespmem:s11+$0xFFFFFF88];
	_ =	sdelay $0x4  }
0x1d3: {  	[tilespmem:$0x16D80] =	vst v7  }
0x1d4: {  	v7 =	vld [tilespmem:s11+$0xFFFFFF98];
	_ =	sdelay $0x4  }
0x1d5: {  	[tilespmem:$0x16D90] =	vst v7  }
0x1d6: {  	v7 =	vld [tilespmem:s11+$0xFFFFFFA0];
	_ =	sdelay $0x4  }
0x1d7: {  	s10 =	simm.s32 $0x19700;
	s20 =	simm.s32 $0x16D80;
	[tilespmem:$0x16D98] =	vst v7  }
0x1d8: {  	[spmem:s24] =	stream.indirect.scatter.add.f32 [tilespmem:s10], [sflag:$0x11], $0x80, s20, s29, $0xb8;
	[tilespmem:$0x1FE00] =	vst v63  }
0x1d9: {  	_ =	swait.ge [sflag:s25], $0x1400  }
0x1da: {  	[sflag:s25] =	ssyncset.done $0x0  }
0x1db: {  	s28 =	simm.s32 $0xD;
	[sflag:s25] =	ssyncadd.s32 $0xFFFFEC00  }
0x1dc: {  	_ =	swait.ge [sflag:s28], $0x28  }
0x1dd: {  	s6 =	simm.s32 $0x16B00;
	[sflag:s28] =	ssyncset.done $0x0  }
0x1de: {  	s2 =	simm.s32 $0x0;
	s1 =	rddreg [dreg:$0xd];
	[sflag:s28] =	ssyncadd.s32 $0xFFFFFFD8  }
0x1df: {  	[tilespmem:s10], [sflag:$0x3] =	stream.indirect.gather [hbm4b:s3+s29], $0x80, s6, s29, $0xb8;
	[tilespmem:$0x1FE00] =	vst v63  }
0x1e0: {  	s24 =	simm.s32 $0x16880;
	s17 =	sadd.s32 s14, s1;
	s6 =	simm.s32 $0x4  }
0x1e1: {  	[tilespmem:s24], [sflag:$0x8] =	stream.linear.gather [hbm4b:s17+s2], $0x28, $0x38;
	[tilespmem:$0x1FE00] =	vst v63  }
0x1e2: {  	_ =	swait.ge [sflag:s6], $0x1400  }
0x1e3: {  	[sflag:s6] =	ssyncset.done $0x0  }
0x1e4: {  	[sflag:s6] =	ssyncadd.s32 $0xFFFFEC00  }
0x1e5: {  	v7 =	vld [tilespmem:s11+$0xFFFFFFB0];
	_ =	sdelay $0x4  }
0x1e6: {  	[tilespmem:$0x16E00] =	vst v7  }
0x1e7: {  	v7 =	vld [tilespmem:s11+$0xFFFFFFC0];
	_ =	sdelay $0x4  }
0x1e8: {  	[tilespmem:$0x16E10] =	vst v7  }
0x1e9: {  	v7 =	vld [tilespmem:s11+$0xFFFFFFC8];
	_ =	sdelay $0x4  }
0x1ea: {  	s21 =	simm.s32 $0x1AB00;
	s28 =	simm.s32 $0x16E00;
	[tilespmem:$0x16E18] =	vst v7  }
0x1eb: {  	[spmem:s5] =	stream.indirect.scatter.add.f32 [tilespmem:s21], [sflag:$0x11], $0x80, s28, s29, $0xb8;
	[tilespmem:$0x1FE00] =	vst v63  }
0x1ec: {  	_ =	swait.ge [sflag:s25], $0x1400  }
0x1ed: {  	[sflag:s25] =	ssyncset.done $0x0  }
0x1ee: {  	s30 =	simm.s32 $0xE;
	[sflag:s25] =	ssyncadd.s32 $0xFFFFEC00  }
0x1ef: {  	_ =	swait.ge [sflag:s30], $0x28  }
0x1f0: {  	[sflag:s30] =	ssyncset.done $0x0  }
0x1f1: {  	s15 =	simm.s32 $0x16B80;
	s12 =	rddreg [dreg:$0xc];
	[sflag:s30] =	ssyncadd.s32 $0xFFFFFFD8  }
0x1f2: {  	[tilespmem:s21], [sflag:$0x4] =	stream.indirect.gather [hbm4b:s3+s29], $0x80, s15, s29, $0xb8;
	[tilespmem:$0x1FE00] =	vst v63  }
0x1f3: {  	s0 =	simm.s32 $0x5;
	s17 =	sadd.s32 s14, s12;
	s12 =	simm.s32 $0x16900  }
0x1f4: {  	[tilespmem:s12], [sflag:$0x9] =	stream.linear.gather [hbm4b:s17+s2], $0x28, $0x38;
	[tilespmem:$0x1FE00] =	vst v63  }
0x1f5: {  	_ =	swait.ge [sflag:s0], $0x1400  }
0x1f6: {  	[sflag:s0] =	ssyncset.done $0x0  }
0x1f7: {  	[sflag:s0] =	ssyncadd.s32 $0xFFFFEC00  }
0x1f8: {  	v7 =	vld [tilespmem:s11+$0xFFFFFFD8];
	_ =	sdelay $0x4  }
0x1f9: {  	[tilespmem:$0x16E80] =	vst v7  }
0x1fa: {  	v7 =	vld [tilespmem:s11+$0xFFFFFFE8];
	_ =	sdelay $0x4  }
0x1fb: {  	[tilespmem:$0x16E90] =	vst v7  }
0x1fc: {  	v7 =	vld [tilespmem:s11+$0xFFFFFFF0];
	_ =	sdelay $0x4  }
0x1fd: {  	s30 =	simm.s32 $0x16E80;
	s15 =	simm.s32 $0x1BF00;
	[tilespmem:$0x16E98] =	vst v7  }
0x1fe: {  	[spmem:s5] =	stream.indirect.scatter.add.f32 [tilespmem:s15], [sflag:$0x11], $0x80, s30, s29, $0xb8;
	[tilespmem:$0x1FE00] =	vst v63  }
0x1ff: {  	_ =	swait.ge [sflag:s25], $0x1400  }
0x200: {  	[sflag:s25] =	ssyncset.done $0x0  }
0x201: {  	s1 =	simm.s32 $0xF;
	[sflag:s25] =	ssyncadd.s32 $0xFFFFEC00  }
0x202: {  	_ =	swait.ge [sflag:s1], $0x28  }
0x203: {  	[sflag:s1] =	ssyncset.done $0x0  }
0x204: {  	s17 =	rddreg [dreg:$0xb];
	[sflag:s1] =	ssyncadd.s32 $0xFFFFFFD8  }
0x205: {  	[tilespmem:s15], [sflag:$0x5] =	stream.indirect.gather [hbm4b:s3+s29], $0x80, s18, s29, $0xb8;
	[tilespmem:$0x1FE00] =	vst v63  }
0x206: {  	s17 =	sadd.s32 s14, s17;
	s18 =	simm.s32 $0x16980  }
0x207: {  	[tilespmem:s18], [sflag:$0xA] =	stream.linear.gather [hbm4b:s17+s2], $0x28, $0x38;
	[tilespmem:$0x1FE00] =	vst v63  }
0x208: {  	_ =	swait.ge [sflag:s13], $0x1400  }
0x209: {  	[sflag:s13] =	ssyncset.done $0x0  }
0x20a: {  	[sflag:s13] =	ssyncadd.s32 $0xFFFFEC00  }
0x20b: {  	v7 =	vld [tilespmem:s11+$0x0];
	_ =	sdelay $0x4  }
0x20c: {  	[tilespmem:$0x16C80] =	vst v7  }
0x20d: {  	v7 =	vld [tilespmem:s11+$0x10];
	_ =	sdelay $0x4  }
0x20e: {  	[tilespmem:$0x16C90] =	vst v7  }
0x20f: {  	v7 =	vld [tilespmem:s11+$0x18];
	_ =	sdelay $0x4  }
0x210: {  	[tilespmem:$0x16C98] =	vst v7  }
0x211: {  	[spmem:s5] =	stream.indirect.scatter.add.f32 [tilespmem:s26], [sflag:$0x11], $0x80, s22, s29, $0xb8;
	[tilespmem:$0x1FE00] =	vst v63  }
0x212: {  	_ =	swait.ge [sflag:s25], $0x1400  }
0x213: {  	[sflag:s25] =	ssyncset.done $0x0  }
0x214: {  	s17 =	simm.s32 $0x6;
	[sflag:s25] =	ssyncadd.s32 $0xFFFFEC00  }
0x215: {  	_ =	swait.ge [sflag:s17], $0x28  }
0x216: {  	[sflag:s17] =	ssyncset.done $0x0  }
0x217: {  	s22 =	rddreg [dreg:$0xa];
	[sflag:s17] =	ssyncadd.s32 $0xFFFFFFD8  }
0x218: {  	[tilespmem:s26], [sflag:$0x1] =	stream.indirect.gather [hbm4b:s3+s29], $0x80, s4, s29, $0xb8;
	[tilespmem:$0x1FE00] =	vst v63  }
0x219: {  	s13 =	simm.s32 $0x16A00;
	s17 =	sadd.s32 s14, s22  }
0x21a: {  	[tilespmem:s13], [sflag:$0xB] =	stream.linear.gather [hbm4b:s17+s2], $0x28, $0x38;
	[tilespmem:$0x1FE00] =	vst v63  }
0x21b: {  	_ =	swait.ge [sflag:s16], $0x1400  }
0x21c: {  	[sflag:s16] =	ssyncset.done $0x0  }
0x21d: {  	[sflag:s16] =	ssyncadd.s32 $0xFFFFEC00  }
0x21e: {  	v7 =	vld [tilespmem:s11+$0x28];
	_ =	sdelay $0x4  }
0x21f: {  	[tilespmem:$0x16D00] =	vst v7  }
0x220: {  	v7 =	vld [tilespmem:s11+$0x38];
	_ =	sdelay $0x4  }
0x221: {  	[tilespmem:$0x16D10] =	vst v7  }
0x222: {  	v7 =	vld [tilespmem:s11+$0x40];
	_ =	sdelay $0x4  }
0x223: {  	[tilespmem:$0x16D18] =	vst v7  }
0x224: {  	[spmem:s5] =	stream.indirect.scatter.add.f32 [tilespmem:s7], [sflag:$0x11], $0x80, s31, s29, $0xb8;
	[tilespmem:$0x1FE00] =	vst v63  }
0x225: {  	_ =	swait.ge [sflag:s25], $0x1400  }
0x226: {  	[sflag:s25] =	ssyncset.done $0x0  }
0x227: {  	s22 =	simm.s32 $0x7;
	[sflag:s25] =	ssyncadd.s32 $0xFFFFEC00  }
0x228: {  	_ =	swait.ge [sflag:s22], $0x28  }
0x229: {  	[sflag:s22] =	ssyncset.done $0x0  }
0x22a: {  	s26 =	rddreg [dreg:$0x9];
	[sflag:s22] =	ssyncadd.s32 $0xFFFFFFD8  }
0x22b: {  	[tilespmem:s7], [sflag:$0x2] =	stream.indirect.gather [hbm4b:s3+s29], $0x80, s9, s29, $0xb8;
	[tilespmem:$0x1FE00] =	vst v63  }
0x22c: {  	s31 =	simm.s32 $0x16A80;
	s17 =	sadd.s32 s14, s26  }
0x22d: {  	[tilespmem:s31], [sflag:$0xC] =	stream.linear.gather [hbm4b:s17+s2], $0x28, $0x38;
	[tilespmem:$0x1FE00] =	vst v63  }
0x22e: {  	_ =	swait.ge [sflag:s19], $0x1400  }
0x22f: {  	[sflag:s19] =	ssyncset.done $0x0  }
0x230: {  	[sflag:s19] =	ssyncadd.s32 $0xFFFFEC00  }
0x231: {  	v7 =	vld [tilespmem:s11+$0x50];
	_ =	sdelay $0x4  }
0x232: {  	[tilespmem:$0x16D80] =	vst v7  }
0x233: {  	v7 =	vld [tilespmem:s11+$0x60];
	_ =	sdelay $0x4  }
0x234: {  	[tilespmem:$0x16D90] =	vst v7  }
0x235: {  	v7 =	vld [tilespmem:s11+$0x68];
	_ =	sdelay $0x4  }
0x236: {  	[tilespmem:$0x16D98] =	vst v7  }
0x237: {  	[spmem:s5] =	stream.indirect.scatter.add.f32 [tilespmem:s10], [sflag:$0x11], $0x80, s20, s29, $0xb8;
	[tilespmem:$0x1FE00] =	vst v63  }
0x238: {  	_ =	swait.ge [sflag:s25], $0x1400  }
0x239: {  	[sflag:s25] =	ssyncset.done $0x0  }
0x23a: {  	s7 =	simm.s32 $0x8;
	[sflag:s25] =	ssyncadd.s32 $0xFFFFEC00  }
0x23b: {  	_ =	swait.ge [sflag:s7], $0x28  }
0x23c: {  	[sflag:s7] =	ssyncset.done $0x0  }
0x23d: {  	s13 =	rddreg [dreg:$0x8];
	[sflag:s7] =	ssyncadd.s32 $0xFFFFFFD8  }
0x23e: {  	[tilespmem:s10], [sflag:$0x3] =	stream.indirect.gather [hbm4b:s3+s29], $0x80, s24, s29, $0xb8;
	[tilespmem:$0x1FE00] =	vst v63  }
0x23f: {  	s16 =	simm.s32 $0x16B00;
	s17 =	sadd.s32 s14, s13  }
0x240: {  	[tilespmem:s16], [sflag:$0xD] =	stream.linear.gather [hbm4b:s17+s2], $0x28, $0x38;
	[tilespmem:$0x1FE00] =	vst v63  }
0x241: {  	_ =	swait.ge [sflag:s6], $0x1400  }
0x242: {  	[sflag:s6] =	ssyncset.done $0x0  }
0x243: {  	[sflag:s6] =	ssyncadd.s32 $0xFFFFEC00  }
0x244: {  	v7 =	vld [tilespmem:s11+$0x78];
	_ =	sdelay $0x4  }
0x245: {  	[tilespmem:$0x16E00] =	vst v7  }
0x246: {  	v7 =	vld [tilespmem:s11+$0x88];
	_ =	sdelay $0x4  }
0x247: {  	[tilespmem:$0x16E10] =	vst v7  }
0x248: {  	v7 =	vld [tilespmem:s11+$0x90];
	_ =	sdelay $0x4  }
0x249: {  	[tilespmem:$0x16E18] =	vst v7  }
0x24a: {  	[spmem:s5] =	stream.indirect.scatter.add.f32 [tilespmem:s21], [sflag:$0x11], $0x80, s28, s29, $0xb8;
	[tilespmem:$0x1FE00] =	vst v63  }
0x24b: {  	_ =	swait.ge [sflag:s25], $0x1400  }
0x24c: {  	[sflag:s25] =	ssyncset.done $0x0  }
0x24d: {  	s17 =	simm.s32 $0x9;
	[sflag:s25] =	ssyncadd.s32 $0xFFFFEC00  }
0x24e: {  	_ =	swait.ge [sflag:s17], $0x28  }
0x24f: {  	[sflag:s17] =	ssyncset.done $0x0  }
0x250: {  	s20 =	rddreg [dreg:$0x7];
	[sflag:s17] =	ssyncadd.s32 $0xFFFFFFD8  }
0x251: {  	[tilespmem:s21], [sflag:$0x4] =	stream.indirect.gather [hbm4b:s3+s29], $0x80, s12, s29, $0xb8;
	[tilespmem:$0x1FE00] =	vst v63  }
0x252: {  	s22 =	simm.s32 $0x16B80;
	s28 =	simm.s32 $0x0;
	s17 =	sadd.s32 s14, s20  }
0x253: {  	[tilespmem:s22], [sflag:$0xE] =	stream.linear.gather [hbm4b:s17+s28], $0x28, $0x38;
	[tilespmem:$0x1FE00] =	vst v63  }
0x254: {  	_ =	swait.ge [sflag:s0], $0x1400  }
0x255: {  	[sflag:s0] =	ssyncset.done $0x0  }
0x256: {  	[sflag:s0] =	ssyncadd.s32 $0xFFFFEC00  }
0x257: {  	v7 =	vld [tilespmem:s11+$0xA0];
	_ =	sdelay $0x4  }
0x258: {  	[tilespmem:$0x16E80] =	vst v7  }
0x259: {  	v7 =	vld [tilespmem:s11+$0xB0];
	_ =	sdelay $0x4  }
0x25a: {  	[tilespmem:$0x16E90] =	vst v7  }
0x25b: {  	v7 =	vld [tilespmem:s11+$0xB8];
	_ =	sdelay $0x4  }
0x25c: {  	p2 =	sne.s32 s23, $0x47E;
	s8 =	sadd.s32 $0x190, s8;
	[tilespmem:$0x16E98] =	vst v7  }
0x25d: {  	[spmem:s5] =	stream.indirect.scatter.add.f32 [tilespmem:s15], [sflag:$0x11], $0x80, s30, s29, $0xb8;
	[tilespmem:$0x1FE00] =	vst v63  }
0x25e: {  	s23 =	sadd.s32 $0x32, s23;
	s1 =	simm.s32 $0x16B80;
	_ =	swait.ge [sflag:s25], $0x1400  }
0x25f: {  	s4 =	simm.s32 $0x16A00;
	s26 =	simm.s32 $0x16B00;
	[sflag:s25] =	ssyncset.done $0x0  }
.Ltmp3:
0x260: {  	s30 =	simm.s32 $0xA;
	[sflag:s25] =	ssyncadd.s32 $0xFFFFEC00;
	(pc) =	sbr.rel @p2 .LBB2_8-.Ltmp3, $4  }
0x261: {  	s9 =	simm.s32 $0x16A80;
	s19 =	smov.u32 s3;
	_ =	swait.ge [sflag:s30], $0x28  }
0x262: {  	s24 =	smov.u32 s5;
	[sflag:s30] =	ssyncset.done $0x0;
	s31 =	rddreg [dreg:$0x6]  }
0x263: {  	s11 =	sadd.s32 $0x190, s11;
	[sflag:s30] =	ssyncadd.s32 $0xFFFFFFD8;
	s14 =	sadd.s32 s14, s31  }
0x264: {  	[tilespmem:s15], [sflag:$0x5] =	stream.indirect.gather [hbm4b:s3+s29], $0x80, s18, s29, $0xb8;
	[tilespmem:$0x1FE00] =	vst v63  }
0x265: {  	s18 =	simm.s32 $0x16C00;
	s13 =	simm.s32 $0x1  }
0x266: {  	[tilespmem:s18], [sflag:$0xF] =	stream.linear.gather [hbm4b:s14+s28], $0x28, $0x38;
	[tilespmem:$0x1FE00] =	vst v63  }
0x267: {  	_ =	swait.ge [sflag:s13], $0x1400  }
0x268: {  	[sflag:s13] =	ssyncset.done $0x0  }
0x269: {  	[sflag:s13] =	ssyncadd.s32 $0xFFFFEC00  }
0x26a: {  	v7 =	vld [tilespmem:$0x16580]  }
0x26b: {  	v8 =	vld [tilespmem:$0x16590]  }
0x26c: {  	v9 =	vld [tilespmem:$0x16598];
	_ =	sdelay $0x2  }
0x26d: {  	[tilespmem:$0x16C80] =	vst v7  }
0x26e: {  	[tilespmem:$0x16C90] =	vst v8  }
0x26f: {  	s12 =	simm.s32 $0x16C80;
	s14 =	simm.s32 $0x16F00;
	[tilespmem:$0x16C98] =	vst v9  }
0x270: {  	[spmem:s24] =	stream.indirect.scatter.add.f32 [tilespmem:s14], [sflag:$0x11], $0x80, s12, s29, $0xb8;
	[tilespmem:$0x1FE00] =	vst v63  }
0x271: {  	_ =	swait.ge [sflag:s25], $0x1400  }
0x272: {  	[sflag:s25] =	ssyncset.done $0x0  }
0x273: {  	s2 =	simm.s32 $0xB;
	[sflag:s25] =	ssyncadd.s32 $0xFFFFEC00  }
0x274: {  	_ =	swait.ge [sflag:s2], $0x28  }
0x275: {  	[sflag:s2] =	ssyncset.done $0x0  }
0x276: {  	s20 =	simm.s32 $0x2;
	[sflag:s2] =	ssyncadd.s32 $0xFFFFFFD8  }
0x277: {  	[tilespmem:s14], [sflag:$0x1] =	stream.indirect.gather [hbm4b:s19+s29], $0x80, s4, s29, $0xb8;
	[tilespmem:$0x1FE00] =	vst v63  }
0x278: {  	_ =	swait.ge [sflag:s20], $0x1400  }
0x279: {  	[sflag:s20] =	ssyncset.done $0x0  }
0x27a: {  	[sflag:s20] =	ssyncadd.s32 $0xFFFFEC00  }
0x27b: {  	v7 =	vld [tilespmem:$0x165A8]  }
0x27c: {  	v8 =	vld [tilespmem:$0x165B8]  }
0x27d: {  	v55 =	vld [tilespmem:$0x165C0];
	_ =	sdelay $0x2  }
0x27e: {  	[tilespmem:$0x16D00] =	vst v7  }
0x27f: {  	[tilespmem:$0x16D10] =	vst v8  }
0x280: {  	s8 =	simm.s32 $0x16D00;
	s7 =	simm.s32 $0x18300;
	[tilespmem:$0x16D18] =	vst v55  }
0x281: {  	[spmem:s24] =	stream.indirect.scatter.add.f32 [tilespmem:s7], [sflag:$0x11], $0x80, s8, s29, $0xb8;
	[tilespmem:$0x1FE00] =	vst v63  }
0x282: {  	_ =	swait.ge [sflag:s25], $0x1400  }
0x283: {  	[sflag:s25] =	ssyncset.done $0x0  }
0x284: {  	s21 =	simm.s32 $0xC;
	[sflag:s25] =	ssyncadd.s32 $0xFFFFEC00  }
0x285: {  	_ =	swait.ge [sflag:s21], $0x28  }
0x286: {  	[sflag:s21] =	ssyncset.done $0x0  }
0x287: {  	s16 =	simm.s32 $0x3;
	[sflag:s21] =	ssyncadd.s32 $0xFFFFFFD8  }
0x288: {  	[tilespmem:s7], [sflag:$0x2] =	stream.indirect.gather [hbm4b:s19+s29], $0x80, s9, s29, $0xb8;
	[tilespmem:$0x1FE00] =	vst v63  }
0x289: {  	_ =	swait.ge [sflag:s16], $0x1400  }
0x28a: {  	[sflag:s16] =	ssyncset.done $0x0  }
0x28b: {  	[sflag:s16] =	ssyncadd.s32 $0xFFFFEC00  }
0x28c: {  	v7 =	vld [tilespmem:$0x165D0]  }
0x28d: {  	v8 =	vld [tilespmem:$0x165E0]  }
0x28e: {  	v56 =	vld [tilespmem:$0x165E8];
	_ =	sdelay $0x2  }
0x28f: {  	[tilespmem:$0x16D80] =	vst v7  }
0x290: {  	[tilespmem:$0x16D90] =	vst v8  }
0x291: {  	s22 =	simm.s32 $0x16D80;
	s10 =	simm.s32 $0x19700;
	[tilespmem:$0x16D98] =	vst v56  }
0x292: {  	[spmem:s24] =	stream.indirect.scatter.add.f32 [tilespmem:s10], [sflag:$0x11], $0x80, s22, s29, $0xb8;
	[tilespmem:$0x1FE00] =	vst v63  }
0x293: {  	_ =	swait.ge [sflag:s25], $0x1400  }
0x294: {  	[sflag:s25] =	ssyncset.done $0x0  }
0x295: {  	s23 =	simm.s32 $0xD;
	[sflag:s25] =	ssyncadd.s32 $0xFFFFEC00  }
0x296: {  	_ =	swait.ge [sflag:s23], $0x28  }
0x297: {  	[sflag:s23] =	ssyncset.done $0x0  }
0x298: {  	s6 =	simm.s32 $0x4;
	[sflag:s23] =	ssyncadd.s32 $0xFFFFFFD8  }
0x299: {  	[tilespmem:s10], [sflag:$0x3] =	stream.indirect.gather [hbm4b:s19+s29], $0x80, s26, s29, $0xb8;
	[tilespmem:$0x1FE00] =	vst v63  }
0x29a: {  	_ =	swait.ge [sflag:s6], $0x1400  }
0x29b: {  	[sflag:s6] =	ssyncset.done $0x0  }
0x29c: {  	[sflag:s6] =	ssyncadd.s32 $0xFFFFEC00  }
0x29d: {  	v7 =	vld [tilespmem:$0x165F8]  }
0x29e: {  	v8 =	vld [tilespmem:$0x16608]  }
0x29f: {  	v57 =	vld [tilespmem:$0x16610];
	_ =	sdelay $0x2  }
0x2a0: {  	[tilespmem:$0x16E00] =	vst v7  }
0x2a1: {  	[tilespmem:$0x16E10] =	vst v8  }
0x2a2: {  	s31 =	simm.s32 $0x16E00;
	s15 =	simm.s32 $0x1AB00;
	[tilespmem:$0x16E18] =	vst v57  }
0x2a3: {  	[spmem:s24] =	stream.indirect.scatter.add.f32 [tilespmem:s15], [sflag:$0x11], $0x80, s31, s29, $0xb8;
	[tilespmem:$0x1FE00] =	vst v63  }
0x2a4: {  	_ =	swait.ge [sflag:s25], $0x1400  }
0x2a5: {  	[sflag:s25] =	ssyncset.done $0x0  }
0x2a6: {  	s11 =	simm.s32 $0xE;
	[sflag:s25] =	ssyncadd.s32 $0xFFFFEC00  }
0x2a7: {  	_ =	swait.ge [sflag:s11], $0x28  }
0x2a8: {  	[sflag:s11] =	ssyncset.done $0x0  }
0x2a9: {  	s0 =	simm.s32 $0x5;
	[sflag:s11] =	ssyncadd.s32 $0xFFFFFFD8  }
0x2aa: {  	[tilespmem:s15], [sflag:$0x4] =	stream.indirect.gather [hbm4b:s19+s29], $0x80, s1, s29, $0xb8;
	[tilespmem:$0x1FE00] =	vst v63  }
0x2ab: {  	_ =	swait.ge [sflag:s0], $0x1400  }
0x2ac: {  	[sflag:s0] =	ssyncset.done $0x0  }
0x2ad: {  	[sflag:s0] =	ssyncadd.s32 $0xFFFFEC00  }
0x2ae: {  	v7 =	vld [tilespmem:$0x16620]  }
0x2af: {  	v8 =	vld [tilespmem:$0x16630]  }
0x2b0: {  	v58 =	vld [tilespmem:$0x16638];
	_ =	sdelay $0x2  }
0x2b1: {  	[tilespmem:$0x16E80] =	vst v7  }
0x2b2: {  	[tilespmem:$0x16E90] =	vst v8  }
0x2b3: {  	s3 =	simm.s32 $0x16E80;
	s17 =	simm.s32 $0x1BF00;
	[tilespmem:$0x16E98] =	vst v58  }
0x2b4: {  	[spmem:s24] =	stream.indirect.scatter.add.f32 [tilespmem:s17], [sflag:$0x11], $0x80, s3, s29, $0xb8;
	[tilespmem:$0x1FE00] =	vst v63  }
0x2b5: {  	_ =	swait.ge [sflag:s25], $0x1400  }
0x2b6: {  	[sflag:s25] =	ssyncset.done $0x0  }
0x2b7: {  	s5 =	simm.s32 $0xF;
	[sflag:s25] =	ssyncadd.s32 $0xFFFFEC00  }
0x2b8: {  	_ =	swait.ge [sflag:s5], $0x28  }
0x2b9: {  	[sflag:s5] =	ssyncset.done $0x0  }
0x2ba: {  	[sflag:s5] =	ssyncadd.s32 $0xFFFFFFD8  }
0x2bb: {  	[tilespmem:s17], [sflag:$0x5] =	stream.indirect.gather [hbm4b:s19+s29], $0x80, s18, s29, $0xb8;
	[tilespmem:$0x1FE00] =	vst v63  }
0x2bc: {  	_ =	swait.ge [sflag:s13], $0x1400  }
0x2bd: {  	[sflag:s13] =	ssyncset.done $0x0  }
0x2be: {  	[sflag:s13] =	ssyncadd.s32 $0xFFFFEC00  }
0x2bf: {  	v7 =	vld [tilespmem:$0x16648]  }
0x2c0: {  	v8 =	vld [tilespmem:$0x16658]  }
0x2c1: {  	v59 =	vld [tilespmem:$0x16660];
	_ =	sdelay $0x2  }
0x2c2: {  	[tilespmem:$0x16C80] =	vst v7  }
0x2c3: {  	[tilespmem:$0x16C90] =	vst v8  }
0x2c4: {  	[tilespmem:$0x16C98] =	vst v59  }
0x2c5: {  	[spmem:s24] =	stream.indirect.scatter.add.f32 [tilespmem:s14], [sflag:$0x11], $0x80, s12, s29, $0xb8;
	[tilespmem:$0x1FE00] =	vst v63  }
0x2c6: {  	_ =	swait.ge [sflag:s25], $0x1400  }
0x2c7: {  	[sflag:s25] =	ssyncset.done $0x0  }
0x2c8: {  	[sflag:s25] =	ssyncadd.s32 $0xFFFFEC00  }
0x2c9: {  	_ =	swait.ge [sflag:s20], $0x1400  }
0x2ca: {  	[sflag:s20] =	ssyncset.done $0x0  }
0x2cb: {  	[sflag:s20] =	ssyncadd.s32 $0xFFFFEC00  }
0x2cc: {  	v7 =	vld [tilespmem:$0x16670]  }
0x2cd: {  	v8 =	vld [tilespmem:$0x16680]  }
0x2ce: {  	v60 =	vld [tilespmem:$0x16688];
	_ =	sdelay $0x2  }
0x2cf: {  	[tilespmem:$0x16D00] =	vst v7  }
0x2d0: {  	[tilespmem:$0x16D10] =	vst v8  }
0x2d1: {  	[tilespmem:$0x16D18] =	vst v60  }
0x2d2: {  	[spmem:s24] =	stream.indirect.scatter.add.f32 [tilespmem:s7], [sflag:$0x11], $0x80, s8, s29, $0xb8;
	[tilespmem:$0x1FE00] =	vst v63  }
0x2d3: {  	_ =	swait.ge [sflag:s25], $0x1400  }
0x2d4: {  	[sflag:s25] =	ssyncset.done $0x0  }
0x2d5: {  	[sflag:s25] =	ssyncadd.s32 $0xFFFFEC00  }
0x2d6: {  	_ =	swait.ge [sflag:s16], $0x1400  }
0x2d7: {  	[sflag:s16] =	ssyncset.done $0x0  }
0x2d8: {  	[sflag:s16] =	ssyncadd.s32 $0xFFFFEC00  }
0x2d9: {  	v7 =	vld [tilespmem:$0x16698]  }
0x2da: {  	v8 =	vld [tilespmem:$0x166A8]  }
0x2db: {  	v61 =	vld [tilespmem:$0x166B0];
	_ =	sdelay $0x2  }
0x2dc: {  	[tilespmem:$0x16D80] =	vst v7  }
0x2dd: {  	[tilespmem:$0x16D90] =	vst v8  }
0x2de: {  	[tilespmem:$0x16D98] =	vst v61  }
0x2df: {  	[spmem:s24] =	stream.indirect.scatter.add.f32 [tilespmem:s10], [sflag:$0x11], $0x80, s22, s29, $0xb8;
	[tilespmem:$0x1FE00] =	vst v63  }
0x2e0: {  	_ =	swait.ge [sflag:s25], $0x1400  }
0x2e1: {  	[sflag:s25] =	ssyncset.done $0x0  }
0x2e2: {  	[sflag:s25] =	ssyncadd.s32 $0xFFFFEC00  }
0x2e3: {  	_ =	swait.ge [sflag:s6], $0x1400  }
0x2e4: {  	[sflag:s6] =	ssyncset.done $0x0  }
0x2e5: {  	[sflag:s6] =	ssyncadd.s32 $0xFFFFEC00  }
0x2e6: {  	v7 =	vld [tilespmem:$0x166C0]  }
0x2e7: {  	v8 =	vld [tilespmem:$0x166D0]  }
0x2e8: {  	v62 =	vld [tilespmem:$0x166D8];
	_ =	sdelay $0x2  }
0x2e9: {  	[tilespmem:$0x16E00] =	vst v7  }
0x2ea: {  	[tilespmem:$0x16E10] =	vst v8  }
0x2eb: {  	[tilespmem:$0x16E18] =	vst v62  }
0x2ec: {  	[spmem:s24] =	stream.indirect.scatter.add.f32 [tilespmem:s15], [sflag:$0x11], $0x80, s31, s29, $0xb8;
	[tilespmem:$0x1FE00] =	vst v63  }
0x2ed: {  	_ =	swait.ge [sflag:s25], $0x1400  }
0x2ee: {  	[sflag:s25] =	ssyncset.done $0x0  }
0x2ef: {  	[sflag:s25] =	ssyncadd.s32 $0xFFFFEC00  }
0x2f0: {  	_ =	swait.ge [sflag:s0], $0x1400  }
0x2f1: {  	[sflag:s0] =	ssyncset.done $0x0  }
0x2f2: {  	[sflag:s0] =	ssyncadd.s32 $0xFFFFEC00  }
0x2f3: {  	v7 =	vld [tilespmem:$0x166E8]  }
0x2f4: {  	v8 =	vld [tilespmem:$0x166F8]  }
0x2f5: {  	v63 =	vld [tilespmem:$0x16700];
	_ =	sdelay $0x2  }
0x2f6: {  	[tilespmem:$0x16E80] =	vst v7  }
0x2f7: {  	[tilespmem:$0x16E90] =	vst v8  }
0x2f8: {  	[tilespmem:$0x16E98] =	vst v63  }
0x2f9: {  	[spmem:s24] =	stream.indirect.scatter.add.f32 [tilespmem:s17], [sflag:$0x11], $0x80, s3, s29, $0xb8;
	[tilespmem:$0x1FE00] =	vst v63  }
0x2fa: {  	_ =	swait.ge [sflag:s25], $0x1400  }
0x2fb: {  	[sflag:s25] =	ssyncset.done $0x0  }
0x2fc: {  	s18 =	simm.s32 $0x1FD80;
	[sflag:s25] =	ssyncadd.s32 $0xFFFFEC00  }
0x2fd: {  	s16 =	simm.s32 $0x1D580;
	s17 =	simm.s32 $0x50;
	s14 =	rddreg [dreg:$0x4]  }
0x2fe: {  	[spmem:s14] =	stream.indirect.scatter.add.f32 [tilespmem:s16], [sflag:$0x11], $0x80, s18, s17, $0xb8;
	[tilespmem:$0x1FE00] =	vst v63  }
0x2ff: {  	_ =	swait.ge [sflag:s25], $0x2800  }
0x300: {  	[sflag:s25] =	ssyncset.done $0x0  }
0x301: {  	[sflag:s25] =	ssyncadd.s32 $0xFFFFD800  }
0x302: {  	s20 =	stileid.u32;
	[bflag:$0x0] =	sbarrier.arrive $0xFFFF  }
0x303: {  	s8 =	sshll.u32 s20, $0x6;
	s23 =	rddreg [dreg:$0x1e]  }
0x304: {  	s8 =	sor.u32 $0x1C11, s8;
	s22 =	rddreg [dreg:$0x1c];
	s21 =	sshrl.u32 s23, $0x3  }
0x305: {  	[hbm:s22], [sflag:s8] =	dma.local [spmem:s21], $0x2800  }
0x306: {  	_ =	swait.ge [sflag:s25], $0x2800  }
0x307: {  	[sflag:s25] =	ssyncset.done $0x0  }
0x308: {  	s11 =	sshrl.u32 @!p0 s14, $0x3;
	s14 =	rddreg [dreg:$0x1d];
	[sflag:s25] =	ssyncadd.s32 $0xFFFFD800  }
0x309: {  	[hbm:s14], [sflag:s8] =	dma.local @!p0 [spmem:s11], $0x500  }
0x30a: {  	s8 =	simm.s32 @!p0 $0x11  }
0x30b: {  	_ =	swait.ge @!p0 [sflag:s8], $0x500  }
0x30c: {  	s26 =	sld [smem:$0x7ED]  }
0x30d: {  	s30 =	simm.s32 $0x6;
	s4 =	simm.s32 $0x16E80;
	s9 =	simm.s32 $0x16900  }
0x30e: {  	s1 =	simm.s32 $0x16F00;
	s5 =	simm.s32 $0x16B00;
	s13 =	simm.s32 $0x16A80  }
0x30f: {  	s12 =	simm.s32 $0x4;
	s31 =	rddreg [dreg:$0x1f];
	s2 =	sadd.s32 $0x1, s26  }
0x310: {  	s20 =	simm.s32 $0x16C00;
	s7 =	simm.s32 $0x19700;
	p2 =	sne.s32 s2, s31  }
.Ltmp4:
0x311: {  	s10 =	simm.s32 $0x1AB00;
	s6 =	simm.s32 $0x5;
	(pc) =	sbr.rel @p2 .LBB2_1-.Ltmp4, $4  }
0x312: {  	s15 =	simm.s32 $0x16800;
	s0 =	simm.s32 $0x16980;
	s3 =	simm.s32 $0x16B80  }
0x313: {  	s18 =	simm.s32 $0x16A00;
	s17 =	simm.s32 $0x9;
	s22 =	simm.s32 $0x16880  }
0x314: {  	s21 =	simm.s32 $0x1BF00;
	s14 =	simm.s32 $0x16780;
	[sflag:s8] =	ssyncset.done @!p0 $0x0  }
0x315: {  	s16 =	rddreg [dreg:$0xf];
	[sflag:s8] =	ssyncadd.s32 @!p0 $0xFFFFFB00;
	s26 =	simm.s32 $0x18300  }
0x316: {  	_ =	sfence.sel $0x180000  }
0x317: {  	[bflag:$0x0] =	sbarrier.arrive $0xFFFF  }
0x318: {  	_ =	strace $0x90000047  }
0x319: {  	[bflag:$0x2] =	sbarrier.arrive $0xFFFF  }
0x31a: {  	s0 =	rddreg [dreg:$0x5]  }
0x31b: {  	s0 =	sadd.s32 @!p0 $0x100000, s0  }
0x31c: {  	[sflag:s0] =	ssyncadd.tile.s32 @!p0 $0x1;
	_ =	shalt  }
.Lfunc_end2:
_tile_overlayer_lowered:
.L_overlay_start_2:
0x31d: {  	(tag) =	ssettag $0x2  }
0x31e: {  	s0 =	rddreg [dreg:$0x0];
	s2 =	stileid.u32  }
0x31f: {  	s1 =	rddreg [dreg:$0x1];
	p0 =	sne.s32 s2, $0x0  }
0x320: {  	s3 =	rddreg [dreg:$0x2];
	[bflag:$0x3] =	sbarrier.arrive $0xFFFF;
	s2 =	simm.s32 @!p0 $0x1C11  }
0x321: {  	[timem:s3], [sflag:s2] =	dma.local @!p0 [hbm:s0], s1  }
0x322: {  	s0 =	simm.s32 @!p0 $0x11  }
0x323: {  	_ =	swait.ge @!p0 [sflag:s0], s1  }
0x324: {  	s1 =	ssub.s32 @!p0 $0x0, s1;
	[sflag:s0] =	ssyncset.done @!p0 $0x0  }
0x325: {  	[sflag:s0] =	ssyncadd.s32 @!p0 s1  }
0x326: {  	[bflag:$0x3] =	sbarrier.arrive $0xFFFF  }
0x327: {  	_ =	shalt  }

// kernel: kernel.9.cloned.1.call-start
scs
__scs_entry_jumppad:
0x0: {  	(pc) =	sbr.rel $0x88, $3  }
0x1: {  	(tag) =	ssettag $0x0;
	lr =	simm.s32 $0x1  }
0x2: {  	[smem:$0x3F96] =	sst lr;
	_ =	strace $0xD0000000  }
0x3: {  	_ = 	snop  }
0x4: {  	_ = 	snop  }
0x5: {  	_ = 	snop  }
0x6: {  	_ = 	snop  }
0x7: {  	_ = 	snop  }
__scs_overlays_trampoline_lowered:
0x8: {  	[smem:$0x3FA5] =	sst s0  }
0x9: {  	[smem:$0x3FA6] =	sst s1  }
0xa: {  	[smem:$0x3FA7] =	sst s2  }
0xb: {  	[smem:$0x3FA8] =	sst s3  }
0xc: {  	[smem:$0x3FA9] =	sst s4  }
0xd: {  	[smem:$0x3FAA] =	sst s5  }
0xe: {  	[smem:$0x3FAB] =	sst s6  }
0xf: {  	[smem:$0x3FAC] =	sst s7  }
0x10: {  	[smem:$0x3FAD] =	sst s8  }
0x11: {  	[smem:$0x3FAE] =	sst s9;
	s0 =	simm.s32 @!p0 $0x0  }
0x12: {  	s1 =	sld [smem:$0x3F94];
	s0 =	simm.s32 @p0 $0x1  }
0x13: {  	[smem:$0x3FAF] =	sst s0;
	s0 =	simm.s32 @!p1 $0x0  }
0x14: {  	s2 =	sld [smem:$0x3F93];
	s0 =	simm.s32 @p1 $0x1  }
0x15: {  	[smem:$0x3FB0] =	sst s0;
	s0 =	simm.s32 @!p2 $0x0  }
0x16: {  	s3 =	sld [smem:$0x3FDB];
	s0 =	simm.s32 @p2 $0x1  }
0x17: {  	s4 =	simm.s32 $0x1BF5;
	[smem:$0x3FB2] =	sst s0  }
0x18: {  	s0 =	sld [smem:$0x3F95];
	_ =	swait.ge [sflag:s4], $0x0  }
0x19: {  	s7 =	sld [smem:$0x3F96]  }
0x1a: {  	s8 =	sadd.s32 $0xFFFFE003, lr  }
0x1b: {  	s9 =	sadd.s32 $0xFFFFFEF7, lr;
	s5 =	simm.s32 $0xFFFFFFFF;
	p2 =	slt.u32 s8, $0xFFFFF086  }
0x1c: {  	p1 =	slt.u32 s9, $0xF7A;
	s5 =	simm.s32 @!p2 $0x0  }
0x1d: {  	s5 =	simm.s32 @p1 $0x1;
	p0 =	seq.s32 s7, s2  }
0x1e: {  	s7 =	smul.u32 @!p0 $0xF7A, s2;
	p2 =	seq.s32 @!p0 s5, $0x0  }
0x1f: {  	s9 =	smul.u32 $0xF7A, s1;
	s8 =	simm.s32 @!p0 $0x1BF5;
	p2 =	por !p2, p0  }
0x20: {  	[sflag:s8] =	ssyncset.s32 @!p0 $0xFFFFF086;
	s6 =	sadd.s32 @!p0 s3, s7;
	s7 =	simm.s32 @!p0 $0x108  }
0x21: {  	s3 =	sadd.s32 s3, s9;
	s6 =	sadd.s32 @!p0 $0x88, s6;
	s7 =	simm.s32 @p2 $0x1082  }
0x22: {  	[simem:s7], [sflag:s8] =	dma.local @!p0 [hbm:s6], $0xF7A  }
0x23: {  	s9 =	sor.u32 $0xD0000000, s2;
	s6 =	simm.s32 $0x108;
	_ =	swait.ge @!p0 [sflag:s8], $0x0  }
0x24: {  	s3 =	sadd.s32 $0x88, s3;
	s6 =	simm.s32 @!p1 $0x1082;
	[sflag:s4] =	ssyncset.s32 $0xFFFFF086  }
0x25: {  	[simem:s6], [sflag:s4] =	dma.local [hbm:s3], $0xF7A  }
0x26: {  	[smem:$0x3F96] =	sst s1;
	(tag) =	ssettag s2;
	_ =	strace s9  }
0x27: {  	s1 =	sld [smem:$0x3FA6]  }
0x28: {  	s2 =	sld [smem:$0x3FA7]  }
0x29: {  	s4 =	sld [smem:$0x3FA9]  }
0x2a: {  	p0 =	seq.s32 s5, $0x0;
	s5 =	sld [smem:$0x3FAA]  }
0x2b: {  	s6 =	sld [smem:$0x3FAB]  }
0x2c: {  	s7 =	sld [smem:$0x3FAC]  }
0x2d: {  	s3 =	simm.s32 $0x108;
	s8 =	sld [smem:$0x3FAD]  }
0x2e: {  	s3 =	simm.s32 @!p0 $0x1082;
	s9 =	sld [smem:$0x3FAE]  }
0x2f: {  	lr =	sadd.s32 s0, s3;
	s0 =	sld [smem:$0x3FA5]  }
0x30: {  	s3 =	sld [smem:$0x3FA8]  }
0x31: {  	[smem:$0x3FB1] =	sst s10  }
0x32: {  	s10 =	sld [smem:$0x3FAF];
	_ =	sdelay $0x3  }
0x33: {  	p0 =	seq.s32 s10, $0x1;
	s10 =	sld [smem:$0x3FB1];
	_ =	sdelay $0x3  }
0x34: {  	[smem:$0x3FB1] =	sst s10  }
0x35: {  	s10 =	sld [smem:$0x3FB0];
	_ =	sdelay $0x3  }
0x36: {  	p1 =	seq.s32 s10, $0x1;
	s10 =	sld [smem:$0x3FB1];
	_ =	sdelay $0x3  }
0x37: {  	[smem:$0x3FB1] =	sst s10  }
0x38: {  	s10 =	sld [smem:$0x3FB2]  }
0x39: {  	_ = 	snop;
	(pc) =	sbr.ind lr, $3  }
0x3a: {  	_ = 	snop  }
0x3b: {  	_ = 	snop  }
0x3c: {  	p2 =	seq.s32 s10, $0x1;
	s10 =	sld [smem:$0x3FB1]  }
0x3d: {  	_ =	shalt  }
0x3e: {  	_ =	shalt  }
0x3f: {  	_ =	shalt  }
0x40: {  	_ =	shalt  }
0x41: {  	_ =	shalt  }
0x42: {  	_ =	shalt  }
0x43: {  	_ =	shalt  }
0x44: {  	_ =	shalt  }
0x45: {  	_ =	shalt  }
0x46: {  	_ =	shalt  }
0x47: {  	_ =	shalt  }
0x48: {  	_ =	shalt  }
0x49: {  	_ =	shalt  }
0x4a: {  	_ =	shalt  }
0x4b: {  	_ =	shalt  }
0x4c: {  	_ =	shalt  }
0x4d: {  	_ =	shalt  }
0x4e: {  	_ =	shalt  }
0x4f: {  	_ =	shalt  }
0x50: {  	_ =	shalt  }
0x51: {  	_ =	shalt  }
0x52: {  	_ =	shalt  }
0x53: {  	_ =	shalt  }
0x54: {  	_ =	shalt  }
0x55: {  	_ =	shalt  }
0x56: {  	_ =	shalt  }
0x57: {  	_ =	shalt  }
0x58: {  	_ =	shalt  }
0x59: {  	_ =	shalt  }
0x5a: {  	_ =	shalt  }
0x5b: {  	_ =	shalt  }
0x5c: {  	_ =	shalt  }
0x5d: {  	_ =	shalt  }
0x5e: {  	_ =	shalt  }
0x5f: {  	_ =	shalt  }
0x60: {  	_ =	shalt  }
0x61: {  	_ =	shalt  }
0x62: {  	_ =	shalt  }
0x63: {  	_ =	shalt  }
0x64: {  	_ =	shalt  }
0x65: {  	_ =	shalt  }
0x66: {  	_ =	shalt  }
0x67: {  	_ =	shalt  }
0x68: {  	_ =	shalt  }
0x69: {  	_ =	shalt  }
0x6a: {  	_ =	shalt  }
0x6b: {  	_ =	shalt  }
0x6c: {  	_ =	shalt  }
0x6d: {  	_ =	shalt  }
0x6e: {  	_ =	shalt  }
0x6f: {  	_ =	shalt  }
0x70: {  	_ =	shalt  }
0x71: {  	_ =	shalt  }
0x72: {  	_ =	shalt  }
0x73: {  	_ =	shalt  }
0x74: {  	_ =	shalt  }
0x75: {  	_ =	shalt  }
0x76: {  	_ =	shalt  }
0x77: {  	_ =	shalt  }
0x78: {  	_ =	shalt  }
0x79: {  	_ =	shalt  }
0x7a: {  	_ =	shalt  }
0x7b: {  	_ =	shalt  }
0x7c: {  	_ =	shalt  }
0x7d: {  	_ =	shalt  }
0x7e: {  	_ =	shalt  }
0x7f: {  	_ =	shalt  }
0x80: {  	_ =	shalt  }
0x81: {  	_ =	shalt  }
0x82: {  	_ =	shalt  }
0x83: {  	_ =	shalt  }
0x84: {  	_ =	shalt  }
0x85: {  	_ =	shalt  }
0x86: {  	_ =	shalt  }
0x87: {  	_ =	shalt  }
.Lfunc_end0:
.L_simem_size_0:
called_computation.1_lowered:
.L_overlay_start_0:
0x88: {  	s2 =	sld [smem:$0x3FD9]  }
0x89: {  	s3 =	sld [smem:$0x3FFE];
	_ =	sdelay $0x1  }
0x8a: {  	s1 =	srdreg.scid  }
0x8b: {  	s0 =	sand.u32 $0x1, s1  }
0x8c: {  	s17 =	sshll.u32 s0, $0xA;
	s2 =	sadd.s32 s3, s2  }
0x8d: {  	s2 =	sadd.s32 s2, s17  }
0x8e: {  	[smem:$0x3FBD] =	sst s2  }
0x8f: {  	_ = 	snop  }
0x90: {  	s2 =	sld [smem:$0x3FD0];
	(tm) =	ssettm $0x1  }
0x91: {  	s18 =	sld [smem:$0x3FFB];
	_ =	sdelay $0x3  }
0x92: {  	_ =	strace s18  }
0x93: {  	s3 =	sld [smem:$0x3FFC];
	_ =	sdelay $0x3  }
0x94: {  	_ =	strace s3  }
0x95: {  	s3 =	sld [smem:$0x3FFD];
	_ =	sdelay $0x3  }
0x96: {  	_ =	strace s3  }
0x97: {  	_ =	strace $0x8FFFFFFF  }
0x98: {  	s19 =	sld [smem:$0x3FDB];
	_ =	sdelay $0x1  }
0x99: {  	s4 =	simm.s32 $_scs_section_size  }
0x9a: {  	s5 =	simm.s32 $_size__tile_overlayer_lowered;
	s6 =	simm.s32 $_tile_overlayer_lowered  }
0x9b: {  	s22 =	simm.s32 $0x1BFF;
	s21 =	sshll.u32 s6, $0x1;
	s3 =	sadd.s32 s4, s19  }
0x9c: {  	s7 =	simm.s32 $0x0;
	s20 =	sshll.u32 s5, $0x1;
	s5 =	sadd.s32 s21, s3  }
0x9d: {  	[timem:s7], [sflag:s22] =	dma.local [hbm:s5], s20  }
0x9e: {  	_ =	swait.ge [sflag:s22], s20  }
0x9f: {  	s4 =	ssub.s32 $0x0, s20;
	[sflag:s22] =	ssyncset.done $0x0  }
0xa0: {  	[sflag:s22] =	ssyncadd.s32 s4;
	_ =	sdelay $0x1  }
0xa1: {  	s23 =	simm.s32 $0x1B8B  }
0xa2: {  	_ =	swait.ge [sflag:s23], $0x1  }
0xa3: {  	[sflag:s23] =	ssyncset.done $0x0  }
0xa4: {  	s25 =	simm.s32 $0x1B8E;
	s24 =	sld [smem:$0x3FFE];
	[sflag:s23] =	ssyncadd.s32 $0xFFFFFFFF  }
0xa5: {  	s26 =	simm.s32 $execute0_lowered;
	[smem:$0x3FD2] =	sst s25  }
0xa6: {  	s5 =	sshll.u32 s26, $0x1;
	_ =	strace $0x80000049;
	[dreg:$0x1] =	wrdreg $0xFFFFFFFF  }
0xa7: {  	s28 =	simm.s32 $_size_execute0_lowered;
	s3 =	sadd.s32 s3, s5;
	[dreg:$0x0] =	wrdreg $0x0  }
0xa8: {  	s5 =	sshll.u32 s28, $0x1;
	[dreg:$0x2] =	wrdreg s3  }
0xa9: {  	[dreg:$0x3] =	wrdreg s5  }
0xaa: {  	[dreg:$0x4] =	wrdreg $0xC0  }
0xab: {  	_ =	task [dreg:s7], $0x5FFFF  }
0xac: {  	[dreg:$0x1] =	wrdreg $0xFFFFFFFF  }
0xad: {  	[dreg:$0x0] =	wrdreg $0x60  }
0xae: {  	[dreg:$0x2] =	wrdreg s2  }
0xaf: {  	[dreg:$0x3] =	wrdreg s24  }
0xb0: {  	[dreg:$0x4] =	wrdreg $0x0  }
0xb1: {  	[dreg:$0x5] =	wrdreg $0x9  }
0xb2: {  	_ =	task.clear_ibuf [dreg:s7], $0x6FFFF;
	_ =	strace $0x90000049  }
0xb3: {  	s29 =	simm.s32 $0x9;
	_ =	strace $0x8000004B  }
0xb4: {  	_ =	swait.ge [sflag:s29], $0x1  }
0xb5: {  	[sflag:s29] =	ssyncadd.s32 $0xFFFFFFFF  }
0xb6: {  	_ =	strace $0x9000004B  }
0xb7: {  	_ =	sfence  }
0xb8: {  	s30 =	sld [smem:$0x0];
	_ =	sdelay $0x2  }
0xb9: {  	s31 =	sshll.u32 s1, $0xD;
	s1 =	sshrl.u32 s1, $0x2  }
0xba: {  	s3 =	sand.u32 $0x4000, s31;
	s1 =	sadd.s32 s1, s30  }
0xbb: {  	s0 =	sor.u32 s3, s0;
	s1 =	sshll.u32 s1, $0x11  }
0xbc: {  	s0 =	sor.u32 s1, s0  }
0xbd: {  	s0 =	sadd.s32 $0x8F2B, s0  }
0xbe: {  	[sflag:s0] =	ssyncadd.remote.s32 $0x1  }
0xbf: {  	_ =	sfence.sel $0xFFFF  }
0xc0: {  	[dreg:$0x0] =	wrdreg $0xFFFFFFFF;
	(pc) =	sbr.abs _section_cstart, $3  }
0xc1: {  	[dreg:$0x1] =	wrdreg $0xFFFFFFFF  }
0xc2: {  	_ =	task.clear_ibuf [dreg:s7], $0x2FFFF;
	_ =	strace $0x9FFFFFFF  }
0xc3: {  	(tm) =	ssettm $0x7FFFFFFF  }
tec
execute0_lowered:
.L_overlay_start_1:
0x0: {  	(tag) =	ssettag $0x1  }
0x1: {  	s16 =	rddreg [dreg:$0x0]  }
0x2: {  	s0 =	srdreg.scid;
	s5 =	rddreg [dreg:$0x1]  }
0x3: {  	s11 =	stileid.u32;
	s3 =	rddreg [dreg:$0x2];
	s4 =	simm.s32 $0x0  }
0x4: {  	s29 =	simm.s32 $0x16880;
	s31 =	simm.s32 $0x16980;
	s7 =	smul.u32 $0x14000, s11  }
0x5: {  	s28 =	simm.s32 $0x16A00;
	s0 =	sand.u32 $0x1, s0;
	s25 =	smul.u32 $0x50000, s11  }
0x6: {  	s2 =	sshll.u32 s11, $0x1;
	[smem:$0x7FF] =	sst s4;
	s26 =	smul.u32 $0x4E20, s11  }
0x7: {  	s30 =	sadd.s32 $0xC600, s5;
	s2 =	sor.u32 s0, s2;
	s6 =	smul.u32 $0x140000, s0  }
0x8: {  	_ =	strace $0x8000004A;
	s13 =	ssub.s32 $0x2, s0;
	s0 =	smul.u32 $0x2710, s0  }
0x9: {  	[dreg:$0xd] =	wrdreg s30;
	s2 =	smul.u32 $0x2710, s2;
	s10 =	sshrl.u32 s13, $0x1  }
0xa: {  	s6 =	sadd.s32 s7, s6;
	s14 =	ssub.s32 s13, s10;
	s0 =	sadd.s32 s0, s26  }
0xb: {  	s8 =	sshrl.u32 s2, $0x3;
	s6 =	sshrl.u32 s6, $0x3;
	s15 =	sadd.s32 $0x28, s2  }
0xc: {  	s18 =	sadd.s32 $0x78, s2;
	s19 =	sadd.s32 $0xC8, s2;
	s24 =	sadd.s32 $0x118, s2  }
0xd: {  	s2 =	sadd.s32 $0x168, s2;
	s9 =	sadd.s32 s8, s5;
	s17 =	sadd.s32 s30, s8  }
0xe: {  	s7 =	sshrl.u32 s15, $0x3;
	s9 =	sadd.s32 $0x2800, s9;
	[dreg:$0xf] =	wrdreg s17  }
0xf: {  	s11 =	sadd.s32 $0x2F8, s0;
	s7 =	sadd.s32 s30, s7;
	[dreg:$0xe] =	wrdreg s9  }
0x10: {  	s13 =	sadd.s32 $0x2D0, s0;
	s20 =	sadd.s32 $0xA, s17;
	[dreg:$0x10] =	wrdreg s7  }
0x11: {  	s8 =	sshrl.u32 s19, $0x3;
	s21 =	sadd.s32 $0x14, s17;
	[dreg:$0x11] =	wrdreg s20  }
0x12: {  	s5 =	sadd.s32 s6, s5;
	s22 =	sadd.s32 s30, s8;
	[dreg:$0x13] =	wrdreg s21  }
0x13: {  	s2 =	sshrl.u32 s2, $0x3;
	s23 =	sadd.s32 $0x1E, s17;
	[dreg:$0x14] =	wrdreg s22  }
0x14: {  	s19 =	sadd.s32 $0x280, s0;
	s1 =	sadd.s32 $0x28, s17;
	[dreg:$0x15] =	wrdreg s23  }
0x15: {  	s2 =	sadd.s32 s30, s2;
	s8 =	sshrl.u32 s25, $0x2;
	[dreg:$0x17] =	wrdreg s1  }
0x16: {  	s5 =	sadd.s32 $0x16400, s5;
	s7 =	sshrl.u32 s18, $0x3;
	[dreg:$0x18] =	wrdreg s2  }
0x17: {  	[dreg:$0x19] =	wrdreg s5;
	s20 =	sadd.s32 s8, s3;
	s9 =	smax.u32 s14, $0x1  }
0x18: {  	s2 =	sshrl.u32 s11, $0x3;
	s5 =	sshrl.u32 s13, $0x3;
	[dreg:$0x1b] =	wrdreg s9  }
0x19: {  	s14 =	sadd.s32 $0x2A8, s0;
	s7 =	sadd.s32 s30, s7;
	[dreg:$0x1a] =	wrdreg s20  }
0x1a: {  	s21 =	sshrl.u32 s19, $0x3;
	s10 =	sadd.s32 $0x1400, s20;
	[dreg:$0x12] =	wrdreg s7  }
0x1b: {  	s22 =	sadd.s32 $0x258, s0;
	s12 =	sadd.s32 $0x2800, s20;
	[dreg:$0x1c] =	wrdreg s10  }
0x1c: {  	s23 =	sadd.s32 $0x230, s0;
	s2 =	sadd.s32 s2, s30;
	[dreg:$0x1d] =	wrdreg s12  }
0x1d: {  	s1 =	sadd.s32 $0x208, s0;
	s15 =	sadd.s32 s5, s30;
	[dreg:$0x4] =	wrdreg s2  }
0x1e: {  	s8 =	sadd.s32 $0x1B8, s0;
	s11 =	sadd.s32 $0x3C00, s20;
	[dreg:$0x5] =	wrdreg s15  }
0x1f: {  	s17 =	sshrl.u32 s14, $0x3;
	s13 =	sadd.s32 $0x5000, s20;
	[dreg:$0x1e] =	wrdreg s11  }
0x20: {  	s5 =	sshrl.u32 s22, $0x3;
	s14 =	sadd.s32 $0x6400, s20;
	[dreg:$0x1f] =	wrdreg s13  }
0x21: {  	s25 =	sshrl.u32 s23, $0x3;
	s19 =	sadd.s32 $0xB400, s20;
	[smem:$0x7F2] =	sst s14  }
0x22: {  	s6 =	sshrl.u32 s1, $0x3;
	s22 =	sadd.s32 $0xDC00, s20;
	[smem:$0x7F7] =	sst s19  }
0x23: {  	s23 =	sadd.s32 $0xF000, s20;
	s1 =	simm.s32 $0x16900;
	[smem:$0x7F9] =	sst s22  }
0x24: {  	s7 =	sshrl.u32 s24, $0x3;
	s18 =	sadd.s32 s17, s30;
	[smem:$0x7FA] =	sst s23  }
0x25: {  	s2 =	sadd.s32 s21, s30;
	s24 =	sadd.s32 s5, s30;
	[dreg:$0x6] =	wrdreg s18  }
0x26: {  	s26 =	sadd.s32 s25, s30;
	s10 =	sshrl.u32 s8, $0x3;
	[dreg:$0x7] =	wrdreg s2  }
0x27: {  	s15 =	sadd.s32 $0x7800, s20;
	s17 =	sadd.s32 $0x8C00, s20;
	[dreg:$0x8] =	wrdreg s24  }
0x28: {  	s21 =	sadd.s32 $0xC800, s20;
	s25 =	sadd.s32 $0x11800, s20;
	[dreg:$0x9] =	wrdreg s26  }
0x29: {  	s19 =	simm.s32 $0x16800;
	s13 =	simm.s32 $0x16B00;
	[smem:$0x7F4] =	sst s15  }
0x2a: {  	s22 =	simm.s32 $0x16C00;
	s23 =	simm.s32 $0x16F00;
	[smem:$0x7F5] =	sst s17  }
0x2b: {  	s14 =	simm.s32 $0x7;
	s8 =	simm.s32 $0x1;
	[smem:$0x7F8] =	sst s21  }
0x2c: {  	s7 =	sadd.s32 s30, s7;
	s2 =	sadd.s32 s6, s30;
	[smem:$0x7FC] =	sst s25  }
0x2d: {  	s12 =	sadd.s32 s10, s30;
	s18 =	sadd.s32 $0xA000, s20;
	[dreg:$0x16] =	wrdreg s7  }
0x2e: {  	s24 =	sadd.s32 $0x10400, s20;
	s26 =	sadd.s32 $0x12C00, s20;
	[dreg:$0xa] =	wrdreg s2  }
0x2f: {  	s21 =	simm.s32 $0x16780;
	s10 =	simm.s32 $0x16A80;
	[dreg:$0xc] =	wrdreg s12  }
0x30: {  	s17 =	simm.s32 $0x6;
	s15 =	simm.s32 $0x8;
	[smem:$0x7F6] =	sst s18  }
0x31: {  	s6 =	simm.s32 $0x1AB00;
	s25 =	simm.s32 $0x1BF00;
	[smem:$0x7FB] =	sst s24  }
0x32: {  	s7 =	sadd.s32 $0x1E0, s0;
	s0 =	sadd.s32 $0x190, s0;
	[smem:$0x7FD] =	sst s26  }
0x33: {  	s26 =	simm.s32 $0x16B80;
	s24 =	simm.s32 $0x28;
	s12 =	simm.s32 $0x18300  }
0x34: {  	s2 =	simm.s32 $0x19700;
	s18 =	simm.s32 $0x2;
	s5 =	sshrl.u32 s7, $0x3  }
0x35: {  	[smem:$0x7F3] =	sst s0;
	s7 =	simm.s32 $0x11;
	s9 =	sadd.s32 s5, s30  }
0x36: {  	v0 =	vimm.f32 $0.0e+00;
	s0 =	simm.s32 $0x16E00;
	s5 =	simm.s32 $0x0;
	[dreg:$0xb] =	wrdreg s9  }
.LBB2_1:
0x37: {  	[smem:$0x7F1] =	sst s5  }
0x38: {  	s9 =	rddreg [dreg:$0xe];
	s11 =	simm.s32 $0x14000  }
0x39: {  	[tilespmem:s11], [sflag:$0x10] =	stream.linear.gather [hbm4b:s9+s4], $0x2710, $0x38;
	[tilespmem:$0x1D300] =	vst v63  }
0x3a: {  	s5 =	rddreg [dreg:$0xf]  }
0x3b: {  	[tilespmem:s21], [sflag:$0x6] =	stream.linear.gather [hbm4b:s5+s4], $0x28, $0x38;
	[tilespmem:$0x1D300] =	vst v63  }
0x3c: {  	s11 =	rddreg [dreg:$0x10]  }
0x3d: {  	[tilespmem:s19], [sflag:$0x7] =	stream.linear.gather [hbm4b:s11+s4], $0x28, $0x38;
	[tilespmem:$0x1D300] =	vst v63  }
0x3e: {  	s5 =	rddreg [dreg:$0x11]  }
0x3f: {  	[tilespmem:s29], [sflag:$0x8] =	stream.linear.gather [hbm4b:s5+s4], $0x28, $0x38;
	[tilespmem:$0x1D300] =	vst v63  }
0x40: {  	s11 =	rddreg [dreg:$0x12]  }
0x41: {  	[tilespmem:s1], [sflag:$0x9] =	stream.linear.gather [hbm4b:s11+s4], $0x28, $0x38;
	[tilespmem:$0x1D300] =	vst v63  }
0x42: {  	s5 =	rddreg [dreg:$0x13]  }
0x43: {  	[tilespmem:s31], [sflag:$0xA] =	stream.linear.gather [hbm4b:s5+s4], $0x28, $0x38;
	[tilespmem:$0x1D300] =	vst v63  }
0x44: {  	s11 =	rddreg [dreg:$0x14]  }
0x45: {  	[tilespmem:s28], [sflag:$0xB] =	stream.linear.gather [hbm4b:s11+s4], $0x28, $0x38;
	[tilespmem:$0x1D300] =	vst v63  }
0x46: {  	s5 =	rddreg [dreg:$0x15]  }
0x47: {  	[tilespmem:s10], [sflag:$0xC] =	stream.linear.gather [hbm4b:s5+s4], $0x28, $0x38;
	[tilespmem:$0x1D300] =	vst v63  }
0x48: {  	s11 =	rddreg [dreg:$0x16]  }
0x49: {  	[tilespmem:s13], [sflag:$0xD] =	stream.linear.gather [hbm4b:s11+s4], $0x28, $0x38;
	[tilespmem:$0x1D300] =	vst v63  }
0x4a: {  	s5 =	rddreg [dreg:$0x17]  }
0x4b: {  	[tilespmem:s26], [sflag:$0xE] =	stream.linear.gather [hbm4b:s5+s4], $0x28, $0x38;
	[tilespmem:$0x1D300] =	vst v63  }
0x4c: {  	s11 =	rddreg [dreg:$0x18]  }
0x4d: {  	[tilespmem:s22], [sflag:$0xF] =	stream.linear.gather [hbm4b:s11+s4], $0x28, $0x38;
	[tilespmem:$0x1D300] =	vst v63  }
0x4e: {  	s9 =	simm.s32 $0x70;
	s11 =	simm.s32 $0x3C0  }
.LBB2_2:
0x4f: {  	p0 =	sne.s32 s11, $0x4FC0;
	[tilespmem:s9+$0x16F00] =	vst v0  }
0x50: {  	[tilespmem:s9+$0x16E90] =	vst v0  }
0x51: {  	[tilespmem:s9+$0x16EA0] =	vst v0  }
.Ltmp0:
0x52: {  	[tilespmem:s9+$0x16EB0] =	vst v0;
	(pc) =	sbr.rel @p0 .LBB2_2-.Ltmp0, $4  }
0x53: {  	[tilespmem:s9+$0x16EC0] =	vst v0  }
0x54: {  	[tilespmem:s9+$0x16ED0] =	vst v0  }
0x55: {  	[tilespmem:s9+$0x16EE0] =	vst v0  }
0x56: {  	[tilespmem:s9+$0x16EF0] =	vst v0;
	s9 =	sshra.s32 s11, $0x2;
	s11 =	sadd.s32 $0x200, s11  }
0x57: {  	[tilespmem:s9+$0x16F00] =	vst v0  }
0x58: {  	[tilespmem:s9+$0x16E90] =	vst v0  }
0x59: {  	[tilespmem:s9+$0x16EA0] =	vst v0  }
0x5a: {  	[tilespmem:s9+$0x16EB0] =	vst v0  }
0x5b: {  	[tilespmem:s9+$0x16EC0] =	vst v0  }
0x5c: {  	[tilespmem:s9+$0x16ED0] =	vst v0  }
0x5d: {  	[tilespmem:s9+$0x16EE0] =	vst v0  }
0x5e: {  	[tilespmem:s9+$0x16EF0] =	vst v0;
	s11 =	simm.s32 $0x10  }
0x5f: {  	_ =	swait.ge [sflag:s11], $0x2710  }
0x60: {  	[sflag:s11] =	ssyncset.done $0x0  }
0x61: {  	s22 =	rddreg [dreg:$0x1d];
	[sflag:s11] =	ssyncadd.s32 $0xFFFFD8F0  }
0x62: {  	[spmem:s20] =	stream.linear.scatter [tilespmem:s23], [sflag:$0x10], $0x1400, $0x38;
	[tilespmem:$0x1D300] =	vst v63  }
0x63: {  	s20 =	rddreg [dreg:$0x1c]  }
0x64: {  	[spmem:s20] =	stream.linear.scatter [tilespmem:s23], [sflag:$0x10], $0x1400, $0x38;
	[tilespmem:$0x1D300] =	vst v63  }
0x65: {  	s5 =	rddreg [dreg:$0x1e]  }
0x66: {  	[spmem:s22] =	stream.linear.scatter [tilespmem:s23], [sflag:$0x10], $0x1400, $0x38;
	[tilespmem:$0x1D300] =	vst v63  }
0x67: {  	s20 =	rddreg [dreg:$0x1f]  }
0x68: {  	[spmem:s5] =	stream.linear.scatter [tilespmem:s23], [sflag:$0x10], $0x1400, $0x38;
	[tilespmem:$0x1D300] =	vst v63  }
0x69: {  	s22 =	sld [smem:$0x7F2]  }
0x6a: {  	[spmem:s20] =	stream.linear.scatter [tilespmem:s23], [sflag:$0x10], $0x1400, $0x38;
	[tilespmem:$0x1D300] =	vst v63  }
0x6b: {  	s5 =	sld [smem:$0x7F4]  }
0x6c: {  	[spmem:s22] =	stream.linear.scatter [tilespmem:s23], [sflag:$0x10], $0x1400, $0x38;
	[tilespmem:$0x1D300] =	vst v63  }
0x6d: {  	s20 =	sld [smem:$0x7F5]  }
0x6e: {  	[spmem:s5] =	stream.linear.scatter [tilespmem:s23], [sflag:$0x10], $0x1400, $0x38;
	[tilespmem:$0x1D300] =	vst v63  }
0x6f: {  	s22 =	sld [smem:$0x7F6]  }
0x70: {  	[spmem:s20] =	stream.linear.scatter [tilespmem:s23], [sflag:$0x10], $0x1400, $0x38;
	[tilespmem:$0x1D300] =	vst v63  }
0x71: {  	s5 =	sld [smem:$0x7F7]  }
0x72: {  	[spmem:s22] =	stream.linear.scatter [tilespmem:s23], [sflag:$0x10], $0x1400, $0x38;
	[tilespmem:$0x1D300] =	vst v63  }
0x73: {  	s20 =	sld [smem:$0x7F8]  }
0x74: {  	[spmem:s5] =	stream.linear.scatter [tilespmem:s23], [sflag:$0x10], $0x1400, $0x38;
	[tilespmem:$0x1D300] =	vst v63  }
0x75: {  	s22 =	sld [smem:$0x7F9]  }
0x76: {  	[spmem:s20] =	stream.linear.scatter [tilespmem:s23], [sflag:$0x10], $0x1400, $0x38;
	[tilespmem:$0x1D300] =	vst v63  }
0x77: {  	s5 =	sld [smem:$0x7FA]  }
0x78: {  	[spmem:s22] =	stream.linear.scatter [tilespmem:s23], [sflag:$0x10], $0x1400, $0x38;
	[tilespmem:$0x1D300] =	vst v63  }
0x79: {  	s20 =	sld [smem:$0x7FB]  }
0x7a: {  	[spmem:s5] =	stream.linear.scatter [tilespmem:s23], [sflag:$0x10], $0x1400, $0x38;
	[tilespmem:$0x1D300] =	vst v63  }
0x7b: {  	s22 =	sld [smem:$0x7FC]  }
0x7c: {  	[spmem:s20] =	stream.linear.scatter [tilespmem:s23], [sflag:$0x10], $0x1400, $0x38;
	[tilespmem:$0x1D300] =	vst v63  }
0x7d: {  	s5 =	sld [smem:$0x7FD]  }
0x7e: {  	[spmem:s22] =	stream.linear.scatter [tilespmem:s23], [sflag:$0x10], $0x1400, $0x38;
	[tilespmem:$0x1D300] =	vst v63  }
0x7f: {  	_ = 	snop  }
0x80: {  	[spmem:s5] =	stream.linear.scatter [tilespmem:s23], [sflag:$0x10], $0x1400, $0x38;
	[tilespmem:$0x1D300] =	vst v63  }
0x81: {  	_ =	swait.ge [sflag:s11], $0x1400  }
0x82: {  	[sflag:s11] =	ssyncset.done $0x0  }
0x83: {  	[sflag:s11] =	ssyncadd.s32 $0xFFFFEC00  }
0x84: {  	_ =	swait.ge [sflag:s11], $0x1400  }
0x85: {  	[sflag:s11] =	ssyncset.done $0x0  }
0x86: {  	[sflag:s11] =	ssyncadd.s32 $0xFFFFEC00  }
0x87: {  	_ =	swait.ge [sflag:s11], $0x1400  }
0x88: {  	[sflag:s11] =	ssyncset.done $0x0  }
0x89: {  	[sflag:s11] =	ssyncadd.s32 $0xFFFFEC00  }
0x8a: {  	_ =	swait.ge [sflag:s11], $0x1400  }
0x8b: {  	[sflag:s11] =	ssyncset.done $0x0  }
0x8c: {  	[sflag:s11] =	ssyncadd.s32 $0xFFFFEC00  }
0x8d: {  	_ =	swait.ge [sflag:s11], $0x1400  }
0x8e: {  	[sflag:s11] =	ssyncset.done $0x0  }
0x8f: {  	[sflag:s11] =	ssyncadd.s32 $0xFFFFEC00  }
0x90: {  	_ =	swait.ge [sflag:s11], $0x1400  }
0x91: {  	[sflag:s11] =	ssyncset.done $0x0  }
0x92: {  	[sflag:s11] =	ssyncadd.s32 $0xFFFFEC00  }
0x93: {  	_ =	swait.ge [sflag:s11], $0x1400  }
0x94: {  	[sflag:s11] =	ssyncset.done $0x0  }
0x95: {  	[sflag:s11] =	ssyncadd.s32 $0xFFFFEC00  }
0x96: {  	_ =	swait.ge [sflag:s11], $0x1400  }
0x97: {  	[sflag:s11] =	ssyncset.done $0x0  }
0x98: {  	[sflag:s11] =	ssyncadd.s32 $0xFFFFEC00  }
0x99: {  	_ =	swait.ge [sflag:s11], $0x1400  }
0x9a: {  	[sflag:s11] =	ssyncset.done $0x0  }
0x9b: {  	[sflag:s11] =	ssyncadd.s32 $0xFFFFEC00  }
0x9c: {  	_ =	swait.ge [sflag:s11], $0x1400  }
0x9d: {  	[sflag:s11] =	ssyncset.done $0x0  }
0x9e: {  	[sflag:s11] =	ssyncadd.s32 $0xFFFFEC00  }
0x9f: {  	_ =	swait.ge [sflag:s11], $0x1400  }
0xa0: {  	[sflag:s11] =	ssyncset.done $0x0  }
0xa1: {  	[sflag:s11] =	ssyncadd.s32 $0xFFFFEC00  }
0xa2: {  	_ =	swait.ge [sflag:s11], $0x1400  }
0xa3: {  	[sflag:s11] =	ssyncset.done $0x0  }
0xa4: {  	[sflag:s11] =	ssyncadd.s32 $0xFFFFEC00  }
0xa5: {  	_ =	swait.ge [sflag:s11], $0x1400  }
0xa6: {  	[sflag:s11] =	ssyncset.done $0x0  }
0xa7: {  	[sflag:s11] =	ssyncadd.s32 $0xFFFFEC00  }
0xa8: {  	_ =	swait.ge [sflag:s11], $0x1400  }
0xa9: {  	[sflag:s11] =	ssyncset.done $0x0  }
0xaa: {  	[sflag:s11] =	ssyncadd.s32 $0xFFFFEC00  }
0xab: {  	_ =	swait.ge [sflag:s11], $0x1400  }
0xac: {  	[sflag:s11] =	ssyncset.done $0x0  }
0xad: {  	[sflag:s11] =	ssyncadd.s32 $0xFFFFEC00  }
0xae: {  	_ =	swait.ge [sflag:s11], $0x1400  }
0xaf: {  	[sflag:s11] =	ssyncset.done $0x0  }
0xb0: {  	[sflag:s11] =	ssyncadd.s32 $0xFFFFEC00  }
0xb1: {  	_ =	swait.ge [sflag:s17], $0x28  }
0xb2: {  	[sflag:s17] =	ssyncset.done $0x0  }
0xb3: {  	[sflag:s17] =	ssyncadd.s32 $0xFFFFFFD8  }
0xb4: {  	[tilespmem:s23], [sflag:$0x1] =	stream.indirect.gather [hbm4b:s16+s24], $0x80, s21, s24, $0xb8;
	[tilespmem:$0x1D300] =	vst v63  }
0xb5: {  	_ =	swait.ge [sflag:s14], $0x28  }
0xb6: {  	[sflag:s14] =	ssyncset.done $0x0  }
0xb7: {  	[sflag:s14] =	ssyncadd.s32 $0xFFFFFFD8  }
0xb8: {  	[tilespmem:s12], [sflag:$0x2] =	stream.indirect.gather [hbm4b:s16+s24], $0x80, s19, s24, $0xb8;
	[tilespmem:$0x1D300] =	vst v63  }
0xb9: {  	_ =	swait.ge [sflag:s15], $0x28  }
0xba: {  	[sflag:s15] =	ssyncset.done $0x0  }
0xbb: {  	s5 =	simm.s32 $0x9;
	[sflag:s15] =	ssyncadd.s32 $0xFFFFFFD8  }
0xbc: {  	[tilespmem:s2], [sflag:$0x3] =	stream.indirect.gather [hbm4b:s16+s24], $0x80, s29, s24, $0xb8;
	[tilespmem:$0x1D300] =	vst v63  }
0xbd: {  	_ =	swait.ge [sflag:s5], $0x28  }
0xbe: {  	[sflag:s5] =	ssyncset.done $0x0  }
0xbf: {  	s20 =	simm.s32 $0xA;
	[sflag:s5] =	ssyncadd.s32 $0xFFFFFFD8  }
0xc0: {  	[tilespmem:s6], [sflag:$0x4] =	stream.indirect.gather [hbm4b:s16+s24], $0x80, s1, s24, $0xb8;
	[tilespmem:$0x1D300] =	vst v63  }
0xc1: {  	_ =	swait.ge [sflag:s20], $0x28  }
0xc2: {  	[sflag:s20] =	ssyncset.done $0x0  }
0xc3: {  	[sflag:s20] =	ssyncadd.s32 $0xFFFFFFD8  }
0xc4: {  	[tilespmem:s25], [sflag:$0x5] =	stream.indirect.gather [hbm4b:s16+s24], $0x80, s31, s24, $0xb8;
	[tilespmem:$0x1D300] =	vst v63  }
0xc5: {  	[bflag:$0x0] =	sbarrier.arrive $0xFFFF  }
0xc6: {  	_ =	swait.ge [sflag:s8], $0x1400  }
0xc7: {  	[sflag:s8] =	ssyncset.done $0x0  }
0xc8: {  	s9 =	simm.s32 $0x140C8;
	[sflag:s8] =	ssyncadd.s32 $0xFFFFEC00  }
0xc9: {  	v1 =	vld [tilespmem:s9+$0xFFFFFF38];
	_ =	sdelay $0x4  }
0xca: {  	[tilespmem:$0x16C80] =	vst v1  }
0xcb: {  	v1 =	vld [tilespmem:s9+$0xFFFFFF48];
	_ =	sdelay $0x4  }
0xcc: {  	[tilespmem:$0x16C90] =	vst v1  }
0xcd: {  	v1 =	vld [tilespmem:s9+$0xFFFFFF50];
	_ =	sdelay $0x4  }
0xce: {  	s12 =	simm.s32 $0x16C80;
	[tilespmem:$0x16C98] =	vst v1  }
0xcf: {  	[spmem:s3] =	stream.indirect.scatter.add.f32 [tilespmem:s23], [sflag:$0x11], $0x80, s12, s24, $0xb8;
	[tilespmem:$0x1D300] =	vst v63  }
0xd0: {  	_ =	swait.ge [sflag:s7], $0x1400  }
0xd1: {  	[sflag:s7] =	ssyncset.done $0x0  }
0xd2: {  	s15 =	simm.s32 $0xB;
	[sflag:s7] =	ssyncadd.s32 $0xFFFFEC00  }
0xd3: {  	_ =	swait.ge [sflag:s15], $0x28  }
0xd4: {  	[sflag:s15] =	ssyncset.done $0x0;
	s25 =	sld [smem:$0x7F3]  }
0xd5: {  	[sflag:s15] =	ssyncadd.s32 $0xFFFFFFD8  }
0xd6: {  	[tilespmem:s23], [sflag:$0x1] =	stream.indirect.gather [hbm4b:s16+s24], $0x80, s28, s24, $0xb8;
	[tilespmem:$0x1D300] =	vst v63  }
0xd7: {  	s11 =	sshrl.u32 s25, $0x3  }
0xd8: {  	s11 =	sadd.s32 s30, s11  }
0xd9: {  	[tilespmem:s21], [sflag:$0x6] =	stream.linear.gather [hbm4b:s11+s4], $0x28, $0x38;
	[tilespmem:$0x1D300] =	vst v63  }
0xda: {  	_ =	swait.ge [sflag:s18], $0x1400  }
0xdb: {  	[sflag:s18] =	ssyncset.done $0x0  }
0xdc: {  	[sflag:s18] =	ssyncadd.s32 $0xFFFFEC00  }
0xdd: {  	v1 =	vld [tilespmem:s9+$0xFFFFFF60];
	_ =	sdelay $0x4  }
0xde: {  	[tilespmem:$0x16D00] =	vst v1  }
0xdf: {  	v1 =	vld [tilespmem:s9+$0xFFFFFF70];
	_ =	sdelay $0x4  }
0xe0: {  	[tilespmem:$0x16D10] =	vst v1  }
0xe1: {  	v1 =	vld [tilespmem:s9+$0xFFFFFF78];
	_ =	sdelay $0x4  }
0xe2: {  	s2 =	simm.s32 $0x18300;
	s28 =	simm.s32 $0x16D00;
	[tilespmem:$0x16D18] =	vst v1  }
0xe3: {  	[spmem:s3] =	stream.indirect.scatter.add.f32 [tilespmem:s2], [sflag:$0x11], $0x80, s28, s24, $0xb8;
	[tilespmem:$0x1D300] =	vst v63  }
0xe4: {  	_ =	swait.ge [sflag:s7], $0x1400  }
0xe5: {  	[sflag:s7] =	ssyncset.done $0x0  }
0xe6: {  	s25 =	simm.s32 $0xC;
	[sflag:s7] =	ssyncadd.s32 $0xFFFFEC00  }
0xe7: {  	_ =	swait.ge [sflag:s25], $0x28  }
0xe8: {  	[sflag:s25] =	ssyncset.done $0x0  }
0xe9: {  	s30 =	rddreg [dreg:$0xc];
	[sflag:s25] =	ssyncadd.s32 $0xFFFFFFD8  }
0xea: {  	[tilespmem:s2], [sflag:$0x2] =	stream.indirect.gather [hbm4b:s16+s24], $0x80, s10, s24, $0xb8;
	[tilespmem:$0x1D300] =	vst v63  }
0xeb: {  	s11 =	sadd.s32 $0x0, s30;
	s10 =	simm.s32 $0x3  }
0xec: {  	[tilespmem:s19], [sflag:$0x7] =	stream.linear.gather [hbm4b:s11+s4], $0x28, $0x38;
	[tilespmem:$0x1D300] =	vst v63  }
0xed: {  	_ =	swait.ge [sflag:s10], $0x1400  }
0xee: {  	[sflag:s10] =	ssyncset.done $0x0  }
0xef: {  	[sflag:s10] =	ssyncadd.s32 $0xFFFFEC00  }
0xf0: {  	v1 =	vld [tilespmem:s9+$0xFFFFFF88];
	_ =	sdelay $0x4  }
0xf1: {  	[tilespmem:$0x16D80] =	vst v1  }
0xf2: {  	v1 =	vld [tilespmem:s9+$0xFFFFFF98];
	_ =	sdelay $0x4  }
0xf3: {  	[tilespmem:$0x16D90] =	vst v1  }
0xf4: {  	v1 =	vld [tilespmem:s9+$0xFFFFFFA0];
	_ =	sdelay $0x4  }
0xf5: {  	s22 =	simm.s32 $0x19700;
	s25 =	simm.s32 $0x16D80;
	[tilespmem:$0x16D98] =	vst v1  }
0xf6: {  	[spmem:s3] =	stream.indirect.scatter.add.f32 [tilespmem:s22], [sflag:$0x11], $0x80, s25, s24, $0xb8;
	[tilespmem:$0x1D300] =	vst v63  }
0xf7: {  	_ =	swait.ge [sflag:s7], $0x1400  }
0xf8: {  	[sflag:s7] =	ssyncset.done $0x0  }
0xf9: {  	s11 =	simm.s32 $0xD;
	[sflag:s7] =	ssyncadd.s32 $0xFFFFEC00  }
0xfa: {  	_ =	swait.ge [sflag:s11], $0x28  }
0xfb: {  	[sflag:s11] =	ssyncset.done $0x0  }
0xfc: {  	s30 =	rddreg [dreg:$0xb];
	[sflag:s11] =	ssyncadd.s32 $0xFFFFFFD8  }
0xfd: {  	[tilespmem:s22], [sflag:$0x3] =	stream.indirect.gather [hbm4b:s16+s24], $0x80, s13, s24, $0xb8;
	[tilespmem:$0x1D300] =	vst v63  }
0xfe: {  	s11 =	sadd.s32 $0x0, s30;
	s13 =	simm.s32 $0x4  }
0xff: {  	[tilespmem:s29], [sflag:$0x8] =	stream.linear.gather [hbm4b:s11+s4], $0x28, $0x38;
	[tilespmem:$0x1D300] =	vst v63  }
0x100: {  	_ =	swait.ge [sflag:s13], $0x1400  }
0x101: {  	[sflag:s13] =	ssyncset.done $0x0  }
0x102: {  	[sflag:s13] =	ssyncadd.s32 $0xFFFFEC00  }
0x103: {  	v1 =	vld [tilespmem:s9+$0xFFFFFFB0];
	_ =	sdelay $0x4  }
0x104: {  	[tilespmem:$0x16E00] =	vst v1  }
0x105: {  	v1 =	vld [tilespmem:s9+$0xFFFFFFC0];
	_ =	sdelay $0x4  }
0x106: {  	[tilespmem:$0x16E10] =	vst v1  }
0x107: {  	v1 =	vld [tilespmem:s9+$0xFFFFFFC8];
	_ =	sdelay $0x4  }
0x108: {  	s12 =	simm.s32 $0x1AB00;
	[tilespmem:$0x16E18] =	vst v1  }
0x109: {  	[spmem:s3] =	stream.indirect.scatter.add.f32 [tilespmem:s12], [sflag:$0x11], $0x80, s0, s24, $0xb8;
	[tilespmem:$0x1D300] =	vst v63  }
0x10a: {  	_ =	swait.ge [sflag:s7], $0x1400  }
0x10b: {  	[sflag:s7] =	ssyncset.done $0x0  }
0x10c: {  	s11 =	simm.s32 $0xE;
	[sflag:s7] =	ssyncadd.s32 $0xFFFFEC00  }
0x10d: {  	_ =	swait.ge [sflag:s11], $0x28  }
0x10e: {  	[sflag:s11] =	ssyncset.done $0x0  }
0x10f: {  	s23 =	rddreg [dreg:$0xa];
	[sflag:s11] =	ssyncadd.s32 $0xFFFFFFD8  }
0x110: {  	[tilespmem:s12], [sflag:$0x4] =	stream.indirect.gather [hbm4b:s16+s24], $0x80, s26, s24, $0xb8;
	[tilespmem:$0x1D300] =	vst v63  }
0x111: {  	s11 =	sadd.s32 $0x0, s23  }
0x112: {  	[tilespmem:s1], [sflag:$0x9] =	stream.linear.gather [hbm4b:s11+s4], $0x28, $0x38;
	[tilespmem:$0x1D300] =	vst v63  }
0x113: {  	s1 =	simm.s32 $0x5  }
0x114: {  	_ =	swait.ge [sflag:s1], $0x1400  }
0x115: {  	[sflag:s1] =	ssyncset.done $0x0  }
0x116: {  	[sflag:s1] =	ssyncadd.s32 $0xFFFFEC00  }
0x117: {  	v1 =	vld [tilespmem:s9+$0xFFFFFFD8];
	_ =	sdelay $0x4  }
0x118: {  	[tilespmem:$0x16E80] =	vst v1  }
0x119: {  	v1 =	vld [tilespmem:s9+$0xFFFFFFE8];
	_ =	sdelay $0x4  }
0x11a: {  	[tilespmem:$0x16E90] =	vst v1  }
0x11b: {  	v1 =	vld [tilespmem:s9+$0xFFFFFFF0];
	_ =	sdelay $0x4  }
0x11c: {  	s6 =	simm.s32 $0x1BF00;
	s26 =	simm.s32 $0x16E80;
	[tilespmem:$0x16E98] =	vst v1  }
0x11d: {  	[spmem:s3] =	stream.indirect.scatter.add.f32 [tilespmem:s6], [sflag:$0x11], $0x80, s26, s24, $0xb8;
	[tilespmem:$0x1D300] =	vst v63  }
0x11e: {  	_ =	swait.ge [sflag:s7], $0x1400  }
0x11f: {  	[sflag:s7] =	ssyncset.done $0x0  }
0x120: {  	s30 =	simm.s32 $0xF;
	[sflag:s7] =	ssyncadd.s32 $0xFFFFEC00  }
0x121: {  	_ =	swait.ge [sflag:s30], $0x28  }
0x122: {  	[sflag:s30] =	ssyncset.done $0x0  }
0x123: {  	s11 =	rddreg [dreg:$0x9];
	[sflag:s30] =	ssyncadd.s32 $0xFFFFFFD8;
	s30 =	simm.s32 $0x16C00  }
0x124: {  	[tilespmem:s6], [sflag:$0x5] =	stream.indirect.gather [hbm4b:s16+s24], $0x80, s30, s24, $0xb8;
	[tilespmem:$0x1D300] =	vst v63  }
0x125: {  	s11 =	sadd.s32 $0x0, s11  }
0x126: {  	[tilespmem:s31], [sflag:$0xA] =	stream.linear.gather [hbm4b:s11+s4], $0x28, $0x38;
	[tilespmem:$0x1D300] =	vst v63  }
0x127: {  	_ =	swait.ge [sflag:s8], $0x1400  }
0x128: {  	[sflag:s8] =	ssyncset.done $0x0  }
0x129: {  	[sflag:s8] =	ssyncadd.s32 $0xFFFFEC00  }
0x12a: {  	v1 =	vld [tilespmem:s9+$0x0];
	_ =	sdelay $0x4  }
0x12b: {  	[tilespmem:$0x16C80] =	vst v1  }
0x12c: {  	v1 =	vld [tilespmem:s9+$0x10];
	_ =	sdelay $0x4  }
0x12d: {  	[tilespmem:$0x16C90] =	vst v1  }
0x12e: {  	v1 =	vld [tilespmem:s9+$0x18];
	_ =	sdelay $0x4  }
0x12f: {  	s23 =	simm.s32 $0x16F00;
	s30 =	simm.s32 $0x16C80;
	[tilespmem:$0x16C98] =	vst v1  }
0x130: {  	[spmem:s3] =	stream.indirect.scatter.add.f32 [tilespmem:s23], [sflag:$0x11], $0x80, s30, s24, $0xb8;
	[tilespmem:$0x1D300] =	vst v63  }
0x131: {  	_ =	swait.ge [sflag:s7], $0x1400  }
0x132: {  	[sflag:s7] =	ssyncset.done $0x0  }
0x133: {  	[sflag:s7] =	ssyncadd.s32 $0xFFFFEC00  }
0x134: {  	_ =	swait.ge [sflag:s17], $0x28  }
0x135: {  	[sflag:s17] =	ssyncset.done $0x0  }
0x136: {  	s0 =	rddreg [dreg:$0x8];
	[sflag:s17] =	ssyncadd.s32 $0xFFFFFFD8  }
0x137: {  	[tilespmem:s23], [sflag:$0x1] =	stream.indirect.gather [hbm4b:s16+s24], $0x80, s21, s24, $0xb8;
	[tilespmem:$0x1D300] =	vst v63  }
0x138: {  	s30 =	simm.s32 $0x16A00;
	s11 =	sadd.s32 $0x0, s0  }
0x139: {  	[tilespmem:s30], [sflag:$0xB] =	stream.linear.gather [hbm4b:s11+s4], $0x28, $0x38;
	[tilespmem:$0x1D300] =	vst v63  }
0x13a: {  	_ =	swait.ge [sflag:s18], $0x1400  }
0x13b: {  	[sflag:s18] =	ssyncset.done $0x0  }
0x13c: {  	[sflag:s18] =	ssyncadd.s32 $0xFFFFEC00  }
0x13d: {  	v1 =	vld [tilespmem:s9+$0x28];
	_ =	sdelay $0x4  }
0x13e: {  	[tilespmem:$0x16D00] =	vst v1  }
0x13f: {  	v1 =	vld [tilespmem:s9+$0x38];
	_ =	sdelay $0x4  }
0x140: {  	[tilespmem:$0x16D10] =	vst v1  }
0x141: {  	v1 =	vld [tilespmem:s9+$0x40];
	_ =	sdelay $0x4  }
0x142: {  	[tilespmem:$0x16D18] =	vst v1  }
0x143: {  	[spmem:s3] =	stream.indirect.scatter.add.f32 [tilespmem:s2], [sflag:$0x11], $0x80, s28, s24, $0xb8;
	[tilespmem:$0x1D300] =	vst v63  }
0x144: {  	_ =	swait.ge [sflag:s7], $0x1400  }
0x145: {  	[sflag:s7] =	ssyncset.done $0x0  }
0x146: {  	[sflag:s7] =	ssyncadd.s32 $0xFFFFEC00  }
0x147: {  	_ =	swait.ge [sflag:s14], $0x28  }
0x148: {  	[sflag:s14] =	ssyncset.done $0x0  }
0x149: {  	s17 =	rddreg [dreg:$0x7];
	[sflag:s14] =	ssyncadd.s32 $0xFFFFFFD8  }
0x14a: {  	[tilespmem:s2], [sflag:$0x2] =	stream.indirect.gather [hbm4b:s16+s24], $0x80, s19, s24, $0xb8;
	[tilespmem:$0x1D300] =	vst v63  }
0x14b: {  	s11 =	sadd.s32 $0x0, s17;
	s19 =	simm.s32 $0x16A80  }
0x14c: {  	[tilespmem:s19], [sflag:$0xC] =	stream.linear.gather [hbm4b:s11+s4], $0x28, $0x38;
	[tilespmem:$0x1D300] =	vst v63  }
0x14d: {  	_ =	swait.ge [sflag:s10], $0x1400  }
0x14e: {  	[sflag:s10] =	ssyncset.done $0x0  }
0x14f: {  	[sflag:s10] =	ssyncadd.s32 $0xFFFFEC00  }
0x150: {  	v1 =	vld [tilespmem:s9+$0x50];
	_ =	sdelay $0x4  }
0x151: {  	[tilespmem:$0x16D80] =	vst v1  }
0x152: {  	v1 =	vld [tilespmem:s9+$0x60];
	_ =	sdelay $0x4  }
0x153: {  	[tilespmem:$0x16D90] =	vst v1  }
0x154: {  	v1 =	vld [tilespmem:s9+$0x68];
	_ =	sdelay $0x4  }
0x155: {  	[tilespmem:$0x16D98] =	vst v1  }
0x156: {  	[spmem:s3] =	stream.indirect.scatter.add.f32 [tilespmem:s22], [sflag:$0x11], $0x80, s25, s24, $0xb8;
	[tilespmem:$0x1D300] =	vst v63  }
0x157: {  	_ =	swait.ge [sflag:s7], $0x1400  }
0x158: {  	[sflag:s7] =	ssyncset.done $0x0  }
0x159: {  	s15 =	simm.s32 $0x8;
	[sflag:s7] =	ssyncadd.s32 $0xFFFFEC00  }
0x15a: {  	_ =	swait.ge [sflag:s15], $0x28  }
0x15b: {  	[sflag:s15] =	ssyncset.done $0x0  }
0x15c: {  	s21 =	rddreg [dreg:$0x6];
	[sflag:s15] =	ssyncadd.s32 $0xFFFFFFD8  }
0x15d: {  	[tilespmem:s22], [sflag:$0x3] =	stream.indirect.gather [hbm4b:s16+s24], $0x80, s29, s24, $0xb8;
	[tilespmem:$0x1D300] =	vst v63  }
0x15e: {  	s11 =	sadd.s32 $0x0, s21;
	s22 =	simm.s32 $0x16B00  }
0x15f: {  	[tilespmem:s22], [sflag:$0xD] =	stream.linear.gather [hbm4b:s11+s4], $0x28, $0x38;
	[tilespmem:$0x1D300] =	vst v63  }
0x160: {  	_ =	swait.ge [sflag:s13], $0x1400  }
0x161: {  	[sflag:s13] =	ssyncset.done $0x0  }
0x162: {  	[sflag:s13] =	ssyncadd.s32 $0xFFFFEC00  }
0x163: {  	v1 =	vld [tilespmem:s9+$0x78];
	_ =	sdelay $0x4  }
0x164: {  	[tilespmem:$0x16E00] =	vst v1  }
0x165: {  	v1 =	vld [tilespmem:s9+$0x88];
	_ =	sdelay $0x4  }
0x166: {  	[tilespmem:$0x16E10] =	vst v1  }
0x167: {  	v1 =	vld [tilespmem:s9+$0x90];
	_ =	sdelay $0x4  }
0x168: {  	s23 =	simm.s32 $0x16E00;
	[tilespmem:$0x16E18] =	vst v1  }
0x169: {  	[spmem:s3] =	stream.indirect.scatter.add.f32 [tilespmem:s12], [sflag:$0x11], $0x80, s23, s24, $0xb8;
	[tilespmem:$0x1D300] =	vst v63  }
0x16a: {  	_ =	swait.ge [sflag:s7], $0x1400  }
0x16b: {  	[sflag:s7] =	ssyncset.done $0x0  }
0x16c: {  	[sflag:s7] =	ssyncadd.s32 $0xFFFFEC00  }
0x16d: {  	_ =	swait.ge [sflag:s5], $0x28  }
0x16e: {  	[sflag:s5] =	ssyncset.done $0x0  }
0x16f: {  	s28 =	simm.s32 $0x16900;
	s25 =	rddreg [dreg:$0x5];
	[sflag:s5] =	ssyncadd.s32 $0xFFFFFFD8  }
0x170: {  	[tilespmem:s12], [sflag:$0x4] =	stream.indirect.gather [hbm4b:s16+s24], $0x80, s28, s24, $0xb8;
	[tilespmem:$0x1D300] =	vst v63  }
0x171: {  	s29 =	simm.s32 $0x16B80;
	s11 =	sadd.s32 $0x0, s25  }
0x172: {  	[tilespmem:s29], [sflag:$0xE] =	stream.linear.gather [hbm4b:s11+s4], $0x28, $0x38;
	[tilespmem:$0x1D300] =	vst v63  }
0x173: {  	_ =	swait.ge [sflag:s1], $0x1400  }
0x174: {  	[sflag:s1] =	ssyncset.done $0x0  }
0x175: {  	[sflag:s1] =	ssyncadd.s32 $0xFFFFEC00  }
0x176: {  	v1 =	vld [tilespmem:s9+$0xA0];
	_ =	sdelay $0x4  }
0x177: {  	[tilespmem:$0x16E80] =	vst v1  }
0x178: {  	v1 =	vld [tilespmem:s9+$0xB0];
	_ =	sdelay $0x4  }
0x179: {  	[tilespmem:$0x16E90] =	vst v1  }
0x17a: {  	v1 =	vld [tilespmem:s9+$0xB8];
	_ =	sdelay $0x4  }
0x17b: {  	[tilespmem:$0x16E98] =	vst v1  }
0x17c: {  	[spmem:s3] =	stream.indirect.scatter.add.f32 [tilespmem:s6], [sflag:$0x11], $0x80, s26, s24, $0xb8;
	[tilespmem:$0x1D300] =	vst v63  }
0x17d: {  	_ =	swait.ge [sflag:s7], $0x1400  }
0x17e: {  	[sflag:s7] =	ssyncset.done $0x0  }
0x17f: {  	[sflag:s7] =	ssyncadd.s32 $0xFFFFEC00  }
0x180: {  	_ =	swait.ge [sflag:s20], $0x28  }
0x181: {  	[sflag:s20] =	ssyncset.done $0x0  }
0x182: {  	[sflag:s20] =	ssyncadd.s32 $0xFFFFFFD8  }
0x183: {  	[tilespmem:s6], [sflag:$0x5] =	stream.indirect.gather [hbm4b:s16+s24], $0x80, s31, s24, $0xb8;
	[tilespmem:$0x1D300] =	vst v63  }
0x184: {  	s31 =	sld [smem:$0x7F3];
	_ =	sdelay $0x1  }
0x185: {  	s21 =	simm.s32 $0x14258;
	s30 =	rddreg [dreg:$0x4]  }
0x186: {  	s20 =	simm.s32 $0x32;
	s11 =	sadd.s32 $0x0, s30;
	s9 =	sadd.s32 $0x190, s31  }
.LBB2_4:
0x187: {  	s31 =	simm.s32 $0x16C00  }
0x188: {  	[tilespmem:s31], [sflag:$0xF] =	stream.linear.gather [hbm4b:s11+s4], $0x28, $0x38;
	[tilespmem:$0x1D300] =	vst v63  }
0x189: {  	_ =	swait.ge [sflag:s8], $0x1400  }
0x18a: {  	[sflag:s8] =	ssyncset.done $0x0  }
0x18b: {  	[sflag:s8] =	ssyncadd.s32 $0xFFFFEC00  }
0x18c: {  	v1 =	vld [tilespmem:s21+$0xFFFFFF38];
	_ =	sdelay $0x4  }
0x18d: {  	[tilespmem:$0x16C80] =	vst v1  }
0x18e: {  	v1 =	vld [tilespmem:s21+$0xFFFFFF48];
	_ =	sdelay $0x4  }
0x18f: {  	[tilespmem:$0x16C90] =	vst v1  }
0x190: {  	v1 =	vld [tilespmem:s21+$0xFFFFFF50];
	_ =	sdelay $0x4  }
0x191: {  	s29 =	simm.s32 $0x16C80;
	s17 =	simm.s32 $0x16F00;
	[tilespmem:$0x16C98] =	vst v1  }
0x192: {  	[spmem:s3] =	stream.indirect.scatter.add.f32 [tilespmem:s17], [sflag:$0x11], $0x80, s29, s24, $0xb8;
	[tilespmem:$0x1D300] =	vst v63  }
0x193: {  	_ =	swait.ge [sflag:s7], $0x1400  }
0x194: {  	[sflag:s7] =	ssyncset.done $0x0  }
0x195: {  	s5 =	simm.s32 $0xB;
	[sflag:s7] =	ssyncadd.s32 $0xFFFFEC00  }
0x196: {  	_ =	swait.ge [sflag:s5], $0x28  }
0x197: {  	s14 =	sshrl.u32 s9, $0x3;
	[sflag:s5] =	ssyncset.done $0x0  }
0x198: {  	s19 =	simm.s32 $0x16A00;
	s1 =	rddreg [dreg:$0xd];
	[sflag:s5] =	ssyncadd.s32 $0xFFFFFFD8  }
0x199: {  	[tilespmem:s17], [sflag:$0x1] =	stream.indirect.gather [hbm4b:s16+s24], $0x80, s19, s24, $0xb8;
	[tilespmem:$0x1D300] =	vst v63  }
0x19a: {  	s12 =	simm.s32 $0x16780;
	s14 =	sadd.s32 s1, s14  }
0x19b: {  	[tilespmem:s12], [sflag:$0x6] =	stream.linear.gather [hbm4b:s14+s4], $0x28, $0x38;
	[tilespmem:$0x1D300] =	vst v63  }
0x19c: {  	_ =	swait.ge [sflag:s18], $0x1400  }
0x19d: {  	[sflag:s18] =	ssyncset.done $0x0  }
0x19e: {  	[sflag:s18] =	ssyncadd.s32 $0xFFFFEC00  }
0x19f: {  	v1 =	vld [tilespmem:s21+$0xFFFFFF60];
	_ =	sdelay $0x4  }
0x1a0: {  	[tilespmem:$0x16D00] =	vst v1  }
0x1a1: {  	v1 =	vld [tilespmem:s21+$0xFFFFFF70];
	_ =	sdelay $0x4  }
0x1a2: {  	[tilespmem:$0x16D10] =	vst v1  }
0x1a3: {  	v1 =	vld [tilespmem:s21+$0xFFFFFF78];
	_ =	sdelay $0x4  }
0x1a4: {  	s28 =	simm.s32 $0x16D00;
	s8 =	simm.s32 $0x18300;
	[tilespmem:$0x16D18] =	vst v1  }
0x1a5: {  	[spmem:s3] =	stream.indirect.scatter.add.f32 [tilespmem:s8], [sflag:$0x11], $0x80, s28, s24, $0xb8;
	[tilespmem:$0x1D300] =	vst v63  }
0x1a6: {  	_ =	swait.ge [sflag:s7], $0x1400  }
0x1a7: {  	[sflag:s7] =	ssyncset.done $0x0  }
0x1a8: {  	s2 =	simm.s32 $0xC;
	[sflag:s7] =	ssyncadd.s32 $0xFFFFEC00  }
0x1a9: {  	_ =	swait.ge [sflag:s2], $0x28  }
0x1aa: {  	s0 =	simm.s32 $0x16A80;
	[sflag:s2] =	ssyncset.done $0x0  }
0x1ab: {  	s11 =	smov.u32 s20;
	s6 =	rddreg [dreg:$0xc];
	[sflag:s2] =	ssyncadd.s32 $0xFFFFFFD8  }
0x1ac: {  	[tilespmem:s8], [sflag:$0x2] =	stream.indirect.gather [hbm4b:s16+s24], $0x80, s0, s24, $0xb8;
	[tilespmem:$0x1D300] =	vst v63  }
0x1ad: {  	s5 =	simm.s32 $0x16800;
	s14 =	sadd.s32 s11, s6  }
0x1ae: {  	[tilespmem:s5], [sflag:$0x7] =	stream.linear.gather [hbm4b:s14+s4], $0x28, $0x38;
	[tilespmem:$0x1D300] =	vst v63  }
0x1af: {  	s4 =	simm.s32 $0x3  }
0x1b0: {  	_ =	swait.ge [sflag:s4], $0x1400  }
0x1b1: {  	[sflag:s4] =	ssyncset.done $0x0  }
0x1b2: {  	[sflag:s4] =	ssyncadd.s32 $0xFFFFEC00  }
0x1b3: {  	v1 =	vld [tilespmem:s21+$0xFFFFFF88];
	_ =	sdelay $0x4  }
0x1b4: {  	[tilespmem:$0x16D80] =	vst v1  }
0x1b5: {  	v1 =	vld [tilespmem:s21+$0xFFFFFF98];
	_ =	sdelay $0x4  }
0x1b6: {  	[tilespmem:$0x16D90] =	vst v1  }
0x1b7: {  	v1 =	vld [tilespmem:s21+$0xFFFFFFA0];
	_ =	sdelay $0x4  }
0x1b8: {  	s23 =	simm.s32 $0x16D80;
	s30 =	simm.s32 $0x19700;
	[tilespmem:$0x16D98] =	vst v1  }
0x1b9: {  	[spmem:s3] =	stream.indirect.scatter.add.f32 [tilespmem:s30], [sflag:$0x11], $0x80, s23, s24, $0xb8;
	[tilespmem:$0x1D300] =	vst v63  }
0x1ba: {  	_ =	swait.ge [sflag:s7], $0x1400  }
0x1bb: {  	[sflag:s7] =	ssyncset.done $0x0  }
0x1bc: {  	s25 =	simm.s32 $0xD;
	[sflag:s7] =	ssyncadd.s32 $0xFFFFEC00  }
0x1bd: {  	_ =	swait.ge [sflag:s25], $0x28  }
0x1be: {  	s13 =	simm.s32 $0x16B00;
	[sflag:s25] =	ssyncset.done $0x0  }
0x1bf: {  	s2 =	simm.s32 $0x0;
	s10 =	rddreg [dreg:$0xb];
	[sflag:s25] =	ssyncadd.s32 $0xFFFFFFD8  }
0x1c0: {  	[tilespmem:s30], [sflag:$0x3] =	stream.indirect.gather [hbm4b:s16+s24], $0x80, s13, s24, $0xb8;
	[tilespmem:$0x1D300] =	vst v63  }
0x1c1: {  	s14 =	sadd.s32 s11, s10;
	s10 =	simm.s32 $0x16880;
	s13 =	simm.s32 $0x4  }
0x1c2: {  	[tilespmem:s10], [sflag:$0x8] =	stream.linear.gather [hbm4b:s14+s2], $0x28, $0x38;
	[tilespmem:$0x1D300] =	vst v63  }
0x1c3: {  	_ =	swait.ge [sflag:s13], $0x1400  }
0x1c4: {  	[sflag:s13] =	ssyncset.done $0x0  }
0x1c5: {  	[sflag:s13] =	ssyncadd.s32 $0xFFFFEC00  }
0x1c6: {  	v1 =	vld [tilespmem:s21+$0xFFFFFFB0];
	_ =	sdelay $0x4  }
0x1c7: {  	[tilespmem:$0x16E00] =	vst v1  }
0x1c8: {  	v1 =	vld [tilespmem:s21+$0xFFFFFFC0];
	_ =	sdelay $0x4  }
0x1c9: {  	[tilespmem:$0x16E10] =	vst v1  }
0x1ca: {  	v1 =	vld [tilespmem:s21+$0xFFFFFFC8];
	_ =	sdelay $0x4  }
0x1cb: {  	s22 =	simm.s32 $0x1AB00;
	s25 =	simm.s32 $0x16E00;
	[tilespmem:$0x16E18] =	vst v1  }
0x1cc: {  	[spmem:s3] =	stream.indirect.scatter.add.f32 [tilespmem:s22], [sflag:$0x11], $0x80, s25, s24, $0xb8;
	[tilespmem:$0x1D300] =	vst v63  }
0x1cd: {  	_ =	swait.ge [sflag:s7], $0x1400  }
0x1ce: {  	[sflag:s7] =	ssyncset.done $0x0  }
0x1cf: {  	s15 =	simm.s32 $0xE;
	[sflag:s7] =	ssyncadd.s32 $0xFFFFEC00  }
0x1d0: {  	_ =	swait.ge [sflag:s15], $0x28  }
0x1d1: {  	[sflag:s15] =	ssyncset.done $0x0  }
0x1d2: {  	s26 =	simm.s32 $0x16B80;
	s18 =	rddreg [dreg:$0xa];
	[sflag:s15] =	ssyncadd.s32 $0xFFFFFFD8  }
0x1d3: {  	[tilespmem:s22], [sflag:$0x4] =	stream.indirect.gather [hbm4b:s16+s24], $0x80, s26, s24, $0xb8;
	[tilespmem:$0x1D300] =	vst v63  }
0x1d4: {  	s1 =	simm.s32 $0x5;
	s0 =	simm.s32 $0x16900;
	s14 =	sadd.s32 s11, s18  }
0x1d5: {  	[tilespmem:s0], [sflag:$0x9] =	stream.linear.gather [hbm4b:s14+s2], $0x28, $0x38;
	[tilespmem:$0x1D300] =	vst v63  }
0x1d6: {  	_ =	swait.ge [sflag:s1], $0x1400  }
0x1d7: {  	[sflag:s1] =	ssyncset.done $0x0  }
0x1d8: {  	[sflag:s1] =	ssyncadd.s32 $0xFFFFEC00  }
0x1d9: {  	v1 =	vld [tilespmem:s21+$0xFFFFFFD8];
	_ =	sdelay $0x4  }
0x1da: {  	[tilespmem:$0x16E80] =	vst v1  }
0x1db: {  	v1 =	vld [tilespmem:s21+$0xFFFFFFE8];
	_ =	sdelay $0x4  }
0x1dc: {  	[tilespmem:$0x16E90] =	vst v1  }
0x1dd: {  	v1 =	vld [tilespmem:s21+$0xFFFFFFF0];
	_ =	sdelay $0x4  }
0x1de: {  	s6 =	simm.s32 $0x1BF00;
	s26 =	simm.s32 $0x16E80;
	[tilespmem:$0x16E98] =	vst v1  }
0x1df: {  	[spmem:s3] =	stream.indirect.scatter.add.f32 [tilespmem:s6], [sflag:$0x11], $0x80, s26, s24, $0xb8;
	[tilespmem:$0x1D300] =	vst v63  }
0x1e0: {  	_ =	swait.ge [sflag:s7], $0x1400  }
0x1e1: {  	[sflag:s7] =	ssyncset.done $0x0  }
0x1e2: {  	s15 =	simm.s32 $0xF;
	[sflag:s7] =	ssyncadd.s32 $0xFFFFEC00  }
0x1e3: {  	_ =	swait.ge [sflag:s15], $0x28  }
0x1e4: {  	[sflag:s15] =	ssyncset.done $0x0  }
0x1e5: {  	s14 =	rddreg [dreg:$0x9];
	[sflag:s15] =	ssyncadd.s32 $0xFFFFFFD8  }
0x1e6: {  	[tilespmem:s6], [sflag:$0x5] =	stream.indirect.gather [hbm4b:s16+s24], $0x80, s31, s24, $0xb8;
	[tilespmem:$0x1D300] =	vst v63  }
0x1e7: {  	s18 =	simm.s32 $0x1;
	s14 =	sadd.s32 s11, s14;
	s15 =	simm.s32 $0x16980  }
0x1e8: {  	[tilespmem:s15], [sflag:$0xA] =	stream.linear.gather [hbm4b:s14+s2], $0x28, $0x38;
	[tilespmem:$0x1D300] =	vst v63  }
0x1e9: {  	_ =	swait.ge [sflag:s18], $0x1400  }
0x1ea: {  	[sflag:s18] =	ssyncset.done $0x0  }
0x1eb: {  	[sflag:s18] =	ssyncadd.s32 $0xFFFFEC00  }
0x1ec: {  	v1 =	vld [tilespmem:s21+$0x0];
	_ =	sdelay $0x4  }
0x1ed: {  	[tilespmem:$0x16C80] =	vst v1  }
0x1ee: {  	v1 =	vld [tilespmem:s21+$0x10];
	_ =	sdelay $0x4  }
0x1ef: {  	[tilespmem:$0x16C90] =	vst v1  }
0x1f0: {  	v1 =	vld [tilespmem:s21+$0x18];
	_ =	sdelay $0x4  }
0x1f1: {  	[tilespmem:$0x16C98] =	vst v1  }
0x1f2: {  	[spmem:s3] =	stream.indirect.scatter.add.f32 [tilespmem:s17], [sflag:$0x11], $0x80, s29, s24, $0xb8;
	[tilespmem:$0x1D300] =	vst v63  }
0x1f3: {  	_ =	swait.ge [sflag:s7], $0x1400  }
0x1f4: {  	[sflag:s7] =	ssyncset.done $0x0  }
0x1f5: {  	s29 =	simm.s32 $0x6;
	[sflag:s7] =	ssyncadd.s32 $0xFFFFEC00  }
0x1f6: {  	_ =	swait.ge [sflag:s29], $0x28  }
0x1f7: {  	[sflag:s29] =	ssyncset.done $0x0  }
0x1f8: {  	s31 =	rddreg [dreg:$0x8];
	[sflag:s29] =	ssyncadd.s32 $0xFFFFFFD8  }
0x1f9: {  	[tilespmem:s17], [sflag:$0x1] =	stream.indirect.gather [hbm4b:s16+s24], $0x80, s12, s24, $0xb8;
	[tilespmem:$0x1D300] =	vst v63  }
0x1fa: {  	s18 =	simm.s32 $0x2;
	s14 =	sadd.s32 s11, s31  }
0x1fb: {  	[tilespmem:s19], [sflag:$0xB] =	stream.linear.gather [hbm4b:s14+s2], $0x28, $0x38;
	[tilespmem:$0x1D300] =	vst v63  }
0x1fc: {  	_ =	swait.ge [sflag:s18], $0x1400  }
0x1fd: {  	[sflag:s18] =	ssyncset.done $0x0  }
0x1fe: {  	[sflag:s18] =	ssyncadd.s32 $0xFFFFEC00  }
0x1ff: {  	v1 =	vld [tilespmem:s21+$0x28];
	_ =	sdelay $0x4  }
0x200: {  	[tilespmem:$0x16D00] =	vst v1  }
0x201: {  	v1 =	vld [tilespmem:s21+$0x38];
	_ =	sdelay $0x4  }
0x202: {  	[tilespmem:$0x16D10] =	vst v1  }
0x203: {  	v1 =	vld [tilespmem:s21+$0x40];
	_ =	sdelay $0x4  }
0x204: {  	[tilespmem:$0x16D18] =	vst v1  }
0x205: {  	[spmem:s3] =	stream.indirect.scatter.add.f32 [tilespmem:s8], [sflag:$0x11], $0x80, s28, s24, $0xb8;
	[tilespmem:$0x1D300] =	vst v63  }
0x206: {  	_ =	swait.ge [sflag:s7], $0x1400  }
0x207: {  	[sflag:s7] =	ssyncset.done $0x0  }
0x208: {  	s31 =	simm.s32 $0x7;
	[sflag:s7] =	ssyncadd.s32 $0xFFFFEC00  }
0x209: {  	_ =	swait.ge [sflag:s31], $0x28  }
0x20a: {  	[sflag:s31] =	ssyncset.done $0x0  }
0x20b: {  	s12 =	rddreg [dreg:$0x7];
	[sflag:s31] =	ssyncadd.s32 $0xFFFFFFD8  }
0x20c: {  	[tilespmem:s8], [sflag:$0x2] =	stream.indirect.gather [hbm4b:s16+s24], $0x80, s5, s24, $0xb8;
	[tilespmem:$0x1D300] =	vst v63  }
0x20d: {  	s14 =	sadd.s32 s11, s12;
	s31 =	simm.s32 $0x16A80  }
0x20e: {  	[tilespmem:s31], [sflag:$0xC] =	stream.linear.gather [hbm4b:s14+s2], $0x28, $0x38;
	[tilespmem:$0x1D300] =	vst v63  }
0x20f: {  	_ =	swait.ge [sflag:s4], $0x1400  }
0x210: {  	[sflag:s4] =	ssyncset.done $0x0  }
0x211: {  	[sflag:s4] =	ssyncadd.s32 $0xFFFFEC00  }
0x212: {  	v1 =	vld [tilespmem:s21+$0x50];
	_ =	sdelay $0x4  }
0x213: {  	[tilespmem:$0x16D80] =	vst v1  }
0x214: {  	v1 =	vld [tilespmem:s21+$0x60];
	_ =	sdelay $0x4  }
0x215: {  	[tilespmem:$0x16D90] =	vst v1  }
0x216: {  	v1 =	vld [tilespmem:s21+$0x68];
	_ =	sdelay $0x4  }
0x217: {  	[tilespmem:$0x16D98] =	vst v1  }
0x218: {  	[spmem:s3] =	stream.indirect.scatter.add.f32 [tilespmem:s30], [sflag:$0x11], $0x80, s23, s24, $0xb8;
	[tilespmem:$0x1D300] =	vst v63  }
0x219: {  	_ =	swait.ge [sflag:s7], $0x1400  }
0x21a: {  	[sflag:s7] =	ssyncset.done $0x0  }
0x21b: {  	s2 =	simm.s32 $0x8;
	[sflag:s7] =	ssyncadd.s32 $0xFFFFEC00  }
0x21c: {  	_ =	swait.ge [sflag:s2], $0x28  }
0x21d: {  	[sflag:s2] =	ssyncset.done $0x0  }
0x21e: {  	s8 =	rddreg [dreg:$0x6];
	[sflag:s2] =	ssyncadd.s32 $0xFFFFFFD8  }
0x21f: {  	[tilespmem:s30], [sflag:$0x3] =	stream.indirect.gather [hbm4b:s16+s24], $0x80, s10, s24, $0xb8;
	[tilespmem:$0x1D300] =	vst v63  }
0x220: {  	s12 =	simm.s32 $0x16B00;
	s4 =	simm.s32 $0x0;
	s14 =	sadd.s32 s11, s8  }
0x221: {  	[tilespmem:s12], [sflag:$0xD] =	stream.linear.gather [hbm4b:s14+s4], $0x28, $0x38;
	[tilespmem:$0x1D300] =	vst v63  }
0x222: {  	_ =	swait.ge [sflag:s13], $0x1400  }
0x223: {  	[sflag:s13] =	ssyncset.done $0x0  }
0x224: {  	[sflag:s13] =	ssyncadd.s32 $0xFFFFEC00  }
0x225: {  	v1 =	vld [tilespmem:s21+$0x78];
	_ =	sdelay $0x4  }
0x226: {  	[tilespmem:$0x16E00] =	vst v1  }
0x227: {  	v1 =	vld [tilespmem:s21+$0x88];
	_ =	sdelay $0x4  }
0x228: {  	[tilespmem:$0x16E10] =	vst v1  }
0x229: {  	v1 =	vld [tilespmem:s21+$0x90];
	_ =	sdelay $0x4  }
0x22a: {  	[tilespmem:$0x16E18] =	vst v1  }
0x22b: {  	[spmem:s3] =	stream.indirect.scatter.add.f32 [tilespmem:s22], [sflag:$0x11], $0x80, s25, s24, $0xb8;
	[tilespmem:$0x1D300] =	vst v63  }
0x22c: {  	_ =	swait.ge [sflag:s7], $0x1400  }
0x22d: {  	[sflag:s7] =	ssyncset.done $0x0  }
0x22e: {  	s14 =	simm.s32 $0x9;
	[sflag:s7] =	ssyncadd.s32 $0xFFFFEC00  }
0x22f: {  	_ =	swait.ge [sflag:s14], $0x28  }
0x230: {  	[sflag:s14] =	ssyncset.done $0x0  }
0x231: {  	s19 =	rddreg [dreg:$0x5];
	[sflag:s14] =	ssyncadd.s32 $0xFFFFFFD8  }
0x232: {  	[tilespmem:s22], [sflag:$0x4] =	stream.indirect.gather [hbm4b:s16+s24], $0x80, s0, s24, $0xb8;
	[tilespmem:$0x1D300] =	vst v63  }
0x233: {  	s23 =	simm.s32 $0x16B80;
	s14 =	sadd.s32 s11, s19  }
0x234: {  	[tilespmem:s23], [sflag:$0xE] =	stream.linear.gather [hbm4b:s14+s4], $0x28, $0x38;
	[tilespmem:$0x1D300] =	vst v63  }
0x235: {  	_ =	swait.ge [sflag:s1], $0x1400  }
0x236: {  	[sflag:s1] =	ssyncset.done $0x0  }
0x237: {  	[sflag:s1] =	ssyncadd.s32 $0xFFFFEC00  }
0x238: {  	v1 =	vld [tilespmem:s21+$0xA0];
	_ =	sdelay $0x4  }
0x239: {  	[tilespmem:$0x16E80] =	vst v1  }
0x23a: {  	v1 =	vld [tilespmem:s21+$0xB0];
	_ =	sdelay $0x4  }
0x23b: {  	[tilespmem:$0x16E90] =	vst v1  }
0x23c: {  	v1 =	vld [tilespmem:s21+$0xB8];
	_ =	sdelay $0x4  }
0x23d: {  	p0 =	sne.s32 s20, $0x47E;
	[tilespmem:$0x16E98] =	vst v1  }
0x23e: {  	[spmem:s3] =	stream.indirect.scatter.add.f32 [tilespmem:s6], [sflag:$0x11], $0x80, s26, s24, $0xb8;
	[tilespmem:$0x1D300] =	vst v63  }
0x23f: {  	s9 =	sadd.s32 $0x190, s9;
	s20 =	sadd.s32 $0x32, s20;
	_ =	swait.ge [sflag:s7], $0x1400  }
0x240: {  	s29 =	simm.s32 $0x16A80;
	s17 =	simm.s32 $0x16A00;
	[sflag:s7] =	ssyncset.done $0x0  }
.Ltmp1:
0x241: {  	s30 =	simm.s32 $0xA;
	[sflag:s7] =	ssyncadd.s32 $0xFFFFEC00;
	(pc) =	sbr.rel @p0 .LBB2_4-.Ltmp1, $4  }
0x242: {  	s28 =	simm.s32 $0x16B00;
	s8 =	simm.s32 $0x1;
	_ =	swait.ge [sflag:s30], $0x28  }
0x243: {  	s25 =	simm.s32 $0x16B80;
	[sflag:s30] =	ssyncset.done $0x0;
	s31 =	rddreg [dreg:$0x4]  }
0x244: {  	s21 =	sadd.s32 $0x190, s21;
	[sflag:s30] =	ssyncadd.s32 $0xFFFFFFD8;
	s11 =	sadd.s32 s11, s31  }
0x245: {  	[tilespmem:s6], [sflag:$0x5] =	stream.indirect.gather [hbm4b:s16+s24], $0x80, s15, s24, $0xb8;
	[tilespmem:$0x1D300] =	vst v63  }
0x246: {  	s15 =	simm.s32 $0x16C00  }
0x247: {  	[tilespmem:s15], [sflag:$0xF] =	stream.linear.gather [hbm4b:s11+s4], $0x28, $0x38;
	[tilespmem:$0x1D300] =	vst v63  }
0x248: {  	_ =	swait.ge [sflag:s8], $0x1400  }
0x249: {  	[sflag:s8] =	ssyncset.done $0x0  }
0x24a: {  	[sflag:s8] =	ssyncadd.s32 $0xFFFFEC00  }
0x24b: {  	v1 =	vld [tilespmem:$0x16580]  }
0x24c: {  	v2 =	vld [tilespmem:$0x16590]  }
0x24d: {  	v3 =	vld [tilespmem:$0x16598];
	_ =	sdelay $0x2  }
0x24e: {  	[tilespmem:$0x16C80] =	vst v1  }
0x24f: {  	[tilespmem:$0x16C90] =	vst v2  }
0x250: {  	s5 =	simm.s32 $0x16C80;
	s20 =	simm.s32 $0x16F00;
	[tilespmem:$0x16C98] =	vst v3  }
0x251: {  	[spmem:s3] =	stream.indirect.scatter.add.f32 [tilespmem:s20], [sflag:$0x11], $0x80, s5, s24, $0xb8;
	[tilespmem:$0x1D300] =	vst v63  }
0x252: {  	_ =	swait.ge [sflag:s7], $0x1400  }
0x253: {  	[sflag:s7] =	ssyncset.done $0x0  }
0x254: {  	s9 =	simm.s32 $0xB;
	[sflag:s7] =	ssyncadd.s32 $0xFFFFEC00  }
0x255: {  	_ =	swait.ge [sflag:s9], $0x28  }
0x256: {  	[sflag:s9] =	ssyncset.done $0x0  }
0x257: {  	[sflag:s9] =	ssyncadd.s32 $0xFFFFFFD8  }
0x258: {  	[tilespmem:s20], [sflag:$0x1] =	stream.indirect.gather [hbm4b:s16+s24], $0x80, s17, s24, $0xb8;
	[tilespmem:$0x1D300] =	vst v63  }
0x259: {  	_ =	swait.ge [sflag:s18], $0x1400  }
0x25a: {  	[sflag:s18] =	ssyncset.done $0x0  }
0x25b: {  	[sflag:s18] =	ssyncadd.s32 $0xFFFFEC00  }
0x25c: {  	v1 =	vld [tilespmem:$0x165A8]  }
0x25d: {  	v2 =	vld [tilespmem:$0x165B8]  }
0x25e: {  	v3 =	vld [tilespmem:$0x165C0];
	_ =	sdelay $0x2  }
0x25f: {  	[tilespmem:$0x16D00] =	vst v1  }
0x260: {  	[tilespmem:$0x16D10] =	vst v2  }
0x261: {  	s2 =	simm.s32 $0x18300;
	s9 =	simm.s32 $0x16D00;
	[tilespmem:$0x16D18] =	vst v3  }
0x262: {  	[spmem:s3] =	stream.indirect.scatter.add.f32 [tilespmem:s2], [sflag:$0x11], $0x80, s9, s24, $0xb8;
	[tilespmem:$0x1D300] =	vst v63  }
0x263: {  	_ =	swait.ge [sflag:s7], $0x1400  }
0x264: {  	[sflag:s7] =	ssyncset.done $0x0  }
0x265: {  	s21 =	simm.s32 $0xC;
	[sflag:s7] =	ssyncadd.s32 $0xFFFFEC00  }
0x266: {  	_ =	swait.ge [sflag:s21], $0x28  }
0x267: {  	[sflag:s21] =	ssyncset.done $0x0  }
0x268: {  	s10 =	simm.s32 $0x3;
	[sflag:s21] =	ssyncadd.s32 $0xFFFFFFD8  }
0x269: {  	[tilespmem:s2], [sflag:$0x2] =	stream.indirect.gather [hbm4b:s16+s24], $0x80, s29, s24, $0xb8;
	[tilespmem:$0x1D300] =	vst v63  }
0x26a: {  	_ =	swait.ge [sflag:s10], $0x1400  }
0x26b: {  	[sflag:s10] =	ssyncset.done $0x0  }
0x26c: {  	[sflag:s10] =	ssyncadd.s32 $0xFFFFEC00  }
0x26d: {  	v1 =	vld [tilespmem:$0x165D0]  }
0x26e: {  	v2 =	vld [tilespmem:$0x165E0]  }
0x26f: {  	v3 =	vld [tilespmem:$0x165E8];
	_ =	sdelay $0x2  }
0x270: {  	[tilespmem:$0x16D80] =	vst v1  }
0x271: {  	[tilespmem:$0x16D90] =	vst v2  }
0x272: {  	s22 =	simm.s32 $0x16D80;
	s19 =	simm.s32 $0x19700;
	[tilespmem:$0x16D98] =	vst v3  }
0x273: {  	[spmem:s3] =	stream.indirect.scatter.add.f32 [tilespmem:s19], [sflag:$0x11], $0x80, s22, s24, $0xb8;
	[tilespmem:$0x1D300] =	vst v63  }
0x274: {  	_ =	swait.ge [sflag:s7], $0x1400  }
0x275: {  	[sflag:s7] =	ssyncset.done $0x0  }
0x276: {  	s14 =	simm.s32 $0xD;
	[sflag:s7] =	ssyncadd.s32 $0xFFFFEC00  }
0x277: {  	_ =	swait.ge [sflag:s14], $0x28  }
0x278: {  	[sflag:s14] =	ssyncset.done $0x0  }
0x279: {  	s13 =	simm.s32 $0x4;
	[sflag:s14] =	ssyncadd.s32 $0xFFFFFFD8  }
0x27a: {  	[tilespmem:s19], [sflag:$0x3] =	stream.indirect.gather [hbm4b:s16+s24], $0x80, s28, s24, $0xb8;
	[tilespmem:$0x1D300] =	vst v63  }
0x27b: {  	_ =	swait.ge [sflag:s13], $0x1400  }
0x27c: {  	[sflag:s13] =	ssyncset.done $0x0  }
0x27d: {  	[sflag:s13] =	ssyncadd.s32 $0xFFFFEC00  }
0x27e: {  	v1 =	vld [tilespmem:$0x165F8]  }
0x27f: {  	v2 =	vld [tilespmem:$0x16608]  }
0x280: {  	v3 =	vld [tilespmem:$0x16610];
	_ =	sdelay $0x2  }
0x281: {  	[tilespmem:$0x16E00] =	vst v1  }
0x282: {  	[tilespmem:$0x16E10] =	vst v2  }
0x283: {  	s23 =	simm.s32 $0x16E00;
	s12 =	simm.s32 $0x1AB00;
	[tilespmem:$0x16E18] =	vst v3  }
0x284: {  	[spmem:s3] =	stream.indirect.scatter.add.f32 [tilespmem:s12], [sflag:$0x11], $0x80, s23, s24, $0xb8;
	[tilespmem:$0x1D300] =	vst v63  }
0x285: {  	_ =	swait.ge [sflag:s7], $0x1400  }
0x286: {  	[sflag:s7] =	ssyncset.done $0x0  }
0x287: {  	s0 =	simm.s32 $0xE;
	[sflag:s7] =	ssyncadd.s32 $0xFFFFEC00  }
0x288: {  	_ =	swait.ge [sflag:s0], $0x28  }
0x289: {  	[sflag:s0] =	ssyncset.done $0x0  }
0x28a: {  	s1 =	simm.s32 $0x5;
	[sflag:s0] =	ssyncadd.s32 $0xFFFFFFD8  }
0x28b: {  	[tilespmem:s12], [sflag:$0x4] =	stream.indirect.gather [hbm4b:s16+s24], $0x80, s25, s24, $0xb8;
	[tilespmem:$0x1D300] =	vst v63  }
0x28c: {  	_ =	swait.ge [sflag:s1], $0x1400  }
0x28d: {  	[sflag:s1] =	ssyncset.done $0x0  }
0x28e: {  	[sflag:s1] =	ssyncadd.s32 $0xFFFFEC00  }
0x28f: {  	v1 =	vld [tilespmem:$0x16620]  }
0x290: {  	v2 =	vld [tilespmem:$0x16630]  }
0x291: {  	v3 =	vld [tilespmem:$0x16638];
	_ =	sdelay $0x2  }
0x292: {  	[tilespmem:$0x16E80] =	vst v1  }
0x293: {  	[tilespmem:$0x16E90] =	vst v2  }
0x294: {  	s6 =	simm.s32 $0x1BF00;
	s25 =	simm.s32 $0x16E80;
	[tilespmem:$0x16E98] =	vst v3  }
0x295: {  	[spmem:s3] =	stream.indirect.scatter.add.f32 [tilespmem:s6], [sflag:$0x11], $0x80, s25, s24, $0xb8;
	[tilespmem:$0x1D300] =	vst v63  }
0x296: {  	_ =	swait.ge [sflag:s7], $0x1400  }
0x297: {  	[sflag:s7] =	ssyncset.done $0x0  }
0x298: {  	s26 =	simm.s32 $0xF;
	[sflag:s7] =	ssyncadd.s32 $0xFFFFEC00  }
0x299: {  	_ =	swait.ge [sflag:s26], $0x28  }
0x29a: {  	[sflag:s26] =	ssyncset.done $0x0  }
0x29b: {  	[sflag:s26] =	ssyncadd.s32 $0xFFFFFFD8  }
0x29c: {  	[tilespmem:s6], [sflag:$0x5] =	stream.indirect.gather [hbm4b:s16+s24], $0x80, s15, s24, $0xb8;
	[tilespmem:$0x1D300] =	vst v63  }
0x29d: {  	_ =	swait.ge [sflag:s8], $0x1400  }
0x29e: {  	[sflag:s8] =	ssyncset.done $0x0  }
0x29f: {  	[sflag:s8] =	ssyncadd.s32 $0xFFFFEC00  }
0x2a0: {  	v1 =	vld [tilespmem:$0x16648]  }
0x2a1: {  	v2 =	vld [tilespmem:$0x16658]  }
0x2a2: {  	v3 =	vld [tilespmem:$0x16660];
	_ =	sdelay $0x2  }
0x2a3: {  	[tilespmem:$0x16C80] =	vst v1  }
0x2a4: {  	[tilespmem:$0x16C90] =	vst v2  }
0x2a5: {  	[tilespmem:$0x16C98] =	vst v3  }
0x2a6: {  	[spmem:s3] =	stream.indirect.scatter.add.f32 [tilespmem:s20], [sflag:$0x11], $0x80, s5, s24, $0xb8;
	[tilespmem:$0x1D300] =	vst v63  }
0x2a7: {  	_ =	swait.ge [sflag:s7], $0x1400  }
0x2a8: {  	[sflag:s7] =	ssyncset.done $0x0  }
0x2a9: {  	[sflag:s7] =	ssyncadd.s32 $0xFFFFEC00  }
0x2aa: {  	_ =	swait.ge [sflag:s18], $0x1400  }
0x2ab: {  	[sflag:s18] =	ssyncset.done $0x0  }
0x2ac: {  	[sflag:s18] =	ssyncadd.s32 $0xFFFFEC00  }
0x2ad: {  	v1 =	vld [tilespmem:$0x16670]  }
0x2ae: {  	v2 =	vld [tilespmem:$0x16680]  }
0x2af: {  	v3 =	vld [tilespmem:$0x16688];
	_ =	sdelay $0x2  }
0x2b0: {  	[tilespmem:$0x16D00] =	vst v1  }
0x2b1: {  	[tilespmem:$0x16D10] =	vst v2  }
0x2b2: {  	[tilespmem:$0x16D18] =	vst v3  }
0x2b3: {  	[spmem:s3] =	stream.indirect.scatter.add.f32 [tilespmem:s2], [sflag:$0x11], $0x80, s9, s24, $0xb8;
	[tilespmem:$0x1D300] =	vst v63  }
0x2b4: {  	_ =	swait.ge [sflag:s7], $0x1400  }
0x2b5: {  	[sflag:s7] =	ssyncset.done $0x0  }
0x2b6: {  	[sflag:s7] =	ssyncadd.s32 $0xFFFFEC00  }
0x2b7: {  	_ =	swait.ge [sflag:s10], $0x1400  }
0x2b8: {  	[sflag:s10] =	ssyncset.done $0x0  }
0x2b9: {  	[sflag:s10] =	ssyncadd.s32 $0xFFFFEC00  }
0x2ba: {  	v1 =	vld [tilespmem:$0x16698]  }
0x2bb: {  	v2 =	vld [tilespmem:$0x166A8]  }
0x2bc: {  	v3 =	vld [tilespmem:$0x166B0];
	_ =	sdelay $0x2  }
0x2bd: {  	[tilespmem:$0x16D80] =	vst v1  }
0x2be: {  	[tilespmem:$0x16D90] =	vst v2  }
0x2bf: {  	[tilespmem:$0x16D98] =	vst v3  }
0x2c0: {  	[spmem:s3] =	stream.indirect.scatter.add.f32 [tilespmem:s19], [sflag:$0x11], $0x80, s22, s24, $0xb8;
	[tilespmem:$0x1D300] =	vst v63  }
0x2c1: {  	_ =	swait.ge [sflag:s7], $0x1400  }
0x2c2: {  	[sflag:s7] =	ssyncset.done $0x0  }
0x2c3: {  	[sflag:s7] =	ssyncadd.s32 $0xFFFFEC00  }
0x2c4: {  	_ =	swait.ge [sflag:s13], $0x1400  }
0x2c5: {  	[sflag:s13] =	ssyncset.done $0x0  }
0x2c6: {  	[sflag:s13] =	ssyncadd.s32 $0xFFFFEC00  }
0x2c7: {  	v1 =	vld [tilespmem:$0x166C0]  }
0x2c8: {  	v2 =	vld [tilespmem:$0x166D0]  }
0x2c9: {  	v3 =	vld [tilespmem:$0x166D8];
	_ =	sdelay $0x2  }
0x2ca: {  	[tilespmem:$0x16E00] =	vst v1  }
0x2cb: {  	[tilespmem:$0x16E10] =	vst v2  }
0x2cc: {  	[tilespmem:$0x16E18] =	vst v3  }
0x2cd: {  	[spmem:s3] =	stream.indirect.scatter.add.f32 [tilespmem:s12], [sflag:$0x11], $0x80, s23, s24, $0xb8;
	[tilespmem:$0x1D300] =	vst v63  }
0x2ce: {  	_ =	swait.ge [sflag:s7], $0x1400  }
0x2cf: {  	[sflag:s7] =	ssyncset.done $0x0  }
0x2d0: {  	[sflag:s7] =	ssyncadd.s32 $0xFFFFEC00  }
0x2d1: {  	_ =	swait.ge [sflag:s1], $0x1400  }
0x2d2: {  	[sflag:s1] =	ssyncset.done $0x0  }
0x2d3: {  	[sflag:s1] =	ssyncadd.s32 $0xFFFFEC00  }
0x2d4: {  	v1 =	vld [tilespmem:$0x166E8]  }
0x2d5: {  	v2 =	vld [tilespmem:$0x166F8]  }
0x2d6: {  	v3 =	vld [tilespmem:$0x16700];
	_ =	sdelay $0x2  }
0x2d7: {  	[tilespmem:$0x16E80] =	vst v1  }
0x2d8: {  	[tilespmem:$0x16E90] =	vst v2  }
0x2d9: {  	[tilespmem:$0x16E98] =	vst v3  }
0x2da: {  	[spmem:s3] =	stream.indirect.scatter.add.f32 [tilespmem:s6], [sflag:$0x11], $0x80, s25, s24, $0xb8;
	[tilespmem:$0x1D300] =	vst v63  }
0x2db: {  	_ =	swait.ge [sflag:s7], $0x1400  }
0x2dc: {  	[sflag:s7] =	ssyncset.done $0x0  }
0x2dd: {  	[sflag:s7] =	ssyncadd.s32 $0xFFFFEC00  }
0x2de: {  	s21 =	stileid.u32;
	[bflag:$0x0] =	sbarrier.arrive $0xFFFF  }
0x2df: {  	s9 =	sshll.u32 s21, $0x6;
	s20 =	rddreg [dreg:$0x1a]  }
0x2e0: {  	s9 =	sor.u32 $0x1C11, s9;
	s23 =	rddreg [dreg:$0x19];
	s22 =	sshrl.u32 s20, $0x3  }
0x2e1: {  	[hbm:s23], [sflag:s9] =	dma.local [spmem:s22], $0x2800  }
0x2e2: {  	_ =	swait.ge [sflag:s7], $0x2800  }
0x2e3: {  	s25 =	sld [smem:$0x7F1]  }
0x2e4: {  	s31 =	simm.s32 $0x16980;
	s17 =	simm.s32 $0x6  }
0x2e5: {  	s29 =	simm.s32 $0x16880;
	s14 =	simm.s32 $0x7;
	s28 =	simm.s32 $0x16A00  }
0x2e6: {  	s0 =	simm.s32 $0x16E00;
	s26 =	rddreg [dreg:$0x1b];
	s5 =	sadd.s32 $0x1, s25  }
0x2e7: {  	s15 =	simm.s32 $0x8;
	s21 =	simm.s32 $0x16780;
	p0 =	sne.s32 s5, s26  }
.Ltmp2:
0x2e8: {  	s2 =	simm.s32 $0x19700;
	s10 =	simm.s32 $0x16A80;
	(pc) =	sbr.rel @p0 .LBB2_1-.Ltmp2, $4  }
0x2e9: {  	s19 =	simm.s32 $0x16800;
	s13 =	simm.s32 $0x16B00;
	s12 =	simm.s32 $0x18300  }
0x2ea: {  	s1 =	simm.s32 $0x16900;
	s6 =	simm.s32 $0x1AB00;
	s22 =	simm.s32 $0x16C00  }
0x2eb: {  	s23 =	simm.s32 $0x16F00;
	[sflag:s7] =	ssyncset.done $0x0;
	s30 =	rddreg [dreg:$0xd]  }
0x2ec: {  	[sflag:s7] =	ssyncadd.s32 $0xFFFFD800;
	s25 =	simm.s32 $0x1BF00;
	s26 =	simm.s32 $0x16B80  }
0x2ed: {  	_ =	sfence.sel $0x180000  }
0x2ee: {  	[bflag:$0x0] =	sbarrier.arrive $0xFFFF  }
0x2ef: {  	_ =	strace $0x9000004A  }
0x2f0: {  	s0 =	stileid.u32;
	[bflag:$0x2] =	sbarrier.arrive $0xFFFF  }
0x2f1: {  	p0 =	sne.s32 s0, $0x0;
	s0 =	rddreg [dreg:$0x3]  }
0x2f2: {  	s0 =	sadd.s32 @!p0 $0x100000, s0  }
0x2f3: {  	[sflag:s0] =	ssyncadd.tile.s32 @!p0 $0x1;
	_ =	shalt  }
.Lfunc_end2:
_tile_overlayer_lowered:
.L_overlay_start_2:
0x2f4: {  	(tag) =	ssettag $0x2  }
0x2f5: {  	s0 =	rddreg [dreg:$0x0];
	s2 =	stileid.u32  }
0x2f6: {  	s1 =	rddreg [dreg:$0x1];
	p0 =	sne.s32 s2, $0x0  }
0x2f7: {  	s3 =	rddreg [dreg:$0x2];
	[bflag:$0x3] =	sbarrier.arrive $0xFFFF;
	s2 =	simm.s32 @!p0 $0x1C11  }
0x2f8: {  	[timem:s3], [sflag:s2] =	dma.local @!p0 [hbm:s0], s1  }
0x2f9: {  	s0 =	simm.s32 @!p0 $0x11  }
0x2fa: {  	_ =	swait.ge @!p0 [sflag:s0], s1  }
0x2fb: {  	s1 =	ssub.s32 @!p0 $0x0, s1;
	[sflag:s0] =	ssyncset.done @!p0 $0x0  }
0x2fc: {  	[sflag:s0] =	ssyncadd.s32 @!p0 s1  }
0x2fd: {  	[bflag:$0x3] =	sbarrier.arrive $0xFFFF  }
0x2fe: {  	_ =	shalt  }

</sc_bundles>
